<compile_context>
chip_gen: v7x
topology: tpu7x:2x2x1
jax: 0.10.2.dev20260603
libtpu: 0.0.44.dev20260713+nightly
codegen_flags: <defaults>
</compile_context>

<pallas_src>
import functools

import jax
import jax.numpy as jnp
from jax import lax
from jax.experimental import pallas as pl
from jax.experimental.pallas import tpu as pltpu
from jax.experimental.pallas import tpu_sc as plsc

_N = 2048
_D = 64
_KP1 = 17
_BLK = 1024
_KEY_MASK = ~2047
_BIG = 0x7FFFFFFF

_NC = 2
_NS = 16
_NW = _NC * _NS
_NCH = 1
_CN = _N // _NCH
_RPW = _CN // _NW


def _tc_pack_body(chunk, pos_hbm, out_ref, pos_vmem, sem):
    i = pl.program_id(0)

    @pl.when(i == 0)
    def _stage_positions():
        cp = pltpu.make_async_copy(pos_hbm, pos_vmem, sem)
        cp.start()
        cp.wait()

    p = pos_vmem[...]
    a = pos_vmem[pl.ds(chunk * _CN + i * _BLK, _BLK), :]
    g = lax.dot_general(a, p, (((1,), (1,)), ((), ())),
                        preferred_element_type=jnp.float32)
    na = jnp.sum(a * a, axis=1, keepdims=True)
    nb = jnp.sum(p * p, axis=1)[None, :]
    s = jnp.maximum(na + nb - 2.0 * g, 0.0)
    col = lax.broadcasted_iota(jnp.int32, s.shape, 1)
    row = lax.broadcasted_iota(jnp.int32, s.shape, 0) + chunk * _CN + i * _BLK
    s = jnp.where(col == row, 0.0, s)
    nrm = s * lax.rsqrt(s + 1e-30)
    bits = lax.bitcast_convert_type(nrm, jnp.int32)
    k16 = lax.shift_right_logical(bits, 16)
    lo = k16[:, : _N // 2]
    hi = k16[:, _N // 2:]
    out_ref[...] = lo | (hi << 16)


def _tc_pack(positions, chunk):
    return pl.pallas_call(
        functools.partial(_tc_pack_body, chunk),
        grid=(_CN // _BLK,),
        in_specs=[
            pl.BlockSpec(memory_space=pl.ANY),
        ],
        out_specs=pl.BlockSpec((_BLK, _N // 2), lambda i: (i, 0)),
        out_shape=jax.ShapeDtypeStruct((_CN, _N // 2), jnp.int32),
        scratch_shapes=[
            pltpu.VMEM((_N, _D), jnp.float32),
            pltpu.SemaphoreType.DMA,
        ],
    )(positions)


def _tree_min(vs):
    while len(vs) > 1:
        nxt = [jnp.minimum(vs[i], vs[i + 1]) for i in range(0, len(vs) - 1, 2)]
        if len(vs) % 2:
            nxt.append(vs[-1])
        vs = nxt
    return vs[0]


def _merge2(ra, da, rb, db):
    cd = lax.rev(rb, (0,))
    m = jnp.minimum(ra, cd)
    x = jnp.maximum(ra, cd)
    return jnp.sort(m), jnp.minimum(jnp.minimum(da, db), jnp.min(x))


def _merge_tree(sorted_chunks):
    big = jnp.int32(_BIG)
    lvl = [(c, big) for c in sorted_chunks]
    while len(lvl) > 1:
        nxt = [_merge2(*lvl[i], *lvl[i + 1]) for i in range(0, len(lvl) - 1, 2)]
        if len(lvl) % 2:
            nxt.append(lvl[-1])
        lvl = nxt
    return lvl[0]


def _merge_chain(chunks):
    r = jnp.sort(chunks[0])
    x = jnp.full((16,), _BIG, jnp.int32)
    for c in chunks[1:]:
        cd = plsc.sort_key_val(c, c, descending=True)[0]
        m = jnp.minimum(r, cd)
        x = jnp.minimum(x, jnp.maximum(r, cd))
        r = jnp.sort(m)
    return r, jnp.min(x)


def _sc_topk_body(keys_hbm, out_hbm, buf0, buf1, ob, sem0, sem1):
    wid = lax.axis_index("s") * _NC + lax.axis_index("c")
    base_row = wid * _RPW
    iota16 = lax.iota(jnp.int32, 16)
    two_iota = iota16 * 2
    iota8m = iota16 & 7
    mask8 = iota16 < 8
    c16 = jnp.int32(0xFFFF)

    def row_topk(buf, row, slot):
        gms = []
        for g in range(8):
            chunks = [
                plsc.bitcast(buf[row, pl.ds(g * 128 + i * 16, 16)], jnp.int16)
                for i in range(8)]
            gms.append(_tree_min(chunks))
        leaves = []
        for g, gm in enumerate(gms):
            x32 = plsc.bitcast(gm, jnp.int32)
            e = x32 & c16
            o = lax.shift_right_logical(x32, 16)
            leaves.append((e << 8) | (two_iota + g * 32))
            leaves.append((o << 8) | (two_iota + g * 32 + 1))
        r, d = _merge_tree([jnp.sort(v) for v in leaves])
        row16 = jnp.broadcast_to(row, (16,))
        ids = r & 255
        wb = lax.shift_right_logical(ids, 5) * 128 + \
            lax.shift_right_logical(ids & 31, 1)
        h = ids & 1
        cands = []
        for k in range(8):
            w = plsc.load_gather(buf, [row16, wb + 16 * k])
            cands.append(jnp.where(h == 1,
                                   lax.shift_right_logical(w, 16), w & c16))
        idd = d & 255
        wbd = lax.shift_right_logical(idd, 5) * 128 + \
            lax.shift_right_logical(idd & 31, 1)
        hd = (idd & 1) * 16
        w = plsc.load_gather(buf, [row16, wbd + 16 * iota8m])
        v17 = lax.shift_right_logical(w, hd) & c16
        cands.append(jnp.where(mask8, v17, jnp.int32(_BIG)))
        r2, d2 = _merge_tree([jnp.sort(v) for v in cands])
        ob[slot, pl.ds(1, 16)] = plsc.bitcast(
            jnp.broadcast_to(d2 << 16, (16,)), jnp.float32)
        ob[slot, pl.ds(0, 16)] = plsc.bitcast(r2 << 16, jnp.float32)

    rb = 8

    def wait_batch(sem):
        pltpu.make_async_copy(keys_hbm.at[pl.ds(0, rb)], buf0, sem).wait()

    pltpu.async_copy(keys_hbm.at[pl.ds(base_row, rb)], buf0, sem0)

    def outer(i, carry):
        r0 = base_row + i * (2 * rb)

        iv = 2

        def inner0(j, c):
            for t in range(iv):
                row_topk(buf0, iv * j + t, i * (2 * rb) + iv * j + t)
            return c

        def inner1(j, c):
            for t in range(iv):
                row_topk(buf1, iv * j + t, i * (2 * rb) + rb + iv * j + t)
            return c

        wait_batch(sem0)
        pltpu.async_copy(keys_hbm.at[pl.ds(r0 + rb, rb)], buf1, sem1)
        lax.fori_loop(0, rb // iv, inner0, carry)
        wait_batch(sem1)
        nxt = jnp.minimum(r0 + 2 * rb, _CN - rb)
        pltpu.async_copy(keys_hbm.at[pl.ds(nxt, rb)], buf0, sem0)
        lax.fori_loop(0, rb // iv, inner1, carry)
        return carry

    lax.fori_loop(0, _RPW // (2 * rb), outer, jnp.int32(0))
    wait_batch(sem0)
    pltpu.sync_copy(ob, out_hbm.at[pl.ds(base_row, _RPW), :])


def _sc_topk(keys):
    mesh = plsc.VectorSubcoreMesh(core_axis_name="c", subcore_axis_name="s",
                                  num_cores=_NC, num_subcores=_NS)
    f = pl.kernel(
        _sc_topk_body,
        out_type=jax.ShapeDtypeStruct((_CN, _KP1), jnp.float32),
        mesh=mesh,
        compiler_params=pltpu.CompilerParams(needs_layout_passes=False),
        scratch_types=[
            pltpu.VMEM((8, _N // 2), jnp.int32),
            pltpu.VMEM((8, _N // 2), jnp.int32),
            pltpu.VMEM((_RPW, _KP1), jnp.float32),
            pltpu.SemaphoreType.DMA,
            pltpu.SemaphoreType.DMA,
        ],
    )
    return f(keys)


def kernel(positions, k):
    del k
    outs = []
    for c in range(_NCH):
        keys = _tc_pack(positions, c)
        outs.append(_sc_topk(keys))
    return outs[0] if _NCH == 1 else jnp.concatenate(outs)

# --- scband reference (transcript-rebuilt; emitter-appended) ---
"""Pipeline reference for scband-top-kdistance-128849019391 (READ-ONLY COPY).

The authoritative reference and input builder live on the scoring server;
editing this copy changes nothing except your own understanding.
"""

import jax, jax.numpy as jnp
import numpy as np

N = 2048
D = 64
K = 16

def setup_inputs(seed: int = 0) -> dict:
    key = jax.random.key(seed)
    positions = jax.random.normal(key, (N, D), dtype=jnp.float32)
    return {"positions": positions, "k": K}

def reference(positions, k):
    # i_expanded: [N, N, D] (broadcast of positions over leading dim)
    # j_expanded: [N, 1, D]
    i_expanded = jnp.broadcast_to(positions[None, :, :], (positions.shape[0], positions.shape[0], positions.shape[1]))
    j_expanded = positions.reshape(positions.shape[0], 1, positions.shape[1])
    diff = i_expanded - j_expanded
    # safe L2 norm (matches torch.linalg.norm incl. zero-subgradient at 0)
    s = jnp.sum(diff * diff, axis=-1)
    nrm = jnp.where(s > 0, jnp.sqrt(jnp.where(s > 0, s, 1.0)), 0.0)
    # torch.topk(largest=False) -> smallest k+1, ascending
    neg_dist, col = jax.lax.top_k(-nrm, K + 1)
    dist = -neg_dist + (jnp.asarray(k - K, dtype=nrm.dtype) * 0)
    col = col.reshape(-1, K + 1)[:, 1:].reshape(-1)  # computed as in original, unused
    return dist

if __name__ == "__main__":
    import jax
    _d = setup_inputs()
    print(jax.jit(kernel)(*tuple(_d.values())))

</pallas_src>

<mosaic_0001>
#map = affine_map<(d0, d1) -> (0, 0)>
module attributes {stable_mosaic.version = 14 : i64} {
  func.func @_sc_topk_body(%arg0: i32, %arg1: i32, %arg2: memref<2048x1024xi32, #tpu.memory_space<hbm>>, %arg3: memref<2048x17xf32, #tpu.memory_space<hbm>>, %arg4: memref<8x1024xi32, #tpu.memory_space<vmem>>, %arg5: memref<8x1024xi32, #tpu.memory_space<vmem>>, %arg6: memref<64x17xf32, #tpu.memory_space<vmem>>, %arg7: memref<!tpu.dma_semaphore, #tpu.memory_space<semaphore_mem>>, %arg8: memref<!tpu.dma_semaphore, #tpu.memory_space<semaphore_mem>>) attributes {dimension_semantics = [#tpu.dimension_semantics<core_parallel>, #tpu.dimension_semantics<subcore_parallel>], iteration_bounds = array<i64: 2, 16>, scalar_prefetch = 0 : i64, scratch_operands = 5 : i64, tpu.core_type = #tpu.core_type<sc_vector_subcore>, window_params = [{transform_indices = #map}, {transform_indices = #map}]} {
    %mul3A = arith.constant 2 : i32
    %mul3A_0 = arith.muli %arg1, %mul3A : i32
    %add3A = arith.addi %mul3A_0, %arg0 : i32
    %mul3A_1 = arith.constant 64 : i32
    %mul3A_2 = arith.muli %add3A, %mul3A_1 : i32
    %iota3A = tpu.iota {dimensions = array<i32: 0>} : vector<16xi32>
    %mul3A_3 = arith.constant 2 : i32
    %mul3A_4 = vector.broadcast %mul3A_3 : i32 to vector<16xi32>
    %mul3A_5 = arith.muli %iota3A, %mul3A_4 : vector<16xi32>
    %and3A = arith.constant 7 : i32
    %and3A_6 = vector.broadcast %and3A : i32 to vector<16xi32>
    %and3A_7 = arith.andi %iota3A, %and3A_6 : vector<16xi32>
    %lt3A = arith.constant 8 : i32
    %lt3A_8 = vector.broadcast %lt3A : i32 to vector<16xi32>
    %lt3A_9 = arith.cmpi slt, %iota3A, %lt3A_8 : vector<16xi32>
    %dma_start3A = arith.constant 0 : i32
    %dma_start3A_10 = tpu.memref_slice %arg2[%mul3A_2, %dma_start3A] : memref<2048x1024xi32, #tpu.memory_space<hbm>> -> memref<8x1024xi32, #tpu.memory_space<hbm>>
    %dma_start3A_11 = arith.constant 0 : i32
    %dma_start3A_12 = tpu.memref_slice %arg2[%mul3A_2, %dma_start3A_11] : memref<2048x1024xi32, #tpu.memory_space<hbm>> -> memref<8x1024xi32, #tpu.memory_space<hbm>>
    tpu.enqueue_dma source(%dma_start3A_12 : memref<8x1024xi32, #tpu.memory_space<hbm>>) target(%arg4 : memref<8x1024xi32, #tpu.memory_space<vmem>>) target_semaphore(%arg7 : memref<!tpu.dma_semaphore, #tpu.memory_space<semaphore_mem>>)
    %scan3A = arith.constant 0 : i32
    %scan3A_13 = arith.constant 65535 : i32
    %scan3A_14 = arith.constant 0 : i32
    %scan3A_15 = arith.constant 4 : i32
    %scan3A_16 = arith.addi %scan3A_14, %scan3A_15 : i32
    %scan3A_17 = arith.constant 1 : i32
    scf.for %scan3A_24 = %scan3A_14 to %scan3A_16 step %scan3A_17  : i32 {
      %mul3A_25 = arith.constant 16 : i32
      %mul3A_26 = arith.muli %scan3A_24, %mul3A_25 : i32
      %add3A_27 = arith.addi %mul3A_2, %mul3A_26 : i32
      %dma_wait3A_28 = arith.constant 0 : i32
      %dma_wait3A_29 = arith.constant 0 : i32
      %dma_wait3A_30 = tpu.memref_slice %arg2[%dma_wait3A_28, %dma_wait3A_29] : memref<2048x1024xi32, #tpu.memory_space<hbm>> -> memref<8x1024xi32, #tpu.memory_space<hbm>>
      %dma_wait3A_31 = arith.constant 0 : i32
      %dma_wait3A_32 = arith.constant 0 : i32
      %dma_wait3A_33 = tpu.memref_slice %arg2[%dma_wait3A_31, %dma_wait3A_32] : memref<2048x1024xi32, #tpu.memory_space<hbm>> -> memref<8x1024xi32, #tpu.memory_space<hbm>>
      tpu.wait_dma2 semaphore(%arg7 : memref<!tpu.dma_semaphore, #tpu.memory_space<semaphore_mem>>) src(%dma_wait3A_33 : memref<8x1024xi32, #tpu.memory_space<hbm>>) dst(%arg4 : memref<8x1024xi32, #tpu.memory_space<vmem>>)
      %add3A_34 = arith.constant 8 : i32
      %add3A_35 = arith.addi %add3A_27, %add3A_34 : i32
      %dma_start3A_36 = arith.constant 0 : i32
      %dma_start3A_37 = tpu.memref_slice %arg2[%add3A_35, %dma_start3A_36] : memref<2048x1024xi32, #tpu.memory_space<hbm>> -> memref<8x1024xi32, #tpu.memory_space<hbm>>
      %dma_start3A_38 = arith.constant 0 : i32
      %dma_start3A_39 = tpu.memref_slice %arg2[%add3A_35, %dma_start3A_38] : memref<2048x1024xi32, #tpu.memory_space<hbm>> -> memref<8x1024xi32, #tpu.memory_space<hbm>>
      tpu.enqueue_dma source(%dma_start3A_39 : memref<8x1024xi32, #tpu.memory_space<hbm>>) target(%arg5 : memref<8x1024xi32, #tpu.memory_space<vmem>>) target_semaphore(%arg8 : memref<!tpu.dma_semaphore, #tpu.memory_space<semaphore_mem>>)
      %scan3A_40 = arith.constant 0 : i32
      %scan3A_41 = arith.constant 4 : i32
      %scan3A_42 = arith.addi %scan3A_40, %scan3A_41 : i32
      %scan3A_43 = arith.constant 1 : i32
      scf.for %scan3A_63 = %scan3A_40 to %scan3A_42 step %scan3A_43  : i32 {
        %mul3A_64 = arith.constant 2 : i32
        %mul3A_65 = arith.muli %mul3A_64, %scan3A_63 : i32
        %add3A_66 = arith.constant 0 : i32
        %add3A_67 = arith.addi %mul3A_65, %add3A_66 : i32
        %mul3A_68 = arith.constant 16 : i32
        %mul3A_69 = arith.muli %scan3A_24, %mul3A_68 : i32
        %mul3A_70 = arith.constant 2 : i32
        %mul3A_71 = arith.muli %mul3A_70, %scan3A_63 : i32
        %add3A_72 = arith.addi %mul3A_69, %mul3A_71 : i32
        %add3A_73 = arith.constant 0 : i32
        %add3A_74 = arith.addi %add3A_72, %add3A_73 : i32
        %get3A = arith.index_cast %add3A_67 : i32 to index
        %get3A_75 = arith.constant 0 : index
        %get3A_76 = tpu.vector_load %arg4[%get3A, %get3A_75] {strides = array<i32>} : memref<8x1024xi32, #tpu.memory_space<vmem>>, vector<16xi32>,
        %bitcast3A = vector.bitcast %get3A_76 : vector<16xi32> to vector<32xi16>
        %get3A_77 = arith.index_cast %add3A_67 : i32 to index
        %get3A_78 = arith.constant 16 : index
        %get3A_79 = tpu.vector_load %arg4[%get3A_77, %get3A_78] {strides = array<i32>} : memref<8x1024xi32, #tpu.memory_space<vmem>>, vector<16xi32>,
        %bitcast3A_80 = vector.bitcast %get3A_79 : vector<16xi32> to vector<32xi16>
        %get3A_81 = arith.index_cast %add3A_67 : i32 to index
        %get3A_82 = arith.constant 32 : index
        %get3A_83 = tpu.vector_load %arg4[%get3A_81, %get3A_82] {strides = array<i32>} : memref<8x1024xi32, #tpu.memory_space<vmem>>, vector<16xi32>,
        %bitcast3A_84 = vector.bitcast %get3A_83 : vector<16xi32> to vector<32xi16>
        %get3A_85 = arith.index_cast %add3A_67 : i32 to index
        %get3A_86 = arith.constant 48 : index
        %get3A_87 = tpu.vector_load %arg4[%get3A_85, %get3A_86] {strides = array<i32>} : memref<8x1024xi32, #tpu.memory_space<vmem>>, vector<16xi32>,
        %bitcast3A_88 = vector.bitcast %get3A_87 : vector<16xi32> to vector<32xi16>
        %get3A_89 = arith.index_cast %add3A_67 : i32 to index
        %get3A_90 = arith.constant 64 : index
        %get3A_91 = tpu.vector_load %arg4[%get3A_89, %get3A_90] {strides = array<i32>} : memref<8x1024xi32, #tpu.memory_space<vmem>>, vector<16xi32>,
        %bitcast3A_92 = vector.bitcast %get3A_91 : vector<16xi32> to vector<32xi16>
        %get3A_93 = arith.index_cast %add3A_67 : i32 to index
        %get3A_94 = arith.constant 80 : index
        %get3A_95 = tpu.vector_load %arg4[%get3A_93, %get3A_94] {strides = array<i32>} : memref<8x1024xi32, #tpu.memory_space<vmem>>, vector<16xi32>,
        %bitcast3A_96 = vector.bitcast %get3A_95 : vector<16xi32> to vector<32xi16>
        %get3A_97 = arith.index_cast %add3A_67 : i32 to index
        %get3A_98 = arith.constant 96 : index
        %get3A_99 = tpu.vector_load %arg4[%get3A_97, %get3A_98] {strides = array<i32>} : memref<8x1024xi32, #tpu.memory_space<vmem>>, vector<16xi32>,
        %bitcast3A_100 = vector.bitcast %get3A_99 : vector<16xi32> to vector<32xi16>
        %get3A_101 = arith.index_cast %add3A_67 : i32 to index
        %get3A_102 = arith.constant 112 : index
        %get3A_103 = tpu.vector_load %arg4[%get3A_101, %get3A_102] {strides = array<i32>} : memref<8x1024xi32, #tpu.memory_space<vmem>>, vector<16xi32>,
        %bitcast3A_104 = vector.bitcast %get3A_103 : vector<16xi32> to vector<32xi16>
        %min3A_105 = arith.minsi %bitcast3A, %bitcast3A_80 : vector<32xi16>
        %min3A_106 = arith.minsi %bitcast3A_84, %bitcast3A_88 : vector<32xi16>
        %min3A_107 = arith.minsi %bitcast3A_92, %bitcast3A_96 : vector<32xi16>
        %min3A_108 = arith.minsi %bitcast3A_100, %bitcast3A_104 : vector<32xi16>
        %min3A_109 = arith.minsi %min3A_105, %min3A_106 : vector<32xi16>
        %min3A_110 = arith.minsi %min3A_107, %min3A_108 : vector<32xi16>
        %min3A_111 = arith.minsi %min3A_109, %min3A_110 : vector<32xi16>
        %get3A_112 = arith.index_cast %add3A_67 : i32 to index
        %get3A_113 = arith.constant 128 : index
        %get3A_114 = tpu.vector_load %arg4[%get3A_112, %get3A_113] {strides = array<i32>} : memref<8x1024xi32, #tpu.memory_space<vmem>>, vector<16xi32>,
        %bitcast3A_115 = vector.bitcast %get3A_114 : vector<16xi32> to vector<32xi16>
        %get3A_116 = arith.index_cast %add3A_67 : i32 to index
        %get3A_117 = arith.constant 144 : index
        %get3A_118 = tpu.vector_load %arg4[%get3A_116, %get3A_117] {strides = array<i32>} : memref<8x1024xi32, #tpu.memory_space<vmem>>, vector<16xi32>,
        %bitcast3A_119 = vector.bitcast %get3A_118 : vector<16xi32> to vector<32xi16>
        %get3A_120 = arith.index_cast %add3A_67 : i32 to index
        %get3A_121 = arith.constant 160 : index
        %get3A_122 = tpu.vector_load %arg4[%get3A_120, %get3A_121] {strides = array<i32>} : memref<8x1024xi32, #tpu.memory_space<vmem>>, vector<16xi32>,
        %bitcast3A_123 = vector.bitcast %get3A_122 : vector<16xi32> to vector<32xi16>
        %get3A_124 = arith.index_cast %add3A_67 : i32 to index
        %get3A_125 = arith.constant 176 : index
        %get3A_126 = tpu.vector_load %arg4[%get3A_124, %get3A_125] {strides = array<i32>} : memref<8x1024xi32, #tpu.memory_space<vmem>>, vector<16xi32>,
        %bitcast3A_127 = vector.bitcast %get3A_126 : vector<16xi32> to vector<32xi16>
        %get3A_128 = arith.index_cast %add3A_67 : i32 to index
        %get3A_129 = arith.constant 192 : index
        %get3A_130 = tpu.vector_load %arg4[%get3A_128, %get3A_129] {strides = array<i32>} : memref<8x1024xi32, #tpu.memory_space<vmem>>, vector<16xi32>,
        %bitcast3A_131 = vector.bitcast %get3A_130 : vector<16xi32> to vector<32xi16>
        %get3A_132 = arith.index_cast %add3A_67 : i32 to index
        %get3A_133 = arith.constant 208 : index
        %get3A_134 = tpu.vector_load %arg4[%get3A_132, %get3A_133] {strides = array<i32>} : memref<8x1024xi32, #tpu.memory_space<vmem>>, vector<16xi32>,
        %bitcast3A_135 = vector.bitcast %get3A_134 : vector<16xi32> to vector<32xi16>
        %get3A_136 = arith.index_cast %add3A_67 : i32 to index
        %get3A_137 = arith.constant 224 : index
        %get3A_138 = tpu.vector_load %arg4[%get3A_136, %get3A_137] {strides = array<i32>} : memref<8x1024xi32, #tpu.memory_space<vmem>>, vector<16xi32>,
        %bitcast3A_139 = vector.bitcast %get3A_138 : vector<16xi32> to vector<32xi16>
        %get3A_140 = arith.index_cast %add3A_67 : i32 to index
        %get3A_141 = arith.constant 240 : index
        %get3A_142 = tpu.vector_load %arg4[%get3A_140, %get3A_141] {strides = array<i32>} : memref<8x1024xi32, #tpu.memory_space<vmem>>, vector<16xi32>,
        %bitcast3A_143 = vector.bitcast %get3A_142 : vector<16xi32> to vector<32xi16>
        %min3A_144 = arith.minsi %bitcast3A_115, %bitcast3A_119 : vector<32xi16>
        %min3A_145 = arith.minsi %bitcast3A_123, %bitcast3A_127 : vector<32xi16>
        %min3A_146 = arith.minsi %bitcast3A_131, %bitcast3A_135 : vector<32xi16>
        %min3A_147 = arith.minsi %bitcast3A_139, %bitcast3A_143 : vector<32xi16>
        %min3A_148 = arith.minsi %min3A_144, %min3A_145 : vector<32xi16>
        %min3A_149 = arith.minsi %min3A_146, %min3A_147 : vector<32xi16>
        %min3A_150 = arith.minsi %min3A_148, %min3A_149 : vector<32xi16>
        %get3A_151 = arith.index_cast %add3A_67 : i32 to index
        %get3A_152 = arith.constant 256 : index
        %get3A_153 = tpu.vector_load %arg4[%get3A_151, %get3A_152] {strides = array<i32>} : memref<8x1024xi32, #tpu.memory_space<vmem>>, vector<16xi32>,
        %bitcast3A_154 = vector.bitcast %get3A_153 : vector<16xi32> to vector<32xi16>
        %get3A_155 = arith.index_cast %add3A_67 : i32 to index
        %get3A_156 = arith.constant 272 : index
        %get3A_157 = tpu.vector_load %arg4[%get3A_155, %get3A_156] {strides = array<i32>} : memref<8x1024xi32, #tpu.memory_space<vmem>>, vector<16xi32>,
        %bitcast3A_158 = vector.bitcast %get3A_157 : vector<16xi32> to vector<32xi16>
        %get3A_159 = arith.index_cast %add3A_67 : i32 to index
        %get3A_160 = arith.constant 288 : index
        %get3A_161 = tpu.vector_load %arg4[%get3A_159, %get3A_160] {strides = array<i32>} : memref<8x1024xi32, #tpu.memory_space<vmem>>, vector<16xi32>,
        %bitcast3A_162 = vector.bitcast %get3A_161 : vector<16xi32> to vector<32xi16>
        %get3A_163 = arith.index_cast %add3A_67 : i32 to index
        %get3A_164 = arith.constant 304 : index
        %get3A_165 = tpu.vector_load %arg4[%get3A_163, %get3A_164] {strides = array<i32>} : memref<8x1024xi32, #tpu.memory_space<vmem>>, vector<16xi32>,
        %bitcast3A_166 = vector.bitcast %get3A_165 : vector<16xi32> to vector<32xi16>
        %get3A_167 = arith.index_cast %add3A_67 : i32 to index
        %get3A_168 = arith.constant 320 : index
        %get3A_169 = tpu.vector_load %arg4[%get3A_167, %get3A_168] {strides = array<i32>} : memref<8x1024xi32, #tpu.memory_space<vmem>>, vector<16xi32>,
        %bitcast3A_170 = vector.bitcast %get3A_169 : vector<16xi32> to vector<32xi16>
        %get3A_171 = arith.index_cast %add3A_67 : i32 to index
        %get3A_172 = arith.constant 336 : index
        %get3A_173 = tpu.vector_load %arg4[%get3A_171, %get3A_172] {strides = array<i32>} : memref<8x1024xi32, #tpu.memory_space<vmem>>, vector<16xi32>,
        %bitcast3A_174 = vector.bitcast %get3A_173 : vector<16xi32> to vector<32xi16>
        %get3A_175 = arith.index_cast %add3A_67 : i32 to index
        %get3A_176 = arith.constant 352 : index
        %get3A_177 = tpu.vector_load %arg4[%get3A_175, %get3A_176] {strides = array<i32>} : memref<8x1024xi32, #tpu.memory_space<vmem>>, vector<16xi32>,
        %bitcast3A_178 = vector.bitcast %get3A_177 : vector<16xi32> to vector<32xi16>
        %get3A_179 = arith.index_cast %add3A_67 : i32 to index
        %get3A_180 = arith.constant 368 : index
        %get3A_181 = tpu.vector_load %arg4[%get3A_179, %get3A_180] {strides = array<i32>} : memref<8x1024xi32, #tpu.memory_space<vmem>>, vector<16xi32>,
        %bitcast3A_182 = vector.bitcast %get3A_181 : vector<16xi32> to vector<32xi16>
        %min3A_183 = arith.minsi %bitcast3A_154, %bitcast3A_158 : vector<32xi16>
        %min3A_184 = arith.minsi %bitcast3A_162, %bitcast3A_166 : vector<32xi16>
        %min3A_185 = arith.minsi %bitcast3A_170, %bitcast3A_174 : vector<32xi16>
        %min3A_186 = arith.minsi %bitcast3A_178, %bitcast3A_182 : vector<32xi16>
        %min3A_187 = arith.minsi %min3A_183, %min3A_184 : vector<32xi16>
        %min3A_188 = arith.minsi %min3A_185, %min3A_186 : vector<32xi16>
        %min3A_189 = arith.minsi %min3A_187, %min3A_188 : vector<32xi16>
        %get3A_190 = arith.index_cast %add3A_67 : i32 to index
        %get3A_191 = arith.constant 384 : index
        %get3A_192 = tpu.vector_load %arg4[%get3A_190, %get3A_191] {strides = array<i32>} : memref<8x1024xi32, #tpu.memory_space<vmem>>, vector<16xi32>,
        %bitcast3A_193 = vector.bitcast %get3A_192 : vector<16xi32> to vector<32xi16>
        %get3A_194 = arith.index_cast %add3A_67 : i32 to index
        %get3A_195 = arith.constant 400 : index
        %get3A_196 = tpu.vector_load %arg4[%get3A_194, %get3A_195] {strides = array<i32>} : memref<8x1024xi32, #tpu.memory_space<vmem>>, vector<16xi32>,
        %bitcast3A_197 = vector.bitcast %get3A_196 : vector<16xi32> to vector<32xi16>
        %get3A_198 = arith.index_cast %add3A_67 : i32 to index
        %get3A_199 = arith.constant 416 : index
        %get3A_200 = tpu.vector_load %arg4[%get3A_198, %get3A_199] {strides = array<i32>} : memref<8x1024xi32, #tpu.memory_space<vmem>>, vector<16xi32>,
        %bitcast3A_201 = vector.bitcast %get3A_200 : vector<16xi32> to vector<32xi16>
        %get3A_202 = arith.index_cast %add3A_67 : i32 to index
        %get3A_203 = arith.constant 432 : index
        %get3A_204 = tpu.vector_load %arg4[%get3A_202, %get3A_203] {strides = array<i32>} : memref<8x1024xi32, #tpu.memory_space<vmem>>, vector<16xi32>,
        %bitcast3A_205 = vector.bitcast %get3A_204 : vector<16xi32> to vector<32xi16>
        %get3A_206 = arith.index_cast %add3A_67 : i32 to index
        %get3A_207 = arith.constant 448 : index
        %get3A_208 = tpu.vector_load %arg4[%get3A_206, %get3A_207] {strides = array<i32>} : memref<8x1024xi32, #tpu.memory_space<vmem>>, vector<16xi32>,
        %bitcast3A_209 = vector.bitcast %get3A_208 : vector<16xi32> to vector<32xi16>
        %get3A_210 = arith.index_cast %add3A_67 : i32 to index
        %get3A_211 = arith.constant 464 : index
        %get3A_212 = tpu.vector_load %arg4[%get3A_210, %get3A_211] {strides = array<i32>} : memref<8x1024xi32, #tpu.memory_space<vmem>>, vector<16xi32>,
        %bitcast3A_213 = vector.bitcast %get3A_212 : vector<16xi32> to vector<32xi16>
        %get3A_214 = arith.index_cast %add3A_67 : i32 to index
        %get3A_215 = arith.constant 480 : index
        %get3A_216 = tpu.vector_load %arg4[%get3A_214, %get3A_215] {strides = array<i32>} : memref<8x1024xi32, #tpu.memory_space<vmem>>, vector<16xi32>,
        %bitcast3A_217 = vector.bitcast %get3A_216 : vector<16xi32> to vector<32xi16>
        %get3A_218 = arith.index_cast %add3A_67 : i32 to index
        %get3A_219 = arith.constant 496 : index
        %get3A_220 = tpu.vector_load %arg4[%get3A_218, %get3A_219] {strides = array<i32>} : memref<8x1024xi32, #tpu.memory_space<vmem>>, vector<16xi32>,
        %bitcast3A_221 = vector.bitcast %get3A_220 : vector<16xi32> to vector<32xi16>
        %min3A_222 = arith.minsi %bitcast3A_193, %bitcast3A_197 : vector<32xi16>
        %min3A_223 = arith.minsi %bitcast3A_201, %bitcast3A_205 : vector<32xi16>
        %min3A_224 = arith.minsi %bitcast3A_209, %bitcast3A_213 : vector<32xi16>
        %min3A_225 = arith.minsi %bitcast3A_217, %bitcast3A_221 : vector<32xi16>
        %min3A_226 = arith.minsi %min3A_222, %min3A_223 : vector<32xi16>
        %min3A_227 = arith.minsi %min3A_224, %min3A_225 : vector<32xi16>
        %min3A_228 = arith.minsi %min3A_226, %min3A_227 : vector<32xi16>
        %get3A_229 = arith.index_cast %add3A_67 : i32 to index
        %get3A_230 = arith.constant 512 : index
        %get3A_231 = tpu.vector_load %arg4[%get3A_229, %get3A_230] {strides = array<i32>} : memref<8x1024xi32, #tpu.memory_space<vmem>>, vector<16xi32>,
        %bitcast3A_232 = vector.bitcast %get3A_231 : vector<16xi32> to vector<32xi16>
        %get3A_233 = arith.index_cast %add3A_67 : i32 to index
        %get3A_234 = arith.constant 528 : index
        %get3A_235 = tpu.vector_load %arg4[%get3A_233, %get3A_234] {strides = array<i32>} : memref<8x1024xi32, #tpu.memory_space<vmem>>, vector<16xi32>,
        %bitcast3A_236 = vector.bitcast %get3A_235 : vector<16xi32> to vector<32xi16>
        %get3A_237 = arith.index_cast %add3A_67 : i32 to index
        %get3A_238 = arith.constant 544 : index
        %get3A_239 = tpu.vector_load %arg4[%get3A_237, %get3A_238] {strides = array<i32>} : memref<8x1024xi32, #tpu.memory_space<vmem>>, vector<16xi32>,
        %bitcast3A_240 = vector.bitcast %get3A_239 : vector<16xi32> to vector<32xi16>
        %get3A_241 = arith.index_cast %add3A_67 : i32 to index
        %get3A_242 = arith.constant 560 : index
        %get3A_243 = tpu.vector_load %arg4[%get3A_241, %get3A_242] {strides = array<i32>} : memref<8x1024xi32, #tpu.memory_space<vmem>>, vector<16xi32>,
        %bitcast3A_244 = vector.bitcast %get3A_243 : vector<16xi32> to vector<32xi16>
        %get3A_245 = arith.index_cast %add3A_67 : i32 to index
        %get3A_246 = arith.constant 576 : index
        %get3A_247 = tpu.vector_load %arg4[%get3A_245, %get3A_246] {strides = array<i32>} : memref<8x1024xi32, #tpu.memory_space<vmem>>, vector<16xi32>,
        %bitcast3A_248 = vector.bitcast %get3A_247 : vector<16xi32> to vector<32xi16>
        %get3A_249 = arith.index_cast %add3A_67 : i32 to index
        %get3A_250 = arith.constant 592 : index
        %get3A_251 = tpu.vector_load %arg4[%get3A_249, %get3A_250] {strides = array<i32>} : memref<8x1024xi32, #tpu.memory_space<vmem>>, vector<16xi32>,
        %bitcast3A_252 = vector.bitcast %get3A_251 : vector<16xi32> to vector<32xi16>
        %get3A_253 = arith.index_cast %add3A_67 : i32 to index
        %get3A_254 = arith.constant 608 : index
        %get3A_255 = tpu.vector_load %arg4[%get3A_253, %get3A_254] {strides = array<i32>} : memref<8x1024xi32, #tpu.memory_space<vmem>>, vector<16xi32>,
        %bitcast3A_256 = vector.bitcast %get3A_255 : vector<16xi32> to vector<32xi16>
        %get3A_257 = arith.index_cast %add3A_67 : i32 to index
        %get3A_258 = arith.constant 624 : index
        %get3A_259 = tpu.vector_load %arg4[%get3A_257, %get3A_258] {strides = array<i32>} : memref<8x1024xi32, #tpu.memory_space<vmem>>, vector<16xi32>,
        %bitcast3A_260 = vector.bitcast %get3A_259 : vector<16xi32> to vector<32xi16>
        %min3A_261 = arith.minsi %bitcast3A_232, %bitcast3A_236 : vector<32xi16>
        %min3A_262 = arith.minsi %bitcast3A_240, %bitcast3A_244 : vector<32xi16>
        %min3A_263 = arith.minsi %bitcast3A_248, %bitcast3A_252 : vector<32xi16>
        %min3A_264 = arith.minsi %bitcast3A_256, %bitcast3A_260 : vector<32xi16>
        %min3A_265 = arith.minsi %min3A_261, %min3A_262 : vector<32xi16>
        %min3A_266 = arith.minsi %min3A_263, %min3A_264 : vector<32xi16>
        %min3A_267 = arith.minsi %min3A_265, %min3A_266 : vector<32xi16>
        %get3A_268 = arith.index_cast %add3A_67 : i32 to index
        %get3A_269 = arith.constant 640 : index
        %get3A_270 = tpu.vector_load %arg4[%get3A_268, %get3A_269] {strides = array<i32>} : memref<8x1024xi32, #tpu.memory_space<vmem>>, vector<16xi32>,
        %bitcast3A_271 = vector.bitcast %get3A_270 : vector<16xi32> to vector<32xi16>
        %get3A_272 = arith.index_cast %add3A_67 : i32 to index
        %get3A_273 = arith.constant 656 : index
        %get3A_274 = tpu.vector_load %arg4[%get3A_272, %get3A_273] {strides = array<i32>} : memref<8x1024xi32, #tpu.memory_space<vmem>>, vector<16xi32>,
        %bitcast3A_275 = vector.bitcast %get3A_274 : vector<16xi32> to vector<32xi16>
        %get3A_276 = arith.index_cast %add3A_67 : i32 to index
        %get3A_277 = arith.constant 672 : index
        %get3A_278 = tpu.vector_load %arg4[%get3A_276, %get3A_277] {strides = array<i32>} : memref<8x1024xi32, #tpu.memory_space<vmem>>, vector<16xi32>,
        %bitcast3A_279 = vector.bitcast %get3A_278 : vector<16xi32> to vector<32xi16>
        %get3A_280 = arith.index_cast %add3A_67 : i32 to index
        %get3A_281 = arith.constant 688 : index
        %get3A_282 = tpu.vector_load %arg4[%get3A_280, %get3A_281] {strides = array<i32>} : memref<8x1024xi32, #tpu.memory_space<vmem>>, vector<16xi32>,
        %bitcast3A_283 = vector.bitcast %get3A_282 : vector<16xi32> to vector<32xi16>
        %get3A_284 = arith.index_cast %add3A_67 : i32 to index
        %get3A_285 = arith.constant 704 : index
        %get3A_286 = tpu.vector_load %arg4[%get3A_284, %get3A_285] {strides = array<i32>} : memref<8x1024xi32, #tpu.memory_space<vmem>>, vector<16xi32>,
        %bitcast3A_287 = vector.bitcast %get3A_286 : vector<16xi32> to vector<32xi16>
        %get3A_288 = arith.index_cast %add3A_67 : i32 to index
        %get3A_289 = arith.constant 720 : index
        %get3A_290 = tpu.vector_load %arg4[%get3A_288, %get3A_289] {strides = array<i32>} : memref<8x1024xi32, #tpu.memory_space<vmem>>, vector<16xi32>,
        %bitcast3A_291 = vector.bitcast %get3A_290 : vector<16xi32> to vector<32xi16>
        %get3A_292 = arith.index_cast %add3A_67 : i32 to index
        %get3A_293 = arith.constant 736 : index
        %get3A_294 = tpu.vector_load %arg4[%get3A_292, %get3A_293] {strides = array<i32>} : memref<8x1024xi32, #tpu.memory_space<vmem>>, vector<16xi32>,
        %bitcast3A_295 = vector.bitcast %get3A_294 : vector<16xi32> to vector<32xi16>
        %get3A_296 = arith.index_cast %add3A_67 : i32 to index
        %get3A_297 = arith.constant 752 : index
        %get3A_298 = tpu.vector_load %arg4[%get3A_296, %get3A_297] {strides = array<i32>} : memref<8x1024xi32, #tpu.memory_space<vmem>>, vector<16xi32>,
        %bitcast3A_299 = vector.bitcast %get3A_298 : vector<16xi32> to vector<32xi16>
        %min3A_300 = arith.minsi %bitcast3A_271, %bitcast3A_275 : vector<32xi16>
        %min3A_301 = arith.minsi %bitcast3A_279, %bitcast3A_283 : vector<32xi16>
        %min3A_302 = arith.minsi %bitcast3A_287, %bitcast3A_291 : vector<32xi16>
        %min3A_303 = arith.minsi %bitcast3A_295, %bitcast3A_299 : vector<32xi16>
        %min3A_304 = arith.minsi %min3A_300, %min3A_301 : vector<32xi16>
        %min3A_305 = arith.minsi %min3A_302, %min3A_303 : vector<32xi16>
        %min3A_306 = arith.minsi %min3A_304, %min3A_305 : vector<32xi16>
        %get3A_307 = arith.index_cast %add3A_67 : i32 to index
        %get3A_308 = arith.constant 768 : index
        %get3A_309 = tpu.vector_load %arg4[%get3A_307, %get3A_308] {strides = array<i32>} : memref<8x1024xi32, #tpu.memory_space<vmem>>, vector<16xi32>,
        %bitcast3A_310 = vector.bitcast %get3A_309 : vector<16xi32> to vector<32xi16>
        %get3A_311 = arith.index_cast %add3A_67 : i32 to index
        %get3A_312 = arith.constant 784 : index
        %get3A_313 = tpu.vector_load %arg4[%get3A_311, %get3A_312] {strides = array<i32>} : memref<8x1024xi32, #tpu.memory_space<vmem>>, vector<16xi32>,
        %bitcast3A_314 = vector.bitcast %get3A_313 : vector<16xi32> to vector<32xi16>
        %get3A_315 = arith.index_cast %add3A_67 : i32 to index
        %get3A_316 = arith.constant 800 : index
        %get3A_317 = tpu.vector_load %arg4[%get3A_315, %get3A_316] {strides = array<i32>} : memref<8x1024xi32, #tpu.memory_space<vmem>>, vector<16xi32>,
        %bitcast3A_318 = vector.bitcast %get3A_317 : vector<16xi32> to vector<32xi16>
        %get3A_319 = arith.index_cast %add3A_67 : i32 to index
        %get3A_320 = arith.constant 816 : index
        %get3A_321 = tpu.vector_load %arg4[%get3A_319, %get3A_320] {strides = array<i32>} : memref<8x1024xi32, #tpu.memory_space<vmem>>, vector<16xi32>,
        %bitcast3A_322 = vector.bitcast %get3A_321 : vector<16xi32> to vector<32xi16>
        %get3A_323 = arith.index_cast %add3A_67 : i32 to index
        %get3A_324 = arith.constant 832 : index
        %get3A_325 = tpu.vector_load %arg4[%get3A_323, %get3A_324] {strides = array<i32>} : memref<8x1024xi32, #tpu.memory_space<vmem>>, vector<16xi32>,
        %bitcast3A_326 = vector.bitcast %get3A_325 : vector<16xi32> to vector<32xi16>
        %get3A_327 = arith.index_cast %add3A_67 : i32 to index
        %get3A_328 = arith.constant 848 : index
        %get3A_329 = tpu.vector_load %arg4[%get3A_327, %get3A_328] {strides = array<i32>} : memref<8x1024xi32, #tpu.memory_space<vmem>>, vector<16xi32>,
        %bitcast3A_330 = vector.bitcast %get3A_329 : vector<16xi32> to vector<32xi16>
        %get3A_331 = arith.index_cast %add3A_67 : i32 to index
        %get3A_332 = arith.constant 864 : index
        %get3A_333 = tpu.vector_load %arg4[%get3A_331, %get3A_332] {strides = array<i32>} : memref<8x1024xi32, #tpu.memory_space<vmem>>, vector<16xi32>,
        %bitcast3A_334 = vector.bitcast %get3A_333 : vector<16xi32> to vector<32xi16>
        %get3A_335 = arith.index_cast %add3A_67 : i32 to index
        %get3A_336 = arith.constant 880 : index
        %get3A_337 = tpu.vector_load %arg4[%get3A_335, %get3A_336] {strides = array<i32>} : memref<8x1024xi32, #tpu.memory_space<vmem>>, vector<16xi32>,
        %bitcast3A_338 = vector.bitcast %get3A_337 : vector<16xi32> to vector<32xi16>
        %min3A_339 = arith.minsi %bitcast3A_310, %bitcast3A_314 : vector<32xi16>
        %min3A_340 = arith.minsi %bitcast3A_318, %bitcast3A_322 : vector<32xi16>
        %min3A_341 = arith.minsi %bitcast3A_326, %bitcast3A_330 : vector<32xi16>
        %min3A_342 = arith.minsi %bitcast3A_334, %bitcast3A_338 : vector<32xi16>
        %min3A_343 = arith.minsi %min3A_339, %min3A_340 : vector<32xi16>
        %min3A_344 = arith.minsi %min3A_341, %min3A_342 : vector<32xi16>
        %min3A_345 = arith.minsi %min3A_343, %min3A_344 : vector<32xi16>
        %get3A_346 = arith.index_cast %add3A_67 : i32 to index
        %get3A_347 = arith.constant 896 : index
        %get3A_348 = tpu.vector_load %arg4[%get3A_346, %get3A_347] {strides = array<i32>} : memref<8x1024xi32, #tpu.memory_space<vmem>>, vector<16xi32>,
        %bitcast3A_349 = vector.bitcast %get3A_348 : vector<16xi32> to vector<32xi16>
        %get3A_350 = arith.index_cast %add3A_67 : i32 to index
        %get3A_351 = arith.constant 912 : index
        %get3A_352 = tpu.vector_load %arg4[%get3A_350, %get3A_351] {strides = array<i32>} : memref<8x1024xi32, #tpu.memory_space<vmem>>, vector<16xi32>,
        %bitcast3A_353 = vector.bitcast %get3A_352 : vector<16xi32> to vector<32xi16>
        %get3A_354 = arith.index_cast %add3A_67 : i32 to index
        %get3A_355 = arith.constant 928 : index
        %get3A_356 = tpu.vector_load %arg4[%get3A_354, %get3A_355] {strides = array<i32>} : memref<8x1024xi32, #tpu.memory_space<vmem>>, vector<16xi32>,
        %bitcast3A_357 = vector.bitcast %get3A_356 : vector<16xi32> to vector<32xi16>
        %get3A_358 = arith.index_cast %add3A_67 : i32 to index
        %get3A_359 = arith.constant 944 : index
        %get3A_360 = tpu.vector_load %arg4[%get3A_358, %get3A_359] {strides = array<i32>} : memref<8x1024xi32, #tpu.memory_space<vmem>>, vector<16xi32>,
        %bitcast3A_361 = vector.bitcast %get3A_360 : vector<16xi32> to vector<32xi16>
        %get3A_362 = arith.index_cast %add3A_67 : i32 to index
        %get3A_363 = arith.constant 960 : index
        %get3A_364 = tpu.vector_load %arg4[%get3A_362, %get3A_363] {strides = array<i32>} : memref<8x1024xi32, #tpu.memory_space<vmem>>, vector<16xi32>,
        %bitcast3A_365 = vector.bitcast %get3A_364 : vector<16xi32> to vector<32xi16>
        %get3A_366 = arith.index_cast %add3A_67 : i32 to index
        %get3A_367 = arith.constant 976 : index
        %get3A_368 = tpu.vector_load %arg4[%get3A_366, %get3A_367] {strides = array<i32>} : memref<8x1024xi32, #tpu.memory_space<vmem>>, vector<16xi32>,
        %bitcast3A_369 = vector.bitcast %get3A_368 : vector<16xi32> to vector<32xi16>
        %get3A_370 = arith.index_cast %add3A_67 : i32 to index
        %get3A_371 = arith.constant 992 : index
        %get3A_372 = tpu.vector_load %arg4[%get3A_370, %get3A_371] {strides = array<i32>} : memref<8x1024xi32, #tpu.memory_space<vmem>>, vector<16xi32>,
        %bitcast3A_373 = vector.bitcast %get3A_372 : vector<16xi32> to vector<32xi16>
        %get3A_374 = arith.index_cast %add3A_67 : i32 to index
        %get3A_375 = arith.constant 1008 : index
        %get3A_376 = tpu.vector_load %arg4[%get3A_374, %get3A_375] {strides = array<i32>} : memref<8x1024xi32, #tpu.memory_space<vmem>>, vector<16xi32>,
        %bitcast3A_377 = vector.bitcast %get3A_376 : vector<16xi32> to vector<32xi16>
        %min3A_378 = arith.minsi %bitcast3A_349, %bitcast3A_353 : vector<32xi16>
        %min3A_379 = arith.minsi %bitcast3A_357, %bitcast3A_361 : vector<32xi16>
        %min3A_380 = arith.minsi %bitcast3A_365, %bitcast3A_369 : vector<32xi16>
        %min3A_381 = arith.minsi %bitcast3A_373, %bitcast3A_377 : vector<32xi16>
        %min3A_382 = arith.minsi %min3A_378, %min3A_379 : vector<32xi16>
        %min3A_383 = arith.minsi %min3A_380, %min3A_381 : vector<32xi16>
        %min3A_384 = arith.minsi %min3A_382, %min3A_383 : vector<32xi16>
        %bitcast3A_385 = vector.bitcast %min3A_111 : vector<32xi16> to vector<16xi32>
        %and3A_386 = vector.broadcast %scan3A_13 : i32 to vector<16xi32>
        %and3A_387 = arith.andi %bitcast3A_385, %and3A_386 : vector<16xi32>
        %shift_right_logical3A = arith.constant 16 : i32
        %shift_right_logical3A_388 = vector.broadcast %shift_right_logical3A : i32 to vector<16xi32>
        %shift_right_logical3A_389 = arith.shrui %bitcast3A_385, %shift_right_logical3A_388 : vector<16xi32>
        %shift_left3A = arith.constant 8 : i32
        %shift_left3A_390 = vector.broadcast %shift_left3A : i32 to vector<16xi32>
        %shift_left3A_391 = arith.shli %and3A_387, %shift_left3A_390 : vector<16xi32>
        %add3A_392 = arith.constant 0 : i32
        %add3A_393 = vector.broadcast %add3A_392 : i32 to vector<16xi32>
        %add3A_394 = arith.addi %mul3A_5, %add3A_393 : vector<16xi32>
        %or3A = arith.ori %shift_left3A_391, %add3A_394 : vector<16xi32>
        %shift_left3A_395 = arith.constant 8 : i32
        %shift_left3A_396 = vector.broadcast %shift_left3A_395 : i32 to vector<16xi32>
        %shift_left3A_397 = arith.shli %shift_right_logical3A_389, %shift_left3A_396 : vector<16xi32>
        %add3A_398 = arith.constant 0 : i32
        %add3A_399 = vector.broadcast %add3A_398 : i32 to vector<16xi32>
        %add3A_400 = arith.addi %mul3A_5, %add3A_399 : vector<16xi32>
        %add3A_401 = arith.constant 1 : i32
        %add3A_402 = vector.broadcast %add3A_401 : i32 to vector<16xi32>
        %add3A_403 = arith.addi %add3A_400, %add3A_402 : vector<16xi32>
        %or3A_404 = arith.ori %shift_left3A_397, %add3A_403 : vector<16xi32>
        %bitcast3A_405 = vector.bitcast %min3A_150 : vector<32xi16> to vector<16xi32>
        %and3A_406 = vector.broadcast %scan3A_13 : i32 to vector<16xi32>
        %and3A_407 = arith.andi %bitcast3A_405, %and3A_406 : vector<16xi32>
        %shift_right_logical3A_408 = arith.constant 16 : i32
        %shift_right_logical3A_409 = vector.broadcast %shift_right_logical3A_408 : i32 to vector<16xi32>
        %shift_right_logical3A_410 = arith.shrui %bitcast3A_405, %shift_right_logical3A_409 : vector<16xi32>
        %shift_left3A_411 = arith.constant 8 : i32
        %shift_left3A_412 = vector.broadcast %shift_left3A_411 : i32 to vector<16xi32>
        %shift_left3A_413 = arith.shli %and3A_407, %shift_left3A_412 : vector<16xi32>
        %add3A_414 = arith.constant 32 : i32
        %add3A_415 = vector.broadcast %add3A_414 : i32 to vector<16xi32>
        %add3A_416 = arith.addi %mul3A_5, %add3A_415 : vector<16xi32>
        %or3A_417 = arith.ori %shift_left3A_413, %add3A_416 : vector<16xi32>
        %shift_left3A_418 = arith.constant 8 : i32
        %shift_left3A_419 = vector.broadcast %shift_left3A_418 : i32 to vector<16xi32>
        %shift_left3A_420 = arith.shli %shift_right_logical3A_410, %shift_left3A_419 : vector<16xi32>
        %add3A_421 = arith.constant 32 : i32
        %add3A_422 = vector.broadcast %add3A_421 : i32 to vector<16xi32>
        %add3A_423 = arith.addi %mul3A_5, %add3A_422 : vector<16xi32>
        %add3A_424 = arith.constant 1 : i32
        %add3A_425 = vector.broadcast %add3A_424 : i32 to vector<16xi32>
        %add3A_426 = arith.addi %add3A_423, %add3A_425 : vector<16xi32>
        %or3A_427 = arith.ori %shift_left3A_420, %add3A_426 : vector<16xi32>
        %bitcast3A_428 = vector.bitcast %min3A_189 : vector<32xi16> to vector<16xi32>
        %and3A_429 = vector.broadcast %scan3A_13 : i32 to vector<16xi32>
        %and3A_430 = arith.andi %bitcast3A_428, %and3A_429 : vector<16xi32>
        %shift_right_logical3A_431 = arith.constant 16 : i32
        %shift_right_logical3A_432 = vector.broadcast %shift_right_logical3A_431 : i32 to vector<16xi32>
        %shift_right_logical3A_433 = arith.shrui %bitcast3A_428, %shift_right_logical3A_432 : vector<16xi32>
        %shift_left3A_434 = arith.constant 8 : i32
        %shift_left3A_435 = vector.broadcast %shift_left3A_434 : i32 to vector<16xi32>
        %shift_left3A_436 = arith.shli %and3A_430, %shift_left3A_435 : vector<16xi32>
        %add3A_437 = arith.constant 64 : i32
        %add3A_438 = vector.broadcast %add3A_437 : i32 to vector<16xi32>
        %add3A_439 = arith.addi %mul3A_5, %add3A_438 : vector<16xi32>
        %or3A_440 = arith.ori %shift_left3A_436, %add3A_439 : vector<16xi32>
        %shift_left3A_441 = arith.constant 8 : i32
        %shift_left3A_442 = vector.broadcast %shift_left3A_441 : i32 to vector<16xi32>
        %shift_left3A_443 = arith.shli %shift_right_logical3A_433, %shift_left3A_442 : vector<16xi32>
        %add3A_444 = arith.constant 64 : i32
        %add3A_445 = vector.broadcast %add3A_444 : i32 to vector<16xi32>
        %add3A_446 = arith.addi %mul3A_5, %add3A_445 : vector<16xi32>
        %add3A_447 = arith.constant 1 : i32
        %add3A_448 = vector.broadcast %add3A_447 : i32 to vector<16xi32>
        %add3A_449 = arith.addi %add3A_446, %add3A_448 : vector<16xi32>
        %or3A_450 = arith.ori %shift_left3A_443, %add3A_449 : vector<16xi32>
        %bitcast3A_451 = vector.bitcast %min3A_228 : vector<32xi16> to vector<16xi32>
        %and3A_452 = vector.broadcast %scan3A_13 : i32 to vector<16xi32>
        %and3A_453 = arith.andi %bitcast3A_451, %and3A_452 : vector<16xi32>
        %shift_right_logical3A_454 = arith.constant 16 : i32
        %shift_right_logical3A_455 = vector.broadcast %shift_right_logical3A_454 : i32 to vector<16xi32>
        %shift_right_logical3A_456 = arith.shrui %bitcast3A_451, %shift_right_logical3A_455 : vector<16xi32>
        %shift_left3A_457 = arith.constant 8 : i32
        %shift_left3A_458 = vector.broadcast %shift_left3A_457 : i32 to vector<16xi32>
        %shift_left3A_459 = arith.shli %and3A_453, %shift_left3A_458 : vector<16xi32>
        %add3A_460 = arith.constant 96 : i32
        %add3A_461 = vector.broadcast %add3A_460 : i32 to vector<16xi32>
        %add3A_462 = arith.addi %mul3A_5, %add3A_461 : vector<16xi32>
        %or3A_463 = arith.ori %shift_left3A_459, %add3A_462 : vector<16xi32>
        %shift_left3A_464 = arith.constant 8 : i32
        %shift_left3A_465 = vector.broadcast %shift_left3A_464 : i32 to vector<16xi32>
        %shift_left3A_466 = arith.shli %shift_right_logical3A_456, %shift_left3A_465 : vector<16xi32>
        %add3A_467 = arith.constant 96 : i32
        %add3A_468 = vector.broadcast %add3A_467 : i32 to vector<16xi32>
        %add3A_469 = arith.addi %mul3A_5, %add3A_468 : vector<16xi32>
        %add3A_470 = arith.constant 1 : i32
        %add3A_471 = vector.broadcast %add3A_470 : i32 to vector<16xi32>
        %add3A_472 = arith.addi %add3A_469, %add3A_471 : vector<16xi32>
        %or3A_473 = arith.ori %shift_left3A_466, %add3A_472 : vector<16xi32>
        %bitcast3A_474 = vector.bitcast %min3A_267 : vector<32xi16> to vector<16xi32>
        %and3A_475 = vector.broadcast %scan3A_13 : i32 to vector<16xi32>
        %and3A_476 = arith.andi %bitcast3A_474, %and3A_475 : vector<16xi32>
        %shift_right_logical3A_477 = arith.constant 16 : i32
        %shift_right_logical3A_478 = vector.broadcast %shift_right_logical3A_477 : i32 to vector<16xi32>
        %shift_right_logical3A_479 = arith.shrui %bitcast3A_474, %shift_right_logical3A_478 : vector<16xi32>
        %shift_left3A_480 = arith.constant 8 : i32
        %shift_left3A_481 = vector.broadcast %shift_left3A_480 : i32 to vector<16xi32>
        %shift_left3A_482 = arith.shli %and3A_476, %shift_left3A_481 : vector<16xi32>
        %add3A_483 = arith.constant 128 : i32
        %add3A_484 = vector.broadcast %add3A_483 : i32 to vector<16xi32>
        %add3A_485 = arith.addi %mul3A_5, %add3A_484 : vector<16xi32>
        %or3A_486 = arith.ori %shift_left3A_482, %add3A_485 : vector<16xi32>
        %shift_left3A_487 = arith.constant 8 : i32
        %shift_left3A_488 = vector.broadcast %shift_left3A_487 : i32 to vector<16xi32>
        %shift_left3A_489 = arith.shli %shift_right_logical3A_479, %shift_left3A_488 : vector<16xi32>
        %add3A_490 = arith.constant 128 : i32
        %add3A_491 = vector.broadcast %add3A_490 : i32 to vector<16xi32>
        %add3A_492 = arith.addi %mul3A_5, %add3A_491 : vector<16xi32>
        %add3A_493 = arith.constant 1 : i32
        %add3A_494 = vector.broadcast %add3A_493 : i32 to vector<16xi32>
        %add3A_495 = arith.addi %add3A_492, %add3A_494 : vector<16xi32>
        %or3A_496 = arith.ori %shift_left3A_489, %add3A_495 : vector<16xi32>
        %bitcast3A_497 = vector.bitcast %min3A_306 : vector<32xi16> to vector<16xi32>
        %and3A_498 = vector.broadcast %scan3A_13 : i32 to vector<16xi32>
        %and3A_499 = arith.andi %bitcast3A_497, %and3A_498 : vector<16xi32>
        %shift_right_logical3A_500 = arith.constant 16 : i32
        %shift_right_logical3A_501 = vector.broadcast %shift_right_logical3A_500 : i32 to vector<16xi32>
        %shift_right_logical3A_502 = arith.shrui %bitcast3A_497, %shift_right_logical3A_501 : vector<16xi32>
        %shift_left3A_503 = arith.constant 8 : i32
        %shift_left3A_504 = vector.broadcast %shift_left3A_503 : i32 to vector<16xi32>
        %shift_left3A_505 = arith.shli %and3A_499, %shift_left3A_504 : vector<16xi32>
        %add3A_506 = arith.constant 160 : i32
        %add3A_507 = vector.broadcast %add3A_506 : i32 to vector<16xi32>
        %add3A_508 = arith.addi %mul3A_5, %add3A_507 : vector<16xi32>
        %or3A_509 = arith.ori %shift_left3A_505, %add3A_508 : vector<16xi32>
        %shift_left3A_510 = arith.constant 8 : i32
        %shift_left3A_511 = vector.broadcast %shift_left3A_510 : i32 to vector<16xi32>
        %shift_left3A_512 = arith.shli %shift_right_logical3A_502, %shift_left3A_511 : vector<16xi32>
        %add3A_513 = arith.constant 160 : i32
        %add3A_514 = vector.broadcast %add3A_513 : i32 to vector<16xi32>
        %add3A_515 = arith.addi %mul3A_5, %add3A_514 : vector<16xi32>
        %add3A_516 = arith.constant 1 : i32
        %add3A_517 = vector.broadcast %add3A_516 : i32 to vector<16xi32>
        %add3A_518 = arith.addi %add3A_515, %add3A_517 : vector<16xi32>
        %or3A_519 = arith.ori %shift_left3A_512, %add3A_518 : vector<16xi32>
        %bitcast3A_520 = vector.bitcast %min3A_345 : vector<32xi16> to vector<16xi32>
        %and3A_521 = vector.broadcast %scan3A_13 : i32 to vector<16xi32>
        %and3A_522 = arith.andi %bitcast3A_520, %and3A_521 : vector<16xi32>
        %shift_right_logical3A_523 = arith.constant 16 : i32
        %shift_right_logical3A_524 = vector.broadcast %shift_right_logical3A_523 : i32 to vector<16xi32>
        %shift_right_logical3A_525 = arith.shrui %bitcast3A_520, %shift_right_logical3A_524 : vector<16xi32>
        %shift_left3A_526 = arith.constant 8 : i32
        %shift_left3A_527 = vector.broadcast %shift_left3A_526 : i32 to vector<16xi32>
        %shift_left3A_528 = arith.shli %and3A_522, %shift_left3A_527 : vector<16xi32>
        %add3A_529 = arith.constant 192 : i32
        %add3A_530 = vector.broadcast %add3A_529 : i32 to vector<16xi32>
        %add3A_531 = arith.addi %mul3A_5, %add3A_530 : vector<16xi32>
        %or3A_532 = arith.ori %shift_left3A_528, %add3A_531 : vector<16xi32>
        %shift_left3A_533 = arith.constant 8 : i32
        %shift_left3A_534 = vector.broadcast %shift_left3A_533 : i32 to vector<16xi32>
        %shift_left3A_535 = arith.shli %shift_right_logical3A_525, %shift_left3A_534 : vector<16xi32>
        %add3A_536 = arith.constant 192 : i32
        %add3A_537 = vector.broadcast %add3A_536 : i32 to vector<16xi32>
        %add3A_538 = arith.addi %mul3A_5, %add3A_537 : vector<16xi32>
        %add3A_539 = arith.constant 1 : i32
        %add3A_540 = vector.broadcast %add3A_539 : i32 to vector<16xi32>
        %add3A_541 = arith.addi %add3A_538, %add3A_540 : vector<16xi32>
        %or3A_542 = arith.ori %shift_left3A_535, %add3A_541 : vector<16xi32>
        %bitcast3A_543 = vector.bitcast %min3A_384 : vector<32xi16> to vector<16xi32>
        %and3A_544 = vector.broadcast %scan3A_13 : i32 to vector<16xi32>
        %and3A_545 = arith.andi %bitcast3A_543, %and3A_544 : vector<16xi32>
        %shift_right_logical3A_546 = arith.constant 16 : i32
        %shift_right_logical3A_547 = vector.broadcast %shift_right_logical3A_546 : i32 to vector<16xi32>
        %shift_right_logical3A_548 = arith.shrui %bitcast3A_543, %shift_right_logical3A_547 : vector<16xi32>
        %shift_left3A_549 = arith.constant 8 : i32
        %shift_left3A_550 = vector.broadcast %shift_left3A_549 : i32 to vector<16xi32>
        %shift_left3A_551 = arith.shli %and3A_545, %shift_left3A_550 : vector<16xi32>
        %add3A_552 = arith.constant 224 : i32
        %add3A_553 = vector.broadcast %add3A_552 : i32 to vector<16xi32>
        %add3A_554 = arith.addi %mul3A_5, %add3A_553 : vector<16xi32>
        %or3A_555 = arith.ori %shift_left3A_551, %add3A_554 : vector<16xi32>
        %shift_left3A_556 = arith.constant 8 : i32
        %shift_left3A_557 = vector.broadcast %shift_left3A_556 : i32 to vector<16xi32>
        %shift_left3A_558 = arith.shli %shift_right_logical3A_548, %shift_left3A_557 : vector<16xi32>
        %add3A_559 = arith.constant 224 : i32
        %add3A_560 = vector.broadcast %add3A_559 : i32 to vector<16xi32>
        %add3A_561 = arith.addi %mul3A_5, %add3A_560 : vector<16xi32>
        %add3A_562 = arith.constant 1 : i32
        %add3A_563 = vector.broadcast %add3A_562 : i32 to vector<16xi32>
        %add3A_564 = arith.addi %add3A_561, %add3A_563 : vector<16xi32>
        %or3A_565 = arith.ori %shift_left3A_558, %add3A_564 : vector<16xi32>
        %sort3A = arith.constant dense<true> : vector<16xi1>
        %sort3A_566, %sort3A_567, %sort3A_568 = tpu.sort %or3A, %or3A masked %sort3A : (vector<16xi32>, vector<16xi32>, vector<16xi1>) -> (vector<16xi1>, vector<16xi32>, vector<16xi32>)
        %sort3A_569 = arith.constant dense<true> : vector<16xi1>
        %sort3A_570, %sort3A_571, %sort3A_572 = tpu.sort %or3A_404, %or3A_404 masked %sort3A_569 : (vector<16xi32>, vector<16xi32>, vector<16xi1>) -> (vector<16xi1>, vector<16xi32>, vector<16xi32>)
        %sort3A_573 = arith.constant dense<true> : vector<16xi1>
        %sort3A_574, %sort3A_575, %sort3A_576 = tpu.sort %or3A_417, %or3A_417 masked %sort3A_573 : (vector<16xi32>, vector<16xi32>, vector<16xi1>) -> (vector<16xi1>, vector<16xi32>, vector<16xi32>)
        %sort3A_577 = arith.constant dense<true> : vector<16xi1>
        %sort3A_578, %sort3A_579, %sort3A_580 = tpu.sort %or3A_427, %or3A_427 masked %sort3A_577 : (vector<16xi32>, vector<16xi32>, vector<16xi1>) -> (vector<16xi1>, vector<16xi32>, vector<16xi32>)
        %sort3A_581 = arith.constant dense<true> : vector<16xi1>
        %sort3A_582, %sort3A_583, %sort3A_584 = tpu.sort %or3A_440, %or3A_440 masked %sort3A_581 : (vector<16xi32>, vector<16xi32>, vector<16xi1>) -> (vector<16xi1>, vector<16xi32>, vector<16xi32>)
        %sort3A_585 = arith.constant dense<true> : vector<16xi1>
        %sort3A_586, %sort3A_587, %sort3A_588 = tpu.sort %or3A_450, %or3A_450 masked %sort3A_585 : (vector<16xi32>, vector<16xi32>, vector<16xi1>) -> (vector<16xi1>, vector<16xi32>, vector<16xi32>)
        %sort3A_589 = arith.constant dense<true> : vector<16xi1>
        %sort3A_590, %sort3A_591, %sort3A_592 = tpu.sort %or3A_463, %or3A_463 masked %sort3A_589 : (vector<16xi32>, vector<16xi32>, vector<16xi1>) -> (vector<16xi1>, vector<16xi32>, vector<16xi32>)
        %sort3A_593 = arith.constant dense<true> : vector<16xi1>
        %sort3A_594, %sort3A_595, %sort3A_596 = tpu.sort %or3A_473, %or3A_473 masked %sort3A_593 : (vector<16xi32>, vector<16xi32>, vector<16xi1>) -> (vector<16xi1>, vector<16xi32>, vector<16xi32>)
        %sort3A_597 = arith.constant dense<true> : vector<16xi1>
        %sort3A_598, %sort3A_599, %sort3A_600 = tpu.sort %or3A_486, %or3A_486 masked %sort3A_597 : (vector<16xi32>, vector<16xi32>, vector<16xi1>) -> (vector<16xi1>, vector<16xi32>, vector<16xi32>)
        %sort3A_601 = arith.constant dense<true> : vector<16xi1>
        %sort3A_602, %sort3A_603, %sort3A_604 = tpu.sort %or3A_496, %or3A_496 masked %sort3A_601 : (vector<16xi32>, vector<16xi32>, vector<16xi1>) -> (vector<16xi1>, vector<16xi32>, vector<16xi32>)
        %sort3A_605 = arith.constant dense<true> : vector<16xi1>
        %sort3A_606, %sort3A_607, %sort3A_608 = tpu.sort %or3A_509, %or3A_509 masked %sort3A_605 : (vector<16xi32>, vector<16xi32>, vector<16xi1>) -> (vector<16xi1>, vector<16xi32>, vector<16xi32>)
        %sort3A_609 = arith.constant dense<true> : vector<16xi1>
        %sort3A_610, %sort3A_611, %sort3A_612 = tpu.sort %or3A_519, %or3A_519 masked %sort3A_609 : (vector<16xi32>, vector<16xi32>, vector<16xi1>) -> (vector<16xi1>, vector<16xi32>, vector<16xi32>)
        %sort3A_613 = arith.constant dense<true> : vector<16xi1>
        %sort3A_614, %sort3A_615, %sort3A_616 = tpu.sort %or3A_532, %or3A_532 masked %sort3A_613 : (vector<16xi32>, vector<16xi32>, vector<16xi1>) -> (vector<16xi1>, vector<16xi32>, vector<16xi32>)
        %sort3A_617 = arith.constant dense<true> : vector<16xi1>
        %sort3A_618, %sort3A_619, %sort3A_620 = tpu.sort %or3A_542, %or3A_542 masked %sort3A_617 : (vector<16xi32>, vector<16xi32>, vector<16xi1>) -> (vector<16xi1>, vector<16xi32>, vector<16xi32>)
        %sort3A_621 = arith.constant dense<true> : vector<16xi1>
        %sort3A_622, %sort3A_623, %sort3A_624 = tpu.sort %or3A_555, %or3A_555 masked %sort3A_621 : (vector<16xi32>, vector<16xi32>, vector<16xi1>) -> (vector<16xi1>, vector<16xi32>, vector<16xi32>)
        %sort3A_625 = arith.constant dense<true> : vector<16xi1>
        %sort3A_626, %sort3A_627, %sort3A_628 = tpu.sort %or3A_565, %or3A_565 masked %sort3A_625 : (vector<16xi32>, vector<16xi32>, vector<16xi1>) -> (vector<16xi1>, vector<16xi32>, vector<16xi32>)
        %rev3A = arith.constant 15 : i32
        %rev3A_629 = vector.broadcast %rev3A : i32 to vector<16xi32>
        %rev3A_630 = tpu.iota {dimensions = array<i32: 0>} : vector<16xi32>
        %rev3A_631 = arith.subi %rev3A_629, %rev3A_630 : vector<16xi32>
        %rev3A_632 = tpu.dynamic_gather %sort3A_571[%rev3A_631] in [0] : vector<16xi32>, vector<16xi32> -> vector<16xi32>
        %min3A_633 = arith.minsi %sort3A_567, %rev3A_632 : vector<16xi32>
        %max3A = arith.maxsi %sort3A_567, %rev3A_632 : vector<16xi32>
        %sort3A_634 = arith.constant dense<true> : vector<16xi1>
        %sort3A_635, %sort3A_636, %sort3A_637 = tpu.sort %min3A_633, %min3A_633 masked %sort3A_634 : (vector<16xi32>, vector<16xi32>, vector<16xi1>) -> (vector<16xi1>, vector<16xi32>, vector<16xi32>)
        %min3A_638 = arith.constant 2147483647 : i32
        %min3A_639 = arith.constant 2147483647 : i32
        %min3A_640 = arith.minsi %min3A_638, %min3A_639 : i32
        %reduce_min3A = arith.constant true
        %reduce_min3A_641 = vector.broadcast %reduce_min3A : i1 to vector<16xi1>
        %reduce_min3A_642 = arith.constant -2147483648 : i32
        %reduce_min3A_643 = vector.broadcast %reduce_min3A_642 : i32 to vector<16xi32>
        %reduce_min3A_644 = arith.xori %max3A, %reduce_min3A_643 : vector<16xi32>
        %reduce_min3A_645 = tpu.scan <min>, %reduce_min3A_644 masked %reduce_min3A_641 : vector<16xi32>, vector<16xi1> -> vector<16xi32>
        %reduce_min3A_646 = arith.xori %reduce_min3A_645, %reduce_min3A_643 : vector<16xi32>
        %reduce_min3A_647 = vector.extract %reduce_min3A_646[15] : i32 from vector<16xi32>
        %min3A_648 = arith.minsi %min3A_640, %reduce_min3A_647 : i32
        %rev3A_649 = arith.constant 15 : i32
        %rev3A_650 = vector.broadcast %rev3A_649 : i32 to vector<16xi32>
        %rev3A_651 = tpu.iota {dimensions = array<i32: 0>} : vector<16xi32>
        %rev3A_652 = arith.subi %rev3A_650, %rev3A_651 : vector<16xi32>
        %rev3A_653 = tpu.dynamic_gather %sort3A_579[%rev3A_652] in [0] : vector<16xi32>, vector<16xi32> -> vector<16xi32>
        %min3A_654 = arith.minsi %sort3A_575, %rev3A_653 : vector<16xi32>
        %max3A_655 = arith.maxsi %sort3A_575, %rev3A_653 : vector<16xi32>
        %sort3A_656 = arith.constant dense<true> : vector<16xi1>
        %sort3A_657, %sort3A_658, %sort3A_659 = tpu.sort %min3A_654, %min3A_654 masked %sort3A_656 : (vector<16xi32>, vector<16xi32>, vector<16xi1>) -> (vector<16xi1>, vector<16xi32>, vector<16xi32>)
        %min3A_660 = arith.constant 2147483647 : i32
        %min3A_661 = arith.constant 2147483647 : i32
        %min3A_662 = arith.minsi %min3A_660, %min3A_661 : i32
        %reduce_min3A_663 = arith.constant true
        %reduce_min3A_664 = vector.broadcast %reduce_min3A_663 : i1 to vector<16xi1>
        %reduce_min3A_665 = arith.constant -2147483648 : i32
        %reduce_min3A_666 = vector.broadcast %reduce_min3A_665 : i32 to vector<16xi32>
        %reduce_min3A_667 = arith.xori %max3A_655, %reduce_min3A_666 : vector<16xi32>
        %reduce_min3A_668 = tpu.scan <min>, %reduce_min3A_667 masked %reduce_min3A_664 : vector<16xi32>, vector<16xi1> -> vector<16xi32>
        %reduce_min3A_669 = arith.xori %reduce_min3A_668, %reduce_min3A_666 : vector<16xi32>
        %reduce_min3A_670 = vector.extract %reduce_min3A_669[15] : i32 from vector<16xi32>
        %min3A_671 = arith.minsi %min3A_662, %reduce_min3A_670 : i32
        %rev3A_672 = arith.constant 15 : i32
        %rev3A_673 = vector.broadcast %rev3A_672 : i32 to vector<16xi32>
        %rev3A_674 = tpu.iota {dimensions = array<i32: 0>} : vector<16xi32>
        %rev3A_675 = arith.subi %rev3A_673, %rev3A_674 : vector<16xi32>
        %rev3A_676 = tpu.dynamic_gather %sort3A_587[%rev3A_675] in [0] : vector<16xi32>, vector<16xi32> -> vector<16xi32>
        %min3A_677 = arith.minsi %sort3A_583, %rev3A_676 : vector<16xi32>
        %max3A_678 = arith.maxsi %sort3A_583, %rev3A_676 : vector<16xi32>
        %sort3A_679 = arith.constant dense<true> : vector<16xi1>
        %sort3A_680, %sort3A_681, %sort3A_682 = tpu.sort %min3A_677, %min3A_677 masked %sort3A_679 : (vector<16xi32>, vector<16xi32>, vector<16xi1>) -> (vector<16xi1>, vector<16xi32>, vector<16xi32>)
        %min3A_683 = arith.constant 2147483647 : i32
        %min3A_684 = arith.constant 2147483647 : i32
        %min3A_685 = arith.minsi %min3A_683, %min3A_684 : i32
        %reduce_min3A_686 = arith.constant true
        %reduce_min3A_687 = vector.broadcast %reduce_min3A_686 : i1 to vector<16xi1>
        %reduce_min3A_688 = arith.constant -2147483648 : i32
        %reduce_min3A_689 = vector.broadcast %reduce_min3A_688 : i32 to vector<16xi32>
        %reduce_min3A_690 = arith.xori %max3A_678, %reduce_min3A_689 : vector<16xi32>
        %reduce_min3A_691 = tpu.scan <min>, %reduce_min3A_690 masked %reduce_min3A_687 : vector<16xi32>, vector<16xi1> -> vector<16xi32>
        %reduce_min3A_692 = arith.xori %reduce_min3A_691, %reduce_min3A_689 : vector<16xi32>
        %reduce_min3A_693 = vector.extract %reduce_min3A_692[15] : i32 from vector<16xi32>
        %min3A_694 = arith.minsi %min3A_685, %reduce_min3A_693 : i32
        %rev3A_695 = arith.constant 15 : i32
        %rev3A_696 = vector.broadcast %rev3A_695 : i32 to vector<16xi32>
        %rev3A_697 = tpu.iota {dimensions = array<i32: 0>} : vector<16xi32>
        %rev3A_698 = arith.subi %rev3A_696, %rev3A_697 : vector<16xi32>
        %rev3A_699 = tpu.dynamic_gather %sort3A_595[%rev3A_698] in [0] : vector<16xi32>, vector<16xi32> -> vector<16xi32>
        %min3A_700 = arith.minsi %sort3A_591, %rev3A_699 : vector<16xi32>
        %max3A_701 = arith.maxsi %sort3A_591, %rev3A_699 : vector<16xi32>
        %sort3A_702 = arith.constant dense<true> : vector<16xi1>
        %sort3A_703, %sort3A_704, %sort3A_705 = tpu.sort %min3A_700, %min3A_700 masked %sort3A_702 : (vector<16xi32>, vector<16xi32>, vector<16xi1>) -> (vector<16xi1>, vector<16xi32>, vector<16xi32>)
        %min3A_706 = arith.constant 2147483647 : i32
        %min3A_707 = arith.constant 2147483647 : i32
        %min3A_708 = arith.minsi %min3A_706, %min3A_707 : i32
        %reduce_min3A_709 = arith.constant true
        %reduce_min3A_710 = vector.broadcast %reduce_min3A_709 : i1 to vector<16xi1>
        %reduce_min3A_711 = arith.constant -2147483648 : i32
        %reduce_min3A_712 = vector.broadcast %reduce_min3A_711 : i32 to vector<16xi32>
        %reduce_min3A_713 = arith.xori %max3A_701, %reduce_min3A_712 : vector<16xi32>
        %reduce_min3A_714 = tpu.scan <min>, %reduce_min3A_713 masked %reduce_min3A_710 : vector<16xi32>, vector<16xi1> -> vector<16xi32>
        %reduce_min3A_715 = arith.xori %reduce_min3A_714, %reduce_min3A_712 : vector<16xi32>
        %reduce_min3A_716 = vector.extract %reduce_min3A_715[15] : i32 from vector<16xi32>
        %min3A_717 = arith.minsi %min3A_708, %reduce_min3A_716 : i32
        %rev3A_718 = arith.constant 15 : i32
        %rev3A_719 = vector.broadcast %rev3A_718 : i32 to vector<16xi32>
        %rev3A_720 = tpu.iota {dimensions = array<i32: 0>} : vector<16xi32>
        %rev3A_721 = arith.subi %rev3A_719, %rev3A_720 : vector<16xi32>
        %rev3A_722 = tpu.dynamic_gather %sort3A_603[%rev3A_721] in [0] : vector<16xi32>, vector<16xi32> -> vector<16xi32>
        %min3A_723 = arith.minsi %sort3A_599, %rev3A_722 : vector<16xi32>
        %max3A_724 = arith.maxsi %sort3A_599, %rev3A_722 : vector<16xi32>
        %sort3A_725 = arith.constant dense<true> : vector<16xi1>
        %sort3A_726, %sort3A_727, %sort3A_728 = tpu.sort %min3A_723, %min3A_723 masked %sort3A_725 : (vector<16xi32>, vector<16xi32>, vector<16xi1>) -> (vector<16xi1>, vector<16xi32>, vector<16xi32>)
        %min3A_729 = arith.constant 2147483647 : i32
        %min3A_730 = arith.constant 2147483647 : i32
        %min3A_731 = arith.minsi %min3A_729, %min3A_730 : i32
        %reduce_min3A_732 = arith.constant true
        %reduce_min3A_733 = vector.broadcast %reduce_min3A_732 : i1 to vector<16xi1>
        %reduce_min3A_734 = arith.constant -2147483648 : i32
        %reduce_min3A_735 = vector.broadcast %reduce_min3A_734 : i32 to vector<16xi32>
        %reduce_min3A_736 = arith.xori %max3A_724, %reduce_min3A_735 : vector<16xi32>
        %reduce_min3A_737 = tpu.scan <min>, %reduce_min3A_736 masked %reduce_min3A_733 : vector<16xi32>, vector<16xi1> -> vector<16xi32>
        %reduce_min3A_738 = arith.xori %reduce_min3A_737, %reduce_min3A_735 : vector<16xi32>
        %reduce_min3A_739 = vector.extract %reduce_min3A_738[15] : i32 from vector<16xi32>
        %min3A_740 = arith.minsi %min3A_731, %reduce_min3A_739 : i32
        %rev3A_741 = arith.constant 15 : i32
        %rev3A_742 = vector.broadcast %rev3A_741 : i32 to vector<16xi32>
        %rev3A_743 = tpu.iota {dimensions = array<i32: 0>} : vector<16xi32>
        %rev3A_744 = arith.subi %rev3A_742, %rev3A_743 : vector<16xi32>
        %rev3A_745 = tpu.dynamic_gather %sort3A_611[%rev3A_744] in [0] : vector<16xi32>, vector<16xi32> -> vector<16xi32>
        %min3A_746 = arith.minsi %sort3A_607, %rev3A_745 : vector<16xi32>
        %max3A_747 = arith.maxsi %sort3A_607, %rev3A_745 : vector<16xi32>
        %sort3A_748 = arith.constant dense<true> : vector<16xi1>
        %sort3A_749, %sort3A_750, %sort3A_751 = tpu.sort %min3A_746, %min3A_746 masked %sort3A_748 : (vector<16xi32>, vector<16xi32>, vector<16xi1>) -> (vector<16xi1>, vector<16xi32>, vector<16xi32>)
        %min3A_752 = arith.constant 2147483647 : i32
        %min3A_753 = arith.constant 2147483647 : i32
        %min3A_754 = arith.minsi %min3A_752, %min3A_753 : i32
        %reduce_min3A_755 = arith.constant true
        %reduce_min3A_756 = vector.broadcast %reduce_min3A_755 : i1 to vector<16xi1>
        %reduce_min3A_757 = arith.constant -2147483648 : i32
        %reduce_min3A_758 = vector.broadcast %reduce_min3A_757 : i32 to vector<16xi32>
        %reduce_min3A_759 = arith.xori %max3A_747, %reduce_min3A_758 : vector<16xi32>
        %reduce_min3A_760 = tpu.scan <min>, %reduce_min3A_759 masked %reduce_min3A_756 : vector<16xi32>, vector<16xi1> -> vector<16xi32>
        %reduce_min3A_761 = arith.xori %reduce_min3A_760, %reduce_min3A_758 : vector<16xi32>
        %reduce_min3A_762 = vector.extract %reduce_min3A_761[15] : i32 from vector<16xi32>
        %min3A_763 = arith.minsi %min3A_754, %reduce_min3A_762 : i32
        %rev3A_764 = arith.constant 15 : i32
        %rev3A_765 = vector.broadcast %rev3A_764 : i32 to vector<16xi32>
        %rev3A_766 = tpu.iota {dimensions = array<i32: 0>} : vector<16xi32>
        %rev3A_767 = arith.subi %rev3A_765, %rev3A_766 : vector<16xi32>
        %rev3A_768 = tpu.dynamic_gather %sort3A_619[%rev3A_767] in [0] : vector<16xi32>, vector<16xi32> -> vector<16xi32>
        %min3A_769 = arith.minsi %sort3A_615, %rev3A_768 : vector<16xi32>
        %max3A_770 = arith.maxsi %sort3A_615, %rev3A_768 : vector<16xi32>
        %sort3A_771 = arith.constant dense<true> : vector<16xi1>
        %sort3A_772, %sort3A_773, %sort3A_774 = tpu.sort %min3A_769, %min3A_769 masked %sort3A_771 : (vector<16xi32>, vector<16xi32>, vector<16xi1>) -> (vector<16xi1>, vector<16xi32>, vector<16xi32>)
        %min3A_775 = arith.constant 2147483647 : i32
        %min3A_776 = arith.constant 2147483647 : i32
        %min3A_777 = arith.minsi %min3A_775, %min3A_776 : i32
        %reduce_min3A_778 = arith.constant true
        %reduce_min3A_779 = vector.broadcast %reduce_min3A_778 : i1 to vector<16xi1>
        %reduce_min3A_780 = arith.constant -2147483648 : i32
        %reduce_min3A_781 = vector.broadcast %reduce_min3A_780 : i32 to vector<16xi32>
        %reduce_min3A_782 = arith.xori %max3A_770, %reduce_min3A_781 : vector<16xi32>
        %reduce_min3A_783 = tpu.scan <min>, %reduce_min3A_782 masked %reduce_min3A_779 : vector<16xi32>, vector<16xi1> -> vector<16xi32>
        %reduce_min3A_784 = arith.xori %reduce_min3A_783, %reduce_min3A_781 : vector<16xi32>
        %reduce_min3A_785 = vector.extract %reduce_min3A_784[15] : i32 from vector<16xi32>
        %min3A_786 = arith.minsi %min3A_777, %reduce_min3A_785 : i32
        %rev3A_787 = arith.constant 15 : i32
        %rev3A_788 = vector.broadcast %rev3A_787 : i32 to vector<16xi32>
        %rev3A_789 = tpu.iota {dimensions = array<i32: 0>} : vector<16xi32>
        %rev3A_790 = arith.subi %rev3A_788, %rev3A_789 : vector<16xi32>
        %rev3A_791 = tpu.dynamic_gather %sort3A_627[%rev3A_790] in [0] : vector<16xi32>, vector<16xi32> -> vector<16xi32>
        %min3A_792 = arith.minsi %sort3A_623, %rev3A_791 : vector<16xi32>
        %max3A_793 = arith.maxsi %sort3A_623, %rev3A_791 : vector<16xi32>
        %sort3A_794 = arith.constant dense<true> : vector<16xi1>
        %sort3A_795, %sort3A_796, %sort3A_797 = tpu.sort %min3A_792, %min3A_792 masked %sort3A_794 : (vector<16xi32>, vector<16xi32>, vector<16xi1>) -> (vector<16xi1>, vector<16xi32>, vector<16xi32>)
        %min3A_798 = arith.constant 2147483647 : i32
        %min3A_799 = arith.constant 2147483647 : i32
        %min3A_800 = arith.minsi %min3A_798, %min3A_799 : i32
        %reduce_min3A_801 = arith.constant true
        %reduce_min3A_802 = vector.broadcast %reduce_min3A_801 : i1 to vector<16xi1>
        %reduce_min3A_803 = arith.constant -2147483648 : i32
        %reduce_min3A_804 = vector.broadcast %reduce_min3A_803 : i32 to vector<16xi32>
        %reduce_min3A_805 = arith.xori %max3A_793, %reduce_min3A_804 : vector<16xi32>
        %reduce_min3A_806 = tpu.scan <min>, %reduce_min3A_805 masked %reduce_min3A_802 : vector<16xi32>, vector<16xi1> -> vector<16xi32>
        %reduce_min3A_807 = arith.xori %reduce_min3A_806, %reduce_min3A_804 : vector<16xi32>
        %reduce_min3A_808 = vector.extract %reduce_min3A_807[15] : i32 from vector<16xi32>
        %min3A_809 = arith.minsi %min3A_800, %reduce_min3A_808 : i32
        %rev3A_810 = arith.constant 15 : i32
        %rev3A_811 = vector.broadcast %rev3A_810 : i32 to vector<16xi32>
        %rev3A_812 = tpu.iota {dimensions = array<i32: 0>} : vector<16xi32>
        %rev3A_813 = arith.subi %rev3A_811, %rev3A_812 : vector<16xi32>
        %rev3A_814 = tpu.dynamic_gather %sort3A_658[%rev3A_813] in [0] : vector<16xi32>, vector<16xi32> -> vector<16xi32>
        %min3A_815 = arith.minsi %sort3A_636, %rev3A_814 : vector<16xi32>
        %max3A_816 = arith.maxsi %sort3A_636, %rev3A_814 : vector<16xi32>
        %sort3A_817 = arith.constant dense<true> : vector<16xi1>
        %sort3A_818, %sort3A_819, %sort3A_820 = tpu.sort %min3A_815, %min3A_815 masked %sort3A_817 : (vector<16xi32>, vector<16xi32>, vector<16xi1>) -> (vector<16xi1>, vector<16xi32>, vector<16xi32>)
        %min3A_821 = arith.minsi %min3A_648, %min3A_671 : i32
        %reduce_min3A_822 = arith.constant true
        %reduce_min3A_823 = vector.broadcast %reduce_min3A_822 : i1 to vector<16xi1>
        %reduce_min3A_824 = arith.constant -2147483648 : i32
        %reduce_min3A_825 = vector.broadcast %reduce_min3A_824 : i32 to vector<16xi32>
        %reduce_min3A_826 = arith.xori %max3A_816, %reduce_min3A_825 : vector<16xi32>
        %reduce_min3A_827 = tpu.scan <min>, %reduce_min3A_826 masked %reduce_min3A_823 : vector<16xi32>, vector<16xi1> -> vector<16xi32>
        %reduce_min3A_828 = arith.xori %reduce_min3A_827, %reduce_min3A_825 : vector<16xi32>
        %reduce_min3A_829 = vector.extract %reduce_min3A_828[15] : i32 from vector<16xi32>
        %min3A_830 = arith.minsi %min3A_821, %reduce_min3A_829 : i32
        %rev3A_831 = arith.constant 15 : i32
        %rev3A_832 = vector.broadcast %rev3A_831 : i32 to vector<16xi32>
        %rev3A_833 = tpu.iota {dimensions = array<i32: 0>} : vector<16xi32>
        %rev3A_834 = arith.subi %rev3A_832, %rev3A_833 : vector<16xi32>
        %rev3A_835 = tpu.dynamic_gather %sort3A_704[%rev3A_834] in [0] : vector<16xi32>, vector<16xi32> -> vector<16xi32>
        %min3A_836 = arith.minsi %sort3A_681, %rev3A_835 : vector<16xi32>
        %max3A_837 = arith.maxsi %sort3A_681, %rev3A_835 : vector<16xi32>
        %sort3A_838 = arith.constant dense<true> : vector<16xi1>
        %sort3A_839, %sort3A_840, %sort3A_841 = tpu.sort %min3A_836, %min3A_836 masked %sort3A_838 : (vector<16xi32>, vector<16xi32>, vector<16xi1>) -> (vector<16xi1>, vector<16xi32>, vector<16xi32>)
        %min3A_842 = arith.minsi %min3A_694, %min3A_717 : i32
        %reduce_min3A_843 = arith.constant true
        %reduce_min3A_844 = vector.broadcast %reduce_min3A_843 : i1 to vector<16xi1>
        %reduce_min3A_845 = arith.constant -2147483648 : i32
        %reduce_min3A_846 = vector.broadcast %reduce_min3A_845 : i32 to vector<16xi32>
        %reduce_min3A_847 = arith.xori %max3A_837, %reduce_min3A_846 : vector<16xi32>
        %reduce_min3A_848 = tpu.scan <min>, %reduce_min3A_847 masked %reduce_min3A_844 : vector<16xi32>, vector<16xi1> -> vector<16xi32>
        %reduce_min3A_849 = arith.xori %reduce_min3A_848, %reduce_min3A_846 : vector<16xi32>
        %reduce_min3A_850 = vector.extract %reduce_min3A_849[15] : i32 from vector<16xi32>
        %min3A_851 = arith.minsi %min3A_842, %reduce_min3A_850 : i32
        %rev3A_852 = arith.constant 15 : i32
        %rev3A_853 = vector.broadcast %rev3A_852 : i32 to vector<16xi32>
        %rev3A_854 = tpu.iota {dimensions = array<i32: 0>} : vector<16xi32>
        %rev3A_855 = arith.subi %rev3A_853, %rev3A_854 : vector<16xi32>
        %rev3A_856 = tpu.dynamic_gather %sort3A_750[%rev3A_855] in [0] : vector<16xi32>, vector<16xi32> -> vector<16xi32>
        %min3A_857 = arith.minsi %sort3A_727, %rev3A_856 : vector<16xi32>
        %max3A_858 = arith.maxsi %sort3A_727, %rev3A_856 : vector<16xi32>
        %sort3A_859 = arith.constant dense<true> : vector<16xi1>
        %sort3A_860, %sort3A_861, %sort3A_862 = tpu.sort %min3A_857, %min3A_857 masked %sort3A_859 : (vector<16xi32>, vector<16xi32>, vector<16xi1>) -> (vector<16xi1>, vector<16xi32>, vector<16xi32>)
        %min3A_863 = arith.minsi %min3A_740, %min3A_763 : i32
        %reduce_min3A_864 = arith.constant true
        %reduce_min3A_865 = vector.broadcast %reduce_min3A_864 : i1 to vector<16xi1>
        %reduce_min3A_866 = arith.constant -2147483648 : i32
        %reduce_min3A_867 = vector.broadcast %reduce_min3A_866 : i32 to vector<16xi32>
        %reduce_min3A_868 = arith.xori %max3A_858, %reduce_min3A_867 : vector<16xi32>
        %reduce_min3A_869 = tpu.scan <min>, %reduce_min3A_868 masked %reduce_min3A_865 : vector<16xi32>, vector<16xi1> -> vector<16xi32>
        %reduce_min3A_870 = arith.xori %reduce_min3A_869, %reduce_min3A_867 : vector<16xi32>
        %reduce_min3A_871 = vector.extract %reduce_min3A_870[15] : i32 from vector<16xi32>
        %min3A_872 = arith.minsi %min3A_863, %reduce_min3A_871 : i32
        %rev3A_873 = arith.constant 15 : i32
        %rev3A_874 = vector.broadcast %rev3A_873 : i32 to vector<16xi32>
        %rev3A_875 = tpu.iota {dimensions = array<i32: 0>} : vector<16xi32>
        %rev3A_876 = arith.subi %rev3A_874, %rev3A_875 : vector<16xi32>
        %rev3A_877 = tpu.dynamic_gather %sort3A_796[%rev3A_876] in [0] : vector<16xi32>, vector<16xi32> -> vector<16xi32>
        %min3A_878 = arith.minsi %sort3A_773, %rev3A_877 : vector<16xi32>
        %max3A_879 = arith.maxsi %sort3A_773, %rev3A_877 : vector<16xi32>
        %sort3A_880 = arith.constant dense<true> : vector<16xi1>
        %sort3A_881, %sort3A_882, %sort3A_883 = tpu.sort %min3A_878, %min3A_878 masked %sort3A_880 : (vector<16xi32>, vector<16xi32>, vector<16xi1>) -> (vector<16xi1>, vector<16xi32>, vector<16xi32>)
        %min3A_884 = arith.minsi %min3A_786, %min3A_809 : i32
        %reduce_min3A_885 = arith.constant true
        %reduce_min3A_886 = vector.broadcast %reduce_min3A_885 : i1 to vector<16xi1>
        %reduce_min3A_887 = arith.constant -2147483648 : i32
        %reduce_min3A_888 = vector.broadcast %reduce_min3A_887 : i32 to vector<16xi32>
        %reduce_min3A_889 = arith.xori %max3A_879, %reduce_min3A_888 : vector<16xi32>
        %reduce_min3A_890 = tpu.scan <min>, %reduce_min3A_889 masked %reduce_min3A_886 : vector<16xi32>, vector<16xi1> -> vector<16xi32>
        %reduce_min3A_891 = arith.xori %reduce_min3A_890, %reduce_min3A_888 : vector<16xi32>
        %reduce_min3A_892 = vector.extract %reduce_min3A_891[15] : i32 from vector<16xi32>
        %min3A_893 = arith.minsi %min3A_884, %reduce_min3A_892 : i32
        %rev3A_894 = arith.constant 15 : i32
        %rev3A_895 = vector.broadcast %rev3A_894 : i32 to vector<16xi32>
        %rev3A_896 = tpu.iota {dimensions = array<i32: 0>} : vector<16xi32>
        %rev3A_897 = arith.subi %rev3A_895, %rev3A_896 : vector<16xi32>
        %rev3A_898 = tpu.dynamic_gather %sort3A_840[%rev3A_897] in [0] : vector<16xi32>, vector<16xi32> -> vector<16xi32>
        %min3A_899 = arith.minsi %sort3A_819, %rev3A_898 : vector<16xi32>
        %max3A_900 = arith.maxsi %sort3A_819, %rev3A_898 : vector<16xi32>
        %sort3A_901 = arith.constant dense<true> : vector<16xi1>
        %sort3A_902, %sort3A_903, %sort3A_904 = tpu.sort %min3A_899, %min3A_899 masked %sort3A_901 : (vector<16xi32>, vector<16xi32>, vector<16xi1>) -> (vector<16xi1>, vector<16xi32>, vector<16xi32>)
        %min3A_905 = arith.minsi %min3A_830, %min3A_851 : i32
        %reduce_min3A_906 = arith.constant true
        %reduce_min3A_907 = vector.broadcast %reduce_min3A_906 : i1 to vector<16xi1>
        %reduce_min3A_908 = arith.constant -2147483648 : i32
        %reduce_min3A_909 = vector.broadcast %reduce_min3A_908 : i32 to vector<16xi32>
        %reduce_min3A_910 = arith.xori %max3A_900, %reduce_min3A_909 : vector<16xi32>
        %reduce_min3A_911 = tpu.scan <min>, %reduce_min3A_910 masked %reduce_min3A_907 : vector<16xi32>, vector<16xi1> -> vector<16xi32>
        %reduce_min3A_912 = arith.xori %reduce_min3A_911, %reduce_min3A_909 : vector<16xi32>
        %reduce_min3A_913 = vector.extract %reduce_min3A_912[15] : i32 from vector<16xi32>
        %min3A_914 = arith.minsi %min3A_905, %reduce_min3A_913 : i32
        %rev3A_915 = arith.constant 15 : i32
        %rev3A_916 = vector.broadcast %rev3A_915 : i32 to vector<16xi32>
        %rev3A_917 = tpu.iota {dimensions = array<i32: 0>} : vector<16xi32>
        %rev3A_918 = arith.subi %rev3A_916, %rev3A_917 : vector<16xi32>
        %rev3A_919 = tpu.dynamic_gather %sort3A_882[%rev3A_918] in [0] : vector<16xi32>, vector<16xi32> -> vector<16xi32>
        %min3A_920 = arith.minsi %sort3A_861, %rev3A_919 : vector<16xi32>
        %max3A_921 = arith.maxsi %sort3A_861, %rev3A_919 : vector<16xi32>
        %sort3A_922 = arith.constant dense<true> : vector<16xi1>
        %sort3A_923, %sort3A_924, %sort3A_925 = tpu.sort %min3A_920, %min3A_920 masked %sort3A_922 : (vector<16xi32>, vector<16xi32>, vector<16xi1>) -> (vector<16xi1>, vector<16xi32>, vector<16xi32>)
        %min3A_926 = arith.minsi %min3A_872, %min3A_893 : i32
        %reduce_min3A_927 = arith.constant true
        %reduce_min3A_928 = vector.broadcast %reduce_min3A_927 : i1 to vector<16xi1>
        %reduce_min3A_929 = arith.constant -2147483648 : i32
        %reduce_min3A_930 = vector.broadcast %reduce_min3A_929 : i32 to vector<16xi32>
        %reduce_min3A_931 = arith.xori %max3A_921, %reduce_min3A_930 : vector<16xi32>
        %reduce_min3A_932 = tpu.scan <min>, %reduce_min3A_931 masked %reduce_min3A_928 : vector<16xi32>, vector<16xi1> -> vector<16xi32>
        %reduce_min3A_933 = arith.xori %reduce_min3A_932, %reduce_min3A_930 : vector<16xi32>
        %reduce_min3A_934 = vector.extract %reduce_min3A_933[15] : i32 from vector<16xi32>
        %min3A_935 = arith.minsi %min3A_926, %reduce_min3A_934 : i32
        %rev3A_936 = arith.constant 15 : i32
        %rev3A_937 = vector.broadcast %rev3A_936 : i32 to vector<16xi32>
        %rev3A_938 = tpu.iota {dimensions = array<i32: 0>} : vector<16xi32>
        %rev3A_939 = arith.subi %rev3A_937, %rev3A_938 : vector<16xi32>
        %rev3A_940 = tpu.dynamic_gather %sort3A_924[%rev3A_939] in [0] : vector<16xi32>, vector<16xi32> -> vector<16xi32>
        %min3A_941 = arith.minsi %sort3A_903, %rev3A_940 : vector<16xi32>
        %max3A_942 = arith.maxsi %sort3A_903, %rev3A_940 : vector<16xi32>
        %sort3A_943 = arith.constant dense<true> : vector<16xi1>
        %sort3A_944, %sort3A_945, %sort3A_946 = tpu.sort %min3A_941, %min3A_941 masked %sort3A_943 : (vector<16xi32>, vector<16xi32>, vector<16xi1>) -> (vector<16xi1>, vector<16xi32>, vector<16xi32>)
        %min3A_947 = arith.minsi %min3A_914, %min3A_935 : i32
        %reduce_min3A_948 = arith.constant true
        %reduce_min3A_949 = vector.broadcast %reduce_min3A_948 : i1 to vector<16xi1>
        %reduce_min3A_950 = arith.constant -2147483648 : i32
        %reduce_min3A_951 = vector.broadcast %reduce_min3A_950 : i32 to vector<16xi32>
        %reduce_min3A_952 = arith.xori %max3A_942, %reduce_min3A_951 : vector<16xi32>
        %reduce_min3A_953 = tpu.scan <min>, %reduce_min3A_952 masked %reduce_min3A_949 : vector<16xi32>, vector<16xi1> -> vector<16xi32>
        %reduce_min3A_954 = arith.xori %reduce_min3A_953, %reduce_min3A_951 : vector<16xi32>
        %reduce_min3A_955 = vector.extract %reduce_min3A_954[15] : i32 from vector<16xi32>
        %min3A_956 = arith.minsi %min3A_947, %reduce_min3A_955 : i32
        %broadcast_in_dim3A = vector.broadcast %add3A_67 : i32 to vector<16xi32>
        %and3A_957 = arith.constant 255 : i32
        %and3A_958 = vector.broadcast %and3A_957 : i32 to vector<16xi32>
        %and3A_959 = arith.andi %sort3A_945, %and3A_958 : vector<16xi32>
        %shift_right_logical3A_960 = arith.constant 5 : i32
        %shift_right_logical3A_961 = vector.broadcast %shift_right_logical3A_960 : i32 to vector<16xi32>
        %shift_right_logical3A_962 = arith.shrui %and3A_959, %shift_right_logical3A_961 : vector<16xi32>
        %mul3A_963 = arith.constant 128 : i32
        %mul3A_964 = vector.broadcast %mul3A_963 : i32 to vector<16xi32>
        %mul3A_965 = arith.muli %shift_right_logical3A_962, %mul3A_964 : vector<16xi32>
        %and3A_966 = arith.constant 31 : i32
        %and3A_967 = vector.broadcast %and3A_966 : i32 to vector<16xi32>
        %and3A_968 = arith.andi %and3A_959, %and3A_967 : vector<16xi32>
        %shift_right_logical3A_969 = arith.constant 1 : i32
        %shift_right_logical3A_970 = vector.broadcast %shift_right_logical3A_969 : i32 to vector<16xi32>
        %shift_right_logical3A_971 = arith.shrui %and3A_968, %shift_right_logical3A_970 : vector<16xi32>
        %add3A_972 = arith.addi %mul3A_965, %shift_right_logical3A_971 : vector<16xi32>
        %and3A_973 = arith.constant 1 : i32
        %and3A_974 = vector.broadcast %and3A_973 : i32 to vector<16xi32>
        %and3A_975 = arith.andi %and3A_959, %and3A_974 : vector<16xi32>
        %add3A_976 = arith.constant 0 : i32
        %add3A_977 = vector.broadcast %add3A_976 : i32 to vector<16xi32>
        %add3A_978 = arith.addi %add3A_972, %add3A_977 : vector<16xi32>
        %gather3A = tpu.vector_load_idx %arg4[%broadcast_in_dim3A, %add3A_978] : memref<8x1024xi32, #tpu.memory_space<vmem>>[vector<16xi32>, vector<16xi32>], vector<16xi32>,
        %eq3A = arith.constant 1 : i32
        %eq3A_979 = vector.broadcast %eq3A : i32 to vector<16xi32>
        %eq3A_980 = arith.cmpi eq, %and3A_975, %eq3A_979 : vector<16xi32>
        %shift_right_logical3A_981 = arith.constant 16 : i32
        %shift_right_logical3A_982 = vector.broadcast %shift_right_logical3A_981 : i32 to vector<16xi32>
        %shift_right_logical3A_983 = arith.shrui %gather3A, %shift_right_logical3A_982 : vector<16xi32>
        %and3A_984 = vector.broadcast %scan3A_13 : i32 to vector<16xi32>
        %and3A_985 = arith.andi %gather3A, %and3A_984 : vector<16xi32>
        %select_n3A = arith.select %eq3A_980, %shift_right_logical3A_983, %and3A_985 : vector<16xi1>, vector<16xi32>
        %add3A_986 = arith.constant 16 : i32
        %add3A_987 = vector.broadcast %add3A_986 : i32 to vector<16xi32>
        %add3A_988 = arith.addi %add3A_972, %add3A_987 : vector<16xi32>
        %gather3A_989 = tpu.vector_load_idx %arg4[%broadcast_in_dim3A, %add3A_988] : memref<8x1024xi32, #tpu.memory_space<vmem>>[vector<16xi32>, vector<16xi32>], vector<16xi32>,
        %eq3A_990 = arith.constant 1 : i32
        %eq3A_991 = vector.broadcast %eq3A_990 : i32 to vector<16xi32>
        %eq3A_992 = arith.cmpi eq, %and3A_975, %eq3A_991 : vector<16xi32>
        %shift_right_logical3A_993 = arith.constant 16 : i32
        %shift_right_logical3A_994 = vector.broadcast %shift_right_logical3A_993 : i32 to vector<16xi32>
        %shift_right_logical3A_995 = arith.shrui %gather3A_989, %shift_right_logical3A_994 : vector<16xi32>
        %and3A_996 = vector.broadcast %scan3A_13 : i32 to vector<16xi32>
        %and3A_997 = arith.andi %gather3A_989, %and3A_996 : vector<16xi32>
        %select_n3A_998 = arith.select %eq3A_992, %shift_right_logical3A_995, %and3A_997 : vector<16xi1>, vector<16xi32>
        %add3A_999 = arith.constant 32 : i32
        %add3A_1000 = vector.broadcast %add3A_999 : i32 to vector<16xi32>
        %add3A_1001 = arith.addi %add3A_972, %add3A_1000 : vector<16xi32>
        %gather3A_1002 = tpu.vector_load_idx %arg4[%broadcast_in_dim3A, %add3A_1001] : memref<8x1024xi32, #tpu.memory_space<vmem>>[vector<16xi32>, vector<16xi32>], vector<16xi32>,
        %eq3A_1003 = arith.constant 1 : i32
        %eq3A_1004 = vector.broadcast %eq3A_1003 : i32 to vector<16xi32>
        %eq3A_1005 = arith.cmpi eq, %and3A_975, %eq3A_1004 : vector<16xi32>
        %shift_right_logical3A_1006 = arith.constant 16 : i32
        %shift_right_logical3A_1007 = vector.broadcast %shift_right_logical3A_1006 : i32 to vector<16xi32>
        %shift_right_logical3A_1008 = arith.shrui %gather3A_1002, %shift_right_logical3A_1007 : vector<16xi32>
        %and3A_1009 = vector.broadcast %scan3A_13 : i32 to vector<16xi32>
        %and3A_1010 = arith.andi %gather3A_1002, %and3A_1009 : vector<16xi32>
        %select_n3A_1011 = arith.select %eq3A_1005, %shift_right_logical3A_1008, %and3A_1010 : vector<16xi1>, vector<16xi32>
        %add3A_1012 = arith.constant 48 : i32
        %add3A_1013 = vector.broadcast %add3A_1012 : i32 to vector<16xi32>
        %add3A_1014 = arith.addi %add3A_972, %add3A_1013 : vector<16xi32>
        %gather3A_1015 = tpu.vector_load_idx %arg4[%broadcast_in_dim3A, %add3A_1014] : memref<8x1024xi32, #tpu.memory_space<vmem>>[vector<16xi32>, vector<16xi32>], vector<16xi32>,
        %eq3A_1016 = arith.constant 1 : i32
        %eq3A_1017 = vector.broadcast %eq3A_1016 : i32 to vector<16xi32>
        %eq3A_1018 = arith.cmpi eq, %and3A_975, %eq3A_1017 : vector<16xi32>
        %shift_right_logical3A_1019 = arith.constant 16 : i32
        %shift_right_logical3A_1020 = vector.broadcast %shift_right_logical3A_1019 : i32 to vector<16xi32>
        %shift_right_logical3A_1021 = arith.shrui %gather3A_1015, %shift_right_logical3A_1020 : vector<16xi32>
        %and3A_1022 = vector.broadcast %scan3A_13 : i32 to vector<16xi32>
        %and3A_1023 = arith.andi %gather3A_1015, %and3A_1022 : vector<16xi32>
        %select_n3A_1024 = arith.select %eq3A_1018, %shift_right_logical3A_1021, %and3A_1023 : vector<16xi1>, vector<16xi32>
        %add3A_1025 = arith.constant 64 : i32
        %add3A_1026 = vector.broadcast %add3A_1025 : i32 to vector<16xi32>
        %add3A_1027 = arith.addi %add3A_972, %add3A_1026 : vector<16xi32>
        %gather3A_1028 = tpu.vector_load_idx %arg4[%broadcast_in_dim3A, %add3A_1027] : memref<8x1024xi32, #tpu.memory_space<vmem>>[vector<16xi32>, vector<16xi32>], vector<16xi32>,
        %eq3A_1029 = arith.constant 1 : i32
        %eq3A_1030 = vector.broadcast %eq3A_1029 : i32 to vector<16xi32>
        %eq3A_1031 = arith.cmpi eq, %and3A_975, %eq3A_1030 : vector<16xi32>
        %shift_right_logical3A_1032 = arith.constant 16 : i32
        %shift_right_logical3A_1033 = vector.broadcast %shift_right_logical3A_1032 : i32 to vector<16xi32>
        %shift_right_logical3A_1034 = arith.shrui %gather3A_1028, %shift_right_logical3A_1033 : vector<16xi32>
        %and3A_1035 = vector.broadcast %scan3A_13 : i32 to vector<16xi32>
        %and3A_1036 = arith.andi %gather3A_1028, %and3A_1035 : vector<16xi32>
        %select_n3A_1037 = arith.select %eq3A_1031, %shift_right_logical3A_1034, %and3A_1036 : vector<16xi1>, vector<16xi32>
        %add3A_1038 = arith.constant 80 : i32
        %add3A_1039 = vector.broadcast %add3A_1038 : i32 to vector<16xi32>
        %add3A_1040 = arith.addi %add3A_972, %add3A_1039 : vector<16xi32>
        %gather3A_1041 = tpu.vector_load_idx %arg4[%broadcast_in_dim3A, %add3A_1040] : memref<8x1024xi32, #tpu.memory_space<vmem>>[vector<16xi32>, vector<16xi32>], vector<16xi32>,
        %eq3A_1042 = arith.constant 1 : i32
        %eq3A_1043 = vector.broadcast %eq3A_1042 : i32 to vector<16xi32>
        %eq3A_1044 = arith.cmpi eq, %and3A_975, %eq3A_1043 : vector<16xi32>
        %shift_right_logical3A_1045 = arith.constant 16 : i32
        %shift_right_logical3A_1046 = vector.broadcast %shift_right_logical3A_1045 : i32 to vector<16xi32>
        %shift_right_logical3A_1047 = arith.shrui %gather3A_1041, %shift_right_logical3A_1046 : vector<16xi32>
        %and3A_1048 = vector.broadcast %scan3A_13 : i32 to vector<16xi32>
        %and3A_1049 = arith.andi %gather3A_1041, %and3A_1048 : vector<16xi32>
        %select_n3A_1050 = arith.select %eq3A_1044, %shift_right_logical3A_1047, %and3A_1049 : vector<16xi1>, vector<16xi32>
        %add3A_1051 = arith.constant 96 : i32
        %add3A_1052 = vector.broadcast %add3A_1051 : i32 to vector<16xi32>
        %add3A_1053 = arith.addi %add3A_972, %add3A_1052 : vector<16xi32>
        %gather3A_1054 = tpu.vector_load_idx %arg4[%broadcast_in_dim3A, %add3A_1053] : memref<8x1024xi32, #tpu.memory_space<vmem>>[vector<16xi32>, vector<16xi32>], vector<16xi32>,
        %eq3A_1055 = arith.constant 1 : i32
        %eq3A_1056 = vector.broadcast %eq3A_1055 : i32 to vector<16xi32>
        %eq3A_1057 = arith.cmpi eq, %and3A_975, %eq3A_1056 : vector<16xi32>
        %shift_right_logical3A_1058 = arith.constant 16 : i32
        %shift_right_logical3A_1059 = vector.broadcast %shift_right_logical3A_1058 : i32 to vector<16xi32>
        %shift_right_logical3A_1060 = arith.shrui %gather3A_1054, %shift_right_logical3A_1059 : vector<16xi32>
        %and3A_1061 = vector.broadcast %scan3A_13 : i32 to vector<16xi32>
        %and3A_1062 = arith.andi %gather3A_1054, %and3A_1061 : vector<16xi32>
        %select_n3A_1063 = arith.select %eq3A_1057, %shift_right_logical3A_1060, %and3A_1062 : vector<16xi1>, vector<16xi32>
        %add3A_1064 = arith.constant 112 : i32
        %add3A_1065 = vector.broadcast %add3A_1064 : i32 to vector<16xi32>
        %add3A_1066 = arith.addi %add3A_972, %add3A_1065 : vector<16xi32>
        %gather3A_1067 = tpu.vector_load_idx %arg4[%broadcast_in_dim3A, %add3A_1066] : memref<8x1024xi32, #tpu.memory_space<vmem>>[vector<16xi32>, vector<16xi32>], vector<16xi32>,
        %eq3A_1068 = arith.constant 1 : i32
        %eq3A_1069 = vector.broadcast %eq3A_1068 : i32 to vector<16xi32>
        %eq3A_1070 = arith.cmpi eq, %and3A_975, %eq3A_1069 : vector<16xi32>
        %shift_right_logical3A_1071 = arith.constant 16 : i32
        %shift_right_logical3A_1072 = vector.broadcast %shift_right_logical3A_1071 : i32 to vector<16xi32>
        %shift_right_logical3A_1073 = arith.shrui %gather3A_1067, %shift_right_logical3A_1072 : vector<16xi32>
        %and3A_1074 = vector.broadcast %scan3A_13 : i32 to vector<16xi32>
        %and3A_1075 = arith.andi %gather3A_1067, %and3A_1074 : vector<16xi32>
        %select_n3A_1076 = arith.select %eq3A_1070, %shift_right_logical3A_1073, %and3A_1075 : vector<16xi1>, vector<16xi32>
        %and3A_1077 = arith.constant 255 : i32
        %and3A_1078 = arith.andi %min3A_956, %and3A_1077 : i32
        %shift_right_logical3A_1079 = arith.constant 5 : i32
        %shift_right_logical3A_1080 = arith.shrui %and3A_1078, %shift_right_logical3A_1079 : i32
        %mul3A_1081 = arith.constant 128 : i32
        %mul3A_1082 = arith.muli %shift_right_logical3A_1080, %mul3A_1081 : i32
        %and3A_1083 = arith.constant 31 : i32
        %and3A_1084 = arith.andi %and3A_1078, %and3A_1083 : i32
        %shift_right_logical3A_1085 = arith.constant 1 : i32
        %shift_right_logical3A_1086 = arith.shrui %and3A_1084, %shift_right_logical3A_1085 : i32
        %add3A_1087 = arith.addi %mul3A_1082, %shift_right_logical3A_1086 : i32
        %and3A_1088 = arith.constant 1 : i32
        %and3A_1089 = arith.andi %and3A_1078, %and3A_1088 : i32
        %mul3A_1090 = arith.constant 16 : i32
        %mul3A_1091 = arith.muli %and3A_1089, %mul3A_1090 : i32
        %mul3A_1092 = arith.constant 16 : i32
        %mul3A_1093 = vector.broadcast %mul3A_1092 : i32 to vector<16xi32>
        %mul3A_1094 = arith.muli %mul3A_1093, %and3A_7 : vector<16xi32>
        %add3A_1095 = vector.broadcast %add3A_1087 : i32 to vector<16xi32>
        %add3A_1096 = arith.addi %add3A_1095, %mul3A_1094 : vector<16xi32>
        %gather3A_1097 = tpu.vector_load_idx %arg4[%broadcast_in_dim3A, %add3A_1096] : memref<8x1024xi32, #tpu.memory_space<vmem>>[vector<16xi32>, vector<16xi32>], vector<16xi32>,
        %shift_right_logical3A_1098 = vector.broadcast %mul3A_1091 : i32 to vector<16xi32>
        %shift_right_logical3A_1099 = arith.shrui %gather3A_1097, %shift_right_logical3A_1098 : vector<16xi32>
        %and3A_1100 = vector.broadcast %scan3A_13 : i32 to vector<16xi32>
        %and3A_1101 = arith.andi %shift_right_logical3A_1099, %and3A_1100 : vector<16xi32>
        %jit3A = arith.constant 2147483647 : i32
        %broadcast_in_dim3A_1102 = vector.broadcast %jit3A : i32 to vector<16xi32>
        %select_n3A_1103 = arith.select %lt3A_9, %and3A_1101, %broadcast_in_dim3A_1102 : vector<16xi1>, vector<16xi32>
        %sort3A_1104 = arith.constant dense<true> : vector<16xi1>
        %sort3A_1105, %sort3A_1106, %sort3A_1107 = tpu.sort %select_n3A, %select_n3A masked %sort3A_1104 : (vector<16xi32>, vector<16xi32>, vector<16xi1>) -> (vector<16xi1>, vector<16xi32>, vector<16xi32>)
        %sort3A_1108 = arith.constant dense<true> : vector<16xi1>
        %sort3A_1109, %sort3A_1110, %sort3A_1111 = tpu.sort %select_n3A_998, %select_n3A_998 masked %sort3A_1108 : (vector<16xi32>, vector<16xi32>, vector<16xi1>) -> (vector<16xi1>, vector<16xi32>, vector<16xi32>)
        %sort3A_1112 = arith.constant dense<true> : vector<16xi1>
        %sort3A_1113, %sort3A_1114, %sort3A_1115 = tpu.sort %select_n3A_1011, %select_n3A_1011 masked %sort3A_1112 : (vector<16xi32>, vector<16xi32>, vector<16xi1>) -> (vector<16xi1>, vector<16xi32>, vector<16xi32>)
        %sort3A_1116 = arith.constant dense<true> : vector<16xi1>
        %sort3A_1117, %sort3A_1118, %sort3A_1119 = tpu.sort %select_n3A_1024, %select_n3A_1024 masked %sort3A_1116 : (vector<16xi32>, vector<16xi32>, vector<16xi1>) -> (vector<16xi1>, vector<16xi32>, vector<16xi32>)
        %sort3A_1120 = arith.constant dense<true> : vector<16xi1>
        %sort3A_1121, %sort3A_1122, %sort3A_1123 = tpu.sort %select_n3A_1037, %select_n3A_1037 masked %sort3A_1120 : (vector<16xi32>, vector<16xi32>, vector<16xi1>) -> (vector<16xi1>, vector<16xi32>, vector<16xi32>)
        %sort3A_1124 = arith.constant dense<true> : vector<16xi1>
        %sort3A_1125, %sort3A_1126, %sort3A_1127 = tpu.sort %select_n3A_1050, %select_n3A_1050 masked %sort3A_1124 : (vector<16xi32>, vector<16xi32>, vector<16xi1>) -> (vector<16xi1>, vector<16xi32>, vector<16xi32>)
        %sort3A_1128 = arith.constant dense<true> : vector<16xi1>
        %sort3A_1129, %sort3A_1130, %sort3A_1131 = tpu.sort %select_n3A_1063, %select_n3A_1063 masked %sort3A_1128 : (vector<16xi32>, vector<16xi32>, vector<16xi1>) -> (vector<16xi1>, vector<16xi32>, vector<16xi32>)
        %sort3A_1132 = arith.constant dense<true> : vector<16xi1>
        %sort3A_1133, %sort3A_1134, %sort3A_1135 = tpu.sort %select_n3A_1076, %select_n3A_1076 masked %sort3A_1132 : (vector<16xi32>, vector<16xi32>, vector<16xi1>) -> (vector<16xi1>, vector<16xi32>, vector<16xi32>)
        %sort3A_1136 = arith.constant dense<true> : vector<16xi1>
        %sort3A_1137, %sort3A_1138, %sort3A_1139 = tpu.sort %select_n3A_1103, %select_n3A_1103 masked %sort3A_1136 : (vector<16xi32>, vector<16xi32>, vector<16xi1>) -> (vector<16xi1>, vector<16xi32>, vector<16xi32>)
        %rev3A_1140 = arith.constant 15 : i32
        %rev3A_1141 = vector.broadcast %rev3A_1140 : i32 to vector<16xi32>
        %rev3A_1142 = tpu.iota {dimensions = array<i32: 0>} : vector<16xi32>
        %rev3A_1143 = arith.subi %rev3A_1141, %rev3A_1142 : vector<16xi32>
        %rev3A_1144 = tpu.dynamic_gather %sort3A_1110[%rev3A_1143] in [0] : vector<16xi32>, vector<16xi32> -> vector<16xi32>
        %min3A_1145 = arith.minsi %sort3A_1106, %rev3A_1144 : vector<16xi32>
        %max3A_1146 = arith.maxsi %sort3A_1106, %rev3A_1144 : vector<16xi32>
        %sort3A_1147 = arith.constant dense<true> : vector<16xi1>
        %sort3A_1148, %sort3A_1149, %sort3A_1150 = tpu.sort %min3A_1145, %min3A_1145 masked %sort3A_1147 : (vector<16xi32>, vector<16xi32>, vector<16xi1>) -> (vector<16xi1>, vector<16xi32>, vector<16xi32>)
        %min3A_1151 = arith.constant 2147483647 : i32
        %min3A_1152 = arith.constant 2147483647 : i32
        %min3A_1153 = arith.minsi %min3A_1151, %min3A_1152 : i32
        %reduce_min3A_1154 = arith.constant true
        %reduce_min3A_1155 = vector.broadcast %reduce_min3A_1154 : i1 to vector<16xi1>
        %reduce_min3A_1156 = arith.constant -2147483648 : i32
        %reduce_min3A_1157 = vector.broadcast %reduce_min3A_1156 : i32 to vector<16xi32>
        %reduce_min3A_1158 = arith.xori %max3A_1146, %reduce_min3A_1157 : vector<16xi32>
        %reduce_min3A_1159 = tpu.scan <min>, %reduce_min3A_1158 masked %reduce_min3A_1155 : vector<16xi32>, vector<16xi1> -> vector<16xi32>
        %reduce_min3A_1160 = arith.xori %reduce_min3A_1159, %reduce_min3A_1157 : vector<16xi32>
        %reduce_min3A_1161 = vector.extract %reduce_min3A_1160[15] : i32 from vector<16xi32>
        %min3A_1162 = arith.minsi %min3A_1153, %reduce_min3A_1161 : i32
        %rev3A_1163 = arith.constant 15 : i32
        %rev3A_1164 = vector.broadcast %rev3A_1163 : i32 to vector<16xi32>
        %rev3A_1165 = tpu.iota {dimensions = array<i32: 0>} : vector<16xi32>
        %rev3A_1166 = arith.subi %rev3A_1164, %rev3A_1165 : vector<16xi32>
        %rev3A_1167 = tpu.dynamic_gather %sort3A_1118[%rev3A_1166] in [0] : vector<16xi32>, vector<16xi32> -> vector<16xi32>
        %min3A_1168 = arith.minsi %sort3A_1114, %rev3A_1167 : vector<16xi32>
        %max3A_1169 = arith.maxsi %sort3A_1114, %rev3A_1167 : vector<16xi32>
        %sort3A_1170 = arith.constant dense<true> : vector<16xi1>
        %sort3A_1171, %sort3A_1172, %sort3A_1173 = tpu.sort %min3A_1168, %min3A_1168 masked %sort3A_1170 : (vector<16xi32>, vector<16xi32>, vector<16xi1>) -> (vector<16xi1>, vector<16xi32>, vector<16xi32>)
        %min3A_1174 = arith.constant 2147483647 : i32
        %min3A_1175 = arith.constant 2147483647 : i32
        %min3A_1176 = arith.minsi %min3A_1174, %min3A_1175 : i32
        %reduce_min3A_1177 = arith.constant true
        %reduce_min3A_1178 = vector.broadcast %reduce_min3A_1177 : i1 to vector<16xi1>
        %reduce_min3A_1179 = arith.constant -2147483648 : i32
        %reduce_min3A_1180 = vector.broadcast %reduce_min3A_1179 : i32 to vector<16xi32>
        %reduce_min3A_1181 = arith.xori %max3A_1169, %reduce_min3A_1180 : vector<16xi32>
        %reduce_min3A_1182 = tpu.scan <min>, %reduce_min3A_1181 masked %reduce_min3A_1178 : vector<16xi32>, vector<16xi1> -> vector<16xi32>
        %reduce_min3A_1183 = arith.xori %reduce_min3A_1182, %reduce_min3A_1180 : vector<16xi32>
        %reduce_min3A_1184 = vector.extract %reduce_min3A_1183[15] : i32 from vector<16xi32>
        %min3A_1185 = arith.minsi %min3A_1176, %reduce_min3A_1184 : i32
        %rev3A_1186 = arith.constant 15 : i32
        %rev3A_1187 = vector.broadcast %rev3A_1186 : i32 to vector<16xi32>
        %rev3A_1188 = tpu.iota {dimensions = array<i32: 0>} : vector<16xi32>
        %rev3A_1189 = arith.subi %rev3A_1187, %rev3A_1188 : vector<16xi32>
        %rev3A_1190 = tpu.dynamic_gather %sort3A_1126[%rev3A_1189] in [0] : vector<16xi32>, vector<16xi32> -> vector<16xi32>
        %min3A_1191 = arith.minsi %sort3A_1122, %rev3A_1190 : vector<16xi32>
        %max3A_1192 = arith.maxsi %sort3A_1122, %rev3A_1190 : vector<16xi32>
        %sort3A_1193 = arith.constant dense<true> : vector<16xi1>
        %sort3A_1194, %sort3A_1195, %sort3A_1196 = tpu.sort %min3A_1191, %min3A_1191 masked %sort3A_1193 : (vector<16xi32>, vector<16xi32>, vector<16xi1>) -> (vector<16xi1>, vector<16xi32>, vector<16xi32>)
        %min3A_1197 = arith.constant 2147483647 : i32
        %min3A_1198 = arith.constant 2147483647 : i32
        %min3A_1199 = arith.minsi %min3A_1197, %min3A_1198 : i32
        %reduce_min3A_1200 = arith.constant true
        %reduce_min3A_1201 = vector.broadcast %reduce_min3A_1200 : i1 to vector<16xi1>
        %reduce_min3A_1202 = arith.constant -2147483648 : i32
        %reduce_min3A_1203 = vector.broadcast %reduce_min3A_1202 : i32 to vector<16xi32>
        %reduce_min3A_1204 = arith.xori %max3A_1192, %reduce_min3A_1203 : vector<16xi32>
        %reduce_min3A_1205 = tpu.scan <min>, %reduce_min3A_1204 masked %reduce_min3A_1201 : vector<16xi32>, vector<16xi1> -> vector<16xi32>
        %reduce_min3A_1206 = arith.xori %reduce_min3A_1205, %reduce_min3A_1203 : vector<16xi32>
        %reduce_min3A_1207 = vector.extract %reduce_min3A_1206[15] : i32 from vector<16xi32>
        %min3A_1208 = arith.minsi %min3A_1199, %reduce_min3A_1207 : i32
        %rev3A_1209 = arith.constant 15 : i32
        %rev3A_1210 = vector.broadcast %rev3A_1209 : i32 to vector<16xi32>
        %rev3A_1211 = tpu.iota {dimensions = array<i32: 0>} : vector<16xi32>
        %rev3A_1212 = arith.subi %rev3A_1210, %rev3A_1211 : vector<16xi32>
        %rev3A_1213 = tpu.dynamic_gather %sort3A_1134[%rev3A_1212] in [0] : vector<16xi32>, vector<16xi32> -> vector<16xi32>
        %min3A_1214 = arith.minsi %sort3A_1130, %rev3A_1213 : vector<16xi32>
        %max3A_1215 = arith.maxsi %sort3A_1130, %rev3A_1213 : vector<16xi32>
        %sort3A_1216 = arith.constant dense<true> : vector<16xi1>
        %sort3A_1217, %sort3A_1218, %sort3A_1219 = tpu.sort %min3A_1214, %min3A_1214 masked %sort3A_1216 : (vector<16xi32>, vector<16xi32>, vector<16xi1>) -> (vector<16xi1>, vector<16xi32>, vector<16xi32>)
        %min3A_1220 = arith.constant 2147483647 : i32
        %min3A_1221 = arith.constant 2147483647 : i32
        %min3A_1222 = arith.minsi %min3A_1220, %min3A_1221 : i32
        %reduce_min3A_1223 = arith.constant true
        %reduce_min3A_1224 = vector.broadcast %reduce_min3A_1223 : i1 to vector<16xi1>
        %reduce_min3A_1225 = arith.constant -2147483648 : i32
        %reduce_min3A_1226 = vector.broadcast %reduce_min3A_1225 : i32 to vector<16xi32>
        %reduce_min3A_1227 = arith.xori %max3A_1215, %reduce_min3A_1226 : vector<16xi32>
        %reduce_min3A_1228 = tpu.scan <min>, %reduce_min3A_1227 masked %reduce_min3A_1224 : vector<16xi32>, vector<16xi1> -> vector<16xi32>
        %reduce_min3A_1229 = arith.xori %reduce_min3A_1228, %reduce_min3A_1226 : vector<16xi32>
        %reduce_min3A_1230 = vector.extract %reduce_min3A_1229[15] : i32 from vector<16xi32>
        %min3A_1231 = arith.minsi %min3A_1222, %reduce_min3A_1230 : i32
        %rev3A_1232 = arith.constant 15 : i32
        %rev3A_1233 = vector.broadcast %rev3A_1232 : i32 to vector<16xi32>
        %rev3A_1234 = tpu.iota {dimensions = array<i32: 0>} : vector<16xi32>
        %rev3A_1235 = arith.subi %rev3A_1233, %rev3A_1234 : vector<16xi32>
        %rev3A_1236 = tpu.dynamic_gather %sort3A_1172[%rev3A_1235] in [0] : vector<16xi32>, vector<16xi32> -> vector<16xi32>
        %min3A_1237 = arith.minsi %sort3A_1149, %rev3A_1236 : vector<16xi32>
        %max3A_1238 = arith.maxsi %sort3A_1149, %rev3A_1236 : vector<16xi32>
        %sort3A_1239 = arith.constant dense<true> : vector<16xi1>
        %sort3A_1240, %sort3A_1241, %sort3A_1242 = tpu.sort %min3A_1237, %min3A_1237 masked %sort3A_1239 : (vector<16xi32>, vector<16xi32>, vector<16xi1>) -> (vector<16xi1>, vector<16xi32>, vector<16xi32>)
        %min3A_1243 = arith.minsi %min3A_1162, %min3A_1185 : i32
        %reduce_min3A_1244 = arith.constant true
        %reduce_min3A_1245 = vector.broadcast %reduce_min3A_1244 : i1 to vector<16xi1>
        %reduce_min3A_1246 = arith.constant -2147483648 : i32
        %reduce_min3A_1247 = vector.broadcast %reduce_min3A_1246 : i32 to vector<16xi32>
        %reduce_min3A_1248 = arith.xori %max3A_1238, %reduce_min3A_1247 : vector<16xi32>
        %reduce_min3A_1249 = tpu.scan <min>, %reduce_min3A_1248 masked %reduce_min3A_1245 : vector<16xi32>, vector<16xi1> -> vector<16xi32>
        %reduce_min3A_1250 = arith.xori %reduce_min3A_1249, %reduce_min3A_1247 : vector<16xi32>
        %reduce_min3A_1251 = vector.extract %reduce_min3A_1250[15] : i32 from vector<16xi32>
        %min3A_1252 = arith.minsi %min3A_1243, %reduce_min3A_1251 : i32
        %rev3A_1253 = arith.constant 15 : i32
        %rev3A_1254 = vector.broadcast %rev3A_1253 : i32 to vector<16xi32>
        %rev3A_1255 = tpu.iota {dimensions = array<i32: 0>} : vector<16xi32>
        %rev3A_1256 = arith.subi %rev3A_1254, %rev3A_1255 : vector<16xi32>
        %rev3A_1257 = tpu.dynamic_gather %sort3A_1218[%rev3A_1256] in [0] : vector<16xi32>, vector<16xi32> -> vector<16xi32>
        %min3A_1258 = arith.minsi %sort3A_1195, %rev3A_1257 : vector<16xi32>
        %max3A_1259 = arith.maxsi %sort3A_1195, %rev3A_1257 : vector<16xi32>
        %sort3A_1260 = arith.constant dense<true> : vector<16xi1>
        %sort3A_1261, %sort3A_1262, %sort3A_1263 = tpu.sort %min3A_1258, %min3A_1258 masked %sort3A_1260 : (vector<16xi32>, vector<16xi32>, vector<16xi1>) -> (vector<16xi1>, vector<16xi32>, vector<16xi32>)
        %min3A_1264 = arith.minsi %min3A_1208, %min3A_1231 : i32
        %reduce_min3A_1265 = arith.constant true
        %reduce_min3A_1266 = vector.broadcast %reduce_min3A_1265 : i1 to vector<16xi1>
        %reduce_min3A_1267 = arith.constant -2147483648 : i32
        %reduce_min3A_1268 = vector.broadcast %reduce_min3A_1267 : i32 to vector<16xi32>
        %reduce_min3A_1269 = arith.xori %max3A_1259, %reduce_min3A_1268 : vector<16xi32>
        %reduce_min3A_1270 = tpu.scan <min>, %reduce_min3A_1269 masked %reduce_min3A_1266 : vector<16xi32>, vector<16xi1> -> vector<16xi32>
        %reduce_min3A_1271 = arith.xori %reduce_min3A_1270, %reduce_min3A_1268 : vector<16xi32>
        %reduce_min3A_1272 = vector.extract %reduce_min3A_1271[15] : i32 from vector<16xi32>
        %min3A_1273 = arith.minsi %min3A_1264, %reduce_min3A_1272 : i32
        %rev3A_1274 = arith.constant 15 : i32
        %rev3A_1275 = vector.broadcast %rev3A_1274 : i32 to vector<16xi32>
        %rev3A_1276 = tpu.iota {dimensions = array<i32: 0>} : vector<16xi32>
        %rev3A_1277 = arith.subi %rev3A_1275, %rev3A_1276 : vector<16xi32>
        %rev3A_1278 = tpu.dynamic_gather %sort3A_1262[%rev3A_1277] in [0] : vector<16xi32>, vector<16xi32> -> vector<16xi32>
        %min3A_1279 = arith.minsi %sort3A_1241, %rev3A_1278 : vector<16xi32>
        %max3A_1280 = arith.maxsi %sort3A_1241, %rev3A_1278 : vector<16xi32>
        %sort3A_1281 = arith.constant dense<true> : vector<16xi1>
        %sort3A_1282, %sort3A_1283, %sort3A_1284 = tpu.sort %min3A_1279, %min3A_1279 masked %sort3A_1281 : (vector<16xi32>, vector<16xi32>, vector<16xi1>) -> (vector<16xi1>, vector<16xi32>, vector<16xi32>)
        %min3A_1285 = arith.minsi %min3A_1252, %min3A_1273 : i32
        %reduce_min3A_1286 = arith.constant true
        %reduce_min3A_1287 = vector.broadcast %reduce_min3A_1286 : i1 to vector<16xi1>
        %reduce_min3A_1288 = arith.constant -2147483648 : i32
        %reduce_min3A_1289 = vector.broadcast %reduce_min3A_1288 : i32 to vector<16xi32>
        %reduce_min3A_1290 = arith.xori %max3A_1280, %reduce_min3A_1289 : vector<16xi32>
        %reduce_min3A_1291 = tpu.scan <min>, %reduce_min3A_1290 masked %reduce_min3A_1287 : vector<16xi32>, vector<16xi1> -> vector<16xi32>
        %reduce_min3A_1292 = arith.xori %reduce_min3A_1291, %reduce_min3A_1289 : vector<16xi32>
        %reduce_min3A_1293 = vector.extract %reduce_min3A_1292[15] : i32 from vector<16xi32>
        %min3A_1294 = arith.minsi %min3A_1285, %reduce_min3A_1293 : i32
        %rev3A_1295 = arith.constant 15 : i32
        %rev3A_1296 = vector.broadcast %rev3A_1295 : i32 to vector<16xi32>
        %rev3A_1297 = tpu.iota {dimensions = array<i32: 0>} : vector<16xi32>
        %rev3A_1298 = arith.subi %rev3A_1296, %rev3A_1297 : vector<16xi32>
        %rev3A_1299 = tpu.dynamic_gather %sort3A_1138[%rev3A_1298] in [0] : vector<16xi32>, vector<16xi32> -> vector<16xi32>
        %min3A_1300 = arith.minsi %sort3A_1283, %rev3A_1299 : vector<16xi32>
        %max3A_1301 = arith.maxsi %sort3A_1283, %rev3A_1299 : vector<16xi32>
        %sort3A_1302 = arith.constant dense<true> : vector<16xi1>
        %sort3A_1303, %sort3A_1304, %sort3A_1305 = tpu.sort %min3A_1300, %min3A_1300 masked %sort3A_1302 : (vector<16xi32>, vector<16xi32>, vector<16xi1>) -> (vector<16xi1>, vector<16xi32>, vector<16xi32>)
        %min3A_1306 = arith.constant 2147483647 : i32
        %min3A_1307 = arith.minsi %min3A_1294, %min3A_1306 : i32
        %reduce_min3A_1308 = arith.constant true
        %reduce_min3A_1309 = vector.broadcast %reduce_min3A_1308 : i1 to vector<16xi1>
        %reduce_min3A_1310 = arith.constant -2147483648 : i32
        %reduce_min3A_1311 = vector.broadcast %reduce_min3A_1310 : i32 to vector<16xi32>
        %reduce_min3A_1312 = arith.xori %max3A_1301, %reduce_min3A_1311 : vector<16xi32>
        %reduce_min3A_1313 = tpu.scan <min>, %reduce_min3A_1312 masked %reduce_min3A_1309 : vector<16xi32>, vector<16xi1> -> vector<16xi32>
        %reduce_min3A_1314 = arith.xori %reduce_min3A_1313, %reduce_min3A_1311 : vector<16xi32>
        %reduce_min3A_1315 = vector.extract %reduce_min3A_1314[15] : i32 from vector<16xi32>
        %min3A_1316 = arith.minsi %min3A_1307, %reduce_min3A_1315 : i32
        %shift_left3A_1317 = arith.constant 16 : i32
        %shift_left3A_1318 = arith.shli %min3A_1316, %shift_left3A_1317 : i32
        %broadcast_in_dim3A_1319 = vector.broadcast %shift_left3A_1318 : i32 to vector<16xi32>
        %bitcast3A_1320 = vector.bitcast %broadcast_in_dim3A_1319 : vector<16xi32> to vector<16xf32>
        %swap3A = arith.index_cast %add3A_74 : i32 to index
        %swap3A_1321 = arith.constant 1 : index
        %swap3A_1322 = tpu.vector_load %arg6[%swap3A, %swap3A_1321] {strides = array<i32>} : memref<64x17xf32, #tpu.memory_space<vmem>>, vector<16xf32>,
        tpu.vector_store %arg6[%swap3A, %swap3A_1321], %bitcast3A_1320 {strides = array<i32>} : memref<64x17xf32, #tpu.memory_space<vmem>>, vector<16xf32>,
        %shift_left3A_1323 = arith.constant 16 : i32
        %shift_left3A_1324 = vector.broadcast %shift_left3A_1323 : i32 to vector<16xi32>
        %shift_left3A_1325 = arith.shli %sort3A_1304, %shift_left3A_1324 : vector<16xi32>
        %bitcast3A_1326 = vector.bitcast %shift_left3A_1325 : vector<16xi32> to vector<16xf32>
        %swap3A_1327 = arith.index_cast %add3A_74 : i32 to index
        %swap3A_1328 = arith.constant 0 : index
        %swap3A_1329 = tpu.vector_load %arg6[%swap3A_1327, %swap3A_1328] {strides = array<i32>} : memref<64x17xf32, #tpu.memory_space<vmem>>, vector<16xf32>,
        tpu.vector_store %arg6[%swap3A_1327, %swap3A_1328], %bitcast3A_1326 {strides = array<i32>} : memref<64x17xf32, #tpu.memory_space<vmem>>, vector<16xf32>,
        %mul3A_1330 = arith.constant 2 : i32
        %mul3A_1331 = arith.muli %mul3A_1330, %scan3A_63 : i32
        %add3A_1332 = arith.constant 1 : i32
        %add3A_1333 = arith.addi %mul3A_1331, %add3A_1332 : i32
        %mul3A_1334 = arith.constant 16 : i32
        %mul3A_1335 = arith.muli %scan3A_24, %mul3A_1334 : i32
        %mul3A_1336 = arith.constant 2 : i32
        %mul3A_1337 = arith.muli %mul3A_1336, %scan3A_63 : i32
        %add3A_1338 = arith.addi %mul3A_1335, %mul3A_1337 : i32
        %add3A_1339 = arith.constant 1 : i32
        %add3A_1340 = arith.addi %add3A_1338, %add3A_1339 : i32
        %get3A_1341 = arith.index_cast %add3A_1333 : i32 to index
        %get3A_1342 = arith.constant 0 : index
        %get3A_1343 = tpu.vector_load %arg4[%get3A_1341, %get3A_1342] {strides = array<i32>} : memref<8x1024xi32, #tpu.memory_space<vmem>>, vector<16xi32>,
        %bitcast3A_1344 = vector.bitcast %get3A_1343 : vector<16xi32> to vector<32xi16>
        %get3A_1345 = arith.index_cast %add3A_1333 : i32 to index
        %get3A_1346 = arith.constant 16 : index
        %get3A_1347 = tpu.vector_load %arg4[%get3A_1345, %get3A_1346] {strides = array<i32>} : memref<8x1024xi32, #tpu.memory_space<vmem>>, vector<16xi32>,
        %bitcast3A_1348 = vector.bitcast %get3A_1347 : vector<16xi32> to vector<32xi16>
        %get3A_1349 = arith.index_cast %add3A_1333 : i32 to index
        %get3A_1350 = arith.constant 32 : index
        %get3A_1351 = tpu.vector_load %arg4[%get3A_1349, %get3A_1350] {strides = array<i32>} : memref<8x1024xi32, #tpu.memory_space<vmem>>, vector<16xi32>,
        %bitcast3A_1352 = vector.bitcast %get3A_1351 : vector<16xi32> to vector<32xi16>
        %get3A_1353 = arith.index_cast %add3A_1333 : i32 to index
        %get3A_1354 = arith.constant 48 : index
        %get3A_1355 = tpu.vector_load %arg4[%get3A_1353, %get3A_1354] {strides = array<i32>} : memref<8x1024xi32, #tpu.memory_space<vmem>>, vector<16xi32>,
        %bitcast3A_1356 = vector.bitcast %get3A_1355 : vector<16xi32> to vector<32xi16>
        %get3A_1357 = arith.index_cast %add3A_1333 : i32 to index
        %get3A_1358 = arith.constant 64 : index
        %get3A_1359 = tpu.vector_load %arg4[%get3A_1357, %get3A_1358] {strides = array<i32>} : memref<8x1024xi32, #tpu.memory_space<vmem>>, vector<16xi32>,
        %bitcast3A_1360 = vector.bitcast %get3A_1359 : vector<16xi32> to vector<32xi16>
        %get3A_1361 = arith.index_cast %add3A_1333 : i32 to index
        %get3A_1362 = arith.constant 80 : index
        %get3A_1363 = tpu.vector_load %arg4[%get3A_1361, %get3A_1362] {strides = array<i32>} : memref<8x1024xi32, #tpu.memory_space<vmem>>, vector<16xi32>,
        %bitcast3A_1364 = vector.bitcast %get3A_1363 : vector<16xi32> to vector<32xi16>
        %get3A_1365 = arith.index_cast %add3A_1333 : i32 to index
        %get3A_1366 = arith.constant 96 : index
        %get3A_1367 = tpu.vector_load %arg4[%get3A_1365, %get3A_1366] {strides = array<i32>} : memref<8x1024xi32, #tpu.memory_space<vmem>>, vector<16xi32>,
        %bitcast3A_1368 = vector.bitcast %get3A_1367 : vector<16xi32> to vector<32xi16>
        %get3A_1369 = arith.index_cast %add3A_1333 : i32 to index
        %get3A_1370 = arith.constant 112 : index
        %get3A_1371 = tpu.vector_load %arg4[%get3A_1369, %get3A_1370] {strides = array<i32>} : memref<8x1024xi32, #tpu.memory_space<vmem>>, vector<16xi32>,
        %bitcast3A_1372 = vector.bitcast %get3A_1371 : vector<16xi32> to vector<32xi16>
        %min3A_1373 = arith.minsi %bitcast3A_1344, %bitcast3A_1348 : vector<32xi16>
        %min3A_1374 = arith.minsi %bitcast3A_1352, %bitcast3A_1356 : vector<32xi16>
        %min3A_1375 = arith.minsi %bitcast3A_1360, %bitcast3A_1364 : vector<32xi16>
        %min3A_1376 = arith.minsi %bitcast3A_1368, %bitcast3A_1372 : vector<32xi16>
        %min3A_1377 = arith.minsi %min3A_1373, %min3A_1374 : vector<32xi16>
        %min3A_1378 = arith.minsi %min3A_1375, %min3A_1376 : vector<32xi16>
        %min3A_1379 = arith.minsi %min3A_1377, %min3A_1378 : vector<32xi16>
        %get3A_1380 = arith.index_cast %add3A_1333 : i32 to index
        %get3A_1381 = arith.constant 128 : index
        %get3A_1382 = tpu.vector_load %arg4[%get3A_1380, %get3A_1381] {strides = array<i32>} : memref<8x1024xi32, #tpu.memory_space<vmem>>, vector<16xi32>,
        %bitcast3A_1383 = vector.bitcast %get3A_1382 : vector<16xi32> to vector<32xi16>
        %get3A_1384 = arith.index_cast %add3A_1333 : i32 to index
        %get3A_1385 = arith.constant 144 : index
        %get3A_1386 = tpu.vector_load %arg4[%get3A_1384, %get3A_1385] {strides = array<i32>} : memref<8x1024xi32, #tpu.memory_space<vmem>>, vector<16xi32>,
        %bitcast3A_1387 = vector.bitcast %get3A_1386 : vector<16xi32> to vector<32xi16>
        %get3A_1388 = arith.index_cast %add3A_1333 : i32 to index
        %get3A_1389 = arith.constant 160 : index
        %get3A_1390 = tpu.vector_load %arg4[%get3A_1388, %get3A_1389] {strides = array<i32>} : memref<8x1024xi32, #tpu.memory_space<vmem>>, vector<16xi32>,
        %bitcast3A_1391 = vector.bitcast %get3A_1390 : vector<16xi32> to vector<32xi16>
        %get3A_1392 = arith.index_cast %add3A_1333 : i32 to index
        %get3A_1393 = arith.constant 176 : index
        %get3A_1394 = tpu.vector_load %arg4[%get3A_1392, %get3A_1393] {strides = array<i32>} : memref<8x1024xi32, #tpu.memory_space<vmem>>, vector<16xi32>,
        %bitcast3A_1395 = vector.bitcast %get3A_1394 : vector<16xi32> to vector<32xi16>
        %get3A_1396 = arith.index_cast %add3A_1333 : i32 to index
        %get3A_1397 = arith.constant 192 : index
        %get3A_1398 = tpu.vector_load %arg4[%get3A_1396, %get3A_1397] {strides = array<i32>} : memref<8x1024xi32, #tpu.memory_space<vmem>>, vector<16xi32>,
        %bitcast3A_1399 = vector.bitcast %get3A_1398 : vector<16xi32> to vector<32xi16>
        %get3A_1400 = arith.index_cast %add3A_1333 : i32 to index
        %get3A_1401 = arith.constant 208 : index
        %get3A_1402 = tpu.vector_load %arg4[%get3A_1400, %get3A_1401] {strides = array<i32>} : memref<8x1024xi32, #tpu.memory_space<vmem>>, vector<16xi32>,
        %bitcast3A_1403 = vector.bitcast %get3A_1402 : vector<16xi32> to vector<32xi16>
        %get3A_1404 = arith.index_cast %add3A_1333 : i32 to index
        %get3A_1405 = arith.constant 224 : index
        %get3A_1406 = tpu.vector_load %arg4[%get3A_1404, %get3A_1405] {strides = array<i32>} : memref<8x1024xi32, #tpu.memory_space<vmem>>, vector<16xi32>,
        %bitcast3A_1407 = vector.bitcast %get3A_1406 : vector<16xi32> to vector<32xi16>
        %get3A_1408 = arith.index_cast %add3A_1333 : i32 to index
        %get3A_1409 = arith.constant 240 : index
        %get3A_1410 = tpu.vector_load %arg4[%get3A_1408, %get3A_1409] {strides = array<i32>} : memref<8x1024xi32, #tpu.memory_space<vmem>>, vector<16xi32>,
        %bitcast3A_1411 = vector.bitcast %get3A_1410 : vector<16xi32> to vector<32xi16>
        %min3A_1412 = arith.minsi %bitcast3A_1383, %bitcast3A_1387 : vector<32xi16>
        %min3A_1413 = arith.minsi %bitcast3A_1391, %bitcast3A_1395 : vector<32xi16>
        %min3A_1414 = arith.minsi %bitcast3A_1399, %bitcast3A_1403 : vector<32xi16>
        %min3A_1415 = arith.minsi %bitcast3A_1407, %bitcast3A_1411 : vector<32xi16>
        %min3A_1416 = arith.minsi %min3A_1412, %min3A_1413 : vector<32xi16>
        %min3A_1417 = arith.minsi %min3A_1414, %min3A_1415 : vector<32xi16>
        %min3A_1418 = arith.minsi %min3A_1416, %min3A_1417 : vector<32xi16>
        %get3A_1419 = arith.index_cast %add3A_1333 : i32 to index
        %get3A_1420 = arith.constant 256 : index
        %get3A_1421 = tpu.vector_load %arg4[%get3A_1419, %get3A_1420] {strides = array<i32>} : memref<8x1024xi32, #tpu.memory_space<vmem>>, vector<16xi32>,
        %bitcast3A_1422 = vector.bitcast %get3A_1421 : vector<16xi32> to vector<32xi16>
        %get3A_1423 = arith.index_cast %add3A_1333 : i32 to index
        %get3A_1424 = arith.constant 272 : index
        %get3A_1425 = tpu.vector_load %arg4[%get3A_1423, %get3A_1424] {strides = array<i32>} : memref<8x1024xi32, #tpu.memory_space<vmem>>, vector<16xi32>,
        %bitcast3A_1426 = vector.bitcast %get3A_1425 : vector<16xi32> to vector<32xi16>
        %get3A_1427 = arith.index_cast %add3A_1333 : i32 to index
        %get3A_1428 = arith.constant 288 : index
        %get3A_1429 = tpu.vector_load %arg4[%get3A_1427, %get3A_1428] {strides = array<i32>} : memref<8x1024xi32, #tpu.memory_space<vmem>>, vector<16xi32>,
        %bitcast3A_1430 = vector.bitcast %get3A_1429 : vector<16xi32> to vector<32xi16>
        %get3A_1431 = arith.index_cast %add3A_1333 : i32 to index
        %get3A_1432 = arith.constant 304 : index
        %get3A_1433 = tpu.vector_load %arg4[%get3A_1431, %get3A_1432] {strides = array<i32>} : memref<8x1024xi32, #tpu.memory_space<vmem>>, vector<16xi32>,
        %bitcast3A_1434 = vector.bitcast %get3A_1433 : vector<16xi32> to vector<32xi16>
        %get3A_1435 = arith.index_cast %add3A_1333 : i32 to index
        %get3A_1436 = arith.constant 320 : index
        %get3A_1437 = tpu.vector_load %arg4[%get3A_1435, %get3A_1436] {strides = array<i32>} : memref<8x1024xi32, #tpu.memory_space<vmem>>, vector<16xi32>,
        %bitcast3A_1438 = vector.bitcast %get3A_1437 : vector<16xi32> to vector<32xi16>
        %get3A_1439 = arith.index_cast %add3A_1333 : i32 to index
        %get3A_1440 = arith.constant 336 : index
        %get3A_1441 = tpu.vector_load %arg4[%get3A_1439, %get3A_1440] {strides = array<i32>} : memref<8x1024xi32, #tpu.memory_space<vmem>>, vector<16xi32>,
        %bitcast3A_1442 = vector.bitcast %get3A_1441 : vector<16xi32> to vector<32xi16>
        %get3A_1443 = arith.index_cast %add3A_1333 : i32 to index
        %get3A_1444 = arith.constant 352 : index
        %get3A_1445 = tpu.vector_load %arg4[%get3A_1443, %get3A_1444] {strides = array<i32>} : memref<8x1024xi32, #tpu.memory_space<vmem>>, vector<16xi32>,
        %bitcast3A_1446 = vector.bitcast %get3A_1445 : vector<16xi32> to vector<32xi16>
        %get3A_1447 = arith.index_cast %add3A_1333 : i32 to index
        %get3A_1448 = arith.constant 368 : index
        %get3A_1449 = tpu.vector_load %arg4[%get3A_1447, %get3A_1448] {strides = array<i32>} : memref<8x1024xi32, #tpu.memory_space<vmem>>, vector<16xi32>,
        %bitcast3A_1450 = vector.bitcast %get3A_1449 : vector<16xi32> to vector<32xi16>
        %min3A_1451 = arith.minsi %bitcast3A_1422, %bitcast3A_1426 : vector<32xi16>
        %min3A_1452 = arith.minsi %bitcast3A_1430, %bitcast3A_1434 : vector<32xi16>
        %min3A_1453 = arith.minsi %bitcast3A_1438, %bitcast3A_1442 : vector<32xi16>
        %min3A_1454 = arith.minsi %bitcast3A_1446, %bitcast3A_1450 : vector<32xi16>
        %min3A_1455 = arith.minsi %min3A_1451, %min3A_1452 : vector<32xi16>
        %min3A_1456 = arith.minsi %min3A_1453, %min3A_1454 : vector<32xi16>
        %min3A_1457 = arith.minsi %min3A_1455, %min3A_1456 : vector<32xi16>
        %get3A_1458 = arith.index_cast %add3A_1333 : i32 to index
        %get3A_1459 = arith.constant 384 : index
        %get3A_1460 = tpu.vector_load %arg4[%get3A_1458, %get3A_1459] {strides = array<i32>} : memref<8x1024xi32, #tpu.memory_space<vmem>>, vector<16xi32>,
        %bitcast3A_1461 = vector.bitcast %get3A_1460 : vector<16xi32> to vector<32xi16>
        %get3A_1462 = arith.index_cast %add3A_1333 : i32 to index
        %get3A_1463 = arith.constant 400 : index
        %get3A_1464 = tpu.vector_load %arg4[%get3A_1462, %get3A_1463] {strides = array<i32>} : memref<8x1024xi32, #tpu.memory_space<vmem>>, vector<16xi32>,
        %bitcast3A_1465 = vector.bitcast %get3A_1464 : vector<16xi32> to vector<32xi16>
        %get3A_1466 = arith.index_cast %add3A_1333 : i32 to index
        %get3A_1467 = arith.constant 416 : index
        %get3A_1468 = tpu.vector_load %arg4[%get3A_1466, %get3A_1467] {strides = array<i32>} : memref<8x1024xi32, #tpu.memory_space<vmem>>, vector<16xi32>,
        %bitcast3A_1469 = vector.bitcast %get3A_1468 : vector<16xi32> to vector<32xi16>
        %get3A_1470 = arith.index_cast %add3A_1333 : i32 to index
        %get3A_1471 = arith.constant 432 : index
        %get3A_1472 = tpu.vector_load %arg4[%get3A_1470, %get3A_1471] {strides = array<i32>} : memref<8x1024xi32, #tpu.memory_space<vmem>>, vector<16xi32>,
        %bitcast3A_1473 = vector.bitcast %get3A_1472 : vector<16xi32> to vector<32xi16>
        %get3A_1474 = arith.index_cast %add3A_1333 : i32 to index
        %get3A_1475 = arith.constant 448 : index
        %get3A_1476 = tpu.vector_load %arg4[%get3A_1474, %get3A_1475] {strides = array<i32>} : memref<8x1024xi32, #tpu.memory_space<vmem>>, vector<16xi32>,
        %bitcast3A_1477 = vector.bitcast %get3A_1476 : vector<16xi32> to vector<32xi16>
        %get3A_1478 = arith.index_cast %add3A_1333 : i32 to index
        %get3A_1479 = arith.constant 464 : index
        %get3A_1480 = tpu.vector_load %arg4[%get3A_1478, %get3A_1479] {strides = array<i32>} : memref<8x1024xi32, #tpu.memory_space<vmem>>, vector<16xi32>,
        %bitcast3A_1481 = vector.bitcast %get3A_1480 : vector<16xi32> to vector<32xi16>
        %get3A_1482 = arith.index_cast %add3A_1333 : i32 to index
        %get3A_1483 = arith.constant 480 : index
        %get3A_1484 = tpu.vector_load %arg4[%get3A_1482, %get3A_1483] {strides = array<i32>} : memref<8x1024xi32, #tpu.memory_space<vmem>>, vector<16xi32>,
        %bitcast3A_1485 = vector.bitcast %get3A_1484 : vector<16xi32> to vector<32xi16>
        %get3A_1486 = arith.index_cast %add3A_1333 : i32 to index
        %get3A_1487 = arith.constant 496 : index
        %get3A_1488 = tpu.vector_load %arg4[%get3A_1486, %get3A_1487] {strides = array<i32>} : memref<8x1024xi32, #tpu.memory_space<vmem>>, vector<16xi32>,
        %bitcast3A_1489 = vector.bitcast %get3A_1488 : vector<16xi32> to vector<32xi16>
        %min3A_1490 = arith.minsi %bitcast3A_1461, %bitcast3A_1465 : vector<32xi16>
        %min3A_1491 = arith.minsi %bitcast3A_1469, %bitcast3A_1473 : vector<32xi16>
        %min3A_1492 = arith.minsi %bitcast3A_1477, %bitcast3A_1481 : vector<32xi16>
        %min3A_1493 = arith.minsi %bitcast3A_1485, %bitcast3A_1489 : vector<32xi16>
        %min3A_1494 = arith.minsi %min3A_1490, %min3A_1491 : vector<32xi16>
        %min3A_1495 = arith.minsi %min3A_1492, %min3A_1493 : vector<32xi16>
        %min3A_1496 = arith.minsi %min3A_1494, %min3A_1495 : vector<32xi16>
        %get3A_1497 = arith.index_cast %add3A_1333 : i32 to index
        %get3A_1498 = arith.constant 512 : index
        %get3A_1499 = tpu.vector_load %arg4[%get3A_1497, %get3A_1498] {strides = array<i32>} : memref<8x1024xi32, #tpu.memory_space<vmem>>, vector<16xi32>,
        %bitcast3A_1500 = vector.bitcast %get3A_1499 : vector<16xi32> to vector<32xi16>
        %get3A_1501 = arith.index_cast %add3A_1333 : i32 to index
        %get3A_1502 = arith.constant 528 : index
        %get3A_1503 = tpu.vector_load %arg4[%get3A_1501, %get3A_1502] {strides = array<i32>} : memref<8x1024xi32, #tpu.memory_space<vmem>>, vector<16xi32>,
        %bitcast3A_1504 = vector.bitcast %get3A_1503 : vector<16xi32> to vector<32xi16>
        %get3A_1505 = arith.index_cast %add3A_1333 : i32 to index
        %get3A_1506 = arith.constant 544 : index
        %get3A_1507 = tpu.vector_load %arg4[%get3A_1505, %get3A_1506] {strides = array<i32>} : memref<8x1024xi32, #tpu.memory_space<vmem>>, vector<16xi32>,
        %bitcast3A_1508 = vector.bitcast %get3A_1507 : vector<16xi32> to vector<32xi16>
        %get3A_1509 = arith.index_cast %add3A_1333 : i32 to index
        %get3A_1510 = arith.constant 560 : index
        %get3A_1511 = tpu.vector_load %arg4[%get3A_1509, %get3A_1510] {strides = array<i32>} : memref<8x1024xi32, #tpu.memory_space<vmem>>, vector<16xi32>,
        %bitcast3A_1512 = vector.bitcast %get3A_1511 : vector<16xi32> to vector<32xi16>
        %get3A_1513 = arith.index_cast %add3A_1333 : i32 to index
        %get3A_1514 = arith.constant 576 : index
        %get3A_1515 = tpu.vector_load %arg4[%get3A_1513, %get3A_1514] {strides = array<i32>} : memref<8x1024xi32, #tpu.memory_space<vmem>>, vector<16xi32>,
        %bitcast3A_1516 = vector.bitcast %get3A_1515 : vector<16xi32> to vector<32xi16>
        %get3A_1517 = arith.index_cast %add3A_1333 : i32 to index
        %get3A_1518 = arith.constant 592 : index
        %get3A_1519 = tpu.vector_load %arg4[%get3A_1517, %get3A_1518] {strides = array<i32>} : memref<8x1024xi32, #tpu.memory_space<vmem>>, vector<16xi32>,
        %bitcast3A_1520 = vector.bitcast %get3A_1519 : vector<16xi32> to vector<32xi16>
        %get3A_1521 = arith.index_cast %add3A_1333 : i32 to index
        %get3A_1522 = arith.constant 608 : index
        %get3A_1523 = tpu.vector_load %arg4[%get3A_1521, %get3A_1522] {strides = array<i32>} : memref<8x1024xi32, #tpu.memory_space<vmem>>, vector<16xi32>,
        %bitcast3A_1524 = vector.bitcast %get3A_1523 : vector<16xi32> to vector<32xi16>
        %get3A_1525 = arith.index_cast %add3A_1333 : i32 to index
        %get3A_1526 = arith.constant 624 : index
        %get3A_1527 = tpu.vector_load %arg4[%get3A_1525, %get3A_1526] {strides = array<i32>} : memref<8x1024xi32, #tpu.memory_space<vmem>>, vector<16xi32>,
        %bitcast3A_1528 = vector.bitcast %get3A_1527 : vector<16xi32> to vector<32xi16>
        %min3A_1529 = arith.minsi %bitcast3A_1500, %bitcast3A_1504 : vector<32xi16>
        %min3A_1530 = arith.minsi %bitcast3A_1508, %bitcast3A_1512 : vector<32xi16>
        %min3A_1531 = arith.minsi %bitcast3A_1516, %bitcast3A_1520 : vector<32xi16>
        %min3A_1532 = arith.minsi %bitcast3A_1524, %bitcast3A_1528 : vector<32xi16>
        %min3A_1533 = arith.minsi %min3A_1529, %min3A_1530 : vector<32xi16>
        %min3A_1534 = arith.minsi %min3A_1531, %min3A_1532 : vector<32xi16>
        %min3A_1535 = arith.minsi %min3A_1533, %min3A_1534 : vector<32xi16>
        %get3A_1536 = arith.index_cast %add3A_1333 : i32 to index
        %get3A_1537 = arith.constant 640 : index
        %get3A_1538 = tpu.vector_load %arg4[%get3A_1536, %get3A_1537] {strides = array<i32>} : memref<8x1024xi32, #tpu.memory_space<vmem>>, vector<16xi32>,
        %bitcast3A_1539 = vector.bitcast %get3A_1538 : vector<16xi32> to vector<32xi16>
        %get3A_1540 = arith.index_cast %add3A_1333 : i32 to index
        %get3A_1541 = arith.constant 656 : index
        %get3A_1542 = tpu.vector_load %arg4[%get3A_1540, %get3A_1541] {strides = array<i32>} : memref<8x1024xi32, #tpu.memory_space<vmem>>, vector<16xi32>,
        %bitcast3A_1543 = vector.bitcast %get3A_1542 : vector<16xi32> to vector<32xi16>
        %get3A_1544 = arith.index_cast %add3A_1333 : i32 to index
        %get3A_1545 = arith.constant 672 : index
        %get3A_1546 = tpu.vector_load %arg4[%get3A_1544, %get3A_1545] {strides = array<i32>} : memref<8x1024xi32, #tpu.memory_space<vmem>>, vector<16xi32>,
        %bitcast3A_1547 = vector.bitcast %get3A_1546 : vector<16xi32> to vector<32xi16>
        %get3A_1548 = arith.index_cast %add3A_1333 : i32 to index
        %get3A_1549 = arith.constant 688 : index
        %get3A_1550 = tpu.vector_load %arg4[%get3A_1548, %get3A_1549] {strides = array<i32>} : memref<8x1024xi32, #tpu.memory_space<vmem>>, vector<16xi32>,
        %bitcast3A_1551 = vector.bitcast %get3A_1550 : vector<16xi32> to vector<32xi16>
        %get3A_1552 = arith.index_cast %add3A_1333 : i32 to index
        %get3A_1553 = arith.constant 704 : index
        %get3A_1554 = tpu.vector_load %arg4[%get3A_1552, %get3A_1553] {strides = array<i32>} : memref<8x1024xi32, #tpu.memory_space<vmem>>, vector<16xi32>,
        %bitcast3A_1555 = vector.bitcast %get3A_1554 : vector<16xi32> to vector<32xi16>
        %get3A_1556 = arith.index_cast %add3A_1333 : i32 to index
        %get3A_1557 = arith.constant 720 : index
        %get3A_1558 = tpu.vector_load %arg4[%get3A_1556, %get3A_1557] {strides = array<i32>} : memref<8x1024xi32, #tpu.memory_space<vmem>>, vector<16xi32>,
        %bitcast3A_1559 = vector.bitcast %get3A_1558 : vector<16xi32> to vector<32xi16>
        %get3A_1560 = arith.index_cast %add3A_1333 : i32 to index
        %get3A_1561 = arith.constant 736 : index
        %get3A_1562 = tpu.vector_load %arg4[%get3A_1560, %get3A_1561] {strides = array<i32>} : memref<8x1024xi32, #tpu.memory_space<vmem>>, vector<16xi32>,
        %bitcast3A_1563 = vector.bitcast %get3A_1562 : vector<16xi32> to vector<32xi16>
        %get3A_1564 = arith.index_cast %add3A_1333 : i32 to index
        %get3A_1565 = arith.constant 752 : index
        %get3A_1566 = tpu.vector_load %arg4[%get3A_1564, %get3A_1565] {strides = array<i32>} : memref<8x1024xi32, #tpu.memory_space<vmem>>, vector<16xi32>,
        %bitcast3A_1567 = vector.bitcast %get3A_1566 : vector<16xi32> to vector<32xi16>
        %min3A_1568 = arith.minsi %bitcast3A_1539, %bitcast3A_1543 : vector<32xi16>
        %min3A_1569 = arith.minsi %bitcast3A_1547, %bitcast3A_1551 : vector<32xi16>
        %min3A_1570 = arith.minsi %bitcast3A_1555, %bitcast3A_1559 : vector<32xi16>
        %min3A_1571 = arith.minsi %bitcast3A_1563, %bitcast3A_1567 : vector<32xi16>
        %min3A_1572 = arith.minsi %min3A_1568, %min3A_1569 : vector<32xi16>
        %min3A_1573 = arith.minsi %min3A_1570, %min3A_1571 : vector<32xi16>
        %min3A_1574 = arith.minsi %min3A_1572, %min3A_1573 : vector<32xi16>
        %get3A_1575 = arith.index_cast %add3A_1333 : i32 to index
        %get3A_1576 = arith.constant 768 : index
        %get3A_1577 = tpu.vector_load %arg4[%get3A_1575, %get3A_1576] {strides = array<i32>} : memref<8x1024xi32, #tpu.memory_space<vmem>>, vector<16xi32>,
        %bitcast3A_1578 = vector.bitcast %get3A_1577 : vector<16xi32> to vector<32xi16>
        %get3A_1579 = arith.index_cast %add3A_1333 : i32 to index
        %get3A_1580 = arith.constant 784 : index
        %get3A_1581 = tpu.vector_load %arg4[%get3A_1579, %get3A_1580] {strides = array<i32>} : memref<8x1024xi32, #tpu.memory_space<vmem>>, vector<16xi32>,
        %bitcast3A_1582 = vector.bitcast %get3A_1581 : vector<16xi32> to vector<32xi16>
        %get3A_1583 = arith.index_cast %add3A_1333 : i32 to index
        %get3A_1584 = arith.constant 800 : index
        %get3A_1585 = tpu.vector_load %arg4[%get3A_1583, %get3A_1584] {strides = array<i32>} : memref<8x1024xi32, #tpu.memory_space<vmem>>, vector<16xi32>,
        %bitcast3A_1586 = vector.bitcast %get3A_1585 : vector<16xi32> to vector<32xi16>
        %get3A_1587 = arith.index_cast %add3A_1333 : i32 to index
        %get3A_1588 = arith.constant 816 : index
        %get3A_1589 = tpu.vector_load %arg4[%get3A_1587, %get3A_1588] {strides = array<i32>} : memref<8x1024xi32, #tpu.memory_space<vmem>>, vector<16xi32>,
        %bitcast3A_1590 = vector.bitcast %get3A_1589 : vector<16xi32> to vector<32xi16>
        %get3A_1591 = arith.index_cast %add3A_1333 : i32 to index
        %get3A_1592 = arith.constant 832 : index
        %get3A_1593 = tpu.vector_load %arg4[%get3A_1591, %get3A_1592] {strides = array<i32>} : memref<8x1024xi32, #tpu.memory_space<vmem>>, vector<16xi32>,
        %bitcast3A_1594 = vector.bitcast %get3A_1593 : vector<16xi32> to vector<32xi16>
        %get3A_1595 = arith.index_cast %add3A_1333 : i32 to index
        %get3A_1596 = arith.constant 848 : index
        %get3A_1597 = tpu.vector_load %arg4[%get3A_1595, %get3A_1596] {strides = array<i32>} : memref<8x1024xi32, #tpu.memory_space<vmem>>, vector<16xi32>,
        %bitcast3A_1598 = vector.bitcast %get3A_1597 : vector<16xi32> to vector<32xi16>
        %get3A_1599 = arith.index_cast %add3A_1333 : i32 to index
        %get3A_1600 = arith.constant 864 : index
        %get3A_1601 = tpu.vector_load %arg4[%get3A_1599, %get3A_1600] {strides = array<i32>} : memref<8x1024xi32, #tpu.memory_space<vmem>>, vector<16xi32>,
        %bitcast3A_1602 = vector.bitcast %get3A_1601 : vector<16xi32> to vector<32xi16>
        %get3A_1603 = arith.index_cast %add3A_1333 : i32 to index
        %get3A_1604 = arith.constant 880 : index
        %get3A_1605 = tpu.vector_load %arg4[%get3A_1603, %get3A_1604] {strides = array<i32>} : memref<8x1024xi32, #tpu.memory_space<vmem>>, vector<16xi32>,
        %bitcast3A_1606 = vector.bitcast %get3A_1605 : vector<16xi32> to vector<32xi16>
        %min3A_1607 = arith.minsi %bitcast3A_1578, %bitcast3A_1582 : vector<32xi16>
        %min3A_1608 = arith.minsi %bitcast3A_1586, %bitcast3A_1590 : vector<32xi16>
        %min3A_1609 = arith.minsi %bitcast3A_1594, %bitcast3A_1598 : vector<32xi16>
        %min3A_1610 = arith.minsi %bitcast3A_1602, %bitcast3A_1606 : vector<32xi16>
        %min3A_1611 = arith.minsi %min3A_1607, %min3A_1608 : vector<32xi16>
        %min3A_1612 = arith.minsi %min3A_1609, %min3A_1610 : vector<32xi16>
        %min3A_1613 = arith.minsi %min3A_1611, %min3A_1612 : vector<32xi16>
        %get3A_1614 = arith.index_cast %add3A_1333 : i32 to index
        %get3A_1615 = arith.constant 896 : index
        %get3A_1616 = tpu.vector_load %arg4[%get3A_1614, %get3A_1615] {strides = array<i32>} : memref<8x1024xi32, #tpu.memory_space<vmem>>, vector<16xi32>,
        %bitcast3A_1617 = vector.bitcast %get3A_1616 : vector<16xi32> to vector<32xi16>
        %get3A_1618 = arith.index_cast %add3A_1333 : i32 to index
        %get3A_1619 = arith.constant 912 : index
        %get3A_1620 = tpu.vector_load %arg4[%get3A_1618, %get3A_1619] {strides = array<i32>} : memref<8x1024xi32, #tpu.memory_space<vmem>>, vector<16xi32>,
        %bitcast3A_1621 = vector.bitcast %get3A_1620 : vector<16xi32> to vector<32xi16>
        %get3A_1622 = arith.index_cast %add3A_1333 : i32 to index
        %get3A_1623 = arith.constant 928 : index
        %get3A_1624 = tpu.vector_load %arg4[%get3A_1622, %get3A_1623] {strides = array<i32>} : memref<8x1024xi32, #tpu.memory_space<vmem>>, vector<16xi32>,
        %bitcast3A_1625 = vector.bitcast %get3A_1624 : vector<16xi32> to vector<32xi16>
        %get3A_1626 = arith.index_cast %add3A_1333 : i32 to index
        %get3A_1627 = arith.constant 944 : index
        %get3A_1628 = tpu.vector_load %arg4[%get3A_1626, %get3A_1627] {strides = array<i32>} : memref<8x1024xi32, #tpu.memory_space<vmem>>, vector<16xi32>,
        %bitcast3A_1629 = vector.bitcast %get3A_1628 : vector<16xi32> to vector<32xi16>
        %get3A_1630 = arith.index_cast %add3A_1333 : i32 to index
        %get3A_1631 = arith.constant 960 : index
        %get3A_1632 = tpu.vector_load %arg4[%get3A_1630, %get3A_1631] {strides = array<i32>} : memref<8x1024xi32, #tpu.memory_space<vmem>>, vector<16xi32>,
        %bitcast3A_1633 = vector.bitcast %get3A_1632 : vector<16xi32> to vector<32xi16>
        %get3A_1634 = arith.index_cast %add3A_1333 : i32 to index
        %get3A_1635 = arith.constant 976 : index
        %get3A_1636 = tpu.vector_load %arg4[%get3A_1634, %get3A_1635] {strides = array<i32>} : memref<8x1024xi32, #tpu.memory_space<vmem>>, vector<16xi32>,
        %bitcast3A_1637 = vector.bitcast %get3A_1636 : vector<16xi32> to vector<32xi16>
        %get3A_1638 = arith.index_cast %add3A_1333 : i32 to index
        %get3A_1639 = arith.constant 992 : index
        %get3A_1640 = tpu.vector_load %arg4[%get3A_1638, %get3A_1639] {strides = array<i32>} : memref<8x1024xi32, #tpu.memory_space<vmem>>, vector<16xi32>,
        %bitcast3A_1641 = vector.bitcast %get3A_1640 : vector<16xi32> to vector<32xi16>
        %get3A_1642 = arith.index_cast %add3A_1333 : i32 to index
        %get3A_1643 = arith.constant 1008 : index
        %get3A_1644 = tpu.vector_load %arg4[%get3A_1642, %get3A_1643] {strides = array<i32>} : memref<8x1024xi32, #tpu.memory_space<vmem>>, vector<16xi32>,
        %bitcast3A_1645 = vector.bitcast %get3A_1644 : vector<16xi32> to vector<32xi16>
        %min3A_1646 = arith.minsi %bitcast3A_1617, %bitcast3A_1621 : vector<32xi16>
        %min3A_1647 = arith.minsi %bitcast3A_1625, %bitcast3A_1629 : vector<32xi16>
        %min3A_1648 = arith.minsi %bitcast3A_1633, %bitcast3A_1637 : vector<32xi16>
        %min3A_1649 = arith.minsi %bitcast3A_1641, %bitcast3A_1645 : vector<32xi16>
        %min3A_1650 = arith.minsi %min3A_1646, %min3A_1647 : vector<32xi16>
        %min3A_1651 = arith.minsi %min3A_1648, %min3A_1649 : vector<32xi16>
        %min3A_1652 = arith.minsi %min3A_1650, %min3A_1651 : vector<32xi16>
        %bitcast3A_1653 = vector.bitcast %min3A_1379 : vector<32xi16> to vector<16xi32>
        %and3A_1654 = vector.broadcast %scan3A_13 : i32 to vector<16xi32>
        %and3A_1655 = arith.andi %bitcast3A_1653, %and3A_1654 : vector<16xi32>
        %shift_right_logical3A_1656 = arith.constant 16 : i32
        %shift_right_logical3A_1657 = vector.broadcast %shift_right_logical3A_1656 : i32 to vector<16xi32>
        %shift_right_logical3A_1658 = arith.shrui %bitcast3A_1653, %shift_right_logical3A_1657 : vector<16xi32>
        %shift_left3A_1659 = arith.constant 8 : i32
        %shift_left3A_1660 = vector.broadcast %shift_left3A_1659 : i32 to vector<16xi32>
        %shift_left3A_1661 = arith.shli %and3A_1655, %shift_left3A_1660 : vector<16xi32>
        %add3A_1662 = arith.constant 0 : i32
        %add3A_1663 = vector.broadcast %add3A_1662 : i32 to vector<16xi32>
        %add3A_1664 = arith.addi %mul3A_5, %add3A_1663 : vector<16xi32>
        %or3A_1665 = arith.ori %shift_left3A_1661, %add3A_1664 : vector<16xi32>
        %shift_left3A_1666 = arith.constant 8 : i32
        %shift_left3A_1667 = vector.broadcast %shift_left3A_1666 : i32 to vector<16xi32>
        %shift_left3A_1668 = arith.shli %shift_right_logical3A_1658, %shift_left3A_1667 : vector<16xi32>
        %add3A_1669 = arith.constant 0 : i32
        %add3A_1670 = vector.broadcast %add3A_1669 : i32 to vector<16xi32>
        %add3A_1671 = arith.addi %mul3A_5, %add3A_1670 : vector<16xi32>
        %add3A_1672 = arith.constant 1 : i32
        %add3A_1673 = vector.broadcast %add3A_1672 : i32 to vector<16xi32>
        %add3A_1674 = arith.addi %add3A_1671, %add3A_1673 : vector<16xi32>
        %or3A_1675 = arith.ori %shift_left3A_1668, %add3A_1674 : vector<16xi32>
        %bitcast3A_1676 = vector.bitcast %min3A_1418 : vector<32xi16> to vector<16xi32>
        %and3A_1677 = vector.broadcast %scan3A_13 : i32 to vector<16xi32>
        %and3A_1678 = arith.andi %bitcast3A_1676, %and3A_1677 : vector<16xi32>
        %shift_right_logical3A_1679 = arith.constant 16 : i32
        %shift_right_logical3A_1680 = vector.broadcast %shift_right_logical3A_1679 : i32 to vector<16xi32>
        %shift_right_logical3A_1681 = arith.shrui %bitcast3A_1676, %shift_right_logical3A_1680 : vector<16xi32>
        %shift_left3A_1682 = arith.constant 8 : i32
        %shift_left3A_1683 = vector.broadcast %shift_left3A_1682 : i32 to vector<16xi32>
        %shift_left3A_1684 = arith.shli %and3A_1678, %shift_left3A_1683 : vector<16xi32>
        %add3A_1685 = arith.constant 32 : i32
        %add3A_1686 = vector.broadcast %add3A_1685 : i32 to vector<16xi32>
        %add3A_1687 = arith.addi %mul3A_5, %add3A_1686 : vector<16xi32>
        %or3A_1688 = arith.ori %shift_left3A_1684, %add3A_1687 : vector<16xi32>
        %shift_left3A_1689 = arith.constant 8 : i32
        %shift_left3A_1690 = vector.broadcast %shift_left3A_1689 : i32 to vector<16xi32>
        %shift_left3A_1691 = arith.shli %shift_right_logical3A_1681, %shift_left3A_1690 : vector<16xi32>
        %add3A_1692 = arith.constant 32 : i32
        %add3A_1693 = vector.broadcast %add3A_1692 : i32 to vector<16xi32>
        %add3A_1694 = arith.addi %mul3A_5, %add3A_1693 : vector<16xi32>
        %add3A_1695 = arith.constant 1 : i32
        %add3A_1696 = vector.broadcast %add3A_1695 : i32 to vector<16xi32>
        %add3A_1697 = arith.addi %add3A_1694, %add3A_1696 : vector<16xi32>
        %or3A_1698 = arith.ori %shift_left3A_1691, %add3A_1697 : vector<16xi32>
        %bitcast3A_1699 = vector.bitcast %min3A_1457 : vector<32xi16> to vector<16xi32>
        %and3A_1700 = vector.broadcast %scan3A_13 : i32 to vector<16xi32>
        %and3A_1701 = arith.andi %bitcast3A_1699, %and3A_1700 : vector<16xi32>
        %shift_right_logical3A_1702 = arith.constant 16 : i32
        %shift_right_logical3A_1703 = vector.broadcast %shift_right_logical3A_1702 : i32 to vector<16xi32>
        %shift_right_logical3A_1704 = arith.shrui %bitcast3A_1699, %shift_right_logical3A_1703 : vector<16xi32>
        %shift_left3A_1705 = arith.constant 8 : i32
        %shift_left3A_1706 = vector.broadcast %shift_left3A_1705 : i32 to vector<16xi32>
        %shift_left3A_1707 = arith.shli %and3A_1701, %shift_left3A_1706 : vector<16xi32>
        %add3A_1708 = arith.constant 64 : i32
        %add3A_1709 = vector.broadcast %add3A_1708 : i32 to vector<16xi32>
        %add3A_1710 = arith.addi %mul3A_5, %add3A_1709 : vector<16xi32>
        %or3A_1711 = arith.ori %shift_left3A_1707, %add3A_1710 : vector<16xi32>
        %shift_left3A_1712 = arith.constant 8 : i32
        %shift_left3A_1713 = vector.broadcast %shift_left3A_1712 : i32 to vector<16xi32>
        %shift_left3A_1714 = arith.shli %shift_right_logical3A_1704, %shift_left3A_1713 : vector<16xi32>
        %add3A_1715 = arith.constant 64 : i32
        %add3A_1716 = vector.broadcast %add3A_1715 : i32 to vector<16xi32>
        %add3A_1717 = arith.addi %mul3A_5, %add3A_1716 : vector<16xi32>
        %add3A_1718 = arith.constant 1 : i32
        %add3A_1719 = vector.broadcast %add3A_1718 : i32 to vector<16xi32>
        %add3A_1720 = arith.addi %add3A_1717, %add3A_1719 : vector<16xi32>
        %or3A_1721 = arith.ori %shift_left3A_1714, %add3A_1720 : vector<16xi32>
        %bitcast3A_1722 = vector.bitcast %min3A_1496 : vector<32xi16> to vector<16xi32>
        %and3A_1723 = vector.broadcast %scan3A_13 : i32 to vector<16xi32>
        %and3A_1724 = arith.andi %bitcast3A_1722, %and3A_1723 : vector<16xi32>
        %shift_right_logical3A_1725 = arith.constant 16 : i32
        %shift_right_logical3A_1726 = vector.broadcast %shift_right_logical3A_1725 : i32 to vector<16xi32>
        %shift_right_logical3A_1727 = arith.shrui %bitcast3A_1722, %shift_right_logical3A_1726 : vector<16xi32>
        %shift_left3A_1728 = arith.constant 8 : i32
        %shift_left3A_1729 = vector.broadcast %shift_left3A_1728 : i32 to vector<16xi32>
        %shift_left3A_1730 = arith.shli %and3A_1724, %shift_left3A_1729 : vector<16xi32>
        %add3A_1731 = arith.constant 96 : i32
        %add3A_1732 = vector.broadcast %add3A_1731 : i32 to vector<16xi32>
        %add3A_1733 = arith.addi %mul3A_5, %add3A_1732 : vector<16xi32>
        %or3A_1734 = arith.ori %shift_left3A_1730, %add3A_1733 : vector<16xi32>
        %shift_left3A_1735 = arith.constant 8 : i32
        %shift_left3A_1736 = vector.broadcast %shift_left3A_1735 : i32 to vector<16xi32>
        %shift_left3A_1737 = arith.shli %shift_right_logical3A_1727, %shift_left3A_1736 : vector<16xi32>
        %add3A_1738 = arith.constant 96 : i32
        %add3A_1739 = vector.broadcast %add3A_1738 : i32 to vector<16xi32>
        %add3A_1740 = arith.addi %mul3A_5, %add3A_1739 : vector<16xi32>
        %add3A_1741 = arith.constant 1 : i32
        %add3A_1742 = vector.broadcast %add3A_1741 : i32 to vector<16xi32>
        %add3A_1743 = arith.addi %add3A_1740, %add3A_1742 : vector<16xi32>
        %or3A_1744 = arith.ori %shift_left3A_1737, %add3A_1743 : vector<16xi32>
        %bitcast3A_1745 = vector.bitcast %min3A_1535 : vector<32xi16> to vector<16xi32>
        %and3A_1746 = vector.broadcast %scan3A_13 : i32 to vector<16xi32>
        %and3A_1747 = arith.andi %bitcast3A_1745, %and3A_1746 : vector<16xi32>
        %shift_right_logical3A_1748 = arith.constant 16 : i32
        %shift_right_logical3A_1749 = vector.broadcast %shift_right_logical3A_1748 : i32 to vector<16xi32>
        %shift_right_logical3A_1750 = arith.shrui %bitcast3A_1745, %shift_right_logical3A_1749 : vector<16xi32>
        %shift_left3A_1751 = arith.constant 8 : i32
        %shift_left3A_1752 = vector.broadcast %shift_left3A_1751 : i32 to vector<16xi32>
        %shift_left3A_1753 = arith.shli %and3A_1747, %shift_left3A_1752 : vector<16xi32>
        %add3A_1754 = arith.constant 128 : i32
        %add3A_1755 = vector.broadcast %add3A_1754 : i32 to vector<16xi32>
        %add3A_1756 = arith.addi %mul3A_5, %add3A_1755 : vector<16xi32>
        %or3A_1757 = arith.ori %shift_left3A_1753, %add3A_1756 : vector<16xi32>
        %shift_left3A_1758 = arith.constant 8 : i32
        %shift_left3A_1759 = vector.broadcast %shift_left3A_1758 : i32 to vector<16xi32>
        %shift_left3A_1760 = arith.shli %shift_right_logical3A_1750, %shift_left3A_1759 : vector<16xi32>
        %add3A_1761 = arith.constant 128 : i32
        %add3A_1762 = vector.broadcast %add3A_1761 : i32 to vector<16xi32>
        %add3A_1763 = arith.addi %mul3A_5, %add3A_1762 : vector<16xi32>
        %add3A_1764 = arith.constant 1 : i32
        %add3A_1765 = vector.broadcast %add3A_1764 : i32 to vector<16xi32>
        %add3A_1766 = arith.addi %add3A_1763, %add3A_1765 : vector<16xi32>
        %or3A_1767 = arith.ori %shift_left3A_1760, %add3A_1766 : vector<16xi32>
        %bitcast3A_1768 = vector.bitcast %min3A_1574 : vector<32xi16> to vector<16xi32>
        %and3A_1769 = vector.broadcast %scan3A_13 : i32 to vector<16xi32>
        %and3A_1770 = arith.andi %bitcast3A_1768, %and3A_1769 : vector<16xi32>
        %shift_right_logical3A_1771 = arith.constant 16 : i32
        %shift_right_logical3A_1772 = vector.broadcast %shift_right_logical3A_1771 : i32 to vector<16xi32>
        %shift_right_logical3A_1773 = arith.shrui %bitcast3A_1768, %shift_right_logical3A_1772 : vector<16xi32>
        %shift_left3A_1774 = arith.constant 8 : i32
        %shift_left3A_1775 = vector.broadcast %shift_left3A_1774 : i32 to vector<16xi32>
        %shift_left3A_1776 = arith.shli %and3A_1770, %shift_left3A_1775 : vector<16xi32>
        %add3A_1777 = arith.constant 160 : i32
        %add3A_1778 = vector.broadcast %add3A_1777 : i32 to vector<16xi32>
        %add3A_1779 = arith.addi %mul3A_5, %add3A_1778 : vector<16xi32>
        %or3A_1780 = arith.ori %shift_left3A_1776, %add3A_1779 : vector<16xi32>
        %shift_left3A_1781 = arith.constant 8 : i32
        %shift_left3A_1782 = vector.broadcast %shift_left3A_1781 : i32 to vector<16xi32>
        %shift_left3A_1783 = arith.shli %shift_right_logical3A_1773, %shift_left3A_1782 : vector<16xi32>
        %add3A_1784 = arith.constant 160 : i32
        %add3A_1785 = vector.broadcast %add3A_1784 : i32 to vector<16xi32>
        %add3A_1786 = arith.addi %mul3A_5, %add3A_1785 : vector<16xi32>
        %add3A_1787 = arith.constant 1 : i32
        %add3A_1788 = vector.broadcast %add3A_1787 : i32 to vector<16xi32>
        %add3A_1789 = arith.addi %add3A_1786, %add3A_1788 : vector<16xi32>
        %or3A_1790 = arith.ori %shift_left3A_1783, %add3A_1789 : vector<16xi32>
        %bitcast3A_1791 = vector.bitcast %min3A_1613 : vector<32xi16> to vector<16xi32>
        %and3A_1792 = vector.broadcast %scan3A_13 : i32 to vector<16xi32>
        %and3A_1793 = arith.andi %bitcast3A_1791, %and3A_1792 : vector<16xi32>
        %shift_right_logical3A_1794 = arith.constant 16 : i32
        %shift_right_logical3A_1795 = vector.broadcast %shift_right_logical3A_1794 : i32 to vector<16xi32>
        %shift_right_logical3A_1796 = arith.shrui %bitcast3A_1791, %shift_right_logical3A_1795 : vector<16xi32>
        %shift_left3A_1797 = arith.constant 8 : i32
        %shift_left3A_1798 = vector.broadcast %shift_left3A_1797 : i32 to vector<16xi32>
        %shift_left3A_1799 = arith.shli %and3A_1793, %shift_left3A_1798 : vector<16xi32>
        %add3A_1800 = arith.constant 192 : i32
        %add3A_1801 = vector.broadcast %add3A_1800 : i32 to vector<16xi32>
        %add3A_1802 = arith.addi %mul3A_5, %add3A_1801 : vector<16xi32>
        %or3A_1803 = arith.ori %shift_left3A_1799, %add3A_1802 : vector<16xi32>
        %shift_left3A_1804 = arith.constant 8 : i32
        %shift_left3A_1805 = vector.broadcast %shift_left3A_1804 : i32 to vector<16xi32>
        %shift_left3A_1806 = arith.shli %shift_right_logical3A_1796, %shift_left3A_1805 : vector<16xi32>
        %add3A_1807 = arith.constant 192 : i32
        %add3A_1808 = vector.broadcast %add3A_1807 : i32 to vector<16xi32>
        %add3A_1809 = arith.addi %mul3A_5, %add3A_1808 : vector<16xi32>
        %add3A_1810 = arith.constant 1 : i32
        %add3A_1811 = vector.broadcast %add3A_1810 : i32 to vector<16xi32>
        %add3A_1812 = arith.addi %add3A_1809, %add3A_1811 : vector<16xi32>
        %or3A_1813 = arith.ori %shift_left3A_1806, %add3A_1812 : vector<16xi32>
        %bitcast3A_1814 = vector.bitcast %min3A_1652 : vector<32xi16> to vector<16xi32>
        %and3A_1815 = vector.broadcast %scan3A_13 : i32 to vector<16xi32>
        %and3A_1816 = arith.andi %bitcast3A_1814, %and3A_1815 : vector<16xi32>
        %shift_right_logical3A_1817 = arith.constant 16 : i32
        %shift_right_logical3A_1818 = vector.broadcast %shift_right_logical3A_1817 : i32 to vector<16xi32>
        %shift_right_logical3A_1819 = arith.shrui %bitcast3A_1814, %shift_right_logical3A_1818 : vector<16xi32>
        %shift_left3A_1820 = arith.constant 8 : i32
        %shift_left3A_1821 = vector.broadcast %shift_left3A_1820 : i32 to vector<16xi32>
        %shift_left3A_1822 = arith.shli %and3A_1816, %shift_left3A_1821 : vector<16xi32>
        %add3A_1823 = arith.constant 224 : i32
        %add3A_1824 = vector.broadcast %add3A_1823 : i32 to vector<16xi32>
        %add3A_1825 = arith.addi %mul3A_5, %add3A_1824 : vector<16xi32>
        %or3A_1826 = arith.ori %shift_left3A_1822, %add3A_1825 : vector<16xi32>
        %shift_left3A_1827 = arith.constant 8 : i32
        %shift_left3A_1828 = vector.broadcast %shift_left3A_1827 : i32 to vector<16xi32>
        %shift_left3A_1829 = arith.shli %shift_right_logical3A_1819, %shift_left3A_1828 : vector<16xi32>
        %add3A_1830 = arith.constant 224 : i32
        %add3A_1831 = vector.broadcast %add3A_1830 : i32 to vector<16xi32>
        %add3A_1832 = arith.addi %mul3A_5, %add3A_1831 : vector<16xi32>
        %add3A_1833 = arith.constant 1 : i32
        %add3A_1834 = vector.broadcast %add3A_1833 : i32 to vector<16xi32>
        %add3A_1835 = arith.addi %add3A_1832, %add3A_1834 : vector<16xi32>
        %or3A_1836 = arith.ori %shift_left3A_1829, %add3A_1835 : vector<16xi32>
        %sort3A_1837 = arith.constant dense<true> : vector<16xi1>
        %sort3A_1838, %sort3A_1839, %sort3A_1840 = tpu.sort %or3A_1665, %or3A_1665 masked %sort3A_1837 : (vector<16xi32>, vector<16xi32>, vector<16xi1>) -> (vector<16xi1>, vector<16xi32>, vector<16xi32>)
        %sort3A_1841 = arith.constant dense<true> : vector<16xi1>
        %sort3A_1842, %sort3A_1843, %sort3A_1844 = tpu.sort %or3A_1675, %or3A_1675 masked %sort3A_1841 : (vector<16xi32>, vector<16xi32>, vector<16xi1>) -> (vector<16xi1>, vector<16xi32>, vector<16xi32>)
        %sort3A_1845 = arith.constant dense<true> : vector<16xi1>
        %sort3A_1846, %sort3A_1847, %sort3A_1848 = tpu.sort %or3A_1688, %or3A_1688 masked %sort3A_1845 : (vector<16xi32>, vector<16xi32>, vector<16xi1>) -> (vector<16xi1>, vector<16xi32>, vector<16xi32>)
        %sort3A_1849 = arith.constant dense<true> : vector<16xi1>
        %sort3A_1850, %sort3A_1851, %sort3A_1852 = tpu.sort %or3A_1698, %or3A_1698 masked %sort3A_1849 : (vector<16xi32>, vector<16xi32>, vector<16xi1>) -> (vector<16xi1>, vector<16xi32>, vector<16xi32>)
        %sort3A_1853 = arith.constant dense<true> : vector<16xi1>
        %sort3A_1854, %sort3A_1855, %sort3A_1856 = tpu.sort %or3A_1711, %or3A_1711 masked %sort3A_1853 : (vector<16xi32>, vector<16xi32>, vector<16xi1>) -> (vector<16xi1>, vector<16xi32>, vector<16xi32>)
        %sort3A_1857 = arith.constant dense<true> : vector<16xi1>
        %sort3A_1858, %sort3A_1859, %sort3A_1860 = tpu.sort %or3A_1721, %or3A_1721 masked %sort3A_1857 : (vector<16xi32>, vector<16xi32>, vector<16xi1>) -> (vector<16xi1>, vector<16xi32>, vector<16xi32>)
        %sort3A_1861 = arith.constant dense<true> : vector<16xi1>
        %sort3A_1862, %sort3A_1863, %sort3A_1864 = tpu.sort %or3A_1734, %or3A_1734 masked %sort3A_1861 : (vector<16xi32>, vector<16xi32>, vector<16xi1>) -> (vector<16xi1>, vector<16xi32>, vector<16xi32>)
        %sort3A_1865 = arith.constant dense<true> : vector<16xi1>
        %sort3A_1866, %sort3A_1867, %sort3A_1868 = tpu.sort %or3A_1744, %or3A_1744 masked %sort3A_1865 : (vector<16xi32>, vector<16xi32>, vector<16xi1>) -> (vector<16xi1>, vector<16xi32>, vector<16xi32>)
        %sort3A_1869 = arith.constant dense<true> : vector<16xi1>
        %sort3A_1870, %sort3A_1871, %sort3A_1872 = tpu.sort %or3A_1757, %or3A_1757 masked %sort3A_1869 : (vector<16xi32>, vector<16xi32>, vector<16xi1>) -> (vector<16xi1>, vector<16xi32>, vector<16xi32>)
        %sort3A_1873 = arith.constant dense<true> : vector<16xi1>
        %sort3A_1874, %sort3A_1875, %sort3A_1876 = tpu.sort %or3A_1767, %or3A_1767 masked %sort3A_1873 : (vector<16xi32>, vector<16xi32>, vector<16xi1>) -> (vector<16xi1>, vector<16xi32>, vector<16xi32>)
        %sort3A_1877 = arith.constant dense<true> : vector<16xi1>
        %sort3A_1878, %sort3A_1879, %sort3A_1880 = tpu.sort %or3A_1780, %or3A_1780 masked %sort3A_1877 : (vector<16xi32>, vector<16xi32>, vector<16xi1>) -> (vector<16xi1>, vector<16xi32>, vector<16xi32>)
        %sort3A_1881 = arith.constant dense<true> : vector<16xi1>
        %sort3A_1882, %sort3A_1883, %sort3A_1884 = tpu.sort %or3A_1790, %or3A_1790 masked %sort3A_1881 : (vector<16xi32>, vector<16xi32>, vector<16xi1>) -> (vector<16xi1>, vector<16xi32>, vector<16xi32>)
        %sort3A_1885 = arith.constant dense<true> : vector<16xi1>
        %sort3A_1886, %sort3A_1887, %sort3A_1888 = tpu.sort %or3A_1803, %or3A_1803 masked %sort3A_1885 : (vector<16xi32>, vector<16xi32>, vector<16xi1>) -> (vector<16xi1>, vector<16xi32>, vector<16xi32>)
        %sort3A_1889 = arith.constant dense<true> : vector<16xi1>
        %sort3A_1890, %sort3A_1891, %sort3A_1892 = tpu.sort %or3A_1813, %or3A_1813 masked %sort3A_1889 : (vector<16xi32>, vector<16xi32>, vector<16xi1>) -> (vector<16xi1>, vector<16xi32>, vector<16xi32>)
        %sort3A_1893 = arith.constant dense<true> : vector<16xi1>
        %sort3A_1894, %sort3A_1895, %sort3A_1896 = tpu.sort %or3A_1826, %or3A_1826 masked %sort3A_1893 : (vector<16xi32>, vector<16xi32>, vector<16xi1>) -> (vector<16xi1>, vector<16xi32>, vector<16xi32>)
        %sort3A_1897 = arith.constant dense<true> : vector<16xi1>
        %sort3A_1898, %sort3A_1899, %sort3A_1900 = tpu.sort %or3A_1836, %or3A_1836 masked %sort3A_1897 : (vector<16xi32>, vector<16xi32>, vector<16xi1>) -> (vector<16xi1>, vector<16xi32>, vector<16xi32>)
        %rev3A_1901 = arith.constant 15 : i32
        %rev3A_1902 = vector.broadcast %rev3A_1901 : i32 to vector<16xi32>
        %rev3A_1903 = tpu.iota {dimensions = array<i32: 0>} : vector<16xi32>
        %rev3A_1904 = arith.subi %rev3A_1902, %rev3A_1903 : vector<16xi32>
        %rev3A_1905 = tpu.dynamic_gather %sort3A_1843[%rev3A_1904] in [0] : vector<16xi32>, vector<16xi32> -> vector<16xi32>
        %min3A_1906 = arith.minsi %sort3A_1839, %rev3A_1905 : vector<16xi32>
        %max3A_1907 = arith.maxsi %sort3A_1839, %rev3A_1905 : vector<16xi32>
        %sort3A_1908 = arith.constant dense<true> : vector<16xi1>
        %sort3A_1909, %sort3A_1910, %sort3A_1911 = tpu.sort %min3A_1906, %min3A_1906 masked %sort3A_1908 : (vector<16xi32>, vector<16xi32>, vector<16xi1>) -> (vector<16xi1>, vector<16xi32>, vector<16xi32>)
        %min3A_1912 = arith.constant 2147483647 : i32
        %min3A_1913 = arith.constant 2147483647 : i32
        %min3A_1914 = arith.minsi %min3A_1912, %min3A_1913 : i32
        %reduce_min3A_1915 = arith.constant true
        %reduce_min3A_1916 = vector.broadcast %reduce_min3A_1915 : i1 to vector<16xi1>
        %reduce_min3A_1917 = arith.constant -2147483648 : i32
        %reduce_min3A_1918 = vector.broadcast %reduce_min3A_1917 : i32 to vector<16xi32>
        %reduce_min3A_1919 = arith.xori %max3A_1907, %reduce_min3A_1918 : vector<16xi32>
        %reduce_min3A_1920 = tpu.scan <min>, %reduce_min3A_1919 masked %reduce_min3A_1916 : vector<16xi32>, vector<16xi1> -> vector<16xi32>
        %reduce_min3A_1921 = arith.xori %reduce_min3A_1920, %reduce_min3A_1918 : vector<16xi32>
        %reduce_min3A_1922 = vector.extract %reduce_min3A_1921[15] : i32 from vector<16xi32>
        %min3A_1923 = arith.minsi %min3A_1914, %reduce_min3A_1922 : i32
        %rev3A_1924 = arith.constant 15 : i32
        %rev3A_1925 = vector.broadcast %rev3A_1924 : i32 to vector<16xi32>
        %rev3A_1926 = tpu.iota {dimensions = array<i32: 0>} : vector<16xi32>
        %rev3A_1927 = arith.subi %rev3A_1925, %rev3A_1926 : vector<16xi32>
        %rev3A_1928 = tpu.dynamic_gather %sort3A_1851[%rev3A_1927] in [0] : vector<16xi32>, vector<16xi32> -> vector<16xi32>
        %min3A_1929 = arith.minsi %sort3A_1847, %rev3A_1928 : vector<16xi32>
        %max3A_1930 = arith.maxsi %sort3A_1847, %rev3A_1928 : vector<16xi32>
        %sort3A_1931 = arith.constant dense<true> : vector<16xi1>
        %sort3A_1932, %sort3A_1933, %sort3A_1934 = tpu.sort %min3A_1929, %min3A_1929 masked %sort3A_1931 : (vector<16xi32>, vector<16xi32>, vector<16xi1>) -> (vector<16xi1>, vector<16xi32>, vector<16xi32>)
        %min3A_1935 = arith.constant 2147483647 : i32
        %min3A_1936 = arith.constant 2147483647 : i32
        %min3A_1937 = arith.minsi %min3A_1935, %min3A_1936 : i32
        %reduce_min3A_1938 = arith.constant true
        %reduce_min3A_1939 = vector.broadcast %reduce_min3A_1938 : i1 to vector<16xi1>
        %reduce_min3A_1940 = arith.constant -2147483648 : i32
        %reduce_min3A_1941 = vector.broadcast %reduce_min3A_1940 : i32 to vector<16xi32>
        %reduce_min3A_1942 = arith.xori %max3A_1930, %reduce_min3A_1941 : vector<16xi32>
        %reduce_min3A_1943 = tpu.scan <min>, %reduce_min3A_1942 masked %reduce_min3A_1939 : vector<16xi32>, vector<16xi1> -> vector<16xi32>
        %reduce_min3A_1944 = arith.xori %reduce_min3A_1943, %reduce_min3A_1941 : vector<16xi32>
        %reduce_min3A_1945 = vector.extract %reduce_min3A_1944[15] : i32 from vector<16xi32>
        %min3A_1946 = arith.minsi %min3A_1937, %reduce_min3A_1945 : i32
        %rev3A_1947 = arith.constant 15 : i32
        %rev3A_1948 = vector.broadcast %rev3A_1947 : i32 to vector<16xi32>
        %rev3A_1949 = tpu.iota {dimensions = array<i32: 0>} : vector<16xi32>
        %rev3A_1950 = arith.subi %rev3A_1948, %rev3A_1949 : vector<16xi32>
        %rev3A_1951 = tpu.dynamic_gather %sort3A_1859[%rev3A_1950] in [0] : vector<16xi32>, vector<16xi32> -> vector<16xi32>
        %min3A_1952 = arith.minsi %sort3A_1855, %rev3A_1951 : vector<16xi32>
        %max3A_1953 = arith.maxsi %sort3A_1855, %rev3A_1951 : vector<16xi32>
        %sort3A_1954 = arith.constant dense<true> : vector<16xi1>
        %sort3A_1955, %sort3A_1956, %sort3A_1957 = tpu.sort %min3A_1952, %min3A_1952 masked %sort3A_1954 : (vector<16xi32>, vector<16xi32>, vector<16xi1>) -> (vector<16xi1>, vector<16xi32>, vector<16xi32>)
        %min3A_1958 = arith.constant 2147483647 : i32
        %min3A_1959 = arith.constant 2147483647 : i32
        %min3A_1960 = arith.minsi %min3A_1958, %min3A_1959 : i32
        %reduce_min3A_1961 = arith.constant true
        %reduce_min3A_1962 = vector.broadcast %reduce_min3A_1961 : i1 to vector<16xi1>
        %reduce_min3A_1963 = arith.constant -2147483648 : i32
        %reduce_min3A_1964 = vector.broadcast %reduce_min3A_1963 : i32 to vector<16xi32>
        %reduce_min3A_1965 = arith.xori %max3A_1953, %reduce_min3A_1964 : vector<16xi32>
        %reduce_min3A_1966 = tpu.scan <min>, %reduce_min3A_1965 masked %reduce_min3A_1962 : vector<16xi32>, vector<16xi1> -> vector<16xi32>
        %reduce_min3A_1967 = arith.xori %reduce_min3A_1966, %reduce_min3A_1964 : vector<16xi32>
        %reduce_min3A_1968 = vector.extract %reduce_min3A_1967[15] : i32 from vector<16xi32>
        %min3A_1969 = arith.minsi %min3A_1960, %reduce_min3A_1968 : i32
        %rev3A_1970 = arith.constant 15 : i32
        %rev3A_1971 = vector.broadcast %rev3A_1970 : i32 to vector<16xi32>
        %rev3A_1972 = tpu.iota {dimensions = array<i32: 0>} : vector<16xi32>
        %rev3A_1973 = arith.subi %rev3A_1971, %rev3A_1972 : vector<16xi32>
        %rev3A_1974 = tpu.dynamic_gather %sort3A_1867[%rev3A_1973] in [0] : vector<16xi32>, vector<16xi32> -> vector<16xi32>
        %min3A_1975 = arith.minsi %sort3A_1863, %rev3A_1974 : vector<16xi32>
        %max3A_1976 = arith.maxsi %sort3A_1863, %rev3A_1974 : vector<16xi32>
        %sort3A_1977 = arith.constant dense<true> : vector<16xi1>
        %sort3A_1978, %sort3A_1979, %sort3A_1980 = tpu.sort %min3A_1975, %min3A_1975 masked %sort3A_1977 : (vector<16xi32>, vector<16xi32>, vector<16xi1>) -> (vector<16xi1>, vector<16xi32>, vector<16xi32>)
        %min3A_1981 = arith.constant 2147483647 : i32
        %min3A_1982 = arith.constant 2147483647 : i32
        %min3A_1983 = arith.minsi %min3A_1981, %min3A_1982 : i32
        %reduce_min3A_1984 = arith.constant true
        %reduce_min3A_1985 = vector.broadcast %reduce_min3A_1984 : i1 to vector<16xi1>
        %reduce_min3A_1986 = arith.constant -2147483648 : i32
        %reduce_min3A_1987 = vector.broadcast %reduce_min3A_1986 : i32 to vector<16xi32>
        %reduce_min3A_1988 = arith.xori %max3A_1976, %reduce_min3A_1987 : vector<16xi32>
        %reduce_min3A_1989 = tpu.scan <min>, %reduce_min3A_1988 masked %reduce_min3A_1985 : vector<16xi32>, vector<16xi1> -> vector<16xi32>
        %reduce_min3A_1990 = arith.xori %reduce_min3A_1989, %reduce_min3A_1987 : vector<16xi32>
        %reduce_min3A_1991 = vector.extract %reduce_min3A_1990[15] : i32 from vector<16xi32>
        %min3A_1992 = arith.minsi %min3A_1983, %reduce_min3A_1991 : i32
        %rev3A_1993 = arith.constant 15 : i32
        %rev3A_1994 = vector.broadcast %rev3A_1993 : i32 to vector<16xi32>
        %rev3A_1995 = tpu.iota {dimensions = array<i32: 0>} : vector<16xi32>
        %rev3A_1996 = arith.subi %rev3A_1994, %rev3A_1995 : vector<16xi32>
        %rev3A_1997 = tpu.dynamic_gather %sort3A_1875[%rev3A_1996] in [0] : vector<16xi32>, vector<16xi32> -> vector<16xi32>
        %min3A_1998 = arith.minsi %sort3A_1871, %rev3A_1997 : vector<16xi32>
        %max3A_1999 = arith.maxsi %sort3A_1871, %rev3A_1997 : vector<16xi32>
        %sort3A_2000 = arith.constant dense<true> : vector<16xi1>
        %sort3A_2001, %sort3A_2002, %sort3A_2003 = tpu.sort %min3A_1998, %min3A_1998 masked %sort3A_2000 : (vector<16xi32>, vector<16xi32>, vector<16xi1>) -> (vector<16xi1>, vector<16xi32>, vector<16xi32>)
        %min3A_2004 = arith.constant 2147483647 : i32
        %min3A_2005 = arith.constant 2147483647 : i32
        %min3A_2006 = arith.minsi %min3A_2004, %min3A_2005 : i32
        %reduce_min3A_2007 = arith.constant true
        %reduce_min3A_2008 = vector.broadcast %reduce_min3A_2007 : i1 to vector<16xi1>
        %reduce_min3A_2009 = arith.constant -2147483648 : i32
        %reduce_min3A_2010 = vector.broadcast %reduce_min3A_2009 : i32 to vector<16xi32>
        %reduce_min3A_2011 = arith.xori %max3A_1999, %reduce_min3A_2010 : vector<16xi32>
        %reduce_min3A_2012 = tpu.scan <min>, %reduce_min3A_2011 masked %reduce_min3A_2008 : vector<16xi32>, vector<16xi1> -> vector<16xi32>
        %reduce_min3A_2013 = arith.xori %reduce_min3A_2012, %reduce_min3A_2010 : vector<16xi32>
        %reduce_min3A_2014 = vector.extract %reduce_min3A_2013[15] : i32 from vector<16xi32>
        %min3A_2015 = arith.minsi %min3A_2006, %reduce_min3A_2014 : i32
        %rev3A_2016 = arith.constant 15 : i32
        %rev3A_2017 = vector.broadcast %rev3A_2016 : i32 to vector<16xi32>
        %rev3A_2018 = tpu.iota {dimensions = array<i32: 0>} : vector<16xi32>
        %rev3A_2019 = arith.subi %rev3A_2017, %rev3A_2018 : vector<16xi32>
        %rev3A_2020 = tpu.dynamic_gather %sort3A_1883[%rev3A_2019] in [0] : vector<16xi32>, vector<16xi32> -> vector<16xi32>
        %min3A_2021 = arith.minsi %sort3A_1879, %rev3A_2020 : vector<16xi32>
        %max3A_2022 = arith.maxsi %sort3A_1879, %rev3A_2020 : vector<16xi32>
        %sort3A_2023 = arith.constant dense<true> : vector<16xi1>
        %sort3A_2024, %sort3A_2025, %sort3A_2026 = tpu.sort %min3A_2021, %min3A_2021 masked %sort3A_2023 : (vector<16xi32>, vector<16xi32>, vector<16xi1>) -> (vector<16xi1>, vector<16xi32>, vector<16xi32>)
        %min3A_2027 = arith.constant 2147483647 : i32
        %min3A_2028 = arith.constant 2147483647 : i32
        %min3A_2029 = arith.minsi %min3A_2027, %min3A_2028 : i32
        %reduce_min3A_2030 = arith.constant true
        %reduce_min3A_2031 = vector.broadcast %reduce_min3A_2030 : i1 to vector<16xi1>
        %reduce_min3A_2032 = arith.constant -2147483648 : i32
        %reduce_min3A_2033 = vector.broadcast %reduce_min3A_2032 : i32 to vector<16xi32>
        %reduce_min3A_2034 = arith.xori %max3A_2022, %reduce_min3A_2033 : vector<16xi32>
        %reduce_min3A_2035 = tpu.scan <min>, %reduce_min3A_2034 masked %reduce_min3A_2031 : vector<16xi32>, vector<16xi1> -> vector<16xi32>
        %reduce_min3A_2036 = arith.xori %reduce_min3A_2035, %reduce_min3A_2033 : vector<16xi32>
        %reduce_min3A_2037 = vector.extract %reduce_min3A_2036[15] : i32 from vector<16xi32>
        %min3A_2038 = arith.minsi %min3A_2029, %reduce_min3A_2037 : i32
        %rev3A_2039 = arith.constant 15 : i32
        %rev3A_2040 = vector.broadcast %rev3A_2039 : i32 to vector<16xi32>
        %rev3A_2041 = tpu.iota {dimensions = array<i32: 0>} : vector<16xi32>
        %rev3A_2042 = arith.subi %rev3A_2040, %rev3A_2041 : vector<16xi32>
        %rev3A_2043 = tpu.dynamic_gather %sort3A_1891[%rev3A_2042] in [0] : vector<16xi32>, vector<16xi32> -> vector<16xi32>
        %min3A_2044 = arith.minsi %sort3A_1887, %rev3A_2043 : vector<16xi32>
        %max3A_2045 = arith.maxsi %sort3A_1887, %rev3A_2043 : vector<16xi32>
        %sort3A_2046 = arith.constant dense<true> : vector<16xi1>
        %sort3A_2047, %sort3A_2048, %sort3A_2049 = tpu.sort %min3A_2044, %min3A_2044 masked %sort3A_2046 : (vector<16xi32>, vector<16xi32>, vector<16xi1>) -> (vector<16xi1>, vector<16xi32>, vector<16xi32>)
        %min3A_2050 = arith.constant 2147483647 : i32
        %min3A_2051 = arith.constant 2147483647 : i32
        %min3A_2052 = arith.minsi %min3A_2050, %min3A_2051 : i32
        %reduce_min3A_2053 = arith.constant true
        %reduce_min3A_2054 = vector.broadcast %reduce_min3A_2053 : i1 to vector<16xi1>
        %reduce_min3A_2055 = arith.constant -2147483648 : i32
        %reduce_min3A_2056 = vector.broadcast %reduce_min3A_2055 : i32 to vector<16xi32>
        %reduce_min3A_2057 = arith.xori %max3A_2045, %reduce_min3A_2056 : vector<16xi32>
        %reduce_min3A_2058 = tpu.scan <min>, %reduce_min3A_2057 masked %reduce_min3A_2054 : vector<16xi32>, vector<16xi1> -> vector<16xi32>
        %reduce_min3A_2059 = arith.xori %reduce_min3A_2058, %reduce_min3A_2056 : vector<16xi32>
        %reduce_min3A_2060 = vector.extract %reduce_min3A_2059[15] : i32 from vector<16xi32>
        %min3A_2061 = arith.minsi %min3A_2052, %reduce_min3A_2060 : i32
        %rev3A_2062 = arith.constant 15 : i32
        %rev3A_2063 = vector.broadcast %rev3A_2062 : i32 to vector<16xi32>
        %rev3A_2064 = tpu.iota {dimensions = array<i32: 0>} : vector<16xi32>
        %rev3A_2065 = arith.subi %rev3A_2063, %rev3A_2064 : vector<16xi32>
        %rev3A_2066 = tpu.dynamic_gather %sort3A_1899[%rev3A_2065] in [0] : vector<16xi32>, vector<16xi32> -> vector<16xi32>
        %min3A_2067 = arith.minsi %sort3A_1895, %rev3A_2066 : vector<16xi32>
        %max3A_2068 = arith.maxsi %sort3A_1895, %rev3A_2066 : vector<16xi32>
        %sort3A_2069 = arith.constant dense<true> : vector<16xi1>
        %sort3A_2070, %sort3A_2071, %sort3A_2072 = tpu.sort %min3A_2067, %min3A_2067 masked %sort3A_2069 : (vector<16xi32>, vector<16xi32>, vector<16xi1>) -> (vector<16xi1>, vector<16xi32>, vector<16xi32>)
        %min3A_2073 = arith.constant 2147483647 : i32
        %min3A_2074 = arith.constant 2147483647 : i32
        %min3A_2075 = arith.minsi %min3A_2073, %min3A_2074 : i32
        %reduce_min3A_2076 = arith.constant true
        %reduce_min3A_2077 = vector.broadcast %reduce_min3A_2076 : i1 to vector<16xi1>
        %reduce_min3A_2078 = arith.constant -2147483648 : i32
        %reduce_min3A_2079 = vector.broadcast %reduce_min3A_2078 : i32 to vector<16xi32>
        %reduce_min3A_2080 = arith.xori %max3A_2068, %reduce_min3A_2079 : vector<16xi32>
        %reduce_min3A_2081 = tpu.scan <min>, %reduce_min3A_2080 masked %reduce_min3A_2077 : vector<16xi32>, vector<16xi1> -> vector<16xi32>
        %reduce_min3A_2082 = arith.xori %reduce_min3A_2081, %reduce_min3A_2079 : vector<16xi32>
        %reduce_min3A_2083 = vector.extract %reduce_min3A_2082[15] : i32 from vector<16xi32>
        %min3A_2084 = arith.minsi %min3A_2075, %reduce_min3A_2083 : i32
        %rev3A_2085 = arith.constant 15 : i32
        %rev3A_2086 = vector.broadcast %rev3A_2085 : i32 to vector<16xi32>
        %rev3A_2087 = tpu.iota {dimensions = array<i32: 0>} : vector<16xi32>
        %rev3A_2088 = arith.subi %rev3A_2086, %rev3A_2087 : vector<16xi32>
        %rev3A_2089 = tpu.dynamic_gather %sort3A_1933[%rev3A_2088] in [0] : vector<16xi32>, vector<16xi32> -> vector<16xi32>
        %min3A_2090 = arith.minsi %sort3A_1910, %rev3A_2089 : vector<16xi32>
        %max3A_2091 = arith.maxsi %sort3A_1910, %rev3A_2089 : vector<16xi32>
        %sort3A_2092 = arith.constant dense<true> : vector<16xi1>
        %sort3A_2093, %sort3A_2094, %sort3A_2095 = tpu.sort %min3A_2090, %min3A_2090 masked %sort3A_2092 : (vector<16xi32>, vector<16xi32>, vector<16xi1>) -> (vector<16xi1>, vector<16xi32>, vector<16xi32>)
        %min3A_2096 = arith.minsi %min3A_1923, %min3A_1946 : i32
        %reduce_min3A_2097 = arith.constant true
        %reduce_min3A_2098 = vector.broadcast %reduce_min3A_2097 : i1 to vector<16xi1>
        %reduce_min3A_2099 = arith.constant -2147483648 : i32
        %reduce_min3A_2100 = vector.broadcast %reduce_min3A_2099 : i32 to vector<16xi32>
        %reduce_min3A_2101 = arith.xori %max3A_2091, %reduce_min3A_2100 : vector<16xi32>
        %reduce_min3A_2102 = tpu.scan <min>, %reduce_min3A_2101 masked %reduce_min3A_2098 : vector<16xi32>, vector<16xi1> -> vector<16xi32>
        %reduce_min3A_2103 = arith.xori %reduce_min3A_2102, %reduce_min3A_2100 : vector<16xi32>
        %reduce_min3A_2104 = vector.extract %reduce_min3A_2103[15] : i32 from vector<16xi32>
        %min3A_2105 = arith.minsi %min3A_2096, %reduce_min3A_2104 : i32
        %rev3A_2106 = arith.constant 15 : i32
        %rev3A_2107 = vector.broadcast %rev3A_2106 : i32 to vector<16xi32>
        %rev3A_2108 = tpu.iota {dimensions = array<i32: 0>} : vector<16xi32>
        %rev3A_2109 = arith.subi %rev3A_2107, %rev3A_2108 : vector<16xi32>
        %rev3A_2110 = tpu.dynamic_gather %sort3A_1979[%rev3A_2109] in [0] : vector<16xi32>, vector<16xi32> -> vector<16xi32>
        %min3A_2111 = arith.minsi %sort3A_1956, %rev3A_2110 : vector<16xi32>
        %max3A_2112 = arith.maxsi %sort3A_1956, %rev3A_2110 : vector<16xi32>
        %sort3A_2113 = arith.constant dense<true> : vector<16xi1>
        %sort3A_2114, %sort3A_2115, %sort3A_2116 = tpu.sort %min3A_2111, %min3A_2111 masked %sort3A_2113 : (vector<16xi32>, vector<16xi32>, vector<16xi1>) -> (vector<16xi1>, vector<16xi32>, vector<16xi32>)
        %min3A_2117 = arith.minsi %min3A_1969, %min3A_1992 : i32
        %reduce_min3A_2118 = arith.constant true
        %reduce_min3A_2119 = vector.broadcast %reduce_min3A_2118 : i1 to vector<16xi1>
        %reduce_min3A_2120 = arith.constant -2147483648 : i32
        %reduce_min3A_2121 = vector.broadcast %reduce_min3A_2120 : i32 to vector<16xi32>
        %reduce_min3A_2122 = arith.xori %max3A_2112, %reduce_min3A_2121 : vector<16xi32>
        %reduce_min3A_2123 = tpu.scan <min>, %reduce_min3A_2122 masked %reduce_min3A_2119 : vector<16xi32>, vector<16xi1> -> vector<16xi32>
        %reduce_min3A_2124 = arith.xori %reduce_min3A_2123, %reduce_min3A_2121 : vector<16xi32>
        %reduce_min3A_2125 = vector.extract %reduce_min3A_2124[15] : i32 from vector<16xi32>
        %min3A_2126 = arith.minsi %min3A_2117, %reduce_min3A_2125 : i32
        %rev3A_2127 = arith.constant 15 : i32
        %rev3A_2128 = vector.broadcast %rev3A_2127 : i32 to vector<16xi32>
        %rev3A_2129 = tpu.iota {dimensions = array<i32: 0>} : vector<16xi32>
        %rev3A_2130 = arith.subi %rev3A_2128, %rev3A_2129 : vector<16xi32>
        %rev3A_2131 = tpu.dynamic_gather %sort3A_2025[%rev3A_2130] in [0] : vector<16xi32>, vector<16xi32> -> vector<16xi32>
        %min3A_2132 = arith.minsi %sort3A_2002, %rev3A_2131 : vector<16xi32>
        %max3A_2133 = arith.maxsi %sort3A_2002, %rev3A_2131 : vector<16xi32>
        %sort3A_2134 = arith.constant dense<true> : vector<16xi1>
        %sort3A_2135, %sort3A_2136, %sort3A_2137 = tpu.sort %min3A_2132, %min3A_2132 masked %sort3A_2134 : (vector<16xi32>, vector<16xi32>, vector<16xi1>) -> (vector<16xi1>, vector<16xi32>, vector<16xi32>)
        %min3A_2138 = arith.minsi %min3A_2015, %min3A_2038 : i32
        %reduce_min3A_2139 = arith.constant true
        %reduce_min3A_2140 = vector.broadcast %reduce_min3A_2139 : i1 to vector<16xi1>
        %reduce_min3A_2141 = arith.constant -2147483648 : i32
        %reduce_min3A_2142 = vector.broadcast %reduce_min3A_2141 : i32 to vector<16xi32>
        %reduce_min3A_2143 = arith.xori %max3A_2133, %reduce_min3A_2142 : vector<16xi32>
        %reduce_min3A_2144 = tpu.scan <min>, %reduce_min3A_2143 masked %reduce_min3A_2140 : vector<16xi32>, vector<16xi1> -> vector<16xi32>
        %reduce_min3A_2145 = arith.xori %reduce_min3A_2144, %reduce_min3A_2142 : vector<16xi32>
        %reduce_min3A_2146 = vector.extract %reduce_min3A_2145[15] : i32 from vector<16xi32>
        %min3A_2147 = arith.minsi %min3A_2138, %reduce_min3A_2146 : i32
        %rev3A_2148 = arith.constant 15 : i32
        %rev3A_2149 = vector.broadcast %rev3A_2148 : i32 to vector<16xi32>
        %rev3A_2150 = tpu.iota {dimensions = array<i32: 0>} : vector<16xi32>
        %rev3A_2151 = arith.subi %rev3A_2149, %rev3A_2150 : vector<16xi32>
        %rev3A_2152 = tpu.dynamic_gather %sort3A_2071[%rev3A_2151] in [0] : vector<16xi32>, vector<16xi32> -> vector<16xi32>
        %min3A_2153 = arith.minsi %sort3A_2048, %rev3A_2152 : vector<16xi32>
        %max3A_2154 = arith.maxsi %sort3A_2048, %rev3A_2152 : vector<16xi32>
        %sort3A_2155 = arith.constant dense<true> : vector<16xi1>
        %sort3A_2156, %sort3A_2157, %sort3A_2158 = tpu.sort %min3A_2153, %min3A_2153 masked %sort3A_2155 : (vector<16xi32>, vector<16xi32>, vector<16xi1>) -> (vector<16xi1>, vector<16xi32>, vector<16xi32>)
        %min3A_2159 = arith.minsi %min3A_2061, %min3A_2084 : i32
        %reduce_min3A_2160 = arith.constant true
        %reduce_min3A_2161 = vector.broadcast %reduce_min3A_2160 : i1 to vector<16xi1>
        %reduce_min3A_2162 = arith.constant -2147483648 : i32
        %reduce_min3A_2163 = vector.broadcast %reduce_min3A_2162 : i32 to vector<16xi32>
        %reduce_min3A_2164 = arith.xori %max3A_2154, %reduce_min3A_2163 : vector<16xi32>
        %reduce_min3A_2165 = tpu.scan <min>, %reduce_min3A_2164 masked %reduce_min3A_2161 : vector<16xi32>, vector<16xi1> -> vector<16xi32>
        %reduce_min3A_2166 = arith.xori %reduce_min3A_2165, %reduce_min3A_2163 : vector<16xi32>
        %reduce_min3A_2167 = vector.extract %reduce_min3A_2166[15] : i32 from vector<16xi32>
        %min3A_2168 = arith.minsi %min3A_2159, %reduce_min3A_2167 : i32
        %rev3A_2169 = arith.constant 15 : i32
        %rev3A_2170 = vector.broadcast %rev3A_2169 : i32 to vector<16xi32>
        %rev3A_2171 = tpu.iota {dimensions = array<i32: 0>} : vector<16xi32>
        %rev3A_2172 = arith.subi %rev3A_2170, %rev3A_2171 : vector<16xi32>
        %rev3A_2173 = tpu.dynamic_gather %sort3A_2115[%rev3A_2172] in [0] : vector<16xi32>, vector<16xi32> -> vector<16xi32>
        %min3A_2174 = arith.minsi %sort3A_2094, %rev3A_2173 : vector<16xi32>
        %max3A_2175 = arith.maxsi %sort3A_2094, %rev3A_2173 : vector<16xi32>
        %sort3A_2176 = arith.constant dense<true> : vector<16xi1>
        %sort3A_2177, %sort3A_2178, %sort3A_2179 = tpu.sort %min3A_2174, %min3A_2174 masked %sort3A_2176 : (vector<16xi32>, vector<16xi32>, vector<16xi1>) -> (vector<16xi1>, vector<16xi32>, vector<16xi32>)
        %min3A_2180 = arith.minsi %min3A_2105, %min3A_2126 : i32
        %reduce_min3A_2181 = arith.constant true
        %reduce_min3A_2182 = vector.broadcast %reduce_min3A_2181 : i1 to vector<16xi1>
        %reduce_min3A_2183 = arith.constant -2147483648 : i32
        %reduce_min3A_2184 = vector.broadcast %reduce_min3A_2183 : i32 to vector<16xi32>
        %reduce_min3A_2185 = arith.xori %max3A_2175, %reduce_min3A_2184 : vector<16xi32>
        %reduce_min3A_2186 = tpu.scan <min>, %reduce_min3A_2185 masked %reduce_min3A_2182 : vector<16xi32>, vector<16xi1> -> vector<16xi32>
        %reduce_min3A_2187 = arith.xori %reduce_min3A_2186, %reduce_min3A_2184 : vector<16xi32>
        %reduce_min3A_2188 = vector.extract %reduce_min3A_2187[15] : i32 from vector<16xi32>
        %min3A_2189 = arith.minsi %min3A_2180, %reduce_min3A_2188 : i32
        %rev3A_2190 = arith.constant 15 : i32
        %rev3A_2191 = vector.broadcast %rev3A_2190 : i32 to vector<16xi32>
        %rev3A_2192 = tpu.iota {dimensions = array<i32: 0>} : vector<16xi32>
        %rev3A_2193 = arith.subi %rev3A_2191, %rev3A_2192 : vector<16xi32>
        %rev3A_2194 = tpu.dynamic_gather %sort3A_2157[%rev3A_2193] in [0] : vector<16xi32>, vector<16xi32> -> vector<16xi32>
        %min3A_2195 = arith.minsi %sort3A_2136, %rev3A_2194 : vector<16xi32>
        %max3A_2196 = arith.maxsi %sort3A_2136, %rev3A_2194 : vector<16xi32>
        %sort3A_2197 = arith.constant dense<true> : vector<16xi1>
        %sort3A_2198, %sort3A_2199, %sort3A_2200 = tpu.sort %min3A_2195, %min3A_2195 masked %sort3A_2197 : (vector<16xi32>, vector<16xi32>, vector<16xi1>) -> (vector<16xi1>, vector<16xi32>, vector<16xi32>)
        %min3A_2201 = arith.minsi %min3A_2147, %min3A_2168 : i32
        %reduce_min3A_2202 = arith.constant true
        %reduce_min3A_2203 = vector.broadcast %reduce_min3A_2202 : i1 to vector<16xi1>
        %reduce_min3A_2204 = arith.constant -2147483648 : i32
        %reduce_min3A_2205 = vector.broadcast %reduce_min3A_2204 : i32 to vector<16xi32>
        %reduce_min3A_2206 = arith.xori %max3A_2196, %reduce_min3A_2205 : vector<16xi32>
        %reduce_min3A_2207 = tpu.scan <min>, %reduce_min3A_2206 masked %reduce_min3A_2203 : vector<16xi32>, vector<16xi1> -> vector<16xi32>
        %reduce_min3A_2208 = arith.xori %reduce_min3A_2207, %reduce_min3A_2205 : vector<16xi32>
        %reduce_min3A_2209 = vector.extract %reduce_min3A_2208[15] : i32 from vector<16xi32>
        %min3A_2210 = arith.minsi %min3A_2201, %reduce_min3A_2209 : i32
        %rev3A_2211 = arith.constant 15 : i32
        %rev3A_2212 = vector.broadcast %rev3A_2211 : i32 to vector<16xi32>
        %rev3A_2213 = tpu.iota {dimensions = array<i32: 0>} : vector<16xi32>
        %rev3A_2214 = arith.subi %rev3A_2212, %rev3A_2213 : vector<16xi32>
        %rev3A_2215 = tpu.dynamic_gather %sort3A_2199[%rev3A_2214] in [0] : vector<16xi32>, vector<16xi32> -> vector<16xi32>
        %min3A_2216 = arith.minsi %sort3A_2178, %rev3A_2215 : vector<16xi32>
        %max3A_2217 = arith.maxsi %sort3A_2178, %rev3A_2215 : vector<16xi32>
        %sort3A_2218 = arith.constant dense<true> : vector<16xi1>
        %sort3A_2219, %sort3A_2220, %sort3A_2221 = tpu.sort %min3A_2216, %min3A_2216 masked %sort3A_2218 : (vector<16xi32>, vector<16xi32>, vector<16xi1>) -> (vector<16xi1>, vector<16xi32>, vector<16xi32>)
        %min3A_2222 = arith.minsi %min3A_2189, %min3A_2210 : i32
        %reduce_min3A_2223 = arith.constant true
        %reduce_min3A_2224 = vector.broadcast %reduce_min3A_2223 : i1 to vector<16xi1>
        %reduce_min3A_2225 = arith.constant -2147483648 : i32
        %reduce_min3A_2226 = vector.broadcast %reduce_min3A_2225 : i32 to vector<16xi32>
        %reduce_min3A_2227 = arith.xori %max3A_2217, %reduce_min3A_2226 : vector<16xi32>
        %reduce_min3A_2228 = tpu.scan <min>, %reduce_min3A_2227 masked %reduce_min3A_2224 : vector<16xi32>, vector<16xi1> -> vector<16xi32>
        %reduce_min3A_2229 = arith.xori %reduce_min3A_2228, %reduce_min3A_2226 : vector<16xi32>
        %reduce_min3A_2230 = vector.extract %reduce_min3A_2229[15] : i32 from vector<16xi32>
        %min3A_2231 = arith.minsi %min3A_2222, %reduce_min3A_2230 : i32
        %broadcast_in_dim3A_2232 = vector.broadcast %add3A_1333 : i32 to vector<16xi32>
        %and3A_2233 = arith.constant 255 : i32
        %and3A_2234 = vector.broadcast %and3A_2233 : i32 to vector<16xi32>
        %and3A_2235 = arith.andi %sort3A_2220, %and3A_2234 : vector<16xi32>
        %shift_right_logical3A_2236 = arith.constant 5 : i32
        %shift_right_logical3A_2237 = vector.broadcast %shift_right_logical3A_2236 : i32 to vector<16xi32>
        %shift_right_logical3A_2238 = arith.shrui %and3A_2235, %shift_right_logical3A_2237 : vector<16xi32>
        %mul3A_2239 = arith.constant 128 : i32
        %mul3A_2240 = vector.broadcast %mul3A_2239 : i32 to vector<16xi32>
        %mul3A_2241 = arith.muli %shift_right_logical3A_2238, %mul3A_2240 : vector<16xi32>
        %and3A_2242 = arith.constant 31 : i32
        %and3A_2243 = vector.broadcast %and3A_2242 : i32 to vector<16xi32>
        %and3A_2244 = arith.andi %and3A_2235, %and3A_2243 : vector<16xi32>
        %shift_right_logical3A_2245 = arith.constant 1 : i32
        %shift_right_logical3A_2246 = vector.broadcast %shift_right_logical3A_2245 : i32 to vector<16xi32>
        %shift_right_logical3A_2247 = arith.shrui %and3A_2244, %shift_right_logical3A_2246 : vector<16xi32>
        %add3A_2248 = arith.addi %mul3A_2241, %shift_right_logical3A_2247 : vector<16xi32>
        %and3A_2249 = arith.constant 1 : i32
        %and3A_2250 = vector.broadcast %and3A_2249 : i32 to vector<16xi32>
        %and3A_2251 = arith.andi %and3A_2235, %and3A_2250 : vector<16xi32>
        %add3A_2252 = arith.constant 0 : i32
        %add3A_2253 = vector.broadcast %add3A_2252 : i32 to vector<16xi32>
        %add3A_2254 = arith.addi %add3A_2248, %add3A_2253 : vector<16xi32>
        %gather3A_2255 = tpu.vector_load_idx %arg4[%broadcast_in_dim3A_2232, %add3A_2254] : memref<8x1024xi32, #tpu.memory_space<vmem>>[vector<16xi32>, vector<16xi32>], vector<16xi32>,
        %eq3A_2256 = arith.constant 1 : i32
        %eq3A_2257 = vector.broadcast %eq3A_2256 : i32 to vector<16xi32>
        %eq3A_2258 = arith.cmpi eq, %and3A_2251, %eq3A_2257 : vector<16xi32>
        %shift_right_logical3A_2259 = arith.constant 16 : i32
        %shift_right_logical3A_2260 = vector.broadcast %shift_right_logical3A_2259 : i32 to vector<16xi32>
        %shift_right_logical3A_2261 = arith.shrui %gather3A_2255, %shift_right_logical3A_2260 : vector<16xi32>
        %and3A_2262 = vector.broadcast %scan3A_13 : i32 to vector<16xi32>
        %and3A_2263 = arith.andi %gather3A_2255, %and3A_2262 : vector<16xi32>
        %select_n3A_2264 = arith.select %eq3A_2258, %shift_right_logical3A_2261, %and3A_2263 : vector<16xi1>, vector<16xi32>
        %add3A_2265 = arith.constant 16 : i32
        %add3A_2266 = vector.broadcast %add3A_2265 : i32 to vector<16xi32>
        %add3A_2267 = arith.addi %add3A_2248, %add3A_2266 : vector<16xi32>
        %gather3A_2268 = tpu.vector_load_idx %arg4[%broadcast_in_dim3A_2232, %add3A_2267] : memref<8x1024xi32, #tpu.memory_space<vmem>>[vector<16xi32>, vector<16xi32>], vector<16xi32>,
        %eq3A_2269 = arith.constant 1 : i32
        %eq3A_2270 = vector.broadcast %eq3A_2269 : i32 to vector<16xi32>
        %eq3A_2271 = arith.cmpi eq, %and3A_2251, %eq3A_2270 : vector<16xi32>
        %shift_right_logical3A_2272 = arith.constant 16 : i32
        %shift_right_logical3A_2273 = vector.broadcast %shift_right_logical3A_2272 : i32 to vector<16xi32>
        %shift_right_logical3A_2274 = arith.shrui %gather3A_2268, %shift_right_logical3A_2273 : vector<16xi32>
        %and3A_2275 = vector.broadcast %scan3A_13 : i32 to vector<16xi32>
        %and3A_2276 = arith.andi %gather3A_2268, %and3A_2275 : vector<16xi32>
        %select_n3A_2277 = arith.select %eq3A_2271, %shift_right_logical3A_2274, %and3A_2276 : vector<16xi1>, vector<16xi32>
        %add3A_2278 = arith.constant 32 : i32
        %add3A_2279 = vector.broadcast %add3A_2278 : i32 to vector<16xi32>
        %add3A_2280 = arith.addi %add3A_2248, %add3A_2279 : vector<16xi32>
        %gather3A_2281 = tpu.vector_load_idx %arg4[%broadcast_in_dim3A_2232, %add3A_2280] : memref<8x1024xi32, #tpu.memory_space<vmem>>[vector<16xi32>, vector<16xi32>], vector<16xi32>,
        %eq3A_2282 = arith.constant 1 : i32
        %eq3A_2283 = vector.broadcast %eq3A_2282 : i32 to vector<16xi32>
        %eq3A_2284 = arith.cmpi eq, %and3A_2251, %eq3A_2283 : vector<16xi32>
        %shift_right_logical3A_2285 = arith.constant 16 : i32
        %shift_right_logical3A_2286 = vector.broadcast %shift_right_logical3A_2285 : i32 to vector<16xi32>
        %shift_right_logical3A_2287 = arith.shrui %gather3A_2281, %shift_right_logical3A_2286 : vector<16xi32>
        %and3A_2288 = vector.broadcast %scan3A_13 : i32 to vector<16xi32>
        %and3A_2289 = arith.andi %gather3A_2281, %and3A_2288 : vector<16xi32>
        %select_n3A_2290 = arith.select %eq3A_2284, %shift_right_logical3A_2287, %and3A_2289 : vector<16xi1>, vector<16xi32>
        %add3A_2291 = arith.constant 48 : i32
        %add3A_2292 = vector.broadcast %add3A_2291 : i32 to vector<16xi32>
        %add3A_2293 = arith.addi %add3A_2248, %add3A_2292 : vector<16xi32>
        %gather3A_2294 = tpu.vector_load_idx %arg4[%broadcast_in_dim3A_2232, %add3A_2293] : memref<8x1024xi32, #tpu.memory_space<vmem>>[vector<16xi32>, vector<16xi32>], vector<16xi32>,
        %eq3A_2295 = arith.constant 1 : i32
        %eq3A_2296 = vector.broadcast %eq3A_2295 : i32 to vector<16xi32>
        %eq3A_2297 = arith.cmpi eq, %and3A_2251, %eq3A_2296 : vector<16xi32>
        %shift_right_logical3A_2298 = arith.constant 16 : i32
        %shift_right_logical3A_2299 = vector.broadcast %shift_right_logical3A_2298 : i32 to vector<16xi32>
        %shift_right_logical3A_2300 = arith.shrui %gather3A_2294, %shift_right_logical3A_2299 : vector<16xi32>
        %and3A_2301 = vector.broadcast %scan3A_13 : i32 to vector<16xi32>
        %and3A_2302 = arith.andi %gather3A_2294, %and3A_2301 : vector<16xi32>
        %select_n3A_2303 = arith.select %eq3A_2297, %shift_right_logical3A_2300, %and3A_2302 : vector<16xi1>, vector<16xi32>
        %add3A_2304 = arith.constant 64 : i32
        %add3A_2305 = vector.broadcast %add3A_2304 : i32 to vector<16xi32>
        %add3A_2306 = arith.addi %add3A_2248, %add3A_2305 : vector<16xi32>
        %gather3A_2307 = tpu.vector_load_idx %arg4[%broadcast_in_dim3A_2232, %add3A_2306] : memref<8x1024xi32, #tpu.memory_space<vmem>>[vector<16xi32>, vector<16xi32>], vector<16xi32>,
        %eq3A_2308 = arith.constant 1 : i32
        %eq3A_2309 = vector.broadcast %eq3A_2308 : i32 to vector<16xi32>
        %eq3A_2310 = arith.cmpi eq, %and3A_2251, %eq3A_2309 : vector<16xi32>
        %shift_right_logical3A_2311 = arith.constant 16 : i32
        %shift_right_logical3A_2312 = vector.broadcast %shift_right_logical3A_2311 : i32 to vector<16xi32>
        %shift_right_logical3A_2313 = arith.shrui %gather3A_2307, %shift_right_logical3A_2312 : vector<16xi32>
        %and3A_2314 = vector.broadcast %scan3A_13 : i32 to vector<16xi32>
        %and3A_2315 = arith.andi %gather3A_2307, %and3A_2314 : vector<16xi32>
        %select_n3A_2316 = arith.select %eq3A_2310, %shift_right_logical3A_2313, %and3A_2315 : vector<16xi1>, vector<16xi32>
        %add3A_2317 = arith.constant 80 : i32
        %add3A_2318 = vector.broadcast %add3A_2317 : i32 to vector<16xi32>
        %add3A_2319 = arith.addi %add3A_2248, %add3A_2318 : vector<16xi32>
        %gather3A_2320 = tpu.vector_load_idx %arg4[%broadcast_in_dim3A_2232, %add3A_2319] : memref<8x1024xi32, #tpu.memory_space<vmem>>[vector<16xi32>, vector<16xi32>], vector<16xi32>,
        %eq3A_2321 = arith.constant 1 : i32
        %eq3A_2322 = vector.broadcast %eq3A_2321 : i32 to vector<16xi32>
        %eq3A_2323 = arith.cmpi eq, %and3A_2251, %eq3A_2322 : vector<16xi32>
        %shift_right_logical3A_2324 = arith.constant 16 : i32
        %shift_right_logical3A_2325 = vector.broadcast %shift_right_logical3A_2324 : i32 to vector<16xi32>
        %shift_right_logical3A_2326 = arith.shrui %gather3A_2320, %shift_right_logical3A_2325 : vector<16xi32>
        %and3A_2327 = vector.broadcast %scan3A_13 : i32 to vector<16xi32>
        %and3A_2328 = arith.andi %gather3A_2320, %and3A_2327 : vector<16xi32>
        %select_n3A_2329 = arith.select %eq3A_2323, %shift_right_logical3A_2326, %and3A_2328 : vector<16xi1>, vector<16xi32>
        %add3A_2330 = arith.constant 96 : i32
        %add3A_2331 = vector.broadcast %add3A_2330 : i32 to vector<16xi32>
        %add3A_2332 = arith.addi %add3A_2248, %add3A_2331 : vector<16xi32>
        %gather3A_2333 = tpu.vector_load_idx %arg4[%broadcast_in_dim3A_2232, %add3A_2332] : memref<8x1024xi32, #tpu.memory_space<vmem>>[vector<16xi32>, vector<16xi32>], vector<16xi32>,
        %eq3A_2334 = arith.constant 1 : i32
        %eq3A_2335 = vector.broadcast %eq3A_2334 : i32 to vector<16xi32>
        %eq3A_2336 = arith.cmpi eq, %and3A_2251, %eq3A_2335 : vector<16xi32>
        %shift_right_logical3A_2337 = arith.constant 16 : i32
        %shift_right_logical3A_2338 = vector.broadcast %shift_right_logical3A_2337 : i32 to vector<16xi32>
        %shift_right_logical3A_2339 = arith.shrui %gather3A_2333, %shift_right_logical3A_2338 : vector<16xi32>
        %and3A_2340 = vector.broadcast %scan3A_13 : i32 to vector<16xi32>
        %and3A_2341 = arith.andi %gather3A_2333, %and3A_2340 : vector<16xi32>
        %select_n3A_2342 = arith.select %eq3A_2336, %shift_right_logical3A_2339, %and3A_2341 : vector<16xi1>, vector<16xi32>
        %add3A_2343 = arith.constant 112 : i32
        %add3A_2344 = vector.broadcast %add3A_2343 : i32 to vector<16xi32>
        %add3A_2345 = arith.addi %add3A_2248, %add3A_2344 : vector<16xi32>
        %gather3A_2346 = tpu.vector_load_idx %arg4[%broadcast_in_dim3A_2232, %add3A_2345] : memref<8x1024xi32, #tpu.memory_space<vmem>>[vector<16xi32>, vector<16xi32>], vector<16xi32>,
        %eq3A_2347 = arith.constant 1 : i32
        %eq3A_2348 = vector.broadcast %eq3A_2347 : i32 to vector<16xi32>
        %eq3A_2349 = arith.cmpi eq, %and3A_2251, %eq3A_2348 : vector<16xi32>
        %shift_right_logical3A_2350 = arith.constant 16 : i32
        %shift_right_logical3A_2351 = vector.broadcast %shift_right_logical3A_2350 : i32 to vector<16xi32>
        %shift_right_logical3A_2352 = arith.shrui %gather3A_2346, %shift_right_logical3A_2351 : vector<16xi32>
        %and3A_2353 = vector.broadcast %scan3A_13 : i32 to vector<16xi32>
        %and3A_2354 = arith.andi %gather3A_2346, %and3A_2353 : vector<16xi32>
        %select_n3A_2355 = arith.select %eq3A_2349, %shift_right_logical3A_2352, %and3A_2354 : vector<16xi1>, vector<16xi32>
        %and3A_2356 = arith.constant 255 : i32
        %and3A_2357 = arith.andi %min3A_2231, %and3A_2356 : i32
        %shift_right_logical3A_2358 = arith.constant 5 : i32
        %shift_right_logical3A_2359 = arith.shrui %and3A_2357, %shift_right_logical3A_2358 : i32
        %mul3A_2360 = arith.constant 128 : i32
        %mul3A_2361 = arith.muli %shift_right_logical3A_2359, %mul3A_2360 : i32
        %and3A_2362 = arith.constant 31 : i32
        %and3A_2363 = arith.andi %and3A_2357, %and3A_2362 : i32
        %shift_right_logical3A_2364 = arith.constant 1 : i32
        %shift_right_logical3A_2365 = arith.shrui %and3A_2363, %shift_right_logical3A_2364 : i32
        %add3A_2366 = arith.addi %mul3A_2361, %shift_right_logical3A_2365 : i32
        %and3A_2367 = arith.constant 1 : i32
        %and3A_2368 = arith.andi %and3A_2357, %and3A_2367 : i32
        %mul3A_2369 = arith.constant 16 : i32
        %mul3A_2370 = arith.muli %and3A_2368, %mul3A_2369 : i32
        %mul3A_2371 = arith.constant 16 : i32
        %mul3A_2372 = vector.broadcast %mul3A_2371 : i32 to vector<16xi32>
        %mul3A_2373 = arith.muli %mul3A_2372, %and3A_7 : vector<16xi32>
        %add3A_2374 = vector.broadcast %add3A_2366 : i32 to vector<16xi32>
        %add3A_2375 = arith.addi %add3A_2374, %mul3A_2373 : vector<16xi32>
        %gather3A_2376 = tpu.vector_load_idx %arg4[%broadcast_in_dim3A_2232, %add3A_2375] : memref<8x1024xi32, #tpu.memory_space<vmem>>[vector<16xi32>, vector<16xi32>], vector<16xi32>,
        %shift_right_logical3A_2377 = vector.broadcast %mul3A_2370 : i32 to vector<16xi32>
        %shift_right_logical3A_2378 = arith.shrui %gather3A_2376, %shift_right_logical3A_2377 : vector<16xi32>
        %and3A_2379 = vector.broadcast %scan3A_13 : i32 to vector<16xi32>
        %and3A_2380 = arith.andi %shift_right_logical3A_2378, %and3A_2379 : vector<16xi32>
        %jit3A_2381 = arith.constant 2147483647 : i32
        %broadcast_in_dim3A_2382 = vector.broadcast %jit3A_2381 : i32 to vector<16xi32>
        %select_n3A_2383 = arith.select %lt3A_9, %and3A_2380, %broadcast_in_dim3A_2382 : vector<16xi1>, vector<16xi32>
        %sort3A_2384 = arith.constant dense<true> : vector<16xi1>
        %sort3A_2385, %sort3A_2386, %sort3A_2387 = tpu.sort %select_n3A_2264, %select_n3A_2264 masked %sort3A_2384 : (vector<16xi32>, vector<16xi32>, vector<16xi1>) -> (vector<16xi1>, vector<16xi32>, vector<16xi32>)
        %sort3A_2388 = arith.constant dense<true> : vector<16xi1>
        %sort3A_2389, %sort3A_2390, %sort3A_2391 = tpu.sort %select_n3A_2277, %select_n3A_2277 masked %sort3A_2388 : (vector<16xi32>, vector<16xi32>, vector<16xi1>) -> (vector<16xi1>, vector<16xi32>, vector<16xi32>)
        %sort3A_2392 = arith.constant dense<true> : vector<16xi1>
        %sort3A_2393, %sort3A_2394, %sort3A_2395 = tpu.sort %select_n3A_2290, %select_n3A_2290 masked %sort3A_2392 : (vector<16xi32>, vector<16xi32>, vector<16xi1>) -> (vector<16xi1>, vector<16xi32>, vector<16xi32>)
        %sort3A_2396 = arith.constant dense<true> : vector<16xi1>
        %sort3A_2397, %sort3A_2398, %sort3A_2399 = tpu.sort %select_n3A_2303, %select_n3A_2303 masked %sort3A_2396 : (vector<16xi32>, vector<16xi32>, vector<16xi1>) -> (vector<16xi1>, vector<16xi32>, vector<16xi32>)
        %sort3A_2400 = arith.constant dense<true> : vector<16xi1>
        %sort3A_2401, %sort3A_2402, %sort3A_2403 = tpu.sort %select_n3A_2316, %select_n3A_2316 masked %sort3A_2400 : (vector<16xi32>, vector<16xi32>, vector<16xi1>) -> (vector<16xi1>, vector<16xi32>, vector<16xi32>)
        %sort3A_2404 = arith.constant dense<true> : vector<16xi1>
        %sort3A_2405, %sort3A_2406, %sort3A_2407 = tpu.sort %select_n3A_2329, %select_n3A_2329 masked %sort3A_2404 : (vector<16xi32>, vector<16xi32>, vector<16xi1>) -> (vector<16xi1>, vector<16xi32>, vector<16xi32>)
        %sort3A_2408 = arith.constant dense<true> : vector<16xi1>
        %sort3A_2409, %sort3A_2410, %sort3A_2411 = tpu.sort %select_n3A_2342, %select_n3A_2342 masked %sort3A_2408 : (vector<16xi32>, vector<16xi32>, vector<16xi1>) -> (vector<16xi1>, vector<16xi32>, vector<16xi32>)
        %sort3A_2412 = arith.constant dense<true> : vector<16xi1>
        %sort3A_2413, %sort3A_2414, %sort3A_2415 = tpu.sort %select_n3A_2355, %select_n3A_2355 masked %sort3A_2412 : (vector<16xi32>, vector<16xi32>, vector<16xi1>) -> (vector<16xi1>, vector<16xi32>, vector<16xi32>)
        %sort3A_2416 = arith.constant dense<true> : vector<16xi1>
        %sort3A_2417, %sort3A_2418, %sort3A_2419 = tpu.sort %select_n3A_2383, %select_n3A_2383 masked %sort3A_2416 : (vector<16xi32>, vector<16xi32>, vector<16xi1>) -> (vector<16xi1>, vector<16xi32>, vector<16xi32>)
        %rev3A_2420 = arith.constant 15 : i32
        %rev3A_2421 = vector.broadcast %rev3A_2420 : i32 to vector<16xi32>
        %rev3A_2422 = tpu.iota {dimensions = array<i32: 0>} : vector<16xi32>
        %rev3A_2423 = arith.subi %rev3A_2421, %rev3A_2422 : vector<16xi32>
        %rev3A_2424 = tpu.dynamic_gather %sort3A_2390[%rev3A_2423] in [0] : vector<16xi32>, vector<16xi32> -> vector<16xi32>
        %min3A_2425 = arith.minsi %sort3A_2386, %rev3A_2424 : vector<16xi32>
        %max3A_2426 = arith.maxsi %sort3A_2386, %rev3A_2424 : vector<16xi32>
        %sort3A_2427 = arith.constant dense<true> : vector<16xi1>
        %sort3A_2428, %sort3A_2429, %sort3A_2430 = tpu.sort %min3A_2425, %min3A_2425 masked %sort3A_2427 : (vector<16xi32>, vector<16xi32>, vector<16xi1>) -> (vector<16xi1>, vector<16xi32>, vector<16xi32>)
        %min3A_2431 = arith.constant 2147483647 : i32
        %min3A_2432 = arith.constant 2147483647 : i32
        %min3A_2433 = arith.minsi %min3A_2431, %min3A_2432 : i32
        %reduce_min3A_2434 = arith.constant true
        %reduce_min3A_2435 = vector.broadcast %reduce_min3A_2434 : i1 to vector<16xi1>
        %reduce_min3A_2436 = arith.constant -2147483648 : i32
        %reduce_min3A_2437 = vector.broadcast %reduce_min3A_2436 : i32 to vector<16xi32>
        %reduce_min3A_2438 = arith.xori %max3A_2426, %reduce_min3A_2437 : vector<16xi32>
        %reduce_min3A_2439 = tpu.scan <min>, %reduce_min3A_2438 masked %reduce_min3A_2435 : vector<16xi32>, vector<16xi1> -> vector<16xi32>
        %reduce_min3A_2440 = arith.xori %reduce_min3A_2439, %reduce_min3A_2437 : vector<16xi32>
        %reduce_min3A_2441 = vector.extract %reduce_min3A_2440[15] : i32 from vector<16xi32>
        %min3A_2442 = arith.minsi %min3A_2433, %reduce_min3A_2441 : i32
        %rev3A_2443 = arith.constant 15 : i32
        %rev3A_2444 = vector.broadcast %rev3A_2443 : i32 to vector<16xi32>
        %rev3A_2445 = tpu.iota {dimensions = array<i32: 0>} : vector<16xi32>
        %rev3A_2446 = arith.subi %rev3A_2444, %rev3A_2445 : vector<16xi32>
        %rev3A_2447 = tpu.dynamic_gather %sort3A_2398[%rev3A_2446] in [0] : vector<16xi32>, vector<16xi32> -> vector<16xi32>
        %min3A_2448 = arith.minsi %sort3A_2394, %rev3A_2447 : vector<16xi32>
        %max3A_2449 = arith.maxsi %sort3A_2394, %rev3A_2447 : vector<16xi32>
        %sort3A_2450 = arith.constant dense<true> : vector<16xi1>
        %sort3A_2451, %sort3A_2452, %sort3A_2453 = tpu.sort %min3A_2448, %min3A_2448 masked %sort3A_2450 : (vector<16xi32>, vector<16xi32>, vector<16xi1>) -> (vector<16xi1>, vector<16xi32>, vector<16xi32>)
        %min3A_2454 = arith.constant 2147483647 : i32
        %min3A_2455 = arith.constant 2147483647 : i32
        %min3A_2456 = arith.minsi %min3A_2454, %min3A_2455 : i32
        %reduce_min3A_2457 = arith.constant true
        %reduce_min3A_2458 = vector.broadcast %reduce_min3A_2457 : i1 to vector<16xi1>
        %reduce_min3A_2459 = arith.constant -2147483648 : i32
        %reduce_min3A_2460 = vector.broadcast %reduce_min3A_2459 : i32 to vector<16xi32>
        %reduce_min3A_2461 = arith.xori %max3A_2449, %reduce_min3A_2460 : vector<16xi32>
        %reduce_min3A_2462 = tpu.scan <min>, %reduce_min3A_2461 masked %reduce_min3A_2458 : vector<16xi32>, vector<16xi1> -> vector<16xi32>
        %reduce_min3A_2463 = arith.xori %reduce_min3A_2462, %reduce_min3A_2460 : vector<16xi32>
        %reduce_min3A_2464 = vector.extract %reduce_min3A_2463[15] : i32 from vector<16xi32>
        %min3A_2465 = arith.minsi %min3A_2456, %reduce_min3A_2464 : i32
        %rev3A_2466 = arith.constant 15 : i32
        %rev3A_2467 = vector.broadcast %rev3A_2466 : i32 to vector<16xi32>
        %rev3A_2468 = tpu.iota {dimensions = array<i32: 0>} : vector<16xi32>
        %rev3A_2469 = arith.subi %rev3A_2467, %rev3A_2468 : vector<16xi32>
        %rev3A_2470 = tpu.dynamic_gather %sort3A_2406[%rev3A_2469] in [0] : vector<16xi32>, vector<16xi32> -> vector<16xi32>
        %min3A_2471 = arith.minsi %sort3A_2402, %rev3A_2470 : vector<16xi32>
        %max3A_2472 = arith.maxsi %sort3A_2402, %rev3A_2470 : vector<16xi32>
        %sort3A_2473 = arith.constant dense<true> : vector<16xi1>
        %sort3A_2474, %sort3A_2475, %sort3A_2476 = tpu.sort %min3A_2471, %min3A_2471 masked %sort3A_2473 : (vector<16xi32>, vector<16xi32>, vector<16xi1>) -> (vector<16xi1>, vector<16xi32>, vector<16xi32>)
        %min3A_2477 = arith.constant 2147483647 : i32
        %min3A_2478 = arith.constant 2147483647 : i32
        %min3A_2479 = arith.minsi %min3A_2477, %min3A_2478 : i32
        %reduce_min3A_2480 = arith.constant true
        %reduce_min3A_2481 = vector.broadcast %reduce_min3A_2480 : i1 to vector<16xi1>
        %reduce_min3A_2482 = arith.constant -2147483648 : i32
        %reduce_min3A_2483 = vector.broadcast %reduce_min3A_2482 : i32 to vector<16xi32>
        %reduce_min3A_2484 = arith.xori %max3A_2472, %reduce_min3A_2483 : vector<16xi32>
        %reduce_min3A_2485 = tpu.scan <min>, %reduce_min3A_2484 masked %reduce_min3A_2481 : vector<16xi32>, vector<16xi1> -> vector<16xi32>
        %reduce_min3A_2486 = arith.xori %reduce_min3A_2485, %reduce_min3A_2483 : vector<16xi32>
        %reduce_min3A_2487 = vector.extract %reduce_min3A_2486[15] : i32 from vector<16xi32>
        %min3A_2488 = arith.minsi %min3A_2479, %reduce_min3A_2487 : i32
        %rev3A_2489 = arith.constant 15 : i32
        %rev3A_2490 = vector.broadcast %rev3A_2489 : i32 to vector<16xi32>
        %rev3A_2491 = tpu.iota {dimensions = array<i32: 0>} : vector<16xi32>
        %rev3A_2492 = arith.subi %rev3A_2490, %rev3A_2491 : vector<16xi32>
        %rev3A_2493 = tpu.dynamic_gather %sort3A_2414[%rev3A_2492] in [0] : vector<16xi32>, vector<16xi32> -> vector<16xi32>
        %min3A_2494 = arith.minsi %sort3A_2410, %rev3A_2493 : vector<16xi32>
        %max3A_2495 = arith.maxsi %sort3A_2410, %rev3A_2493 : vector<16xi32>
        %sort3A_2496 = arith.constant dense<true> : vector<16xi1>
        %sort3A_2497, %sort3A_2498, %sort3A_2499 = tpu.sort %min3A_2494, %min3A_2494 masked %sort3A_2496 : (vector<16xi32>, vector<16xi32>, vector<16xi1>) -> (vector<16xi1>, vector<16xi32>, vector<16xi32>)
        %min3A_2500 = arith.constant 2147483647 : i32
        %min3A_2501 = arith.constant 2147483647 : i32
        %min3A_2502 = arith.minsi %min3A_2500, %min3A_2501 : i32
        %reduce_min3A_2503 = arith.constant true
        %reduce_min3A_2504 = vector.broadcast %reduce_min3A_2503 : i1 to vector<16xi1>
        %reduce_min3A_2505 = arith.constant -2147483648 : i32
        %reduce_min3A_2506 = vector.broadcast %reduce_min3A_2505 : i32 to vector<16xi32>
        %reduce_min3A_2507 = arith.xori %max3A_2495, %reduce_min3A_2506 : vector<16xi32>
        %reduce_min3A_2508 = tpu.scan <min>, %reduce_min3A_2507 masked %reduce_min3A_2504 : vector<16xi32>, vector<16xi1> -> vector<16xi32>
        %reduce_min3A_2509 = arith.xori %reduce_min3A_2508, %reduce_min3A_2506 : vector<16xi32>
        %reduce_min3A_2510 = vector.extract %reduce_min3A_2509[15] : i32 from vector<16xi32>
        %min3A_2511 = arith.minsi %min3A_2502, %reduce_min3A_2510 : i32
        %rev3A_2512 = arith.constant 15 : i32
        %rev3A_2513 = vector.broadcast %rev3A_2512 : i32 to vector<16xi32>
        %rev3A_2514 = tpu.iota {dimensions = array<i32: 0>} : vector<16xi32>
        %rev3A_2515 = arith.subi %rev3A_2513, %rev3A_2514 : vector<16xi32>
        %rev3A_2516 = tpu.dynamic_gather %sort3A_2452[%rev3A_2515] in [0] : vector<16xi32>, vector<16xi32> -> vector<16xi32>
        %min3A_2517 = arith.minsi %sort3A_2429, %rev3A_2516 : vector<16xi32>
        %max3A_2518 = arith.maxsi %sort3A_2429, %rev3A_2516 : vector<16xi32>
        %sort3A_2519 = arith.constant dense<true> : vector<16xi1>
        %sort3A_2520, %sort3A_2521, %sort3A_2522 = tpu.sort %min3A_2517, %min3A_2517 masked %sort3A_2519 : (vector<16xi32>, vector<16xi32>, vector<16xi1>) -> (vector<16xi1>, vector<16xi32>, vector<16xi32>)
        %min3A_2523 = arith.minsi %min3A_2442, %min3A_2465 : i32
        %reduce_min3A_2524 = arith.constant true
        %reduce_min3A_2525 = vector.broadcast %reduce_min3A_2524 : i1 to vector<16xi1>
        %reduce_min3A_2526 = arith.constant -2147483648 : i32
        %reduce_min3A_2527 = vector.broadcast %reduce_min3A_2526 : i32 to vector<16xi32>
        %reduce_min3A_2528 = arith.xori %max3A_2518, %reduce_min3A_2527 : vector<16xi32>
        %reduce_min3A_2529 = tpu.scan <min>, %reduce_min3A_2528 masked %reduce_min3A_2525 : vector<16xi32>, vector<16xi1> -> vector<16xi32>
        %reduce_min3A_2530 = arith.xori %reduce_min3A_2529, %reduce_min3A_2527 : vector<16xi32>
        %reduce_min3A_2531 = vector.extract %reduce_min3A_2530[15] : i32 from vector<16xi32>
        %min3A_2532 = arith.minsi %min3A_2523, %reduce_min3A_2531 : i32
        %rev3A_2533 = arith.constant 15 : i32
        %rev3A_2534 = vector.broadcast %rev3A_2533 : i32 to vector<16xi32>
        %rev3A_2535 = tpu.iota {dimensions = array<i32: 0>} : vector<16xi32>
        %rev3A_2536 = arith.subi %rev3A_2534, %rev3A_2535 : vector<16xi32>
        %rev3A_2537 = tpu.dynamic_gather %sort3A_2498[%rev3A_2536] in [0] : vector<16xi32>, vector<16xi32> -> vector<16xi32>
        %min3A_2538 = arith.minsi %sort3A_2475, %rev3A_2537 : vector<16xi32>
        %max3A_2539 = arith.maxsi %sort3A_2475, %rev3A_2537 : vector<16xi32>
        %sort3A_2540 = arith.constant dense<true> : vector<16xi1>
        %sort3A_2541, %sort3A_2542, %sort3A_2543 = tpu.sort %min3A_2538, %min3A_2538 masked %sort3A_2540 : (vector<16xi32>, vector<16xi32>, vector<16xi1>) -> (vector<16xi1>, vector<16xi32>, vector<16xi32>)
        %min3A_2544 = arith.minsi %min3A_2488, %min3A_2511 : i32
        %reduce_min3A_2545 = arith.constant true
        %reduce_min3A_2546 = vector.broadcast %reduce_min3A_2545 : i1 to vector<16xi1>
        %reduce_min3A_2547 = arith.constant -2147483648 : i32
        %reduce_min3A_2548 = vector.broadcast %reduce_min3A_2547 : i32 to vector<16xi32>
        %reduce_min3A_2549 = arith.xori %max3A_2539, %reduce_min3A_2548 : vector<16xi32>
        %reduce_min3A_2550 = tpu.scan <min>, %reduce_min3A_2549 masked %reduce_min3A_2546 : vector<16xi32>, vector<16xi1> -> vector<16xi32>
        %reduce_min3A_2551 = arith.xori %reduce_min3A_2550, %reduce_min3A_2548 : vector<16xi32>
        %reduce_min3A_2552 = vector.extract %reduce_min3A_2551[15] : i32 from vector<16xi32>
        %min3A_2553 = arith.minsi %min3A_2544, %reduce_min3A_2552 : i32
        %rev3A_2554 = arith.constant 15 : i32
        %rev3A_2555 = vector.broadcast %rev3A_2554 : i32 to vector<16xi32>
        %rev3A_2556 = tpu.iota {dimensions = array<i32: 0>} : vector<16xi32>
        %rev3A_2557 = arith.subi %rev3A_2555, %rev3A_2556 : vector<16xi32>
        %rev3A_2558 = tpu.dynamic_gather %sort3A_2542[%rev3A_2557] in [0] : vector<16xi32>, vector<16xi32> -> vector<16xi32>
        %min3A_2559 = arith.minsi %sort3A_2521, %rev3A_2558 : vector<16xi32>
        %max3A_2560 = arith.maxsi %sort3A_2521, %rev3A_2558 : vector<16xi32>
        %sort3A_2561 = arith.constant dense<true> : vector<16xi1>
        %sort3A_2562, %sort3A_2563, %sort3A_2564 = tpu.sort %min3A_2559, %min3A_2559 masked %sort3A_2561 : (vector<16xi32>, vector<16xi32>, vector<16xi1>) -> (vector<16xi1>, vector<16xi32>, vector<16xi32>)
        %min3A_2565 = arith.minsi %min3A_2532, %min3A_2553 : i32
        %reduce_min3A_2566 = arith.constant true
        %reduce_min3A_2567 = vector.broadcast %reduce_min3A_2566 : i1 to vector<16xi1>
        %reduce_min3A_2568 = arith.constant -2147483648 : i32
        %reduce_min3A_2569 = vector.broadcast %reduce_min3A_2568 : i32 to vector<16xi32>
        %reduce_min3A_2570 = arith.xori %max3A_2560, %reduce_min3A_2569 : vector<16xi32>
        %reduce_min3A_2571 = tpu.scan <min>, %reduce_min3A_2570 masked %reduce_min3A_2567 : vector<16xi32>, vector<16xi1> -> vector<16xi32>
        %reduce_min3A_2572 = arith.xori %reduce_min3A_2571, %reduce_min3A_2569 : vector<16xi32>
        %reduce_min3A_2573 = vector.extract %reduce_min3A_2572[15] : i32 from vector<16xi32>
        %min3A_2574 = arith.minsi %min3A_2565, %reduce_min3A_2573 : i32
        %rev3A_2575 = arith.constant 15 : i32
        %rev3A_2576 = vector.broadcast %rev3A_2575 : i32 to vector<16xi32>
        %rev3A_2577 = tpu.iota {dimensions = array<i32: 0>} : vector<16xi32>
        %rev3A_2578 = arith.subi %rev3A_2576, %rev3A_2577 : vector<16xi32>
        %rev3A_2579 = tpu.dynamic_gather %sort3A_2418[%rev3A_2578] in [0] : vector<16xi32>, vector<16xi32> -> vector<16xi32>
        %min3A_2580 = arith.minsi %sort3A_2563, %rev3A_2579 : vector<16xi32>
        %max3A_2581 = arith.maxsi %sort3A_2563, %rev3A_2579 : vector<16xi32>
        %sort3A_2582 = arith.constant dense<true> : vector<16xi1>
        %sort3A_2583, %sort3A_2584, %sort3A_2585 = tpu.sort %min3A_2580, %min3A_2580 masked %sort3A_2582 : (vector<16xi32>, vector<16xi32>, vector<16xi1>) -> (vector<16xi1>, vector<16xi32>, vector<16xi32>)
        %min3A_2586 = arith.constant 2147483647 : i32
        %min3A_2587 = arith.minsi %min3A_2574, %min3A_2586 : i32
        %reduce_min3A_2588 = arith.constant true
        %reduce_min3A_2589 = vector.broadcast %reduce_min3A_2588 : i1 to vector<16xi1>
        %reduce_min3A_2590 = arith.constant -2147483648 : i32
        %reduce_min3A_2591 = vector.broadcast %reduce_min3A_2590 : i32 to vector<16xi32>
        %reduce_min3A_2592 = arith.xori %max3A_2581, %reduce_min3A_2591 : vector<16xi32>
        %reduce_min3A_2593 = tpu.scan <min>, %reduce_min3A_2592 masked %reduce_min3A_2589 : vector<16xi32>, vector<16xi1> -> vector<16xi32>
        %reduce_min3A_2594 = arith.xori %reduce_min3A_2593, %reduce_min3A_2591 : vector<16xi32>
        %reduce_min3A_2595 = vector.extract %reduce_min3A_2594[15] : i32 from vector<16xi32>
        %min3A_2596 = arith.minsi %min3A_2587, %reduce_min3A_2595 : i32
        %shift_left3A_2597 = arith.constant 16 : i32
        %shift_left3A_2598 = arith.shli %min3A_2596, %shift_left3A_2597 : i32
        %broadcast_in_dim3A_2599 = vector.broadcast %shift_left3A_2598 : i32 to vector<16xi32>
        %bitcast3A_2600 = vector.bitcast %broadcast_in_dim3A_2599 : vector<16xi32> to vector<16xf32>
        %swap3A_2601 = arith.index_cast %add3A_1340 : i32 to index
        %swap3A_2602 = arith.constant 1 : index
        %swap3A_2603 = tpu.vector_load %arg6[%swap3A_2601, %swap3A_2602] {strides = array<i32>} : memref<64x17xf32, #tpu.memory_space<vmem>>, vector<16xf32>,
        tpu.vector_store %arg6[%swap3A_2601, %swap3A_2602], %bitcast3A_2600 {strides = array<i32>} : memref<64x17xf32, #tpu.memory_space<vmem>>, vector<16xf32>,
        %shift_left3A_2604 = arith.constant 16 : i32
        %shift_left3A_2605 = vector.broadcast %shift_left3A_2604 : i32 to vector<16xi32>
        %shift_left3A_2606 = arith.shli %sort3A_2584, %shift_left3A_2605 : vector<16xi32>
        %bitcast3A_2607 = vector.bitcast %shift_left3A_2606 : vector<16xi32> to vector<16xf32>
        %swap3A_2608 = arith.index_cast %add3A_1340 : i32 to index
        %swap3A_2609 = arith.constant 0 : index
        %swap3A_2610 = tpu.vector_load %arg6[%swap3A_2608, %swap3A_2609] {strides = array<i32>} : memref<64x17xf32, #tpu.memory_space<vmem>>, vector<16xf32>,
        tpu.vector_store %arg6[%swap3A_2608, %swap3A_2609], %bitcast3A_2607 {strides = array<i32>} : memref<64x17xf32, #tpu.memory_space<vmem>>, vector<16xf32>,
      }
      %scan3A_44 = arith.constant 4 : i32
      %dma_wait3A_45 = arith.constant 0 : i32
      %dma_wait3A_46 = arith.constant 0 : i32
      %dma_wait3A_47 = tpu.memref_slice %arg2[%dma_wait3A_45, %dma_wait3A_46] : memref<2048x1024xi32, #tpu.memory_space<hbm>> -> memref<8x1024xi32, #tpu.memory_space<hbm>>
      %dma_wait3A_48 = arith.constant 0 : i32
      %dma_wait3A_49 = arith.constant 0 : i32
      %dma_wait3A_50 = tpu.memref_slice %arg2[%dma_wait3A_48, %dma_wait3A_49] : memref<2048x1024xi32, #tpu.memory_space<hbm>> -> memref<8x1024xi32, #tpu.memory_space<hbm>>
      tpu.wait_dma2 semaphore(%arg8 : memref<!tpu.dma_semaphore, #tpu.memory_space<semaphore_mem>>) src(%dma_wait3A_50 : memref<8x1024xi32, #tpu.memory_space<hbm>>) dst(%arg4 : memref<8x1024xi32, #tpu.memory_space<vmem>>)
      %add3A_51 = arith.constant 16 : i32
      %add3A_52 = arith.addi %add3A_27, %add3A_51 : i32
      %min3A = arith.constant 2040 : i32
      %min3A_53 = arith.minsi %add3A_52, %min3A : i32
      %dma_start3A_54 = arith.constant 0 : i32
      %dma_start3A_55 = tpu.memref_slice %arg2[%min3A_53, %dma_start3A_54] : memref<2048x1024xi32, #tpu.memory_space<hbm>> -> memref<8x1024xi32, #tpu.memory_space<hbm>>
      %dma_start3A_56 = arith.constant 0 : i32
      %dma_start3A_57 = tpu.memref_slice %arg2[%min3A_53, %dma_start3A_56] : memref<2048x1024xi32, #tpu.memory_space<hbm>> -> memref<8x1024xi32, #tpu.memory_space<hbm>>
      tpu.enqueue_dma source(%dma_start3A_57 : memref<8x1024xi32, #tpu.memory_space<hbm>>) target(%arg4 : memref<8x1024xi32, #tpu.memory_space<vmem>>) target_semaphore(%arg7 : memref<!tpu.dma_semaphore, #tpu.memory_space<semaphore_mem>>)
      %scan3A_58 = arith.constant 0 : i32
      %scan3A_59 = arith.constant 4 : i32
      %scan3A_60 = arith.addi %scan3A_58, %scan3A_59 : i32
      %scan3A_61 = arith.constant 1 : i32
      scf.for %scan3A_63 = %scan3A_58 to %scan3A_60 step %scan3A_61  : i32 {
        %mul3A_64 = arith.constant 2 : i32
        %mul3A_65 = arith.muli %mul3A_64, %scan3A_63 : i32
        %add3A_66 = arith.constant 0 : i32
        %add3A_67 = arith.addi %mul3A_65, %add3A_66 : i32
        %mul3A_68 = arith.constant 16 : i32
        %mul3A_69 = arith.muli %scan3A_24, %mul3A_68 : i32
        %add3A_70 = arith.constant 8 : i32
        %add3A_71 = arith.addi %mul3A_69, %add3A_70 : i32
        %mul3A_72 = arith.constant 2 : i32
        %mul3A_73 = arith.muli %mul3A_72, %scan3A_63 : i32
        %add3A_74 = arith.addi %add3A_71, %mul3A_73 : i32
        %add3A_75 = arith.constant 0 : i32
        %add3A_76 = arith.addi %add3A_74, %add3A_75 : i32
        %get3A = arith.index_cast %add3A_67 : i32 to index
        %get3A_77 = arith.constant 0 : index
        %get3A_78 = tpu.vector_load %arg5[%get3A, %get3A_77] {strides = array<i32>} : memref<8x1024xi32, #tpu.memory_space<vmem>>, vector<16xi32>,
        %bitcast3A = vector.bitcast %get3A_78 : vector<16xi32> to vector<32xi16>
        %get3A_79 = arith.index_cast %add3A_67 : i32 to index
        %get3A_80 = arith.constant 16 : index
        %get3A_81 = tpu.vector_load %arg5[%get3A_79, %get3A_80] {strides = array<i32>} : memref<8x1024xi32, #tpu.memory_space<vmem>>, vector<16xi32>,
        %bitcast3A_82 = vector.bitcast %get3A_81 : vector<16xi32> to vector<32xi16>
        %get3A_83 = arith.index_cast %add3A_67 : i32 to index
        %get3A_84 = arith.constant 32 : index
        %get3A_85 = tpu.vector_load %arg5[%get3A_83, %get3A_84] {strides = array<i32>} : memref<8x1024xi32, #tpu.memory_space<vmem>>, vector<16xi32>,
        %bitcast3A_86 = vector.bitcast %get3A_85 : vector<16xi32> to vector<32xi16>
        %get3A_87 = arith.index_cast %add3A_67 : i32 to index
        %get3A_88 = arith.constant 48 : index
        %get3A_89 = tpu.vector_load %arg5[%get3A_87, %get3A_88] {strides = array<i32>} : memref<8x1024xi32, #tpu.memory_space<vmem>>, vector<16xi32>,
        %bitcast3A_90 = vector.bitcast %get3A_89 : vector<16xi32> to vector<32xi16>
        %get3A_91 = arith.index_cast %add3A_67 : i32 to index
        %get3A_92 = arith.constant 64 : index
        %get3A_93 = tpu.vector_load %arg5[%get3A_91, %get3A_92] {strides = array<i32>} : memref<8x1024xi32, #tpu.memory_space<vmem>>, vector<16xi32>,
        %bitcast3A_94 = vector.bitcast %get3A_93 : vector<16xi32> to vector<32xi16>
        %get3A_95 = arith.index_cast %add3A_67 : i32 to index
        %get3A_96 = arith.constant 80 : index
        %get3A_97 = tpu.vector_load %arg5[%get3A_95, %get3A_96] {strides = array<i32>} : memref<8x1024xi32, #tpu.memory_space<vmem>>, vector<16xi32>,
        %bitcast3A_98 = vector.bitcast %get3A_97 : vector<16xi32> to vector<32xi16>
        %get3A_99 = arith.index_cast %add3A_67 : i32 to index
        %get3A_100 = arith.constant 96 : index
        %get3A_101 = tpu.vector_load %arg5[%get3A_99, %get3A_100] {strides = array<i32>} : memref<8x1024xi32, #tpu.memory_space<vmem>>, vector<16xi32>,
        %bitcast3A_102 = vector.bitcast %get3A_101 : vector<16xi32> to vector<32xi16>
        %get3A_103 = arith.index_cast %add3A_67 : i32 to index
        %get3A_104 = arith.constant 112 : index
        %get3A_105 = tpu.vector_load %arg5[%get3A_103, %get3A_104] {strides = array<i32>} : memref<8x1024xi32, #tpu.memory_space<vmem>>, vector<16xi32>,
        %bitcast3A_106 = vector.bitcast %get3A_105 : vector<16xi32> to vector<32xi16>
        %min3A_107 = arith.minsi %bitcast3A, %bitcast3A_82 : vector<32xi16>
        %min3A_108 = arith.minsi %bitcast3A_86, %bitcast3A_90 : vector<32xi16>
        %min3A_109 = arith.minsi %bitcast3A_94, %bitcast3A_98 : vector<32xi16>
        %min3A_110 = arith.minsi %bitcast3A_102, %bitcast3A_106 : vector<32xi16>
        %min3A_111 = arith.minsi %min3A_107, %min3A_108 : vector<32xi16>
        %min3A_112 = arith.minsi %min3A_109, %min3A_110 : vector<32xi16>
        %min3A_113 = arith.minsi %min3A_111, %min3A_112 : vector<32xi16>
        %get3A_114 = arith.index_cast %add3A_67 : i32 to index
        %get3A_115 = arith.constant 128 : index
        %get3A_116 = tpu.vector_load %arg5[%get3A_114, %get3A_115] {strides = array<i32>} : memref<8x1024xi32, #tpu.memory_space<vmem>>, vector<16xi32>,
        %bitcast3A_117 = vector.bitcast %get3A_116 : vector<16xi32> to vector<32xi16>
        %get3A_118 = arith.index_cast %add3A_67 : i32 to index
        %get3A_119 = arith.constant 144 : index
        %get3A_120 = tpu.vector_load %arg5[%get3A_118, %get3A_119] {strides = array<i32>} : memref<8x1024xi32, #tpu.memory_space<vmem>>, vector<16xi32>,
        %bitcast3A_121 = vector.bitcast %get3A_120 : vector<16xi32> to vector<32xi16>
        %get3A_122 = arith.index_cast %add3A_67 : i32 to index
        %get3A_123 = arith.constant 160 : index
        %get3A_124 = tpu.vector_load %arg5[%get3A_122, %get3A_123] {strides = array<i32>} : memref<8x1024xi32, #tpu.memory_space<vmem>>, vector<16xi32>,
        %bitcast3A_125 = vector.bitcast %get3A_124 : vector<16xi32> to vector<32xi16>
        %get3A_126 = arith.index_cast %add3A_67 : i32 to index
        %get3A_127 = arith.constant 176 : index
        %get3A_128 = tpu.vector_load %arg5[%get3A_126, %get3A_127] {strides = array<i32>} : memref<8x1024xi32, #tpu.memory_space<vmem>>, vector<16xi32>,
        %bitcast3A_129 = vector.bitcast %get3A_128 : vector<16xi32> to vector<32xi16>
        %get3A_130 = arith.index_cast %add3A_67 : i32 to index
        %get3A_131 = arith.constant 192 : index
        %get3A_132 = tpu.vector_load %arg5[%get3A_130, %get3A_131] {strides = array<i32>} : memref<8x1024xi32, #tpu.memory_space<vmem>>, vector<16xi32>,
        %bitcast3A_133 = vector.bitcast %get3A_132 : vector<16xi32> to vector<32xi16>
        %get3A_134 = arith.index_cast %add3A_67 : i32 to index
        %get3A_135 = arith.constant 208 : index
        %get3A_136 = tpu.vector_load %arg5[%get3A_134, %get3A_135] {strides = array<i32>} : memref<8x1024xi32, #tpu.memory_space<vmem>>, vector<16xi32>,
        %bitcast3A_137 = vector.bitcast %get3A_136 : vector<16xi32> to vector<32xi16>
        %get3A_138 = arith.index_cast %add3A_67 : i32 to index
        %get3A_139 = arith.constant 224 : index
        %get3A_140 = tpu.vector_load %arg5[%get3A_138, %get3A_139] {strides = array<i32>} : memref<8x1024xi32, #tpu.memory_space<vmem>>, vector<16xi32>,
        %bitcast3A_141 = vector.bitcast %get3A_140 : vector<16xi32> to vector<32xi16>
        %get3A_142 = arith.index_cast %add3A_67 : i32 to index
        %get3A_143 = arith.constant 240 : index
        %get3A_144 = tpu.vector_load %arg5[%get3A_142, %get3A_143] {strides = array<i32>} : memref<8x1024xi32, #tpu.memory_space<vmem>>, vector<16xi32>,
        %bitcast3A_145 = vector.bitcast %get3A_144 : vector<16xi32> to vector<32xi16>
        %min3A_146 = arith.minsi %bitcast3A_117, %bitcast3A_121 : vector<32xi16>
        %min3A_147 = arith.minsi %bitcast3A_125, %bitcast3A_129 : vector<32xi16>
        %min3A_148 = arith.minsi %bitcast3A_133, %bitcast3A_137 : vector<32xi16>
        %min3A_149 = arith.minsi %bitcast3A_141, %bitcast3A_145 : vector<32xi16>
        %min3A_150 = arith.minsi %min3A_146, %min3A_147 : vector<32xi16>
        %min3A_151 = arith.minsi %min3A_148, %min3A_149 : vector<32xi16>
        %min3A_152 = arith.minsi %min3A_150, %min3A_151 : vector<32xi16>
        %get3A_153 = arith.index_cast %add3A_67 : i32 to index
        %get3A_154 = arith.constant 256 : index
        %get3A_155 = tpu.vector_load %arg5[%get3A_153, %get3A_154] {strides = array<i32>} : memref<8x1024xi32, #tpu.memory_space<vmem>>, vector<16xi32>,
        %bitcast3A_156 = vector.bitcast %get3A_155 : vector<16xi32> to vector<32xi16>
        %get3A_157 = arith.index_cast %add3A_67 : i32 to index
        %get3A_158 = arith.constant 272 : index
        %get3A_159 = tpu.vector_load %arg5[%get3A_157, %get3A_158] {strides = array<i32>} : memref<8x1024xi32, #tpu.memory_space<vmem>>, vector<16xi32>,
        %bitcast3A_160 = vector.bitcast %get3A_159 : vector<16xi32> to vector<32xi16>
        %get3A_161 = arith.index_cast %add3A_67 : i32 to index
        %get3A_162 = arith.constant 288 : index
        %get3A_163 = tpu.vector_load %arg5[%get3A_161, %get3A_162] {strides = array<i32>} : memref<8x1024xi32, #tpu.memory_space<vmem>>, vector<16xi32>,
        %bitcast3A_164 = vector.bitcast %get3A_163 : vector<16xi32> to vector<32xi16>
        %get3A_165 = arith.index_cast %add3A_67 : i32 to index
        %get3A_166 = arith.constant 304 : index
        %get3A_167 = tpu.vector_load %arg5[%get3A_165, %get3A_166] {strides = array<i32>} : memref<8x1024xi32, #tpu.memory_space<vmem>>, vector<16xi32>,
        %bitcast3A_168 = vector.bitcast %get3A_167 : vector<16xi32> to vector<32xi16>
        %get3A_169 = arith.index_cast %add3A_67 : i32 to index
        %get3A_170 = arith.constant 320 : index
        %get3A_171 = tpu.vector_load %arg5[%get3A_169, %get3A_170] {strides = array<i32>} : memref<8x1024xi32, #tpu.memory_space<vmem>>, vector<16xi32>,
        %bitcast3A_172 = vector.bitcast %get3A_171 : vector<16xi32> to vector<32xi16>
        %get3A_173 = arith.index_cast %add3A_67 : i32 to index
        %get3A_174 = arith.constant 336 : index
        %get3A_175 = tpu.vector_load %arg5[%get3A_173, %get3A_174] {strides = array<i32>} : memref<8x1024xi32, #tpu.memory_space<vmem>>, vector<16xi32>,
        %bitcast3A_176 = vector.bitcast %get3A_175 : vector<16xi32> to vector<32xi16>
        %get3A_177 = arith.index_cast %add3A_67 : i32 to index
        %get3A_178 = arith.constant 352 : index
        %get3A_179 = tpu.vector_load %arg5[%get3A_177, %get3A_178] {strides = array<i32>} : memref<8x1024xi32, #tpu.memory_space<vmem>>, vector<16xi32>,
        %bitcast3A_180 = vector.bitcast %get3A_179 : vector<16xi32> to vector<32xi16>
        %get3A_181 = arith.index_cast %add3A_67 : i32 to index
        %get3A_182 = arith.constant 368 : index
        %get3A_183 = tpu.vector_load %arg5[%get3A_181, %get3A_182] {strides = array<i32>} : memref<8x1024xi32, #tpu.memory_space<vmem>>, vector<16xi32>,
        %bitcast3A_184 = vector.bitcast %get3A_183 : vector<16xi32> to vector<32xi16>
        %min3A_185 = arith.minsi %bitcast3A_156, %bitcast3A_160 : vector<32xi16>
        %min3A_186 = arith.minsi %bitcast3A_164, %bitcast3A_168 : vector<32xi16>
        %min3A_187 = arith.minsi %bitcast3A_172, %bitcast3A_176 : vector<32xi16>
        %min3A_188 = arith.minsi %bitcast3A_180, %bitcast3A_184 : vector<32xi16>
        %min3A_189 = arith.minsi %min3A_185, %min3A_186 : vector<32xi16>
        %min3A_190 = arith.minsi %min3A_187, %min3A_188 : vector<32xi16>
        %min3A_191 = arith.minsi %min3A_189, %min3A_190 : vector<32xi16>
        %get3A_192 = arith.index_cast %add3A_67 : i32 to index
        %get3A_193 = arith.constant 384 : index
        %get3A_194 = tpu.vector_load %arg5[%get3A_192, %get3A_193] {strides = array<i32>} : memref<8x1024xi32, #tpu.memory_space<vmem>>, vector<16xi32>,
        %bitcast3A_195 = vector.bitcast %get3A_194 : vector<16xi32> to vector<32xi16>
        %get3A_196 = arith.index_cast %add3A_67 : i32 to index
        %get3A_197 = arith.constant 400 : index
        %get3A_198 = tpu.vector_load %arg5[%get3A_196, %get3A_197] {strides = array<i32>} : memref<8x1024xi32, #tpu.memory_space<vmem>>, vector<16xi32>,
        %bitcast3A_199 = vector.bitcast %get3A_198 : vector<16xi32> to vector<32xi16>
        %get3A_200 = arith.index_cast %add3A_67 : i32 to index
        %get3A_201 = arith.constant 416 : index
        %get3A_202 = tpu.vector_load %arg5[%get3A_200, %get3A_201] {strides = array<i32>} : memref<8x1024xi32, #tpu.memory_space<vmem>>, vector<16xi32>,
        %bitcast3A_203 = vector.bitcast %get3A_202 : vector<16xi32> to vector<32xi16>
        %get3A_204 = arith.index_cast %add3A_67 : i32 to index
        %get3A_205 = arith.constant 432 : index
        %get3A_206 = tpu.vector_load %arg5[%get3A_204, %get3A_205] {strides = array<i32>} : memref<8x1024xi32, #tpu.memory_space<vmem>>, vector<16xi32>,
        %bitcast3A_207 = vector.bitcast %get3A_206 : vector<16xi32> to vector<32xi16>
        %get3A_208 = arith.index_cast %add3A_67 : i32 to index
        %get3A_209 = arith.constant 448 : index
        %get3A_210 = tpu.vector_load %arg5[%get3A_208, %get3A_209] {strides = array<i32>} : memref<8x1024xi32, #tpu.memory_space<vmem>>, vector<16xi32>,
        %bitcast3A_211 = vector.bitcast %get3A_210 : vector<16xi32> to vector<32xi16>
        %get3A_212 = arith.index_cast %add3A_67 : i32 to index
        %get3A_213 = arith.constant 464 : index
        %get3A_214 = tpu.vector_load %arg5[%get3A_212, %get3A_213] {strides = array<i32>} : memref<8x1024xi32, #tpu.memory_space<vmem>>, vector<16xi32>,
        %bitcast3A_215 = vector.bitcast %get3A_214 : vector<16xi32> to vector<32xi16>
        %get3A_216 = arith.index_cast %add3A_67 : i32 to index
        %get3A_217 = arith.constant 480 : index
        %get3A_218 = tpu.vector_load %arg5[%get3A_216, %get3A_217] {strides = array<i32>} : memref<8x1024xi32, #tpu.memory_space<vmem>>, vector<16xi32>,
        %bitcast3A_219 = vector.bitcast %get3A_218 : vector<16xi32> to vector<32xi16>
        %get3A_220 = arith.index_cast %add3A_67 : i32 to index
        %get3A_221 = arith.constant 496 : index
        %get3A_222 = tpu.vector_load %arg5[%get3A_220, %get3A_221] {strides = array<i32>} : memref<8x1024xi32, #tpu.memory_space<vmem>>, vector<16xi32>,
        %bitcast3A_223 = vector.bitcast %get3A_222 : vector<16xi32> to vector<32xi16>
        %min3A_224 = arith.minsi %bitcast3A_195, %bitcast3A_199 : vector<32xi16>
        %min3A_225 = arith.minsi %bitcast3A_203, %bitcast3A_207 : vector<32xi16>
        %min3A_226 = arith.minsi %bitcast3A_211, %bitcast3A_215 : vector<32xi16>
        %min3A_227 = arith.minsi %bitcast3A_219, %bitcast3A_223 : vector<32xi16>
        %min3A_228 = arith.minsi %min3A_224, %min3A_225 : vector<32xi16>
        %min3A_229 = arith.minsi %min3A_226, %min3A_227 : vector<32xi16>
        %min3A_230 = arith.minsi %min3A_228, %min3A_229 : vector<32xi16>
        %get3A_231 = arith.index_cast %add3A_67 : i32 to index
        %get3A_232 = arith.constant 512 : index
        %get3A_233 = tpu.vector_load %arg5[%get3A_231, %get3A_232] {strides = array<i32>} : memref<8x1024xi32, #tpu.memory_space<vmem>>, vector<16xi32>,
        %bitcast3A_234 = vector.bitcast %get3A_233 : vector<16xi32> to vector<32xi16>
        %get3A_235 = arith.index_cast %add3A_67 : i32 to index
        %get3A_236 = arith.constant 528 : index
        %get3A_237 = tpu.vector_load %arg5[%get3A_235, %get3A_236] {strides = array<i32>} : memref<8x1024xi32, #tpu.memory_space<vmem>>, vector<16xi32>,
        %bitcast3A_238 = vector.bitcast %get3A_237 : vector<16xi32> to vector<32xi16>
        %get3A_239 = arith.index_cast %add3A_67 : i32 to index
        %get3A_240 = arith.constant 544 : index
        %get3A_241 = tpu.vector_load %arg5[%get3A_239, %get3A_240] {strides = array<i32>} : memref<8x1024xi32, #tpu.memory_space<vmem>>, vector<16xi32>,
        %bitcast3A_242 = vector.bitcast %get3A_241 : vector<16xi32> to vector<32xi16>
        %get3A_243 = arith.index_cast %add3A_67 : i32 to index
        %get3A_244 = arith.constant 560 : index
        %get3A_245 = tpu.vector_load %arg5[%get3A_243, %get3A_244] {strides = array<i32>} : memref<8x1024xi32, #tpu.memory_space<vmem>>, vector<16xi32>,
        %bitcast3A_246 = vector.bitcast %get3A_245 : vector<16xi32> to vector<32xi16>
        %get3A_247 = arith.index_cast %add3A_67 : i32 to index
        %get3A_248 = arith.constant 576 : index
        %get3A_249 = tpu.vector_load %arg5[%get3A_247, %get3A_248] {strides = array<i32>} : memref<8x1024xi32, #tpu.memory_space<vmem>>, vector<16xi32>,
        %bitcast3A_250 = vector.bitcast %get3A_249 : vector<16xi32> to vector<32xi16>
        %get3A_251 = arith.index_cast %add3A_67 : i32 to index
        %get3A_252 = arith.constant 592 : index
        %get3A_253 = tpu.vector_load %arg5[%get3A_251, %get3A_252] {strides = array<i32>} : memref<8x1024xi32, #tpu.memory_space<vmem>>, vector<16xi32>,
        %bitcast3A_254 = vector.bitcast %get3A_253 : vector<16xi32> to vector<32xi16>
        %get3A_255 = arith.index_cast %add3A_67 : i32 to index
        %get3A_256 = arith.constant 608 : index
        %get3A_257 = tpu.vector_load %arg5[%get3A_255, %get3A_256] {strides = array<i32>} : memref<8x1024xi32, #tpu.memory_space<vmem>>, vector<16xi32>,
        %bitcast3A_258 = vector.bitcast %get3A_257 : vector<16xi32> to vector<32xi16>
        %get3A_259 = arith.index_cast %add3A_67 : i32 to index
        %get3A_260 = arith.constant 624 : index
        %get3A_261 = tpu.vector_load %arg5[%get3A_259, %get3A_260] {strides = array<i32>} : memref<8x1024xi32, #tpu.memory_space<vmem>>, vector<16xi32>,
        %bitcast3A_262 = vector.bitcast %get3A_261 : vector<16xi32> to vector<32xi16>
        %min3A_263 = arith.minsi %bitcast3A_234, %bitcast3A_238 : vector<32xi16>
        %min3A_264 = arith.minsi %bitcast3A_242, %bitcast3A_246 : vector<32xi16>
        %min3A_265 = arith.minsi %bitcast3A_250, %bitcast3A_254 : vector<32xi16>
        %min3A_266 = arith.minsi %bitcast3A_258, %bitcast3A_262 : vector<32xi16>
        %min3A_267 = arith.minsi %min3A_263, %min3A_264 : vector<32xi16>
        %min3A_268 = arith.minsi %min3A_265, %min3A_266 : vector<32xi16>
        %min3A_269 = arith.minsi %min3A_267, %min3A_268 : vector<32xi16>
        %get3A_270 = arith.index_cast %add3A_67 : i32 to index
        %get3A_271 = arith.constant 640 : index
        %get3A_272 = tpu.vector_load %arg5[%get3A_270, %get3A_271] {strides = array<i32>} : memref<8x1024xi32, #tpu.memory_space<vmem>>, vector<16xi32>,
        %bitcast3A_273 = vector.bitcast %get3A_272 : vector<16xi32> to vector<32xi16>
        %get3A_274 = arith.index_cast %add3A_67 : i32 to index
        %get3A_275 = arith.constant 656 : index
        %get3A_276 = tpu.vector_load %arg5[%get3A_274, %get3A_275] {strides = array<i32>} : memref<8x1024xi32, #tpu.memory_space<vmem>>, vector<16xi32>,
        %bitcast3A_277 = vector.bitcast %get3A_276 : vector<16xi32> to vector<32xi16>
        %get3A_278 = arith.index_cast %add3A_67 : i32 to index
        %get3A_279 = arith.constant 672 : index
        %get3A_280 = tpu.vector_load %arg5[%get3A_278, %get3A_279] {strides = array<i32>} : memref<8x1024xi32, #tpu.memory_space<vmem>>, vector<16xi32>,
        %bitcast3A_281 = vector.bitcast %get3A_280 : vector<16xi32> to vector<32xi16>
        %get3A_282 = arith.index_cast %add3A_67 : i32 to index
        %get3A_283 = arith.constant 688 : index
        %get3A_284 = tpu.vector_load %arg5[%get3A_282, %get3A_283] {strides = array<i32>} : memref<8x1024xi32, #tpu.memory_space<vmem>>, vector<16xi32>,
        %bitcast3A_285 = vector.bitcast %get3A_284 : vector<16xi32> to vector<32xi16>
        %get3A_286 = arith.index_cast %add3A_67 : i32 to index
        %get3A_287 = arith.constant 704 : index
        %get3A_288 = tpu.vector_load %arg5[%get3A_286, %get3A_287] {strides = array<i32>} : memref<8x1024xi32, #tpu.memory_space<vmem>>, vector<16xi32>,
        %bitcast3A_289 = vector.bitcast %get3A_288 : vector<16xi32> to vector<32xi16>
        %get3A_290 = arith.index_cast %add3A_67 : i32 to index
        %get3A_291 = arith.constant 720 : index
        %get3A_292 = tpu.vector_load %arg5[%get3A_290, %get3A_291] {strides = array<i32>} : memref<8x1024xi32, #tpu.memory_space<vmem>>, vector<16xi32>,
        %bitcast3A_293 = vector.bitcast %get3A_292 : vector<16xi32> to vector<32xi16>
        %get3A_294 = arith.index_cast %add3A_67 : i32 to index
        %get3A_295 = arith.constant 736 : index
        %get3A_296 = tpu.vector_load %arg5[%get3A_294, %get3A_295] {strides = array<i32>} : memref<8x1024xi32, #tpu.memory_space<vmem>>, vector<16xi32>,
        %bitcast3A_297 = vector.bitcast %get3A_296 : vector<16xi32> to vector<32xi16>
        %get3A_298 = arith.index_cast %add3A_67 : i32 to index
        %get3A_299 = arith.constant 752 : index
        %get3A_300 = tpu.vector_load %arg5[%get3A_298, %get3A_299] {strides = array<i32>} : memref<8x1024xi32, #tpu.memory_space<vmem>>, vector<16xi32>,
        %bitcast3A_301 = vector.bitcast %get3A_300 : vector<16xi32> to vector<32xi16>
        %min3A_302 = arith.minsi %bitcast3A_273, %bitcast3A_277 : vector<32xi16>
        %min3A_303 = arith.minsi %bitcast3A_281, %bitcast3A_285 : vector<32xi16>
        %min3A_304 = arith.minsi %bitcast3A_289, %bitcast3A_293 : vector<32xi16>
        %min3A_305 = arith.minsi %bitcast3A_297, %bitcast3A_301 : vector<32xi16>
        %min3A_306 = arith.minsi %min3A_302, %min3A_303 : vector<32xi16>
        %min3A_307 = arith.minsi %min3A_304, %min3A_305 : vector<32xi16>
        %min3A_308 = arith.minsi %min3A_306, %min3A_307 : vector<32xi16>
        %get3A_309 = arith.index_cast %add3A_67 : i32 to index
        %get3A_310 = arith.constant 768 : index
        %get3A_311 = tpu.vector_load %arg5[%get3A_309, %get3A_310] {strides = array<i32>} : memref<8x1024xi32, #tpu.memory_space<vmem>>, vector<16xi32>,
        %bitcast3A_312 = vector.bitcast %get3A_311 : vector<16xi32> to vector<32xi16>
        %get3A_313 = arith.index_cast %add3A_67 : i32 to index
        %get3A_314 = arith.constant 784 : index
        %get3A_315 = tpu.vector_load %arg5[%get3A_313, %get3A_314] {strides = array<i32>} : memref<8x1024xi32, #tpu.memory_space<vmem>>, vector<16xi32>,
        %bitcast3A_316 = vector.bitcast %get3A_315 : vector<16xi32> to vector<32xi16>
        %get3A_317 = arith.index_cast %add3A_67 : i32 to index
        %get3A_318 = arith.constant 800 : index
        %get3A_319 = tpu.vector_load %arg5[%get3A_317, %get3A_318] {strides = array<i32>} : memref<8x1024xi32, #tpu.memory_space<vmem>>, vector<16xi32>,
        %bitcast3A_320 = vector.bitcast %get3A_319 : vector<16xi32> to vector<32xi16>
        %get3A_321 = arith.index_cast %add3A_67 : i32 to index
        %get3A_322 = arith.constant 816 : index
        %get3A_323 = tpu.vector_load %arg5[%get3A_321, %get3A_322] {strides = array<i32>} : memref<8x1024xi32, #tpu.memory_space<vmem>>, vector<16xi32>,
        %bitcast3A_324 = vector.bitcast %get3A_323 : vector<16xi32> to vector<32xi16>
        %get3A_325 = arith.index_cast %add3A_67 : i32 to index
        %get3A_326 = arith.constant 832 : index
        %get3A_327 = tpu.vector_load %arg5[%get3A_325, %get3A_326] {strides = array<i32>} : memref<8x1024xi32, #tpu.memory_space<vmem>>, vector<16xi32>,
        %bitcast3A_328 = vector.bitcast %get3A_327 : vector<16xi32> to vector<32xi16>
        %get3A_329 = arith.index_cast %add3A_67 : i32 to index
        %get3A_330 = arith.constant 848 : index
        %get3A_331 = tpu.vector_load %arg5[%get3A_329, %get3A_330] {strides = array<i32>} : memref<8x1024xi32, #tpu.memory_space<vmem>>, vector<16xi32>,
        %bitcast3A_332 = vector.bitcast %get3A_331 : vector<16xi32> to vector<32xi16>
        %get3A_333 = arith.index_cast %add3A_67 : i32 to index
        %get3A_334 = arith.constant 864 : index
        %get3A_335 = tpu.vector_load %arg5[%get3A_333, %get3A_334] {strides = array<i32>} : memref<8x1024xi32, #tpu.memory_space<vmem>>, vector<16xi32>,
        %bitcast3A_336 = vector.bitcast %get3A_335 : vector<16xi32> to vector<32xi16>
        %get3A_337 = arith.index_cast %add3A_67 : i32 to index
        %get3A_338 = arith.constant 880 : index
        %get3A_339 = tpu.vector_load %arg5[%get3A_337, %get3A_338] {strides = array<i32>} : memref<8x1024xi32, #tpu.memory_space<vmem>>, vector<16xi32>,
        %bitcast3A_340 = vector.bitcast %get3A_339 : vector<16xi32> to vector<32xi16>
        %min3A_341 = arith.minsi %bitcast3A_312, %bitcast3A_316 : vector<32xi16>
        %min3A_342 = arith.minsi %bitcast3A_320, %bitcast3A_324 : vector<32xi16>
        %min3A_343 = arith.minsi %bitcast3A_328, %bitcast3A_332 : vector<32xi16>
        %min3A_344 = arith.minsi %bitcast3A_336, %bitcast3A_340 : vector<32xi16>
        %min3A_345 = arith.minsi %min3A_341, %min3A_342 : vector<32xi16>
        %min3A_346 = arith.minsi %min3A_343, %min3A_344 : vector<32xi16>
        %min3A_347 = arith.minsi %min3A_345, %min3A_346 : vector<32xi16>
        %get3A_348 = arith.index_cast %add3A_67 : i32 to index
        %get3A_349 = arith.constant 896 : index
        %get3A_350 = tpu.vector_load %arg5[%get3A_348, %get3A_349] {strides = array<i32>} : memref<8x1024xi32, #tpu.memory_space<vmem>>, vector<16xi32>,
        %bitcast3A_351 = vector.bitcast %get3A_350 : vector<16xi32> to vector<32xi16>
        %get3A_352 = arith.index_cast %add3A_67 : i32 to index
        %get3A_353 = arith.constant 912 : index
        %get3A_354 = tpu.vector_load %arg5[%get3A_352, %get3A_353] {strides = array<i32>} : memref<8x1024xi32, #tpu.memory_space<vmem>>, vector<16xi32>,
        %bitcast3A_355 = vector.bitcast %get3A_354 : vector<16xi32> to vector<32xi16>
        %get3A_356 = arith.index_cast %add3A_67 : i32 to index
        %get3A_357 = arith.constant 928 : index
        %get3A_358 = tpu.vector_load %arg5[%get3A_356, %get3A_357] {strides = array<i32>} : memref<8x1024xi32, #tpu.memory_space<vmem>>, vector<16xi32>,
        %bitcast3A_359 = vector.bitcast %get3A_358 : vector<16xi32> to vector<32xi16>
        %get3A_360 = arith.index_cast %add3A_67 : i32 to index
        %get3A_361 = arith.constant 944 : index
        %get3A_362 = tpu.vector_load %arg5[%get3A_360, %get3A_361] {strides = array<i32>} : memref<8x1024xi32, #tpu.memory_space<vmem>>, vector<16xi32>,
        %bitcast3A_363 = vector.bitcast %get3A_362 : vector<16xi32> to vector<32xi16>
        %get3A_364 = arith.index_cast %add3A_67 : i32 to index
        %get3A_365 = arith.constant 960 : index
        %get3A_366 = tpu.vector_load %arg5[%get3A_364, %get3A_365] {strides = array<i32>} : memref<8x1024xi32, #tpu.memory_space<vmem>>, vector<16xi32>,
        %bitcast3A_367 = vector.bitcast %get3A_366 : vector<16xi32> to vector<32xi16>
        %get3A_368 = arith.index_cast %add3A_67 : i32 to index
        %get3A_369 = arith.constant 976 : index
        %get3A_370 = tpu.vector_load %arg5[%get3A_368, %get3A_369] {strides = array<i32>} : memref<8x1024xi32, #tpu.memory_space<vmem>>, vector<16xi32>,
        %bitcast3A_371 = vector.bitcast %get3A_370 : vector<16xi32> to vector<32xi16>
        %get3A_372 = arith.index_cast %add3A_67 : i32 to index
        %get3A_373 = arith.constant 992 : index
        %get3A_374 = tpu.vector_load %arg5[%get3A_372, %get3A_373] {strides = array<i32>} : memref<8x1024xi32, #tpu.memory_space<vmem>>, vector<16xi32>,
        %bitcast3A_375 = vector.bitcast %get3A_374 : vector<16xi32> to vector<32xi16>
        %get3A_376 = arith.index_cast %add3A_67 : i32 to index
        %get3A_377 = arith.constant 1008 : index
        %get3A_378 = tpu.vector_load %arg5[%get3A_376, %get3A_377] {strides = array<i32>} : memref<8x1024xi32, #tpu.memory_space<vmem>>, vector<16xi32>,
        %bitcast3A_379 = vector.bitcast %get3A_378 : vector<16xi32> to vector<32xi16>
        %min3A_380 = arith.minsi %bitcast3A_351, %bitcast3A_355 : vector<32xi16>
        %min3A_381 = arith.minsi %bitcast3A_359, %bitcast3A_363 : vector<32xi16>
        %min3A_382 = arith.minsi %bitcast3A_367, %bitcast3A_371 : vector<32xi16>
        %min3A_383 = arith.minsi %bitcast3A_375, %bitcast3A_379 : vector<32xi16>
        %min3A_384 = arith.minsi %min3A_380, %min3A_381 : vector<32xi16>
        %min3A_385 = arith.minsi %min3A_382, %min3A_383 : vector<32xi16>
        %min3A_386 = arith.minsi %min3A_384, %min3A_385 : vector<32xi16>
        %bitcast3A_387 = vector.bitcast %min3A_113 : vector<32xi16> to vector<16xi32>
        %and3A_388 = vector.broadcast %scan3A_13 : i32 to vector<16xi32>
        %and3A_389 = arith.andi %bitcast3A_387, %and3A_388 : vector<16xi32>
        %shift_right_logical3A = arith.constant 16 : i32
        %shift_right_logical3A_390 = vector.broadcast %shift_right_logical3A : i32 to vector<16xi32>
        %shift_right_logical3A_391 = arith.shrui %bitcast3A_387, %shift_right_logical3A_390 : vector<16xi32>
        %shift_left3A = arith.constant 8 : i32
        %shift_left3A_392 = vector.broadcast %shift_left3A : i32 to vector<16xi32>
        %shift_left3A_393 = arith.shli %and3A_389, %shift_left3A_392 : vector<16xi32>
        %add3A_394 = arith.constant 0 : i32
        %add3A_395 = vector.broadcast %add3A_394 : i32 to vector<16xi32>
        %add3A_396 = arith.addi %mul3A_5, %add3A_395 : vector<16xi32>
        %or3A = arith.ori %shift_left3A_393, %add3A_396 : vector<16xi32>
        %shift_left3A_397 = arith.constant 8 : i32
        %shift_left3A_398 = vector.broadcast %shift_left3A_397 : i32 to vector<16xi32>
        %shift_left3A_399 = arith.shli %shift_right_logical3A_391, %shift_left3A_398 : vector<16xi32>
        %add3A_400 = arith.constant 0 : i32
        %add3A_401 = vector.broadcast %add3A_400 : i32 to vector<16xi32>
        %add3A_402 = arith.addi %mul3A_5, %add3A_401 : vector<16xi32>
        %add3A_403 = arith.constant 1 : i32
        %add3A_404 = vector.broadcast %add3A_403 : i32 to vector<16xi32>
        %add3A_405 = arith.addi %add3A_402, %add3A_404 : vector<16xi32>
        %or3A_406 = arith.ori %shift_left3A_399, %add3A_405 : vector<16xi32>
        %bitcast3A_407 = vector.bitcast %min3A_152 : vector<32xi16> to vector<16xi32>
        %and3A_408 = vector.broadcast %scan3A_13 : i32 to vector<16xi32>
        %and3A_409 = arith.andi %bitcast3A_407, %and3A_408 : vector<16xi32>
        %shift_right_logical3A_410 = arith.constant 16 : i32
        %shift_right_logical3A_411 = vector.broadcast %shift_right_logical3A_410 : i32 to vector<16xi32>
        %shift_right_logical3A_412 = arith.shrui %bitcast3A_407, %shift_right_logical3A_411 : vector<16xi32>
        %shift_left3A_413 = arith.constant 8 : i32
        %shift_left3A_414 = vector.broadcast %shift_left3A_413 : i32 to vector<16xi32>
        %shift_left3A_415 = arith.shli %and3A_409, %shift_left3A_414 : vector<16xi32>
        %add3A_416 = arith.constant 32 : i32
        %add3A_417 = vector.broadcast %add3A_416 : i32 to vector<16xi32>
        %add3A_418 = arith.addi %mul3A_5, %add3A_417 : vector<16xi32>
        %or3A_419 = arith.ori %shift_left3A_415, %add3A_418 : vector<16xi32>
        %shift_left3A_420 = arith.constant 8 : i32
        %shift_left3A_421 = vector.broadcast %shift_left3A_420 : i32 to vector<16xi32>
        %shift_left3A_422 = arith.shli %shift_right_logical3A_412, %shift_left3A_421 : vector<16xi32>
        %add3A_423 = arith.constant 32 : i32
        %add3A_424 = vector.broadcast %add3A_423 : i32 to vector<16xi32>
        %add3A_425 = arith.addi %mul3A_5, %add3A_424 : vector<16xi32>
        %add3A_426 = arith.constant 1 : i32
        %add3A_427 = vector.broadcast %add3A_426 : i32 to vector<16xi32>
        %add3A_428 = arith.addi %add3A_425, %add3A_427 : vector<16xi32>
        %or3A_429 = arith.ori %shift_left3A_422, %add3A_428 : vector<16xi32>
        %bitcast3A_430 = vector.bitcast %min3A_191 : vector<32xi16> to vector<16xi32>
        %and3A_431 = vector.broadcast %scan3A_13 : i32 to vector<16xi32>
        %and3A_432 = arith.andi %bitcast3A_430, %and3A_431 : vector<16xi32>
        %shift_right_logical3A_433 = arith.constant 16 : i32
        %shift_right_logical3A_434 = vector.broadcast %shift_right_logical3A_433 : i32 to vector<16xi32>
        %shift_right_logical3A_435 = arith.shrui %bitcast3A_430, %shift_right_logical3A_434 : vector<16xi32>
        %shift_left3A_436 = arith.constant 8 : i32
        %shift_left3A_437 = vector.broadcast %shift_left3A_436 : i32 to vector<16xi32>
        %shift_left3A_438 = arith.shli %and3A_432, %shift_left3A_437 : vector<16xi32>
        %add3A_439 = arith.constant 64 : i32
        %add3A_440 = vector.broadcast %add3A_439 : i32 to vector<16xi32>
        %add3A_441 = arith.addi %mul3A_5, %add3A_440 : vector<16xi32>
        %or3A_442 = arith.ori %shift_left3A_438, %add3A_441 : vector<16xi32>
        %shift_left3A_443 = arith.constant 8 : i32
        %shift_left3A_444 = vector.broadcast %shift_left3A_443 : i32 to vector<16xi32>
        %shift_left3A_445 = arith.shli %shift_right_logical3A_435, %shift_left3A_444 : vector<16xi32>
        %add3A_446 = arith.constant 64 : i32
        %add3A_447 = vector.broadcast %add3A_446 : i32 to vector<16xi32>
        %add3A_448 = arith.addi %mul3A_5, %add3A_447 : vector<16xi32>
        %add3A_449 = arith.constant 1 : i32
        %add3A_450 = vector.broadcast %add3A_449 : i32 to vector<16xi32>
        %add3A_451 = arith.addi %add3A_448, %add3A_450 : vector<16xi32>
        %or3A_452 = arith.ori %shift_left3A_445, %add3A_451 : vector<16xi32>
        %bitcast3A_453 = vector.bitcast %min3A_230 : vector<32xi16> to vector<16xi32>
        %and3A_454 = vector.broadcast %scan3A_13 : i32 to vector<16xi32>
        %and3A_455 = arith.andi %bitcast3A_453, %and3A_454 : vector<16xi32>
        %shift_right_logical3A_456 = arith.constant 16 : i32
        %shift_right_logical3A_457 = vector.broadcast %shift_right_logical3A_456 : i32 to vector<16xi32>
        %shift_right_logical3A_458 = arith.shrui %bitcast3A_453, %shift_right_logical3A_457 : vector<16xi32>
        %shift_left3A_459 = arith.constant 8 : i32
        %shift_left3A_460 = vector.broadcast %shift_left3A_459 : i32 to vector<16xi32>
        %shift_left3A_461 = arith.shli %and3A_455, %shift_left3A_460 : vector<16xi32>
        %add3A_462 = arith.constant 96 : i32
        %add3A_463 = vector.broadcast %add3A_462 : i32 to vector<16xi32>
        %add3A_464 = arith.addi %mul3A_5, %add3A_463 : vector<16xi32>
        %or3A_465 = arith.ori %shift_left3A_461, %add3A_464 : vector<16xi32>
        %shift_left3A_466 = arith.constant 8 : i32
        %shift_left3A_467 = vector.broadcast %shift_left3A_466 : i32 to vector<16xi32>
        %shift_left3A_468 = arith.shli %shift_right_logical3A_458, %shift_left3A_467 : vector<16xi32>
        %add3A_469 = arith.constant 96 : i32
        %add3A_470 = vector.broadcast %add3A_469 : i32 to vector<16xi32>
        %add3A_471 = arith.addi %mul3A_5, %add3A_470 : vector<16xi32>
        %add3A_472 = arith.constant 1 : i32
        %add3A_473 = vector.broadcast %add3A_472 : i32 to vector<16xi32>
        %add3A_474 = arith.addi %add3A_471, %add3A_473 : vector<16xi32>
        %or3A_475 = arith.ori %shift_left3A_468, %add3A_474 : vector<16xi32>
        %bitcast3A_476 = vector.bitcast %min3A_269 : vector<32xi16> to vector<16xi32>
        %and3A_477 = vector.broadcast %scan3A_13 : i32 to vector<16xi32>
        %and3A_478 = arith.andi %bitcast3A_476, %and3A_477 : vector<16xi32>
        %shift_right_logical3A_479 = arith.constant 16 : i32
        %shift_right_logical3A_480 = vector.broadcast %shift_right_logical3A_479 : i32 to vector<16xi32>
        %shift_right_logical3A_481 = arith.shrui %bitcast3A_476, %shift_right_logical3A_480 : vector<16xi32>
        %shift_left3A_482 = arith.constant 8 : i32
        %shift_left3A_483 = vector.broadcast %shift_left3A_482 : i32 to vector<16xi32>
        %shift_left3A_484 = arith.shli %and3A_478, %shift_left3A_483 : vector<16xi32>
        %add3A_485 = arith.constant 128 : i32
        %add3A_486 = vector.broadcast %add3A_485 : i32 to vector<16xi32>
        %add3A_487 = arith.addi %mul3A_5, %add3A_486 : vector<16xi32>
        %or3A_488 = arith.ori %shift_left3A_484, %add3A_487 : vector<16xi32>
        %shift_left3A_489 = arith.constant 8 : i32
        %shift_left3A_490 = vector.broadcast %shift_left3A_489 : i32 to vector<16xi32>
        %shift_left3A_491 = arith.shli %shift_right_logical3A_481, %shift_left3A_490 : vector<16xi32>
        %add3A_492 = arith.constant 128 : i32
        %add3A_493 = vector.broadcast %add3A_492 : i32 to vector<16xi32>
        %add3A_494 = arith.addi %mul3A_5, %add3A_493 : vector<16xi32>
        %add3A_495 = arith.constant 1 : i32
        %add3A_496 = vector.broadcast %add3A_495 : i32 to vector<16xi32>
        %add3A_497 = arith.addi %add3A_494, %add3A_496 : vector<16xi32>
        %or3A_498 = arith.ori %shift_left3A_491, %add3A_497 : vector<16xi32>
        %bitcast3A_499 = vector.bitcast %min3A_308 : vector<32xi16> to vector<16xi32>
        %and3A_500 = vector.broadcast %scan3A_13 : i32 to vector<16xi32>
        %and3A_501 = arith.andi %bitcast3A_499, %and3A_500 : vector<16xi32>
        %shift_right_logical3A_502 = arith.constant 16 : i32
        %shift_right_logical3A_503 = vector.broadcast %shift_right_logical3A_502 : i32 to vector<16xi32>
        %shift_right_logical3A_504 = arith.shrui %bitcast3A_499, %shift_right_logical3A_503 : vector<16xi32>
        %shift_left3A_505 = arith.constant 8 : i32
        %shift_left3A_506 = vector.broadcast %shift_left3A_505 : i32 to vector<16xi32>
        %shift_left3A_507 = arith.shli %and3A_501, %shift_left3A_506 : vector<16xi32>
        %add3A_508 = arith.constant 160 : i32
        %add3A_509 = vector.broadcast %add3A_508 : i32 to vector<16xi32>
        %add3A_510 = arith.addi %mul3A_5, %add3A_509 : vector<16xi32>
        %or3A_511 = arith.ori %shift_left3A_507, %add3A_510 : vector<16xi32>
        %shift_left3A_512 = arith.constant 8 : i32
        %shift_left3A_513 = vector.broadcast %shift_left3A_512 : i32 to vector<16xi32>
        %shift_left3A_514 = arith.shli %shift_right_logical3A_504, %shift_left3A_513 : vector<16xi32>
        %add3A_515 = arith.constant 160 : i32
        %add3A_516 = vector.broadcast %add3A_515 : i32 to vector<16xi32>
        %add3A_517 = arith.addi %mul3A_5, %add3A_516 : vector<16xi32>
        %add3A_518 = arith.constant 1 : i32
        %add3A_519 = vector.broadcast %add3A_518 : i32 to vector<16xi32>
        %add3A_520 = arith.addi %add3A_517, %add3A_519 : vector<16xi32>
        %or3A_521 = arith.ori %shift_left3A_514, %add3A_520 : vector<16xi32>
        %bitcast3A_522 = vector.bitcast %min3A_347 : vector<32xi16> to vector<16xi32>
        %and3A_523 = vector.broadcast %scan3A_13 : i32 to vector<16xi32>
        %and3A_524 = arith.andi %bitcast3A_522, %and3A_523 : vector<16xi32>
        %shift_right_logical3A_525 = arith.constant 16 : i32
        %shift_right_logical3A_526 = vector.broadcast %shift_right_logical3A_525 : i32 to vector<16xi32>
        %shift_right_logical3A_527 = arith.shrui %bitcast3A_522, %shift_right_logical3A_526 : vector<16xi32>
        %shift_left3A_528 = arith.constant 8 : i32
        %shift_left3A_529 = vector.broadcast %shift_left3A_528 : i32 to vector<16xi32>
        %shift_left3A_530 = arith.shli %and3A_524, %shift_left3A_529 : vector<16xi32>
        %add3A_531 = arith.constant 192 : i32
        %add3A_532 = vector.broadcast %add3A_531 : i32 to vector<16xi32>
        %add3A_533 = arith.addi %mul3A_5, %add3A_532 : vector<16xi32>
        %or3A_534 = arith.ori %shift_left3A_530, %add3A_533 : vector<16xi32>
        %shift_left3A_535 = arith.constant 8 : i32
        %shift_left3A_536 = vector.broadcast %shift_left3A_535 : i32 to vector<16xi32>
        %shift_left3A_537 = arith.shli %shift_right_logical3A_527, %shift_left3A_536 : vector<16xi32>
        %add3A_538 = arith.constant 192 : i32
        %add3A_539 = vector.broadcast %add3A_538 : i32 to vector<16xi32>
        %add3A_540 = arith.addi %mul3A_5, %add3A_539 : vector<16xi32>
        %add3A_541 = arith.constant 1 : i32
        %add3A_542 = vector.broadcast %add3A_541 : i32 to vector<16xi32>
        %add3A_543 = arith.addi %add3A_540, %add3A_542 : vector<16xi32>
        %or3A_544 = arith.ori %shift_left3A_537, %add3A_543 : vector<16xi32>
        %bitcast3A_545 = vector.bitcast %min3A_386 : vector<32xi16> to vector<16xi32>
        %and3A_546 = vector.broadcast %scan3A_13 : i32 to vector<16xi32>
        %and3A_547 = arith.andi %bitcast3A_545, %and3A_546 : vector<16xi32>
        %shift_right_logical3A_548 = arith.constant 16 : i32
        %shift_right_logical3A_549 = vector.broadcast %shift_right_logical3A_548 : i32 to vector<16xi32>
        %shift_right_logical3A_550 = arith.shrui %bitcast3A_545, %shift_right_logical3A_549 : vector<16xi32>
        %shift_left3A_551 = arith.constant 8 : i32
        %shift_left3A_552 = vector.broadcast %shift_left3A_551 : i32 to vector<16xi32>
        %shift_left3A_553 = arith.shli %and3A_547, %shift_left3A_552 : vector<16xi32>
        %add3A_554 = arith.constant 224 : i32
        %add3A_555 = vector.broadcast %add3A_554 : i32 to vector<16xi32>
        %add3A_556 = arith.addi %mul3A_5, %add3A_555 : vector<16xi32>
        %or3A_557 = arith.ori %shift_left3A_553, %add3A_556 : vector<16xi32>
        %shift_left3A_558 = arith.constant 8 : i32
        %shift_left3A_559 = vector.broadcast %shift_left3A_558 : i32 to vector<16xi32>
        %shift_left3A_560 = arith.shli %shift_right_logical3A_550, %shift_left3A_559 : vector<16xi32>
        %add3A_561 = arith.constant 224 : i32
        %add3A_562 = vector.broadcast %add3A_561 : i32 to vector<16xi32>
        %add3A_563 = arith.addi %mul3A_5, %add3A_562 : vector<16xi32>
        %add3A_564 = arith.constant 1 : i32
        %add3A_565 = vector.broadcast %add3A_564 : i32 to vector<16xi32>
        %add3A_566 = arith.addi %add3A_563, %add3A_565 : vector<16xi32>
        %or3A_567 = arith.ori %shift_left3A_560, %add3A_566 : vector<16xi32>
        %sort3A = arith.constant dense<true> : vector<16xi1>
        %sort3A_568, %sort3A_569, %sort3A_570 = tpu.sort %or3A, %or3A masked %sort3A : (vector<16xi32>, vector<16xi32>, vector<16xi1>) -> (vector<16xi1>, vector<16xi32>, vector<16xi32>)
        %sort3A_571 = arith.constant dense<true> : vector<16xi1>
        %sort3A_572, %sort3A_573, %sort3A_574 = tpu.sort %or3A_406, %or3A_406 masked %sort3A_571 : (vector<16xi32>, vector<16xi32>, vector<16xi1>) -> (vector<16xi1>, vector<16xi32>, vector<16xi32>)
        %sort3A_575 = arith.constant dense<true> : vector<16xi1>
        %sort3A_576, %sort3A_577, %sort3A_578 = tpu.sort %or3A_419, %or3A_419 masked %sort3A_575 : (vector<16xi32>, vector<16xi32>, vector<16xi1>) -> (vector<16xi1>, vector<16xi32>, vector<16xi32>)
        %sort3A_579 = arith.constant dense<true> : vector<16xi1>
        %sort3A_580, %sort3A_581, %sort3A_582 = tpu.sort %or3A_429, %or3A_429 masked %sort3A_579 : (vector<16xi32>, vector<16xi32>, vector<16xi1>) -> (vector<16xi1>, vector<16xi32>, vector<16xi32>)
        %sort3A_583 = arith.constant dense<true> : vector<16xi1>
        %sort3A_584, %sort3A_585, %sort3A_586 = tpu.sort %or3A_442, %or3A_442 masked %sort3A_583 : (vector<16xi32>, vector<16xi32>, vector<16xi1>) -> (vector<16xi1>, vector<16xi32>, vector<16xi32>)
        %sort3A_587 = arith.constant dense<true> : vector<16xi1>
        %sort3A_588, %sort3A_589, %sort3A_590 = tpu.sort %or3A_452, %or3A_452 masked %sort3A_587 : (vector<16xi32>, vector<16xi32>, vector<16xi1>) -> (vector<16xi1>, vector<16xi32>, vector<16xi32>)
        %sort3A_591 = arith.constant dense<true> : vector<16xi1>
        %sort3A_592, %sort3A_593, %sort3A_594 = tpu.sort %or3A_465, %or3A_465 masked %sort3A_591 : (vector<16xi32>, vector<16xi32>, vector<16xi1>) -> (vector<16xi1>, vector<16xi32>, vector<16xi32>)
        %sort3A_595 = arith.constant dense<true> : vector<16xi1>
        %sort3A_596, %sort3A_597, %sort3A_598 = tpu.sort %or3A_475, %or3A_475 masked %sort3A_595 : (vector<16xi32>, vector<16xi32>, vector<16xi1>) -> (vector<16xi1>, vector<16xi32>, vector<16xi32>)
        %sort3A_599 = arith.constant dense<true> : vector<16xi1>
        %sort3A_600, %sort3A_601, %sort3A_602 = tpu.sort %or3A_488, %or3A_488 masked %sort3A_599 : (vector<16xi32>, vector<16xi32>, vector<16xi1>) -> (vector<16xi1>, vector<16xi32>, vector<16xi32>)
        %sort3A_603 = arith.constant dense<true> : vector<16xi1>
        %sort3A_604, %sort3A_605, %sort3A_606 = tpu.sort %or3A_498, %or3A_498 masked %sort3A_603 : (vector<16xi32>, vector<16xi32>, vector<16xi1>) -> (vector<16xi1>, vector<16xi32>, vector<16xi32>)
        %sort3A_607 = arith.constant dense<true> : vector<16xi1>
        %sort3A_608, %sort3A_609, %sort3A_610 = tpu.sort %or3A_511, %or3A_511 masked %sort3A_607 : (vector<16xi32>, vector<16xi32>, vector<16xi1>) -> (vector<16xi1>, vector<16xi32>, vector<16xi32>)
        %sort3A_611 = arith.constant dense<true> : vector<16xi1>
        %sort3A_612, %sort3A_613, %sort3A_614 = tpu.sort %or3A_521, %or3A_521 masked %sort3A_611 : (vector<16xi32>, vector<16xi32>, vector<16xi1>) -> (vector<16xi1>, vector<16xi32>, vector<16xi32>)
        %sort3A_615 = arith.constant dense<true> : vector<16xi1>
        %sort3A_616, %sort3A_617, %sort3A_618 = tpu.sort %or3A_534, %or3A_534 masked %sort3A_615 : (vector<16xi32>, vector<16xi32>, vector<16xi1>) -> (vector<16xi1>, vector<16xi32>, vector<16xi32>)
        %sort3A_619 = arith.constant dense<true> : vector<16xi1>
        %sort3A_620, %sort3A_621, %sort3A_622 = tpu.sort %or3A_544, %or3A_544 masked %sort3A_619 : (vector<16xi32>, vector<16xi32>, vector<16xi1>) -> (vector<16xi1>, vector<16xi32>, vector<16xi32>)
        %sort3A_623 = arith.constant dense<true> : vector<16xi1>
        %sort3A_624, %sort3A_625, %sort3A_626 = tpu.sort %or3A_557, %or3A_557 masked %sort3A_623 : (vector<16xi32>, vector<16xi32>, vector<16xi1>) -> (vector<16xi1>, vector<16xi32>, vector<16xi32>)
        %sort3A_627 = arith.constant dense<true> : vector<16xi1>
        %sort3A_628, %sort3A_629, %sort3A_630 = tpu.sort %or3A_567, %or3A_567 masked %sort3A_627 : (vector<16xi32>, vector<16xi32>, vector<16xi1>) -> (vector<16xi1>, vector<16xi32>, vector<16xi32>)
        %rev3A = arith.constant 15 : i32
        %rev3A_631 = vector.broadcast %rev3A : i32 to vector<16xi32>
        %rev3A_632 = tpu.iota {dimensions = array<i32: 0>} : vector<16xi32>
        %rev3A_633 = arith.subi %rev3A_631, %rev3A_632 : vector<16xi32>
        %rev3A_634 = tpu.dynamic_gather %sort3A_573[%rev3A_633] in [0] : vector<16xi32>, vector<16xi32> -> vector<16xi32>
        %min3A_635 = arith.minsi %sort3A_569, %rev3A_634 : vector<16xi32>
        %max3A = arith.maxsi %sort3A_569, %rev3A_634 : vector<16xi32>
        %sort3A_636 = arith.constant dense<true> : vector<16xi1>
        %sort3A_637, %sort3A_638, %sort3A_639 = tpu.sort %min3A_635, %min3A_635 masked %sort3A_636 : (vector<16xi32>, vector<16xi32>, vector<16xi1>) -> (vector<16xi1>, vector<16xi32>, vector<16xi32>)
        %min3A_640 = arith.constant 2147483647 : i32
        %min3A_641 = arith.constant 2147483647 : i32
        %min3A_642 = arith.minsi %min3A_640, %min3A_641 : i32
        %reduce_min3A = arith.constant true
        %reduce_min3A_643 = vector.broadcast %reduce_min3A : i1 to vector<16xi1>
        %reduce_min3A_644 = arith.constant -2147483648 : i32
        %reduce_min3A_645 = vector.broadcast %reduce_min3A_644 : i32 to vector<16xi32>
        %reduce_min3A_646 = arith.xori %max3A, %reduce_min3A_645 : vector<16xi32>
        %reduce_min3A_647 = tpu.scan <min>, %reduce_min3A_646 masked %reduce_min3A_643 : vector<16xi32>, vector<16xi1> -> vector<16xi32>
        %reduce_min3A_648 = arith.xori %reduce_min3A_647, %reduce_min3A_645 : vector<16xi32>
        %reduce_min3A_649 = vector.extract %reduce_min3A_648[15] : i32 from vector<16xi32>
        %min3A_650 = arith.minsi %min3A_642, %reduce_min3A_649 : i32
        %rev3A_651 = arith.constant 15 : i32
        %rev3A_652 = vector.broadcast %rev3A_651 : i32 to vector<16xi32>
        %rev3A_653 = tpu.iota {dimensions = array<i32: 0>} : vector<16xi32>
        %rev3A_654 = arith.subi %rev3A_652, %rev3A_653 : vector<16xi32>
        %rev3A_655 = tpu.dynamic_gather %sort3A_581[%rev3A_654] in [0] : vector<16xi32>, vector<16xi32> -> vector<16xi32>
        %min3A_656 = arith.minsi %sort3A_577, %rev3A_655 : vector<16xi32>
        %max3A_657 = arith.maxsi %sort3A_577, %rev3A_655 : vector<16xi32>
        %sort3A_658 = arith.constant dense<true> : vector<16xi1>
        %sort3A_659, %sort3A_660, %sort3A_661 = tpu.sort %min3A_656, %min3A_656 masked %sort3A_658 : (vector<16xi32>, vector<16xi32>, vector<16xi1>) -> (vector<16xi1>, vector<16xi32>, vector<16xi32>)
        %min3A_662 = arith.constant 2147483647 : i32
        %min3A_663 = arith.constant 2147483647 : i32
        %min3A_664 = arith.minsi %min3A_662, %min3A_663 : i32
        %reduce_min3A_665 = arith.constant true
        %reduce_min3A_666 = vector.broadcast %reduce_min3A_665 : i1 to vector<16xi1>
        %reduce_min3A_667 = arith.constant -2147483648 : i32
        %reduce_min3A_668 = vector.broadcast %reduce_min3A_667 : i32 to vector<16xi32>
        %reduce_min3A_669 = arith.xori %max3A_657, %reduce_min3A_668 : vector<16xi32>
        %reduce_min3A_670 = tpu.scan <min>, %reduce_min3A_669 masked %reduce_min3A_666 : vector<16xi32>, vector<16xi1> -> vector<16xi32>
        %reduce_min3A_671 = arith.xori %reduce_min3A_670, %reduce_min3A_668 : vector<16xi32>
        %reduce_min3A_672 = vector.extract %reduce_min3A_671[15] : i32 from vector<16xi32>
        %min3A_673 = arith.minsi %min3A_664, %reduce_min3A_672 : i32
        %rev3A_674 = arith.constant 15 : i32
        %rev3A_675 = vector.broadcast %rev3A_674 : i32 to vector<16xi32>
        %rev3A_676 = tpu.iota {dimensions = array<i32: 0>} : vector<16xi32>
        %rev3A_677 = arith.subi %rev3A_675, %rev3A_676 : vector<16xi32>
        %rev3A_678 = tpu.dynamic_gather %sort3A_589[%rev3A_677] in [0] : vector<16xi32>, vector<16xi32> -> vector<16xi32>
        %min3A_679 = arith.minsi %sort3A_585, %rev3A_678 : vector<16xi32>
        %max3A_680 = arith.maxsi %sort3A_585, %rev3A_678 : vector<16xi32>
        %sort3A_681 = arith.constant dense<true> : vector<16xi1>
        %sort3A_682, %sort3A_683, %sort3A_684 = tpu.sort %min3A_679, %min3A_679 masked %sort3A_681 : (vector<16xi32>, vector<16xi32>, vector<16xi1>) -> (vector<16xi1>, vector<16xi32>, vector<16xi32>)
        %min3A_685 = arith.constant 2147483647 : i32
        %min3A_686 = arith.constant 2147483647 : i32
        %min3A_687 = arith.minsi %min3A_685, %min3A_686 : i32
        %reduce_min3A_688 = arith.constant true
        %reduce_min3A_689 = vector.broadcast %reduce_min3A_688 : i1 to vector<16xi1>
        %reduce_min3A_690 = arith.constant -2147483648 : i32
        %reduce_min3A_691 = vector.broadcast %reduce_min3A_690 : i32 to vector<16xi32>
        %reduce_min3A_692 = arith.xori %max3A_680, %reduce_min3A_691 : vector<16xi32>
        %reduce_min3A_693 = tpu.scan <min>, %reduce_min3A_692 masked %reduce_min3A_689 : vector<16xi32>, vector<16xi1> -> vector<16xi32>
        %reduce_min3A_694 = arith.xori %reduce_min3A_693, %reduce_min3A_691 : vector<16xi32>
        %reduce_min3A_695 = vector.extract %reduce_min3A_694[15] : i32 from vector<16xi32>
        %min3A_696 = arith.minsi %min3A_687, %reduce_min3A_695 : i32
        %rev3A_697 = arith.constant 15 : i32
        %rev3A_698 = vector.broadcast %rev3A_697 : i32 to vector<16xi32>
        %rev3A_699 = tpu.iota {dimensions = array<i32: 0>} : vector<16xi32>
        %rev3A_700 = arith.subi %rev3A_698, %rev3A_699 : vector<16xi32>
        %rev3A_701 = tpu.dynamic_gather %sort3A_597[%rev3A_700] in [0] : vector<16xi32>, vector<16xi32> -> vector<16xi32>
        %min3A_702 = arith.minsi %sort3A_593, %rev3A_701 : vector<16xi32>
        %max3A_703 = arith.maxsi %sort3A_593, %rev3A_701 : vector<16xi32>
        %sort3A_704 = arith.constant dense<true> : vector<16xi1>
        %sort3A_705, %sort3A_706, %sort3A_707 = tpu.sort %min3A_702, %min3A_702 masked %sort3A_704 : (vector<16xi32>, vector<16xi32>, vector<16xi1>) -> (vector<16xi1>, vector<16xi32>, vector<16xi32>)
        %min3A_708 = arith.constant 2147483647 : i32
        %min3A_709 = arith.constant 2147483647 : i32
        %min3A_710 = arith.minsi %min3A_708, %min3A_709 : i32
        %reduce_min3A_711 = arith.constant true
        %reduce_min3A_712 = vector.broadcast %reduce_min3A_711 : i1 to vector<16xi1>
        %reduce_min3A_713 = arith.constant -2147483648 : i32
        %reduce_min3A_714 = vector.broadcast %reduce_min3A_713 : i32 to vector<16xi32>
        %reduce_min3A_715 = arith.xori %max3A_703, %reduce_min3A_714 : vector<16xi32>
        %reduce_min3A_716 = tpu.scan <min>, %reduce_min3A_715 masked %reduce_min3A_712 : vector<16xi32>, vector<16xi1> -> vector<16xi32>
        %reduce_min3A_717 = arith.xori %reduce_min3A_716, %reduce_min3A_714 : vector<16xi32>
        %reduce_min3A_718 = vector.extract %reduce_min3A_717[15] : i32 from vector<16xi32>
        %min3A_719 = arith.minsi %min3A_710, %reduce_min3A_718 : i32
        %rev3A_720 = arith.constant 15 : i32
        %rev3A_721 = vector.broadcast %rev3A_720 : i32 to vector<16xi32>
        %rev3A_722 = tpu.iota {dimensions = array<i32: 0>} : vector<16xi32>
        %rev3A_723 = arith.subi %rev3A_721, %rev3A_722 : vector<16xi32>
        %rev3A_724 = tpu.dynamic_gather %sort3A_605[%rev3A_723] in [0] : vector<16xi32>, vector<16xi32> -> vector<16xi32>
        %min3A_725 = arith.minsi %sort3A_601, %rev3A_724 : vector<16xi32>
        %max3A_726 = arith.maxsi %sort3A_601, %rev3A_724 : vector<16xi32>
        %sort3A_727 = arith.constant dense<true> : vector<16xi1>
        %sort3A_728, %sort3A_729, %sort3A_730 = tpu.sort %min3A_725, %min3A_725 masked %sort3A_727 : (vector<16xi32>, vector<16xi32>, vector<16xi1>) -> (vector<16xi1>, vector<16xi32>, vector<16xi32>)
        %min3A_731 = arith.constant 2147483647 : i32
        %min3A_732 = arith.constant 2147483647 : i32
        %min3A_733 = arith.minsi %min3A_731, %min3A_732 : i32
        %reduce_min3A_734 = arith.constant true
        %reduce_min3A_735 = vector.broadcast %reduce_min3A_734 : i1 to vector<16xi1>
        %reduce_min3A_736 = arith.constant -2147483648 : i32
        %reduce_min3A_737 = vector.broadcast %reduce_min3A_736 : i32 to vector<16xi32>
        %reduce_min3A_738 = arith.xori %max3A_726, %reduce_min3A_737 : vector<16xi32>
        %reduce_min3A_739 = tpu.scan <min>, %reduce_min3A_738 masked %reduce_min3A_735 : vector<16xi32>, vector<16xi1> -> vector<16xi32>
        %reduce_min3A_740 = arith.xori %reduce_min3A_739, %reduce_min3A_737 : vector<16xi32>
        %reduce_min3A_741 = vector.extract %reduce_min3A_740[15] : i32 from vector<16xi32>
        %min3A_742 = arith.minsi %min3A_733, %reduce_min3A_741 : i32
        %rev3A_743 = arith.constant 15 : i32
        %rev3A_744 = vector.broadcast %rev3A_743 : i32 to vector<16xi32>
        %rev3A_745 = tpu.iota {dimensions = array<i32: 0>} : vector<16xi32>
        %rev3A_746 = arith.subi %rev3A_744, %rev3A_745 : vector<16xi32>
        %rev3A_747 = tpu.dynamic_gather %sort3A_613[%rev3A_746] in [0] : vector<16xi32>, vector<16xi32> -> vector<16xi32>
        %min3A_748 = arith.minsi %sort3A_609, %rev3A_747 : vector<16xi32>
        %max3A_749 = arith.maxsi %sort3A_609, %rev3A_747 : vector<16xi32>
        %sort3A_750 = arith.constant dense<true> : vector<16xi1>
        %sort3A_751, %sort3A_752, %sort3A_753 = tpu.sort %min3A_748, %min3A_748 masked %sort3A_750 : (vector<16xi32>, vector<16xi32>, vector<16xi1>) -> (vector<16xi1>, vector<16xi32>, vector<16xi32>)
        %min3A_754 = arith.constant 2147483647 : i32
        %min3A_755 = arith.constant 2147483647 : i32
        %min3A_756 = arith.minsi %min3A_754, %min3A_755 : i32
        %reduce_min3A_757 = arith.constant true
        %reduce_min3A_758 = vector.broadcast %reduce_min3A_757 : i1 to vector<16xi1>
        %reduce_min3A_759 = arith.constant -2147483648 : i32
        %reduce_min3A_760 = vector.broadcast %reduce_min3A_759 : i32 to vector<16xi32>
        %reduce_min3A_761 = arith.xori %max3A_749, %reduce_min3A_760 : vector<16xi32>
        %reduce_min3A_762 = tpu.scan <min>, %reduce_min3A_761 masked %reduce_min3A_758 : vector<16xi32>, vector<16xi1> -> vector<16xi32>
        %reduce_min3A_763 = arith.xori %reduce_min3A_762, %reduce_min3A_760 : vector<16xi32>
        %reduce_min3A_764 = vector.extract %reduce_min3A_763[15] : i32 from vector<16xi32>
        %min3A_765 = arith.minsi %min3A_756, %reduce_min3A_764 : i32
        %rev3A_766 = arith.constant 15 : i32
        %rev3A_767 = vector.broadcast %rev3A_766 : i32 to vector<16xi32>
        %rev3A_768 = tpu.iota {dimensions = array<i32: 0>} : vector<16xi32>
        %rev3A_769 = arith.subi %rev3A_767, %rev3A_768 : vector<16xi32>
        %rev3A_770 = tpu.dynamic_gather %sort3A_621[%rev3A_769] in [0] : vector<16xi32>, vector<16xi32> -> vector<16xi32>
        %min3A_771 = arith.minsi %sort3A_617, %rev3A_770 : vector<16xi32>
        %max3A_772 = arith.maxsi %sort3A_617, %rev3A_770 : vector<16xi32>
        %sort3A_773 = arith.constant dense<true> : vector<16xi1>
        %sort3A_774, %sort3A_775, %sort3A_776 = tpu.sort %min3A_771, %min3A_771 masked %sort3A_773 : (vector<16xi32>, vector<16xi32>, vector<16xi1>) -> (vector<16xi1>, vector<16xi32>, vector<16xi32>)
        %min3A_777 = arith.constant 2147483647 : i32
        %min3A_778 = arith.constant 2147483647 : i32
        %min3A_779 = arith.minsi %min3A_777, %min3A_778 : i32
        %reduce_min3A_780 = arith.constant true
        %reduce_min3A_781 = vector.broadcast %reduce_min3A_780 : i1 to vector<16xi1>
        %reduce_min3A_782 = arith.constant -2147483648 : i32
        %reduce_min3A_783 = vector.broadcast %reduce_min3A_782 : i32 to vector<16xi32>
        %reduce_min3A_784 = arith.xori %max3A_772, %reduce_min3A_783 : vector<16xi32>
        %reduce_min3A_785 = tpu.scan <min>, %reduce_min3A_784 masked %reduce_min3A_781 : vector<16xi32>, vector<16xi1> -> vector<16xi32>
        %reduce_min3A_786 = arith.xori %reduce_min3A_785, %reduce_min3A_783 : vector<16xi32>
        %reduce_min3A_787 = vector.extract %reduce_min3A_786[15] : i32 from vector<16xi32>
        %min3A_788 = arith.minsi %min3A_779, %reduce_min3A_787 : i32
        %rev3A_789 = arith.constant 15 : i32
        %rev3A_790 = vector.broadcast %rev3A_789 : i32 to vector<16xi32>
        %rev3A_791 = tpu.iota {dimensions = array<i32: 0>} : vector<16xi32>
        %rev3A_792 = arith.subi %rev3A_790, %rev3A_791 : vector<16xi32>
        %rev3A_793 = tpu.dynamic_gather %sort3A_629[%rev3A_792] in [0] : vector<16xi32>, vector<16xi32> -> vector<16xi32>
        %min3A_794 = arith.minsi %sort3A_625, %rev3A_793 : vector<16xi32>
        %max3A_795 = arith.maxsi %sort3A_625, %rev3A_793 : vector<16xi32>
        %sort3A_796 = arith.constant dense<true> : vector<16xi1>
        %sort3A_797, %sort3A_798, %sort3A_799 = tpu.sort %min3A_794, %min3A_794 masked %sort3A_796 : (vector<16xi32>, vector<16xi32>, vector<16xi1>) -> (vector<16xi1>, vector<16xi32>, vector<16xi32>)
        %min3A_800 = arith.constant 2147483647 : i32
        %min3A_801 = arith.constant 2147483647 : i32
        %min3A_802 = arith.minsi %min3A_800, %min3A_801 : i32
        %reduce_min3A_803 = arith.constant true
        %reduce_min3A_804 = vector.broadcast %reduce_min3A_803 : i1 to vector<16xi1>
        %reduce_min3A_805 = arith.constant -2147483648 : i32
        %reduce_min3A_806 = vector.broadcast %reduce_min3A_805 : i32 to vector<16xi32>
        %reduce_min3A_807 = arith.xori %max3A_795, %reduce_min3A_806 : vector<16xi32>
        %reduce_min3A_808 = tpu.scan <min>, %reduce_min3A_807 masked %reduce_min3A_804 : vector<16xi32>, vector<16xi1> -> vector<16xi32>
        %reduce_min3A_809 = arith.xori %reduce_min3A_808, %reduce_min3A_806 : vector<16xi32>
        %reduce_min3A_810 = vector.extract %reduce_min3A_809[15] : i32 from vector<16xi32>
        %min3A_811 = arith.minsi %min3A_802, %reduce_min3A_810 : i32
        %rev3A_812 = arith.constant 15 : i32
        %rev3A_813 = vector.broadcast %rev3A_812 : i32 to vector<16xi32>
        %rev3A_814 = tpu.iota {dimensions = array<i32: 0>} : vector<16xi32>
        %rev3A_815 = arith.subi %rev3A_813, %rev3A_814 : vector<16xi32>
        %rev3A_816 = tpu.dynamic_gather %sort3A_660[%rev3A_815] in [0] : vector<16xi32>, vector<16xi32> -> vector<16xi32>
        %min3A_817 = arith.minsi %sort3A_638, %rev3A_816 : vector<16xi32>
        %max3A_818 = arith.maxsi %sort3A_638, %rev3A_816 : vector<16xi32>
        %sort3A_819 = arith.constant dense<true> : vector<16xi1>
        %sort3A_820, %sort3A_821, %sort3A_822 = tpu.sort %min3A_817, %min3A_817 masked %sort3A_819 : (vector<16xi32>, vector<16xi32>, vector<16xi1>) -> (vector<16xi1>, vector<16xi32>, vector<16xi32>)
        %min3A_823 = arith.minsi %min3A_650, %min3A_673 : i32
        %reduce_min3A_824 = arith.constant true
        %reduce_min3A_825 = vector.broadcast %reduce_min3A_824 : i1 to vector<16xi1>
        %reduce_min3A_826 = arith.constant -2147483648 : i32
        %reduce_min3A_827 = vector.broadcast %reduce_min3A_826 : i32 to vector<16xi32>
        %reduce_min3A_828 = arith.xori %max3A_818, %reduce_min3A_827 : vector<16xi32>
        %reduce_min3A_829 = tpu.scan <min>, %reduce_min3A_828 masked %reduce_min3A_825 : vector<16xi32>, vector<16xi1> -> vector<16xi32>
        %reduce_min3A_830 = arith.xori %reduce_min3A_829, %reduce_min3A_827 : vector<16xi32>
        %reduce_min3A_831 = vector.extract %reduce_min3A_830[15] : i32 from vector<16xi32>
        %min3A_832 = arith.minsi %min3A_823, %reduce_min3A_831 : i32
        %rev3A_833 = arith.constant 15 : i32
        %rev3A_834 = vector.broadcast %rev3A_833 : i32 to vector<16xi32>
        %rev3A_835 = tpu.iota {dimensions = array<i32: 0>} : vector<16xi32>
        %rev3A_836 = arith.subi %rev3A_834, %rev3A_835 : vector<16xi32>
        %rev3A_837 = tpu.dynamic_gather %sort3A_706[%rev3A_836] in [0] : vector<16xi32>, vector<16xi32> -> vector<16xi32>
        %min3A_838 = arith.minsi %sort3A_683, %rev3A_837 : vector<16xi32>
        %max3A_839 = arith.maxsi %sort3A_683, %rev3A_837 : vector<16xi32>
        %sort3A_840 = arith.constant dense<true> : vector<16xi1>
        %sort3A_841, %sort3A_842, %sort3A_843 = tpu.sort %min3A_838, %min3A_838 masked %sort3A_840 : (vector<16xi32>, vector<16xi32>, vector<16xi1>) -> (vector<16xi1>, vector<16xi32>, vector<16xi32>)
        %min3A_844 = arith.minsi %min3A_696, %min3A_719 : i32
        %reduce_min3A_845 = arith.constant true
        %reduce_min3A_846 = vector.broadcast %reduce_min3A_845 : i1 to vector<16xi1>
        %reduce_min3A_847 = arith.constant -2147483648 : i32
        %reduce_min3A_848 = vector.broadcast %reduce_min3A_847 : i32 to vector<16xi32>
        %reduce_min3A_849 = arith.xori %max3A_839, %reduce_min3A_848 : vector<16xi32>
        %reduce_min3A_850 = tpu.scan <min>, %reduce_min3A_849 masked %reduce_min3A_846 : vector<16xi32>, vector<16xi1> -> vector<16xi32>
        %reduce_min3A_851 = arith.xori %reduce_min3A_850, %reduce_min3A_848 : vector<16xi32>
        %reduce_min3A_852 = vector.extract %reduce_min3A_851[15] : i32 from vector<16xi32>
        %min3A_853 = arith.minsi %min3A_844, %reduce_min3A_852 : i32
        %rev3A_854 = arith.constant 15 : i32
        %rev3A_855 = vector.broadcast %rev3A_854 : i32 to vector<16xi32>
        %rev3A_856 = tpu.iota {dimensions = array<i32: 0>} : vector<16xi32>
        %rev3A_857 = arith.subi %rev3A_855, %rev3A_856 : vector<16xi32>
        %rev3A_858 = tpu.dynamic_gather %sort3A_752[%rev3A_857] in [0] : vector<16xi32>, vector<16xi32> -> vector<16xi32>
        %min3A_859 = arith.minsi %sort3A_729, %rev3A_858 : vector<16xi32>
        %max3A_860 = arith.maxsi %sort3A_729, %rev3A_858 : vector<16xi32>
        %sort3A_861 = arith.constant dense<true> : vector<16xi1>
        %sort3A_862, %sort3A_863, %sort3A_864 = tpu.sort %min3A_859, %min3A_859 masked %sort3A_861 : (vector<16xi32>, vector<16xi32>, vector<16xi1>) -> (vector<16xi1>, vector<16xi32>, vector<16xi32>)
        %min3A_865 = arith.minsi %min3A_742, %min3A_765 : i32
        %reduce_min3A_866 = arith.constant true
        %reduce_min3A_867 = vector.broadcast %reduce_min3A_866 : i1 to vector<16xi1>
        %reduce_min3A_868 = arith.constant -2147483648 : i32
        %reduce_min3A_869 = vector.broadcast %reduce_min3A_868 : i32 to vector<16xi32>
        %reduce_min3A_870 = arith.xori %max3A_860, %reduce_min3A_869 : vector<16xi32>
        %reduce_min3A_871 = tpu.scan <min>, %reduce_min3A_870 masked %reduce_min3A_867 : vector<16xi32>, vector<16xi1> -> vector<16xi32>
        %reduce_min3A_872 = arith.xori %reduce_min3A_871, %reduce_min3A_869 : vector<16xi32>
        %reduce_min3A_873 = vector.extract %reduce_min3A_872[15] : i32 from vector<16xi32>
        %min3A_874 = arith.minsi %min3A_865, %reduce_min3A_873 : i32
        %rev3A_875 = arith.constant 15 : i32
        %rev3A_876 = vector.broadcast %rev3A_875 : i32 to vector<16xi32>
        %rev3A_877 = tpu.iota {dimensions = array<i32: 0>} : vector<16xi32>
        %rev3A_878 = arith.subi %rev3A_876, %rev3A_877 : vector<16xi32>
        %rev3A_879 = tpu.dynamic_gather %sort3A_798[%rev3A_878] in [0] : vector<16xi32>, vector<16xi32> -> vector<16xi32>
        %min3A_880 = arith.minsi %sort3A_775, %rev3A_879 : vector<16xi32>
        %max3A_881 = arith.maxsi %sort3A_775, %rev3A_879 : vector<16xi32>
        %sort3A_882 = arith.constant dense<true> : vector<16xi1>
        %sort3A_883, %sort3A_884, %sort3A_885 = tpu.sort %min3A_880, %min3A_880 masked %sort3A_882 : (vector<16xi32>, vector<16xi32>, vector<16xi1>) -> (vector<16xi1>, vector<16xi32>, vector<16xi32>)
        %min3A_886 = arith.minsi %min3A_788, %min3A_811 : i32
        %reduce_min3A_887 = arith.constant true
        %reduce_min3A_888 = vector.broadcast %reduce_min3A_887 : i1 to vector<16xi1>
        %reduce_min3A_889 = arith.constant -2147483648 : i32
        %reduce_min3A_890 = vector.broadcast %reduce_min3A_889 : i32 to vector<16xi32>
        %reduce_min3A_891 = arith.xori %max3A_881, %reduce_min3A_890 : vector<16xi32>
        %reduce_min3A_892 = tpu.scan <min>, %reduce_min3A_891 masked %reduce_min3A_888 : vector<16xi32>, vector<16xi1> -> vector<16xi32>
        %reduce_min3A_893 = arith.xori %reduce_min3A_892, %reduce_min3A_890 : vector<16xi32>
        %reduce_min3A_894 = vector.extract %reduce_min3A_893[15] : i32 from vector<16xi32>
        %min3A_895 = arith.minsi %min3A_886, %reduce_min3A_894 : i32
        %rev3A_896 = arith.constant 15 : i32
        %rev3A_897 = vector.broadcast %rev3A_896 : i32 to vector<16xi32>
        %rev3A_898 = tpu.iota {dimensions = array<i32: 0>} : vector<16xi32>
        %rev3A_899 = arith.subi %rev3A_897, %rev3A_898 : vector<16xi32>
        %rev3A_900 = tpu.dynamic_gather %sort3A_842[%rev3A_899] in [0] : vector<16xi32>, vector<16xi32> -> vector<16xi32>
        %min3A_901 = arith.minsi %sort3A_821, %rev3A_900 : vector<16xi32>
        %max3A_902 = arith.maxsi %sort3A_821, %rev3A_900 : vector<16xi32>
        %sort3A_903 = arith.constant dense<true> : vector<16xi1>
        %sort3A_904, %sort3A_905, %sort3A_906 = tpu.sort %min3A_901, %min3A_901 masked %sort3A_903 : (vector<16xi32>, vector<16xi32>, vector<16xi1>) -> (vector<16xi1>, vector<16xi32>, vector<16xi32>)
        %min3A_907 = arith.minsi %min3A_832, %min3A_853 : i32
        %reduce_min3A_908 = arith.constant true
        %reduce_min3A_909 = vector.broadcast %reduce_min3A_908 : i1 to vector<16xi1>
        %reduce_min3A_910 = arith.constant -2147483648 : i32
        %reduce_min3A_911 = vector.broadcast %reduce_min3A_910 : i32 to vector<16xi32>
        %reduce_min3A_912 = arith.xori %max3A_902, %reduce_min3A_911 : vector<16xi32>
        %reduce_min3A_913 = tpu.scan <min>, %reduce_min3A_912 masked %reduce_min3A_909 : vector<16xi32>, vector<16xi1> -> vector<16xi32>
        %reduce_min3A_914 = arith.xori %reduce_min3A_913, %reduce_min3A_911 : vector<16xi32>
        %reduce_min3A_915 = vector.extract %reduce_min3A_914[15] : i32 from vector<16xi32>
        %min3A_916 = arith.minsi %min3A_907, %reduce_min3A_915 : i32
        %rev3A_917 = arith.constant 15 : i32
        %rev3A_918 = vector.broadcast %rev3A_917 : i32 to vector<16xi32>
        %rev3A_919 = tpu.iota {dimensions = array<i32: 0>} : vector<16xi32>
        %rev3A_920 = arith.subi %rev3A_918, %rev3A_919 : vector<16xi32>
        %rev3A_921 = tpu.dynamic_gather %sort3A_884[%rev3A_920] in [0] : vector<16xi32>, vector<16xi32> -> vector<16xi32>
        %min3A_922 = arith.minsi %sort3A_863, %rev3A_921 : vector<16xi32>
        %max3A_923 = arith.maxsi %sort3A_863, %rev3A_921 : vector<16xi32>
        %sort3A_924 = arith.constant dense<true> : vector<16xi1>
        %sort3A_925, %sort3A_926, %sort3A_927 = tpu.sort %min3A_922, %min3A_922 masked %sort3A_924 : (vector<16xi32>, vector<16xi32>, vector<16xi1>) -> (vector<16xi1>, vector<16xi32>, vector<16xi32>)
        %min3A_928 = arith.minsi %min3A_874, %min3A_895 : i32
        %reduce_min3A_929 = arith.constant true
        %reduce_min3A_930 = vector.broadcast %reduce_min3A_929 : i1 to vector<16xi1>
        %reduce_min3A_931 = arith.constant -2147483648 : i32
        %reduce_min3A_932 = vector.broadcast %reduce_min3A_931 : i32 to vector<16xi32>
        %reduce_min3A_933 = arith.xori %max3A_923, %reduce_min3A_932 : vector<16xi32>
        %reduce_min3A_934 = tpu.scan <min>, %reduce_min3A_933 masked %reduce_min3A_930 : vector<16xi32>, vector<16xi1> -> vector<16xi32>
        %reduce_min3A_935 = arith.xori %reduce_min3A_934, %reduce_min3A_932 : vector<16xi32>
        %reduce_min3A_936 = vector.extract %reduce_min3A_935[15] : i32 from vector<16xi32>
        %min3A_937 = arith.minsi %min3A_928, %reduce_min3A_936 : i32
        %rev3A_938 = arith.constant 15 : i32
        %rev3A_939 = vector.broadcast %rev3A_938 : i32 to vector<16xi32>
        %rev3A_940 = tpu.iota {dimensions = array<i32: 0>} : vector<16xi32>
        %rev3A_941 = arith.subi %rev3A_939, %rev3A_940 : vector<16xi32>
        %rev3A_942 = tpu.dynamic_gather %sort3A_926[%rev3A_941] in [0] : vector<16xi32>, vector<16xi32> -> vector<16xi32>
        %min3A_943 = arith.minsi %sort3A_905, %rev3A_942 : vector<16xi32>
        %max3A_944 = arith.maxsi %sort3A_905, %rev3A_942 : vector<16xi32>
        %sort3A_945 = arith.constant dense<true> : vector<16xi1>
        %sort3A_946, %sort3A_947, %sort3A_948 = tpu.sort %min3A_943, %min3A_943 masked %sort3A_945 : (vector<16xi32>, vector<16xi32>, vector<16xi1>) -> (vector<16xi1>, vector<16xi32>, vector<16xi32>)
        %min3A_949 = arith.minsi %min3A_916, %min3A_937 : i32
        %reduce_min3A_950 = arith.constant true
        %reduce_min3A_951 = vector.broadcast %reduce_min3A_950 : i1 to vector<16xi1>
        %reduce_min3A_952 = arith.constant -2147483648 : i32
        %reduce_min3A_953 = vector.broadcast %reduce_min3A_952 : i32 to vector<16xi32>
        %reduce_min3A_954 = arith.xori %max3A_944, %reduce_min3A_953 : vector<16xi32>
        %reduce_min3A_955 = tpu.scan <min>, %reduce_min3A_954 masked %reduce_min3A_951 : vector<16xi32>, vector<16xi1> -> vector<16xi32>
        %reduce_min3A_956 = arith.xori %reduce_min3A_955, %reduce_min3A_953 : vector<16xi32>
        %reduce_min3A_957 = vector.extract %reduce_min3A_956[15] : i32 from vector<16xi32>
        %min3A_958 = arith.minsi %min3A_949, %reduce_min3A_957 : i32
        %broadcast_in_dim3A = vector.broadcast %add3A_67 : i32 to vector<16xi32>
        %and3A_959 = arith.constant 255 : i32
        %and3A_960 = vector.broadcast %and3A_959 : i32 to vector<16xi32>
        %and3A_961 = arith.andi %sort3A_947, %and3A_960 : vector<16xi32>
        %shift_right_logical3A_962 = arith.constant 5 : i32
        %shift_right_logical3A_963 = vector.broadcast %shift_right_logical3A_962 : i32 to vector<16xi32>
        %shift_right_logical3A_964 = arith.shrui %and3A_961, %shift_right_logical3A_963 : vector<16xi32>
        %mul3A_965 = arith.constant 128 : i32
        %mul3A_966 = vector.broadcast %mul3A_965 : i32 to vector<16xi32>
        %mul3A_967 = arith.muli %shift_right_logical3A_964, %mul3A_966 : vector<16xi32>
        %and3A_968 = arith.constant 31 : i32
        %and3A_969 = vector.broadcast %and3A_968 : i32 to vector<16xi32>
        %and3A_970 = arith.andi %and3A_961, %and3A_969 : vector<16xi32>
        %shift_right_logical3A_971 = arith.constant 1 : i32
        %shift_right_logical3A_972 = vector.broadcast %shift_right_logical3A_971 : i32 to vector<16xi32>
        %shift_right_logical3A_973 = arith.shrui %and3A_970, %shift_right_logical3A_972 : vector<16xi32>
        %add3A_974 = arith.addi %mul3A_967, %shift_right_logical3A_973 : vector<16xi32>
        %and3A_975 = arith.constant 1 : i32
        %and3A_976 = vector.broadcast %and3A_975 : i32 to vector<16xi32>
        %and3A_977 = arith.andi %and3A_961, %and3A_976 : vector<16xi32>
        %add3A_978 = arith.constant 0 : i32
        %add3A_979 = vector.broadcast %add3A_978 : i32 to vector<16xi32>
        %add3A_980 = arith.addi %add3A_974, %add3A_979 : vector<16xi32>
        %gather3A = tpu.vector_load_idx %arg5[%broadcast_in_dim3A, %add3A_980] : memref<8x1024xi32, #tpu.memory_space<vmem>>[vector<16xi32>, vector<16xi32>], vector<16xi32>,
        %eq3A = arith.constant 1 : i32
        %eq3A_981 = vector.broadcast %eq3A : i32 to vector<16xi32>
        %eq3A_982 = arith.cmpi eq, %and3A_977, %eq3A_981 : vector<16xi32>
        %shift_right_logical3A_983 = arith.constant 16 : i32
        %shift_right_logical3A_984 = vector.broadcast %shift_right_logical3A_983 : i32 to vector<16xi32>
        %shift_right_logical3A_985 = arith.shrui %gather3A, %shift_right_logical3A_984 : vector<16xi32>
        %and3A_986 = vector.broadcast %scan3A_13 : i32 to vector<16xi32>
        %and3A_987 = arith.andi %gather3A, %and3A_986 : vector<16xi32>
        %select_n3A = arith.select %eq3A_982, %shift_right_logical3A_985, %and3A_987 : vector<16xi1>, vector<16xi32>
        %add3A_988 = arith.constant 16 : i32
        %add3A_989 = vector.broadcast %add3A_988 : i32 to vector<16xi32>
        %add3A_990 = arith.addi %add3A_974, %add3A_989 : vector<16xi32>
        %gather3A_991 = tpu.vector_load_idx %arg5[%broadcast_in_dim3A, %add3A_990] : memref<8x1024xi32, #tpu.memory_space<vmem>>[vector<16xi32>, vector<16xi32>], vector<16xi32>,
        %eq3A_992 = arith.constant 1 : i32
        %eq3A_993 = vector.broadcast %eq3A_992 : i32 to vector<16xi32>
        %eq3A_994 = arith.cmpi eq, %and3A_977, %eq3A_993 : vector<16xi32>
        %shift_right_logical3A_995 = arith.constant 16 : i32
        %shift_right_logical3A_996 = vector.broadcast %shift_right_logical3A_995 : i32 to vector<16xi32>
        %shift_right_logical3A_997 = arith.shrui %gather3A_991, %shift_right_logical3A_996 : vector<16xi32>
        %and3A_998 = vector.broadcast %scan3A_13 : i32 to vector<16xi32>
        %and3A_999 = arith.andi %gather3A_991, %and3A_998 : vector<16xi32>
        %select_n3A_1000 = arith.select %eq3A_994, %shift_right_logical3A_997, %and3A_999 : vector<16xi1>, vector<16xi32>
        %add3A_1001 = arith.constant 32 : i32
        %add3A_1002 = vector.broadcast %add3A_1001 : i32 to vector<16xi32>
        %add3A_1003 = arith.addi %add3A_974, %add3A_1002 : vector<16xi32>
        %gather3A_1004 = tpu.vector_load_idx %arg5[%broadcast_in_dim3A, %add3A_1003] : memref<8x1024xi32, #tpu.memory_space<vmem>>[vector<16xi32>, vector<16xi32>], vector<16xi32>,
        %eq3A_1005 = arith.constant 1 : i32
        %eq3A_1006 = vector.broadcast %eq3A_1005 : i32 to vector<16xi32>
        %eq3A_1007 = arith.cmpi eq, %and3A_977, %eq3A_1006 : vector<16xi32>
        %shift_right_logical3A_1008 = arith.constant 16 : i32
        %shift_right_logical3A_1009 = vector.broadcast %shift_right_logical3A_1008 : i32 to vector<16xi32>
        %shift_right_logical3A_1010 = arith.shrui %gather3A_1004, %shift_right_logical3A_1009 : vector<16xi32>
        %and3A_1011 = vector.broadcast %scan3A_13 : i32 to vector<16xi32>
        %and3A_1012 = arith.andi %gather3A_1004, %and3A_1011 : vector<16xi32>
        %select_n3A_1013 = arith.select %eq3A_1007, %shift_right_logical3A_1010, %and3A_1012 : vector<16xi1>, vector<16xi32>
        %add3A_1014 = arith.constant 48 : i32
        %add3A_1015 = vector.broadcast %add3A_1014 : i32 to vector<16xi32>
        %add3A_1016 = arith.addi %add3A_974, %add3A_1015 : vector<16xi32>
        %gather3A_1017 = tpu.vector_load_idx %arg5[%broadcast_in_dim3A, %add3A_1016] : memref<8x1024xi32, #tpu.memory_space<vmem>>[vector<16xi32>, vector<16xi32>], vector<16xi32>,
        %eq3A_1018 = arith.constant 1 : i32
        %eq3A_1019 = vector.broadcast %eq3A_1018 : i32 to vector<16xi32>
        %eq3A_1020 = arith.cmpi eq, %and3A_977, %eq3A_1019 : vector<16xi32>
        %shift_right_logical3A_1021 = arith.constant 16 : i32
        %shift_right_logical3A_1022 = vector.broadcast %shift_right_logical3A_1021 : i32 to vector<16xi32>
        %shift_right_logical3A_1023 = arith.shrui %gather3A_1017, %shift_right_logical3A_1022 : vector<16xi32>
        %and3A_1024 = vector.broadcast %scan3A_13 : i32 to vector<16xi32>
        %and3A_1025 = arith.andi %gather3A_1017, %and3A_1024 : vector<16xi32>
        %select_n3A_1026 = arith.select %eq3A_1020, %shift_right_logical3A_1023, %and3A_1025 : vector<16xi1>, vector<16xi32>
        %add3A_1027 = arith.constant 64 : i32
        %add3A_1028 = vector.broadcast %add3A_1027 : i32 to vector<16xi32>
        %add3A_1029 = arith.addi %add3A_974, %add3A_1028 : vector<16xi32>
        %gather3A_1030 = tpu.vector_load_idx %arg5[%broadcast_in_dim3A, %add3A_1029] : memref<8x1024xi32, #tpu.memory_space<vmem>>[vector<16xi32>, vector<16xi32>], vector<16xi32>,
        %eq3A_1031 = arith.constant 1 : i32
        %eq3A_1032 = vector.broadcast %eq3A_1031 : i32 to vector<16xi32>
        %eq3A_1033 = arith.cmpi eq, %and3A_977, %eq3A_1032 : vector<16xi32>
        %shift_right_logical3A_1034 = arith.constant 16 : i32
        %shift_right_logical3A_1035 = vector.broadcast %shift_right_logical3A_1034 : i32 to vector<16xi32>
        %shift_right_logical3A_1036 = arith.shrui %gather3A_1030, %shift_right_logical3A_1035 : vector<16xi32>
        %and3A_1037 = vector.broadcast %scan3A_13 : i32 to vector<16xi32>
        %and3A_1038 = arith.andi %gather3A_1030, %and3A_1037 : vector<16xi32>
        %select_n3A_1039 = arith.select %eq3A_1033, %shift_right_logical3A_1036, %and3A_1038 : vector<16xi1>, vector<16xi32>
        %add3A_1040 = arith.constant 80 : i32
        %add3A_1041 = vector.broadcast %add3A_1040 : i32 to vector<16xi32>
        %add3A_1042 = arith.addi %add3A_974, %add3A_1041 : vector<16xi32>
        %gather3A_1043 = tpu.vector_load_idx %arg5[%broadcast_in_dim3A, %add3A_1042] : memref<8x1024xi32, #tpu.memory_space<vmem>>[vector<16xi32>, vector<16xi32>], vector<16xi32>,
        %eq3A_1044 = arith.constant 1 : i32
        %eq3A_1045 = vector.broadcast %eq3A_1044 : i32 to vector<16xi32>
        %eq3A_1046 = arith.cmpi eq, %and3A_977, %eq3A_1045 : vector<16xi32>
        %shift_right_logical3A_1047 = arith.constant 16 : i32
        %shift_right_logical3A_1048 = vector.broadcast %shift_right_logical3A_1047 : i32 to vector<16xi32>
        %shift_right_logical3A_1049 = arith.shrui %gather3A_1043, %shift_right_logical3A_1048 : vector<16xi32>
        %and3A_1050 = vector.broadcast %scan3A_13 : i32 to vector<16xi32>
        %and3A_1051 = arith.andi %gather3A_1043, %and3A_1050 : vector<16xi32>
        %select_n3A_1052 = arith.select %eq3A_1046, %shift_right_logical3A_1049, %and3A_1051 : vector<16xi1>, vector<16xi32>
        %add3A_1053 = arith.constant 96 : i32
        %add3A_1054 = vector.broadcast %add3A_1053 : i32 to vector<16xi32>
        %add3A_1055 = arith.addi %add3A_974, %add3A_1054 : vector<16xi32>
        %gather3A_1056 = tpu.vector_load_idx %arg5[%broadcast_in_dim3A, %add3A_1055] : memref<8x1024xi32, #tpu.memory_space<vmem>>[vector<16xi32>, vector<16xi32>], vector<16xi32>,
        %eq3A_1057 = arith.constant 1 : i32
        %eq3A_1058 = vector.broadcast %eq3A_1057 : i32 to vector<16xi32>
        %eq3A_1059 = arith.cmpi eq, %and3A_977, %eq3A_1058 : vector<16xi32>
        %shift_right_logical3A_1060 = arith.constant 16 : i32
        %shift_right_logical3A_1061 = vector.broadcast %shift_right_logical3A_1060 : i32 to vector<16xi32>
        %shift_right_logical3A_1062 = arith.shrui %gather3A_1056, %shift_right_logical3A_1061 : vector<16xi32>
        %and3A_1063 = vector.broadcast %scan3A_13 : i32 to vector<16xi32>
        %and3A_1064 = arith.andi %gather3A_1056, %and3A_1063 : vector<16xi32>
        %select_n3A_1065 = arith.select %eq3A_1059, %shift_right_logical3A_1062, %and3A_1064 : vector<16xi1>, vector<16xi32>
        %add3A_1066 = arith.constant 112 : i32
        %add3A_1067 = vector.broadcast %add3A_1066 : i32 to vector<16xi32>
        %add3A_1068 = arith.addi %add3A_974, %add3A_1067 : vector<16xi32>
        %gather3A_1069 = tpu.vector_load_idx %arg5[%broadcast_in_dim3A, %add3A_1068] : memref<8x1024xi32, #tpu.memory_space<vmem>>[vector<16xi32>, vector<16xi32>], vector<16xi32>,
        %eq3A_1070 = arith.constant 1 : i32
        %eq3A_1071 = vector.broadcast %eq3A_1070 : i32 to vector<16xi32>
        %eq3A_1072 = arith.cmpi eq, %and3A_977, %eq3A_1071 : vector<16xi32>
        %shift_right_logical3A_1073 = arith.constant 16 : i32
        %shift_right_logical3A_1074 = vector.broadcast %shift_right_logical3A_1073 : i32 to vector<16xi32>
        %shift_right_logical3A_1075 = arith.shrui %gather3A_1069, %shift_right_logical3A_1074 : vector<16xi32>
        %and3A_1076 = vector.broadcast %scan3A_13 : i32 to vector<16xi32>
        %and3A_1077 = arith.andi %gather3A_1069, %and3A_1076 : vector<16xi32>
        %select_n3A_1078 = arith.select %eq3A_1072, %shift_right_logical3A_1075, %and3A_1077 : vector<16xi1>, vector<16xi32>
        %and3A_1079 = arith.constant 255 : i32
        %and3A_1080 = arith.andi %min3A_958, %and3A_1079 : i32
        %shift_right_logical3A_1081 = arith.constant 5 : i32
        %shift_right_logical3A_1082 = arith.shrui %and3A_1080, %shift_right_logical3A_1081 : i32
        %mul3A_1083 = arith.constant 128 : i32
        %mul3A_1084 = arith.muli %shift_right_logical3A_1082, %mul3A_1083 : i32
        %and3A_1085 = arith.constant 31 : i32
        %and3A_1086 = arith.andi %and3A_1080, %and3A_1085 : i32
        %shift_right_logical3A_1087 = arith.constant 1 : i32
        %shift_right_logical3A_1088 = arith.shrui %and3A_1086, %shift_right_logical3A_1087 : i32
        %add3A_1089 = arith.addi %mul3A_1084, %shift_right_logical3A_1088 : i32
        %and3A_1090 = arith.constant 1 : i32
        %and3A_1091 = arith.andi %and3A_1080, %and3A_1090 : i32
        %mul3A_1092 = arith.constant 16 : i32
        %mul3A_1093 = arith.muli %and3A_1091, %mul3A_1092 : i32
        %mul3A_1094 = arith.constant 16 : i32
        %mul3A_1095 = vector.broadcast %mul3A_1094 : i32 to vector<16xi32>
        %mul3A_1096 = arith.muli %mul3A_1095, %and3A_7 : vector<16xi32>
        %add3A_1097 = vector.broadcast %add3A_1089 : i32 to vector<16xi32>
        %add3A_1098 = arith.addi %add3A_1097, %mul3A_1096 : vector<16xi32>
        %gather3A_1099 = tpu.vector_load_idx %arg5[%broadcast_in_dim3A, %add3A_1098] : memref<8x1024xi32, #tpu.memory_space<vmem>>[vector<16xi32>, vector<16xi32>], vector<16xi32>,
        %shift_right_logical3A_1100 = vector.broadcast %mul3A_1093 : i32 to vector<16xi32>
        %shift_right_logical3A_1101 = arith.shrui %gather3A_1099, %shift_right_logical3A_1100 : vector<16xi32>
        %and3A_1102 = vector.broadcast %scan3A_13 : i32 to vector<16xi32>
        %and3A_1103 = arith.andi %shift_right_logical3A_1101, %and3A_1102 : vector<16xi32>
        %jit3A = arith.constant 2147483647 : i32
        %broadcast_in_dim3A_1104 = vector.broadcast %jit3A : i32 to vector<16xi32>
        %select_n3A_1105 = arith.select %lt3A_9, %and3A_1103, %broadcast_in_dim3A_1104 : vector<16xi1>, vector<16xi32>
        %sort3A_1106 = arith.constant dense<true> : vector<16xi1>
        %sort3A_1107, %sort3A_1108, %sort3A_1109 = tpu.sort %select_n3A, %select_n3A masked %sort3A_1106 : (vector<16xi32>, vector<16xi32>, vector<16xi1>) -> (vector<16xi1>, vector<16xi32>, vector<16xi32>)
        %sort3A_1110 = arith.constant dense<true> : vector<16xi1>
        %sort3A_1111, %sort3A_1112, %sort3A_1113 = tpu.sort %select_n3A_1000, %select_n3A_1000 masked %sort3A_1110 : (vector<16xi32>, vector<16xi32>, vector<16xi1>) -> (vector<16xi1>, vector<16xi32>, vector<16xi32>)
        %sort3A_1114 = arith.constant dense<true> : vector<16xi1>
        %sort3A_1115, %sort3A_1116, %sort3A_1117 = tpu.sort %select_n3A_1013, %select_n3A_1013 masked %sort3A_1114 : (vector<16xi32>, vector<16xi32>, vector<16xi1>) -> (vector<16xi1>, vector<16xi32>, vector<16xi32>)
        %sort3A_1118 = arith.constant dense<true> : vector<16xi1>
        %sort3A_1119, %sort3A_1120, %sort3A_1121 = tpu.sort %select_n3A_1026, %select_n3A_1026 masked %sort3A_1118 : (vector<16xi32>, vector<16xi32>, vector<16xi1>) -> (vector<16xi1>, vector<16xi32>, vector<16xi32>)
        %sort3A_1122 = arith.constant dense<true> : vector<16xi1>
        %sort3A_1123, %sort3A_1124, %sort3A_1125 = tpu.sort %select_n3A_1039, %select_n3A_1039 masked %sort3A_1122 : (vector<16xi32>, vector<16xi32>, vector<16xi1>) -> (vector<16xi1>, vector<16xi32>, vector<16xi32>)
        %sort3A_1126 = arith.constant dense<true> : vector<16xi1>
        %sort3A_1127, %sort3A_1128, %sort3A_1129 = tpu.sort %select_n3A_1052, %select_n3A_1052 masked %sort3A_1126 : (vector<16xi32>, vector<16xi32>, vector<16xi1>) -> (vector<16xi1>, vector<16xi32>, vector<16xi32>)
        %sort3A_1130 = arith.constant dense<true> : vector<16xi1>
        %sort3A_1131, %sort3A_1132, %sort3A_1133 = tpu.sort %select_n3A_1065, %select_n3A_1065 masked %sort3A_1130 : (vector<16xi32>, vector<16xi32>, vector<16xi1>) -> (vector<16xi1>, vector<16xi32>, vector<16xi32>)
        %sort3A_1134 = arith.constant dense<true> : vector<16xi1>
        %sort3A_1135, %sort3A_1136, %sort3A_1137 = tpu.sort %select_n3A_1078, %select_n3A_1078 masked %sort3A_1134 : (vector<16xi32>, vector<16xi32>, vector<16xi1>) -> (vector<16xi1>, vector<16xi32>, vector<16xi32>)
        %sort3A_1138 = arith.constant dense<true> : vector<16xi1>
        %sort3A_1139, %sort3A_1140, %sort3A_1141 = tpu.sort %select_n3A_1105, %select_n3A_1105 masked %sort3A_1138 : (vector<16xi32>, vector<16xi32>, vector<16xi1>) -> (vector<16xi1>, vector<16xi32>, vector<16xi32>)
        %rev3A_1142 = arith.constant 15 : i32
        %rev3A_1143 = vector.broadcast %rev3A_1142 : i32 to vector<16xi32>
        %rev3A_1144 = tpu.iota {dimensions = array<i32: 0>} : vector<16xi32>
        %rev3A_1145 = arith.subi %rev3A_1143, %rev3A_1144 : vector<16xi32>
        %rev3A_1146 = tpu.dynamic_gather %sort3A_1112[%rev3A_1145] in [0] : vector<16xi32>, vector<16xi32> -> vector<16xi32>
        %min3A_1147 = arith.minsi %sort3A_1108, %rev3A_1146 : vector<16xi32>
        %max3A_1148 = arith.maxsi %sort3A_1108, %rev3A_1146 : vector<16xi32>
        %sort3A_1149 = arith.constant dense<true> : vector<16xi1>
        %sort3A_1150, %sort3A_1151, %sort3A_1152 = tpu.sort %min3A_1147, %min3A_1147 masked %sort3A_1149 : (vector<16xi32>, vector<16xi32>, vector<16xi1>) -> (vector<16xi1>, vector<16xi32>, vector<16xi32>)
        %min3A_1153 = arith.constant 2147483647 : i32
        %min3A_1154 = arith.constant 2147483647 : i32
        %min3A_1155 = arith.minsi %min3A_1153, %min3A_1154 : i32
        %reduce_min3A_1156 = arith.constant true
        %reduce_min3A_1157 = vector.broadcast %reduce_min3A_1156 : i1 to vector<16xi1>
        %reduce_min3A_1158 = arith.constant -2147483648 : i32
        %reduce_min3A_1159 = vector.broadcast %reduce_min3A_1158 : i32 to vector<16xi32>
        %reduce_min3A_1160 = arith.xori %max3A_1148, %reduce_min3A_1159 : vector<16xi32>
        %reduce_min3A_1161 = tpu.scan <min>, %reduce_min3A_1160 masked %reduce_min3A_1157 : vector<16xi32>, vector<16xi1> -> vector<16xi32>
        %reduce_min3A_1162 = arith.xori %reduce_min3A_1161, %reduce_min3A_1159 : vector<16xi32>
        %reduce_min3A_1163 = vector.extract %reduce_min3A_1162[15] : i32 from vector<16xi32>
        %min3A_1164 = arith.minsi %min3A_1155, %reduce_min3A_1163 : i32
        %rev3A_1165 = arith.constant 15 : i32
        %rev3A_1166 = vector.broadcast %rev3A_1165 : i32 to vector<16xi32>
        %rev3A_1167 = tpu.iota {dimensions = array<i32: 0>} : vector<16xi32>
        %rev3A_1168 = arith.subi %rev3A_1166, %rev3A_1167 : vector<16xi32>
        %rev3A_1169 = tpu.dynamic_gather %sort3A_1120[%rev3A_1168] in [0] : vector<16xi32>, vector<16xi32> -> vector<16xi32>
        %min3A_1170 = arith.minsi %sort3A_1116, %rev3A_1169 : vector<16xi32>
        %max3A_1171 = arith.maxsi %sort3A_1116, %rev3A_1169 : vector<16xi32>
        %sort3A_1172 = arith.constant dense<true> : vector<16xi1>
        %sort3A_1173, %sort3A_1174, %sort3A_1175 = tpu.sort %min3A_1170, %min3A_1170 masked %sort3A_1172 : (vector<16xi32>, vector<16xi32>, vector<16xi1>) -> (vector<16xi1>, vector<16xi32>, vector<16xi32>)
        %min3A_1176 = arith.constant 2147483647 : i32
        %min3A_1177 = arith.constant 2147483647 : i32
        %min3A_1178 = arith.minsi %min3A_1176, %min3A_1177 : i32
        %reduce_min3A_1179 = arith.constant true
        %reduce_min3A_1180 = vector.broadcast %reduce_min3A_1179 : i1 to vector<16xi1>
        %reduce_min3A_1181 = arith.constant -2147483648 : i32
        %reduce_min3A_1182 = vector.broadcast %reduce_min3A_1181 : i32 to vector<16xi32>
        %reduce_min3A_1183 = arith.xori %max3A_1171, %reduce_min3A_1182 : vector<16xi32>
        %reduce_min3A_1184 = tpu.scan <min>, %reduce_min3A_1183 masked %reduce_min3A_1180 : vector<16xi32>, vector<16xi1> -> vector<16xi32>
        %reduce_min3A_1185 = arith.xori %reduce_min3A_1184, %reduce_min3A_1182 : vector<16xi32>
        %reduce_min3A_1186 = vector.extract %reduce_min3A_1185[15] : i32 from vector<16xi32>
        %min3A_1187 = arith.minsi %min3A_1178, %reduce_min3A_1186 : i32
        %rev3A_1188 = arith.constant 15 : i32
        %rev3A_1189 = vector.broadcast %rev3A_1188 : i32 to vector<16xi32>
        %rev3A_1190 = tpu.iota {dimensions = array<i32: 0>} : vector<16xi32>
        %rev3A_1191 = arith.subi %rev3A_1189, %rev3A_1190 : vector<16xi32>
        %rev3A_1192 = tpu.dynamic_gather %sort3A_1128[%rev3A_1191] in [0] : vector<16xi32>, vector<16xi32> -> vector<16xi32>
        %min3A_1193 = arith.minsi %sort3A_1124, %rev3A_1192 : vector<16xi32>
        %max3A_1194 = arith.maxsi %sort3A_1124, %rev3A_1192 : vector<16xi32>
        %sort3A_1195 = arith.constant dense<true> : vector<16xi1>
        %sort3A_1196, %sort3A_1197, %sort3A_1198 = tpu.sort %min3A_1193, %min3A_1193 masked %sort3A_1195 : (vector<16xi32>, vector<16xi32>, vector<16xi1>) -> (vector<16xi1>, vector<16xi32>, vector<16xi32>)
        %min3A_1199 = arith.constant 2147483647 : i32
        %min3A_1200 = arith.constant 2147483647 : i32
        %min3A_1201 = arith.minsi %min3A_1199, %min3A_1200 : i32
        %reduce_min3A_1202 = arith.constant true
        %reduce_min3A_1203 = vector.broadcast %reduce_min3A_1202 : i1 to vector<16xi1>
        %reduce_min3A_1204 = arith.constant -2147483648 : i32
        %reduce_min3A_1205 = vector.broadcast %reduce_min3A_1204 : i32 to vector<16xi32>
        %reduce_min3A_1206 = arith.xori %max3A_1194, %reduce_min3A_1205 : vector<16xi32>
        %reduce_min3A_1207 = tpu.scan <min>, %reduce_min3A_1206 masked %reduce_min3A_1203 : vector<16xi32>, vector<16xi1> -> vector<16xi32>
        %reduce_min3A_1208 = arith.xori %reduce_min3A_1207, %reduce_min3A_1205 : vector<16xi32>
        %reduce_min3A_1209 = vector.extract %reduce_min3A_1208[15] : i32 from vector<16xi32>
        %min3A_1210 = arith.minsi %min3A_1201, %reduce_min3A_1209 : i32
        %rev3A_1211 = arith.constant 15 : i32
        %rev3A_1212 = vector.broadcast %rev3A_1211 : i32 to vector<16xi32>
        %rev3A_1213 = tpu.iota {dimensions = array<i32: 0>} : vector<16xi32>
        %rev3A_1214 = arith.subi %rev3A_1212, %rev3A_1213 : vector<16xi32>
        %rev3A_1215 = tpu.dynamic_gather %sort3A_1136[%rev3A_1214] in [0] : vector<16xi32>, vector<16xi32> -> vector<16xi32>
        %min3A_1216 = arith.minsi %sort3A_1132, %rev3A_1215 : vector<16xi32>
        %max3A_1217 = arith.maxsi %sort3A_1132, %rev3A_1215 : vector<16xi32>
        %sort3A_1218 = arith.constant dense<true> : vector<16xi1>
        %sort3A_1219, %sort3A_1220, %sort3A_1221 = tpu.sort %min3A_1216, %min3A_1216 masked %sort3A_1218 : (vector<16xi32>, vector<16xi32>, vector<16xi1>) -> (vector<16xi1>, vector<16xi32>, vector<16xi32>)
        %min3A_1222 = arith.constant 2147483647 : i32
        %min3A_1223 = arith.constant 2147483647 : i32
        %min3A_1224 = arith.minsi %min3A_1222, %min3A_1223 : i32
        %reduce_min3A_1225 = arith.constant true
        %reduce_min3A_1226 = vector.broadcast %reduce_min3A_1225 : i1 to vector<16xi1>
        %reduce_min3A_1227 = arith.constant -2147483648 : i32
        %reduce_min3A_1228 = vector.broadcast %reduce_min3A_1227 : i32 to vector<16xi32>
        %reduce_min3A_1229 = arith.xori %max3A_1217, %reduce_min3A_1228 : vector<16xi32>
        %reduce_min3A_1230 = tpu.scan <min>, %reduce_min3A_1229 masked %reduce_min3A_1226 : vector<16xi32>, vector<16xi1> -> vector<16xi32>
        %reduce_min3A_1231 = arith.xori %reduce_min3A_1230, %reduce_min3A_1228 : vector<16xi32>
        %reduce_min3A_1232 = vector.extract %reduce_min3A_1231[15] : i32 from vector<16xi32>
        %min3A_1233 = arith.minsi %min3A_1224, %reduce_min3A_1232 : i32
        %rev3A_1234 = arith.constant 15 : i32
        %rev3A_1235 = vector.broadcast %rev3A_1234 : i32 to vector<16xi32>
        %rev3A_1236 = tpu.iota {dimensions = array<i32: 0>} : vector<16xi32>
        %rev3A_1237 = arith.subi %rev3A_1235, %rev3A_1236 : vector<16xi32>
        %rev3A_1238 = tpu.dynamic_gather %sort3A_1174[%rev3A_1237] in [0] : vector<16xi32>, vector<16xi32> -> vector<16xi32>
        %min3A_1239 = arith.minsi %sort3A_1151, %rev3A_1238 : vector<16xi32>
        %max3A_1240 = arith.maxsi %sort3A_1151, %rev3A_1238 : vector<16xi32>
        %sort3A_1241 = arith.constant dense<true> : vector<16xi1>
        %sort3A_1242, %sort3A_1243, %sort3A_1244 = tpu.sort %min3A_1239, %min3A_1239 masked %sort3A_1241 : (vector<16xi32>, vector<16xi32>, vector<16xi1>) -> (vector<16xi1>, vector<16xi32>, vector<16xi32>)
        %min3A_1245 = arith.minsi %min3A_1164, %min3A_1187 : i32
        %reduce_min3A_1246 = arith.constant true
        %reduce_min3A_1247 = vector.broadcast %reduce_min3A_1246 : i1 to vector<16xi1>
        %reduce_min3A_1248 = arith.constant -2147483648 : i32
        %reduce_min3A_1249 = vector.broadcast %reduce_min3A_1248 : i32 to vector<16xi32>
        %reduce_min3A_1250 = arith.xori %max3A_1240, %reduce_min3A_1249 : vector<16xi32>
        %reduce_min3A_1251 = tpu.scan <min>, %reduce_min3A_1250 masked %reduce_min3A_1247 : vector<16xi32>, vector<16xi1> -> vector<16xi32>
        %reduce_min3A_1252 = arith.xori %reduce_min3A_1251, %reduce_min3A_1249 : vector<16xi32>
        %reduce_min3A_1253 = vector.extract %reduce_min3A_1252[15] : i32 from vector<16xi32>
        %min3A_1254 = arith.minsi %min3A_1245, %reduce_min3A_1253 : i32
        %rev3A_1255 = arith.constant 15 : i32
        %rev3A_1256 = vector.broadcast %rev3A_1255 : i32 to vector<16xi32>
        %rev3A_1257 = tpu.iota {dimensions = array<i32: 0>} : vector<16xi32>
        %rev3A_1258 = arith.subi %rev3A_1256, %rev3A_1257 : vector<16xi32>
        %rev3A_1259 = tpu.dynamic_gather %sort3A_1220[%rev3A_1258] in [0] : vector<16xi32>, vector<16xi32> -> vector<16xi32>
        %min3A_1260 = arith.minsi %sort3A_1197, %rev3A_1259 : vector<16xi32>
        %max3A_1261 = arith.maxsi %sort3A_1197, %rev3A_1259 : vector<16xi32>
        %sort3A_1262 = arith.constant dense<true> : vector<16xi1>
        %sort3A_1263, %sort3A_1264, %sort3A_1265 = tpu.sort %min3A_1260, %min3A_1260 masked %sort3A_1262 : (vector<16xi32>, vector<16xi32>, vector<16xi1>) -> (vector<16xi1>, vector<16xi32>, vector<16xi32>)
        %min3A_1266 = arith.minsi %min3A_1210, %min3A_1233 : i32
        %reduce_min3A_1267 = arith.constant true
        %reduce_min3A_1268 = vector.broadcast %reduce_min3A_1267 : i1 to vector<16xi1>
        %reduce_min3A_1269 = arith.constant -2147483648 : i32
        %reduce_min3A_1270 = vector.broadcast %reduce_min3A_1269 : i32 to vector<16xi32>
        %reduce_min3A_1271 = arith.xori %max3A_1261, %reduce_min3A_1270 : vector<16xi32>
        %reduce_min3A_1272 = tpu.scan <min>, %reduce_min3A_1271 masked %reduce_min3A_1268 : vector<16xi32>, vector<16xi1> -> vector<16xi32>
        %reduce_min3A_1273 = arith.xori %reduce_min3A_1272, %reduce_min3A_1270 : vector<16xi32>
        %reduce_min3A_1274 = vector.extract %reduce_min3A_1273[15] : i32 from vector<16xi32>
        %min3A_1275 = arith.minsi %min3A_1266, %reduce_min3A_1274 : i32
        %rev3A_1276 = arith.constant 15 : i32
        %rev3A_1277 = vector.broadcast %rev3A_1276 : i32 to vector<16xi32>
        %rev3A_1278 = tpu.iota {dimensions = array<i32: 0>} : vector<16xi32>
        %rev3A_1279 = arith.subi %rev3A_1277, %rev3A_1278 : vector<16xi32>
        %rev3A_1280 = tpu.dynamic_gather %sort3A_1264[%rev3A_1279] in [0] : vector<16xi32>, vector<16xi32> -> vector<16xi32>
        %min3A_1281 = arith.minsi %sort3A_1243, %rev3A_1280 : vector<16xi32>
        %max3A_1282 = arith.maxsi %sort3A_1243, %rev3A_1280 : vector<16xi32>
        %sort3A_1283 = arith.constant dense<true> : vector<16xi1>
        %sort3A_1284, %sort3A_1285, %sort3A_1286 = tpu.sort %min3A_1281, %min3A_1281 masked %sort3A_1283 : (vector<16xi32>, vector<16xi32>, vector<16xi1>) -> (vector<16xi1>, vector<16xi32>, vector<16xi32>)
        %min3A_1287 = arith.minsi %min3A_1254, %min3A_1275 : i32
        %reduce_min3A_1288 = arith.constant true
        %reduce_min3A_1289 = vector.broadcast %reduce_min3A_1288 : i1 to vector<16xi1>
        %reduce_min3A_1290 = arith.constant -2147483648 : i32
        %reduce_min3A_1291 = vector.broadcast %reduce_min3A_1290 : i32 to vector<16xi32>
        %reduce_min3A_1292 = arith.xori %max3A_1282, %reduce_min3A_1291 : vector<16xi32>
        %reduce_min3A_1293 = tpu.scan <min>, %reduce_min3A_1292 masked %reduce_min3A_1289 : vector<16xi32>, vector<16xi1> -> vector<16xi32>
        %reduce_min3A_1294 = arith.xori %reduce_min3A_1293, %reduce_min3A_1291 : vector<16xi32>
        %reduce_min3A_1295 = vector.extract %reduce_min3A_1294[15] : i32 from vector<16xi32>
        %min3A_1296 = arith.minsi %min3A_1287, %reduce_min3A_1295 : i32
        %rev3A_1297 = arith.constant 15 : i32
        %rev3A_1298 = vector.broadcast %rev3A_1297 : i32 to vector<16xi32>
        %rev3A_1299 = tpu.iota {dimensions = array<i32: 0>} : vector<16xi32>
        %rev3A_1300 = arith.subi %rev3A_1298, %rev3A_1299 : vector<16xi32>
        %rev3A_1301 = tpu.dynamic_gather %sort3A_1140[%rev3A_1300] in [0] : vector<16xi32>, vector<16xi32> -> vector<16xi32>
        %min3A_1302 = arith.minsi %sort3A_1285, %rev3A_1301 : vector<16xi32>
        %max3A_1303 = arith.maxsi %sort3A_1285, %rev3A_1301 : vector<16xi32>
        %sort3A_1304 = arith.constant dense<true> : vector<16xi1>
        %sort3A_1305, %sort3A_1306, %sort3A_1307 = tpu.sort %min3A_1302, %min3A_1302 masked %sort3A_1304 : (vector<16xi32>, vector<16xi32>, vector<16xi1>) -> (vector<16xi1>, vector<16xi32>, vector<16xi32>)
        %min3A_1308 = arith.constant 2147483647 : i32
        %min3A_1309 = arith.minsi %min3A_1296, %min3A_1308 : i32
        %reduce_min3A_1310 = arith.constant true
        %reduce_min3A_1311 = vector.broadcast %reduce_min3A_1310 : i1 to vector<16xi1>
        %reduce_min3A_1312 = arith.constant -2147483648 : i32
        %reduce_min3A_1313 = vector.broadcast %reduce_min3A_1312 : i32 to vector<16xi32>
        %reduce_min3A_1314 = arith.xori %max3A_1303, %reduce_min3A_1313 : vector<16xi32>
        %reduce_min3A_1315 = tpu.scan <min>, %reduce_min3A_1314 masked %reduce_min3A_1311 : vector<16xi32>, vector<16xi1> -> vector<16xi32>
        %reduce_min3A_1316 = arith.xori %reduce_min3A_1315, %reduce_min3A_1313 : vector<16xi32>
        %reduce_min3A_1317 = vector.extract %reduce_min3A_1316[15] : i32 from vector<16xi32>
        %min3A_1318 = arith.minsi %min3A_1309, %reduce_min3A_1317 : i32
        %shift_left3A_1319 = arith.constant 16 : i32
        %shift_left3A_1320 = arith.shli %min3A_1318, %shift_left3A_1319 : i32
        %broadcast_in_dim3A_1321 = vector.broadcast %shift_left3A_1320 : i32 to vector<16xi32>
        %bitcast3A_1322 = vector.bitcast %broadcast_in_dim3A_1321 : vector<16xi32> to vector<16xf32>
        %swap3A = arith.index_cast %add3A_76 : i32 to index
        %swap3A_1323 = arith.constant 1 : index
        %swap3A_1324 = tpu.vector_load %arg6[%swap3A, %swap3A_1323] {strides = array<i32>} : memref<64x17xf32, #tpu.memory_space<vmem>>, vector<16xf32>,
        tpu.vector_store %arg6[%swap3A, %swap3A_1323], %bitcast3A_1322 {strides = array<i32>} : memref<64x17xf32, #tpu.memory_space<vmem>>, vector<16xf32>,
        %shift_left3A_1325 = arith.constant 16 : i32
        %shift_left3A_1326 = vector.broadcast %shift_left3A_1325 : i32 to vector<16xi32>
        %shift_left3A_1327 = arith.shli %sort3A_1306, %shift_left3A_1326 : vector<16xi32>
        %bitcast3A_1328 = vector.bitcast %shift_left3A_1327 : vector<16xi32> to vector<16xf32>
        %swap3A_1329 = arith.index_cast %add3A_76 : i32 to index
        %swap3A_1330 = arith.constant 0 : index
        %swap3A_1331 = tpu.vector_load %arg6[%swap3A_1329, %swap3A_1330] {strides = array<i32>} : memref<64x17xf32, #tpu.memory_space<vmem>>, vector<16xf32>,
        tpu.vector_store %arg6[%swap3A_1329, %swap3A_1330], %bitcast3A_1328 {strides = array<i32>} : memref<64x17xf32, #tpu.memory_space<vmem>>, vector<16xf32>,
        %mul3A_1332 = arith.constant 2 : i32
        %mul3A_1333 = arith.muli %mul3A_1332, %scan3A_63 : i32
        %add3A_1334 = arith.constant 1 : i32
        %add3A_1335 = arith.addi %mul3A_1333, %add3A_1334 : i32
        %mul3A_1336 = arith.constant 16 : i32
        %mul3A_1337 = arith.muli %scan3A_24, %mul3A_1336 : i32
        %add3A_1338 = arith.constant 8 : i32
        %add3A_1339 = arith.addi %mul3A_1337, %add3A_1338 : i32
        %mul3A_1340 = arith.constant 2 : i32
        %mul3A_1341 = arith.muli %mul3A_1340, %scan3A_63 : i32
        %add3A_1342 = arith.addi %add3A_1339, %mul3A_1341 : i32
        %add3A_1343 = arith.constant 1 : i32
        %add3A_1344 = arith.addi %add3A_1342, %add3A_1343 : i32
        %get3A_1345 = arith.index_cast %add3A_1335 : i32 to index
        %get3A_1346 = arith.constant 0 : index
        %get3A_1347 = tpu.vector_load %arg5[%get3A_1345, %get3A_1346] {strides = array<i32>} : memref<8x1024xi32, #tpu.memory_space<vmem>>, vector<16xi32>,
        %bitcast3A_1348 = vector.bitcast %get3A_1347 : vector<16xi32> to vector<32xi16>
        %get3A_1349 = arith.index_cast %add3A_1335 : i32 to index
        %get3A_1350 = arith.constant 16 : index
        %get3A_1351 = tpu.vector_load %arg5[%get3A_1349, %get3A_1350] {strides = array<i32>} : memref<8x1024xi32, #tpu.memory_space<vmem>>, vector<16xi32>,
        %bitcast3A_1352 = vector.bitcast %get3A_1351 : vector<16xi32> to vector<32xi16>
        %get3A_1353 = arith.index_cast %add3A_1335 : i32 to index
        %get3A_1354 = arith.constant 32 : index
        %get3A_1355 = tpu.vector_load %arg5[%get3A_1353, %get3A_1354] {strides = array<i32>} : memref<8x1024xi32, #tpu.memory_space<vmem>>, vector<16xi32>,
        %bitcast3A_1356 = vector.bitcast %get3A_1355 : vector<16xi32> to vector<32xi16>
        %get3A_1357 = arith.index_cast %add3A_1335 : i32 to index
        %get3A_1358 = arith.constant 48 : index
        %get3A_1359 = tpu.vector_load %arg5[%get3A_1357, %get3A_1358] {strides = array<i32>} : memref<8x1024xi32, #tpu.memory_space<vmem>>, vector<16xi32>,
        %bitcast3A_1360 = vector.bitcast %get3A_1359 : vector<16xi32> to vector<32xi16>
        %get3A_1361 = arith.index_cast %add3A_1335 : i32 to index
        %get3A_1362 = arith.constant 64 : index
        %get3A_1363 = tpu.vector_load %arg5[%get3A_1361, %get3A_1362] {strides = array<i32>} : memref<8x1024xi32, #tpu.memory_space<vmem>>, vector<16xi32>,
        %bitcast3A_1364 = vector.bitcast %get3A_1363 : vector<16xi32> to vector<32xi16>
        %get3A_1365 = arith.index_cast %add3A_1335 : i32 to index
        %get3A_1366 = arith.constant 80 : index
        %get3A_1367 = tpu.vector_load %arg5[%get3A_1365, %get3A_1366] {strides = array<i32>} : memref<8x1024xi32, #tpu.memory_space<vmem>>, vector<16xi32>,
        %bitcast3A_1368 = vector.bitcast %get3A_1367 : vector<16xi32> to vector<32xi16>
        %get3A_1369 = arith.index_cast %add3A_1335 : i32 to index
        %get3A_1370 = arith.constant 96 : index
        %get3A_1371 = tpu.vector_load %arg5[%get3A_1369, %get3A_1370] {strides = array<i32>} : memref<8x1024xi32, #tpu.memory_space<vmem>>, vector<16xi32>,
        %bitcast3A_1372 = vector.bitcast %get3A_1371 : vector<16xi32> to vector<32xi16>
        %get3A_1373 = arith.index_cast %add3A_1335 : i32 to index
        %get3A_1374 = arith.constant 112 : index
        %get3A_1375 = tpu.vector_load %arg5[%get3A_1373, %get3A_1374] {strides = array<i32>} : memref<8x1024xi32, #tpu.memory_space<vmem>>, vector<16xi32>,
        %bitcast3A_1376 = vector.bitcast %get3A_1375 : vector<16xi32> to vector<32xi16>
        %min3A_1377 = arith.minsi %bitcast3A_1348, %bitcast3A_1352 : vector<32xi16>
        %min3A_1378 = arith.minsi %bitcast3A_1356, %bitcast3A_1360 : vector<32xi16>
        %min3A_1379 = arith.minsi %bitcast3A_1364, %bitcast3A_1368 : vector<32xi16>
        %min3A_1380 = arith.minsi %bitcast3A_1372, %bitcast3A_1376 : vector<32xi16>
        %min3A_1381 = arith.minsi %min3A_1377, %min3A_1378 : vector<32xi16>
        %min3A_1382 = arith.minsi %min3A_1379, %min3A_1380 : vector<32xi16>
        %min3A_1383 = arith.minsi %min3A_1381, %min3A_1382 : vector<32xi16>
        %get3A_1384 = arith.index_cast %add3A_1335 : i32 to index
        %get3A_1385 = arith.constant 128 : index
        %get3A_1386 = tpu.vector_load %arg5[%get3A_1384, %get3A_1385] {strides = array<i32>} : memref<8x1024xi32, #tpu.memory_space<vmem>>, vector<16xi32>,
        %bitcast3A_1387 = vector.bitcast %get3A_1386 : vector<16xi32> to vector<32xi16>
        %get3A_1388 = arith.index_cast %add3A_1335 : i32 to index
        %get3A_1389 = arith.constant 144 : index
        %get3A_1390 = tpu.vector_load %arg5[%get3A_1388, %get3A_1389] {strides = array<i32>} : memref<8x1024xi32, #tpu.memory_space<vmem>>, vector<16xi32>,
        %bitcast3A_1391 = vector.bitcast %get3A_1390 : vector<16xi32> to vector<32xi16>
        %get3A_1392 = arith.index_cast %add3A_1335 : i32 to index
        %get3A_1393 = arith.constant 160 : index
        %get3A_1394 = tpu.vector_load %arg5[%get3A_1392, %get3A_1393] {strides = array<i32>} : memref<8x1024xi32, #tpu.memory_space<vmem>>, vector<16xi32>,
        %bitcast3A_1395 = vector.bitcast %get3A_1394 : vector<16xi32> to vector<32xi16>
        %get3A_1396 = arith.index_cast %add3A_1335 : i32 to index
        %get3A_1397 = arith.constant 176 : index
        %get3A_1398 = tpu.vector_load %arg5[%get3A_1396, %get3A_1397] {strides = array<i32>} : memref<8x1024xi32, #tpu.memory_space<vmem>>, vector<16xi32>,
        %bitcast3A_1399 = vector.bitcast %get3A_1398 : vector<16xi32> to vector<32xi16>
        %get3A_1400 = arith.index_cast %add3A_1335 : i32 to index
        %get3A_1401 = arith.constant 192 : index
        %get3A_1402 = tpu.vector_load %arg5[%get3A_1400, %get3A_1401] {strides = array<i32>} : memref<8x1024xi32, #tpu.memory_space<vmem>>, vector<16xi32>,
        %bitcast3A_1403 = vector.bitcast %get3A_1402 : vector<16xi32> to vector<32xi16>
        %get3A_1404 = arith.index_cast %add3A_1335 : i32 to index
        %get3A_1405 = arith.constant 208 : index
        %get3A_1406 = tpu.vector_load %arg5[%get3A_1404, %get3A_1405] {strides = array<i32>} : memref<8x1024xi32, #tpu.memory_space<vmem>>, vector<16xi32>,
        %bitcast3A_1407 = vector.bitcast %get3A_1406 : vector<16xi32> to vector<32xi16>
        %get3A_1408 = arith.index_cast %add3A_1335 : i32 to index
        %get3A_1409 = arith.constant 224 : index
        %get3A_1410 = tpu.vector_load %arg5[%get3A_1408, %get3A_1409] {strides = array<i32>} : memref<8x1024xi32, #tpu.memory_space<vmem>>, vector<16xi32>,
        %bitcast3A_1411 = vector.bitcast %get3A_1410 : vector<16xi32> to vector<32xi16>
        %get3A_1412 = arith.index_cast %add3A_1335 : i32 to index
        %get3A_1413 = arith.constant 240 : index
        %get3A_1414 = tpu.vector_load %arg5[%get3A_1412, %get3A_1413] {strides = array<i32>} : memref<8x1024xi32, #tpu.memory_space<vmem>>, vector<16xi32>,
        %bitcast3A_1415 = vector.bitcast %get3A_1414 : vector<16xi32> to vector<32xi16>
        %min3A_1416 = arith.minsi %bitcast3A_1387, %bitcast3A_1391 : vector<32xi16>
        %min3A_1417 = arith.minsi %bitcast3A_1395, %bitcast3A_1399 : vector<32xi16>
        %min3A_1418 = arith.minsi %bitcast3A_1403, %bitcast3A_1407 : vector<32xi16>
        %min3A_1419 = arith.minsi %bitcast3A_1411, %bitcast3A_1415 : vector<32xi16>
        %min3A_1420 = arith.minsi %min3A_1416, %min3A_1417 : vector<32xi16>
        %min3A_1421 = arith.minsi %min3A_1418, %min3A_1419 : vector<32xi16>
        %min3A_1422 = arith.minsi %min3A_1420, %min3A_1421 : vector<32xi16>
        %get3A_1423 = arith.index_cast %add3A_1335 : i32 to index
        %get3A_1424 = arith.constant 256 : index
        %get3A_1425 = tpu.vector_load %arg5[%get3A_1423, %get3A_1424] {strides = array<i32>} : memref<8x1024xi32, #tpu.memory_space<vmem>>, vector<16xi32>,
        %bitcast3A_1426 = vector.bitcast %get3A_1425 : vector<16xi32> to vector<32xi16>
        %get3A_1427 = arith.index_cast %add3A_1335 : i32 to index
        %get3A_1428 = arith.constant 272 : index
        %get3A_1429 = tpu.vector_load %arg5[%get3A_1427, %get3A_1428] {strides = array<i32>} : memref<8x1024xi32, #tpu.memory_space<vmem>>, vector<16xi32>,
        %bitcast3A_1430 = vector.bitcast %get3A_1429 : vector<16xi32> to vector<32xi16>
        %get3A_1431 = arith.index_cast %add3A_1335 : i32 to index
        %get3A_1432 = arith.constant 288 : index
        %get3A_1433 = tpu.vector_load %arg5[%get3A_1431, %get3A_1432] {strides = array<i32>} : memref<8x1024xi32, #tpu.memory_space<vmem>>, vector<16xi32>,
        %bitcast3A_1434 = vector.bitcast %get3A_1433 : vector<16xi32> to vector<32xi16>
        %get3A_1435 = arith.index_cast %add3A_1335 : i32 to index
        %get3A_1436 = arith.constant 304 : index
        %get3A_1437 = tpu.vector_load %arg5[%get3A_1435, %get3A_1436] {strides = array<i32>} : memref<8x1024xi32, #tpu.memory_space<vmem>>, vector<16xi32>,
        %bitcast3A_1438 = vector.bitcast %get3A_1437 : vector<16xi32> to vector<32xi16>
        %get3A_1439 = arith.index_cast %add3A_1335 : i32 to index
        %get3A_1440 = arith.constant 320 : index
        %get3A_1441 = tpu.vector_load %arg5[%get3A_1439, %get3A_1440] {strides = array<i32>} : memref<8x1024xi32, #tpu.memory_space<vmem>>, vector<16xi32>,
        %bitcast3A_1442 = vector.bitcast %get3A_1441 : vector<16xi32> to vector<32xi16>
        %get3A_1443 = arith.index_cast %add3A_1335 : i32 to index
        %get3A_1444 = arith.constant 336 : index
        %get3A_1445 = tpu.vector_load %arg5[%get3A_1443, %get3A_1444] {strides = array<i32>} : memref<8x1024xi32, #tpu.memory_space<vmem>>, vector<16xi32>,
        %bitcast3A_1446 = vector.bitcast %get3A_1445 : vector<16xi32> to vector<32xi16>
        %get3A_1447 = arith.index_cast %add3A_1335 : i32 to index
        %get3A_1448 = arith.constant 352 : index
        %get3A_1449 = tpu.vector_load %arg5[%get3A_1447, %get3A_1448] {strides = array<i32>} : memref<8x1024xi32, #tpu.memory_space<vmem>>, vector<16xi32>,
        %bitcast3A_1450 = vector.bitcast %get3A_1449 : vector<16xi32> to vector<32xi16>
        %get3A_1451 = arith.index_cast %add3A_1335 : i32 to index
        %get3A_1452 = arith.constant 368 : index
        %get3A_1453 = tpu.vector_load %arg5[%get3A_1451, %get3A_1452] {strides = array<i32>} : memref<8x1024xi32, #tpu.memory_space<vmem>>, vector<16xi32>,
        %bitcast3A_1454 = vector.bitcast %get3A_1453 : vector<16xi32> to vector<32xi16>
        %min3A_1455 = arith.minsi %bitcast3A_1426, %bitcast3A_1430 : vector<32xi16>
        %min3A_1456 = arith.minsi %bitcast3A_1434, %bitcast3A_1438 : vector<32xi16>
        %min3A_1457 = arith.minsi %bitcast3A_1442, %bitcast3A_1446 : vector<32xi16>
        %min3A_1458 = arith.minsi %bitcast3A_1450, %bitcast3A_1454 : vector<32xi16>
        %min3A_1459 = arith.minsi %min3A_1455, %min3A_1456 : vector<32xi16>
        %min3A_1460 = arith.minsi %min3A_1457, %min3A_1458 : vector<32xi16>
        %min3A_1461 = arith.minsi %min3A_1459, %min3A_1460 : vector<32xi16>
        %get3A_1462 = arith.index_cast %add3A_1335 : i32 to index
        %get3A_1463 = arith.constant 384 : index
        %get3A_1464 = tpu.vector_load %arg5[%get3A_1462, %get3A_1463] {strides = array<i32>} : memref<8x1024xi32, #tpu.memory_space<vmem>>, vector<16xi32>,
        %bitcast3A_1465 = vector.bitcast %get3A_1464 : vector<16xi32> to vector<32xi16>
        %get3A_1466 = arith.index_cast %add3A_1335 : i32 to index
        %get3A_1467 = arith.constant 400 : index
        %get3A_1468 = tpu.vector_load %arg5[%get3A_1466, %get3A_1467] {strides = array<i32>} : memref<8x1024xi32, #tpu.memory_space<vmem>>, vector<16xi32>,
        %bitcast3A_1469 = vector.bitcast %get3A_1468 : vector<16xi32> to vector<32xi16>
        %get3A_1470 = arith.index_cast %add3A_1335 : i32 to index
        %get3A_1471 = arith.constant 416 : index
        %get3A_1472 = tpu.vector_load %arg5[%get3A_1470, %get3A_1471] {strides = array<i32>} : memref<8x1024xi32, #tpu.memory_space<vmem>>, vector<16xi32>,
        %bitcast3A_1473 = vector.bitcast %get3A_1472 : vector<16xi32> to vector<32xi16>
        %get3A_1474 = arith.index_cast %add3A_1335 : i32 to index
        %get3A_1475 = arith.constant 432 : index
        %get3A_1476 = tpu.vector_load %arg5[%get3A_1474, %get3A_1475] {strides = array<i32>} : memref<8x1024xi32, #tpu.memory_space<vmem>>, vector<16xi32>,
        %bitcast3A_1477 = vector.bitcast %get3A_1476 : vector<16xi32> to vector<32xi16>
        %get3A_1478 = arith.index_cast %add3A_1335 : i32 to index
        %get3A_1479 = arith.constant 448 : index
        %get3A_1480 = tpu.vector_load %arg5[%get3A_1478, %get3A_1479] {strides = array<i32>} : memref<8x1024xi32, #tpu.memory_space<vmem>>, vector<16xi32>,
        %bitcast3A_1481 = vector.bitcast %get3A_1480 : vector<16xi32> to vector<32xi16>
        %get3A_1482 = arith.index_cast %add3A_1335 : i32 to index
        %get3A_1483 = arith.constant 464 : index
        %get3A_1484 = tpu.vector_load %arg5[%get3A_1482, %get3A_1483] {strides = array<i32>} : memref<8x1024xi32, #tpu.memory_space<vmem>>, vector<16xi32>,
        %bitcast3A_1485 = vector.bitcast %get3A_1484 : vector<16xi32> to vector<32xi16>
        %get3A_1486 = arith.index_cast %add3A_1335 : i32 to index
        %get3A_1487 = arith.constant 480 : index
        %get3A_1488 = tpu.vector_load %arg5[%get3A_1486, %get3A_1487] {strides = array<i32>} : memref<8x1024xi32, #tpu.memory_space<vmem>>, vector<16xi32>,
        %bitcast3A_1489 = vector.bitcast %get3A_1488 : vector<16xi32> to vector<32xi16>
        %get3A_1490 = arith.index_cast %add3A_1335 : i32 to index
        %get3A_1491 = arith.constant 496 : index
        %get3A_1492 = tpu.vector_load %arg5[%get3A_1490, %get3A_1491] {strides = array<i32>} : memref<8x1024xi32, #tpu.memory_space<vmem>>, vector<16xi32>,
        %bitcast3A_1493 = vector.bitcast %get3A_1492 : vector<16xi32> to vector<32xi16>
        %min3A_1494 = arith.minsi %bitcast3A_1465, %bitcast3A_1469 : vector<32xi16>
        %min3A_1495 = arith.minsi %bitcast3A_1473, %bitcast3A_1477 : vector<32xi16>
        %min3A_1496 = arith.minsi %bitcast3A_1481, %bitcast3A_1485 : vector<32xi16>
        %min3A_1497 = arith.minsi %bitcast3A_1489, %bitcast3A_1493 : vector<32xi16>
        %min3A_1498 = arith.minsi %min3A_1494, %min3A_1495 : vector<32xi16>
        %min3A_1499 = arith.minsi %min3A_1496, %min3A_1497 : vector<32xi16>
        %min3A_1500 = arith.minsi %min3A_1498, %min3A_1499 : vector<32xi16>
        %get3A_1501 = arith.index_cast %add3A_1335 : i32 to index
        %get3A_1502 = arith.constant 512 : index
        %get3A_1503 = tpu.vector_load %arg5[%get3A_1501, %get3A_1502] {strides = array<i32>} : memref<8x1024xi32, #tpu.memory_space<vmem>>, vector<16xi32>,
        %bitcast3A_1504 = vector.bitcast %get3A_1503 : vector<16xi32> to vector<32xi16>
        %get3A_1505 = arith.index_cast %add3A_1335 : i32 to index
        %get3A_1506 = arith.constant 528 : index
        %get3A_1507 = tpu.vector_load %arg5[%get3A_1505, %get3A_1506] {strides = array<i32>} : memref<8x1024xi32, #tpu.memory_space<vmem>>, vector<16xi32>,
        %bitcast3A_1508 = vector.bitcast %get3A_1507 : vector<16xi32> to vector<32xi16>
        %get3A_1509 = arith.index_cast %add3A_1335 : i32 to index
        %get3A_1510 = arith.constant 544 : index
        %get3A_1511 = tpu.vector_load %arg5[%get3A_1509, %get3A_1510] {strides = array<i32>} : memref<8x1024xi32, #tpu.memory_space<vmem>>, vector<16xi32>,
        %bitcast3A_1512 = vector.bitcast %get3A_1511 : vector<16xi32> to vector<32xi16>
        %get3A_1513 = arith.index_cast %add3A_1335 : i32 to index
        %get3A_1514 = arith.constant 560 : index
        %get3A_1515 = tpu.vector_load %arg5[%get3A_1513, %get3A_1514] {strides = array<i32>} : memref<8x1024xi32, #tpu.memory_space<vmem>>, vector<16xi32>,
        %bitcast3A_1516 = vector.bitcast %get3A_1515 : vector<16xi32> to vector<32xi16>
        %get3A_1517 = arith.index_cast %add3A_1335 : i32 to index
        %get3A_1518 = arith.constant 576 : index
        %get3A_1519 = tpu.vector_load %arg5[%get3A_1517, %get3A_1518] {strides = array<i32>} : memref<8x1024xi32, #tpu.memory_space<vmem>>, vector<16xi32>,
        %bitcast3A_1520 = vector.bitcast %get3A_1519 : vector<16xi32> to vector<32xi16>
        %get3A_1521 = arith.index_cast %add3A_1335 : i32 to index
        %get3A_1522 = arith.constant 592 : index
        %get3A_1523 = tpu.vector_load %arg5[%get3A_1521, %get3A_1522] {strides = array<i32>} : memref<8x1024xi32, #tpu.memory_space<vmem>>, vector<16xi32>,
        %bitcast3A_1524 = vector.bitcast %get3A_1523 : vector<16xi32> to vector<32xi16>
        %get3A_1525 = arith.index_cast %add3A_1335 : i32 to index
        %get3A_1526 = arith.constant 608 : index
        %get3A_1527 = tpu.vector_load %arg5[%get3A_1525, %get3A_1526] {strides = array<i32>} : memref<8x1024xi32, #tpu.memory_space<vmem>>, vector<16xi32>,
        %bitcast3A_1528 = vector.bitcast %get3A_1527 : vector<16xi32> to vector<32xi16>
        %get3A_1529 = arith.index_cast %add3A_1335 : i32 to index
        %get3A_1530 = arith.constant 624 : index
        %get3A_1531 = tpu.vector_load %arg5[%get3A_1529, %get3A_1530] {strides = array<i32>} : memref<8x1024xi32, #tpu.memory_space<vmem>>, vector<16xi32>,
        %bitcast3A_1532 = vector.bitcast %get3A_1531 : vector<16xi32> to vector<32xi16>
        %min3A_1533 = arith.minsi %bitcast3A_1504, %bitcast3A_1508 : vector<32xi16>
        %min3A_1534 = arith.minsi %bitcast3A_1512, %bitcast3A_1516 : vector<32xi16>
        %min3A_1535 = arith.minsi %bitcast3A_1520, %bitcast3A_1524 : vector<32xi16>
        %min3A_1536 = arith.minsi %bitcast3A_1528, %bitcast3A_1532 : vector<32xi16>
        %min3A_1537 = arith.minsi %min3A_1533, %min3A_1534 : vector<32xi16>
        %min3A_1538 = arith.minsi %min3A_1535, %min3A_1536 : vector<32xi16>
        %min3A_1539 = arith.minsi %min3A_1537, %min3A_1538 : vector<32xi16>
        %get3A_1540 = arith.index_cast %add3A_1335 : i32 to index
        %get3A_1541 = arith.constant 640 : index
        %get3A_1542 = tpu.vector_load %arg5[%get3A_1540, %get3A_1541] {strides = array<i32>} : memref<8x1024xi32, #tpu.memory_space<vmem>>, vector<16xi32>,
        %bitcast3A_1543 = vector.bitcast %get3A_1542 : vector<16xi32> to vector<32xi16>
        %get3A_1544 = arith.index_cast %add3A_1335 : i32 to index
        %get3A_1545 = arith.constant 656 : index
        %get3A_1546 = tpu.vector_load %arg5[%get3A_1544, %get3A_1545] {strides = array<i32>} : memref<8x1024xi32, #tpu.memory_space<vmem>>, vector<16xi32>,
        %bitcast3A_1547 = vector.bitcast %get3A_1546 : vector<16xi32> to vector<32xi16>
        %get3A_1548 = arith.index_cast %add3A_1335 : i32 to index
        %get3A_1549 = arith.constant 672 : index
        %get3A_1550 = tpu.vector_load %arg5[%get3A_1548, %get3A_1549] {strides = array<i32>} : memref<8x1024xi32, #tpu.memory_space<vmem>>, vector<16xi32>,
        %bitcast3A_1551 = vector.bitcast %get3A_1550 : vector<16xi32> to vector<32xi16>
        %get3A_1552 = arith.index_cast %add3A_1335 : i32 to index
        %get3A_1553 = arith.constant 688 : index
        %get3A_1554 = tpu.vector_load %arg5[%get3A_1552, %get3A_1553] {strides = array<i32>} : memref<8x1024xi32, #tpu.memory_space<vmem>>, vector<16xi32>,
        %bitcast3A_1555 = vector.bitcast %get3A_1554 : vector<16xi32> to vector<32xi16>
        %get3A_1556 = arith.index_cast %add3A_1335 : i32 to index
        %get3A_1557 = arith.constant 704 : index
        %get3A_1558 = tpu.vector_load %arg5[%get3A_1556, %get3A_1557] {strides = array<i32>} : memref<8x1024xi32, #tpu.memory_space<vmem>>, vector<16xi32>,
        %bitcast3A_1559 = vector.bitcast %get3A_1558 : vector<16xi32> to vector<32xi16>
        %get3A_1560 = arith.index_cast %add3A_1335 : i32 to index
        %get3A_1561 = arith.constant 720 : index
        %get3A_1562 = tpu.vector_load %arg5[%get3A_1560, %get3A_1561] {strides = array<i32>} : memref<8x1024xi32, #tpu.memory_space<vmem>>, vector<16xi32>,
        %bitcast3A_1563 = vector.bitcast %get3A_1562 : vector<16xi32> to vector<32xi16>
        %get3A_1564 = arith.index_cast %add3A_1335 : i32 to index
        %get3A_1565 = arith.constant 736 : index
        %get3A_1566 = tpu.vector_load %arg5[%get3A_1564, %get3A_1565] {strides = array<i32>} : memref<8x1024xi32, #tpu.memory_space<vmem>>, vector<16xi32>,
        %bitcast3A_1567 = vector.bitcast %get3A_1566 : vector<16xi32> to vector<32xi16>
        %get3A_1568 = arith.index_cast %add3A_1335 : i32 to index
        %get3A_1569 = arith.constant 752 : index
        %get3A_1570 = tpu.vector_load %arg5[%get3A_1568, %get3A_1569] {strides = array<i32>} : memref<8x1024xi32, #tpu.memory_space<vmem>>, vector<16xi32>,
        %bitcast3A_1571 = vector.bitcast %get3A_1570 : vector<16xi32> to vector<32xi16>
        %min3A_1572 = arith.minsi %bitcast3A_1543, %bitcast3A_1547 : vector<32xi16>
        %min3A_1573 = arith.minsi %bitcast3A_1551, %bitcast3A_1555 : vector<32xi16>
        %min3A_1574 = arith.minsi %bitcast3A_1559, %bitcast3A_1563 : vector<32xi16>
        %min3A_1575 = arith.minsi %bitcast3A_1567, %bitcast3A_1571 : vector<32xi16>
        %min3A_1576 = arith.minsi %min3A_1572, %min3A_1573 : vector<32xi16>
        %min3A_1577 = arith.minsi %min3A_1574, %min3A_1575 : vector<32xi16>
        %min3A_1578 = arith.minsi %min3A_1576, %min3A_1577 : vector<32xi16>
        %get3A_1579 = arith.index_cast %add3A_1335 : i32 to index
        %get3A_1580 = arith.constant 768 : index
        %get3A_1581 = tpu.vector_load %arg5[%get3A_1579, %get3A_1580] {strides = array<i32>} : memref<8x1024xi32, #tpu.memory_space<vmem>>, vector<16xi32>,
        %bitcast3A_1582 = vector.bitcast %get3A_1581 : vector<16xi32> to vector<32xi16>
        %get3A_1583 = arith.index_cast %add3A_1335 : i32 to index
        %get3A_1584 = arith.constant 784 : index
        %get3A_1585 = tpu.vector_load %arg5[%get3A_1583, %get3A_1584] {strides = array<i32>} : memref<8x1024xi32, #tpu.memory_space<vmem>>, vector<16xi32>,
        %bitcast3A_1586 = vector.bitcast %get3A_1585 : vector<16xi32> to vector<32xi16>
        %get3A_1587 = arith.index_cast %add3A_1335 : i32 to index
        %get3A_1588 = arith.constant 800 : index
        %get3A_1589 = tpu.vector_load %arg5[%get3A_1587, %get3A_1588] {strides = array<i32>} : memref<8x1024xi32, #tpu.memory_space<vmem>>, vector<16xi32>,
        %bitcast3A_1590 = vector.bitcast %get3A_1589 : vector<16xi32> to vector<32xi16>
        %get3A_1591 = arith.index_cast %add3A_1335 : i32 to index
        %get3A_1592 = arith.constant 816 : index
        %get3A_1593 = tpu.vector_load %arg5[%get3A_1591, %get3A_1592] {strides = array<i32>} : memref<8x1024xi32, #tpu.memory_space<vmem>>, vector<16xi32>,
        %bitcast3A_1594 = vector.bitcast %get3A_1593 : vector<16xi32> to vector<32xi16>
        %get3A_1595 = arith.index_cast %add3A_1335 : i32 to index
        %get3A_1596 = arith.constant 832 : index
        %get3A_1597 = tpu.vector_load %arg5[%get3A_1595, %get3A_1596] {strides = array<i32>} : memref<8x1024xi32, #tpu.memory_space<vmem>>, vector<16xi32>,
        %bitcast3A_1598 = vector.bitcast %get3A_1597 : vector<16xi32> to vector<32xi16>
        %get3A_1599 = arith.index_cast %add3A_1335 : i32 to index
        %get3A_1600 = arith.constant 848 : index
        %get3A_1601 = tpu.vector_load %arg5[%get3A_1599, %get3A_1600] {strides = array<i32>} : memref<8x1024xi32, #tpu.memory_space<vmem>>, vector<16xi32>,
        %bitcast3A_1602 = vector.bitcast %get3A_1601 : vector<16xi32> to vector<32xi16>
        %get3A_1603 = arith.index_cast %add3A_1335 : i32 to index
        %get3A_1604 = arith.constant 864 : index
        %get3A_1605 = tpu.vector_load %arg5[%get3A_1603, %get3A_1604] {strides = array<i32>} : memref<8x1024xi32, #tpu.memory_space<vmem>>, vector<16xi32>,
        %bitcast3A_1606 = vector.bitcast %get3A_1605 : vector<16xi32> to vector<32xi16>
        %get3A_1607 = arith.index_cast %add3A_1335 : i32 to index
        %get3A_1608 = arith.constant 880 : index
        %get3A_1609 = tpu.vector_load %arg5[%get3A_1607, %get3A_1608] {strides = array<i32>} : memref<8x1024xi32, #tpu.memory_space<vmem>>, vector<16xi32>,
        %bitcast3A_1610 = vector.bitcast %get3A_1609 : vector<16xi32> to vector<32xi16>
        %min3A_1611 = arith.minsi %bitcast3A_1582, %bitcast3A_1586 : vector<32xi16>
        %min3A_1612 = arith.minsi %bitcast3A_1590, %bitcast3A_1594 : vector<32xi16>
        %min3A_1613 = arith.minsi %bitcast3A_1598, %bitcast3A_1602 : vector<32xi16>
        %min3A_1614 = arith.minsi %bitcast3A_1606, %bitcast3A_1610 : vector<32xi16>
        %min3A_1615 = arith.minsi %min3A_1611, %min3A_1612 : vector<32xi16>
        %min3A_1616 = arith.minsi %min3A_1613, %min3A_1614 : vector<32xi16>
        %min3A_1617 = arith.minsi %min3A_1615, %min3A_1616 : vector<32xi16>
        %get3A_1618 = arith.index_cast %add3A_1335 : i32 to index
        %get3A_1619 = arith.constant 896 : index
        %get3A_1620 = tpu.vector_load %arg5[%get3A_1618, %get3A_1619] {strides = array<i32>} : memref<8x1024xi32, #tpu.memory_space<vmem>>, vector<16xi32>,
        %bitcast3A_1621 = vector.bitcast %get3A_1620 : vector<16xi32> to vector<32xi16>
        %get3A_1622 = arith.index_cast %add3A_1335 : i32 to index
        %get3A_1623 = arith.constant 912 : index
        %get3A_1624 = tpu.vector_load %arg5[%get3A_1622, %get3A_1623] {strides = array<i32>} : memref<8x1024xi32, #tpu.memory_space<vmem>>, vector<16xi32>,
        %bitcast3A_1625 = vector.bitcast %get3A_1624 : vector<16xi32> to vector<32xi16>
        %get3A_1626 = arith.index_cast %add3A_1335 : i32 to index
        %get3A_1627 = arith.constant 928 : index
        %get3A_1628 = tpu.vector_load %arg5[%get3A_1626, %get3A_1627] {strides = array<i32>} : memref<8x1024xi32, #tpu.memory_space<vmem>>, vector<16xi32>,
        %bitcast3A_1629 = vector.bitcast %get3A_1628 : vector<16xi32> to vector<32xi16>
        %get3A_1630 = arith.index_cast %add3A_1335 : i32 to index
        %get3A_1631 = arith.constant 944 : index
        %get3A_1632 = tpu.vector_load %arg5[%get3A_1630, %get3A_1631] {strides = array<i32>} : memref<8x1024xi32, #tpu.memory_space<vmem>>, vector<16xi32>,
        %bitcast3A_1633 = vector.bitcast %get3A_1632 : vector<16xi32> to vector<32xi16>
        %get3A_1634 = arith.index_cast %add3A_1335 : i32 to index
        %get3A_1635 = arith.constant 960 : index
        %get3A_1636 = tpu.vector_load %arg5[%get3A_1634, %get3A_1635] {strides = array<i32>} : memref<8x1024xi32, #tpu.memory_space<vmem>>, vector<16xi32>,
        %bitcast3A_1637 = vector.bitcast %get3A_1636 : vector<16xi32> to vector<32xi16>
        %get3A_1638 = arith.index_cast %add3A_1335 : i32 to index
        %get3A_1639 = arith.constant 976 : index
        %get3A_1640 = tpu.vector_load %arg5[%get3A_1638, %get3A_1639] {strides = array<i32>} : memref<8x1024xi32, #tpu.memory_space<vmem>>, vector<16xi32>,
        %bitcast3A_1641 = vector.bitcast %get3A_1640 : vector<16xi32> to vector<32xi16>
        %get3A_1642 = arith.index_cast %add3A_1335 : i32 to index
        %get3A_1643 = arith.constant 992 : index
        %get3A_1644 = tpu.vector_load %arg5[%get3A_1642, %get3A_1643] {strides = array<i32>} : memref<8x1024xi32, #tpu.memory_space<vmem>>, vector<16xi32>,
        %bitcast3A_1645 = vector.bitcast %get3A_1644 : vector<16xi32> to vector<32xi16>
        %get3A_1646 = arith.index_cast %add3A_1335 : i32 to index
        %get3A_1647 = arith.constant 1008 : index
        %get3A_1648 = tpu.vector_load %arg5[%get3A_1646, %get3A_1647] {strides = array<i32>} : memref<8x1024xi32, #tpu.memory_space<vmem>>, vector<16xi32>,
        %bitcast3A_1649 = vector.bitcast %get3A_1648 : vector<16xi32> to vector<32xi16>
        %min3A_1650 = arith.minsi %bitcast3A_1621, %bitcast3A_1625 : vector<32xi16>
        %min3A_1651 = arith.minsi %bitcast3A_1629, %bitcast3A_1633 : vector<32xi16>
        %min3A_1652 = arith.minsi %bitcast3A_1637, %bitcast3A_1641 : vector<32xi16>
        %min3A_1653 = arith.minsi %bitcast3A_1645, %bitcast3A_1649 : vector<32xi16>
        %min3A_1654 = arith.minsi %min3A_1650, %min3A_1651 : vector<32xi16>
        %min3A_1655 = arith.minsi %min3A_1652, %min3A_1653 : vector<32xi16>
        %min3A_1656 = arith.minsi %min3A_1654, %min3A_1655 : vector<32xi16>
        %bitcast3A_1657 = vector.bitcast %min3A_1383 : vector<32xi16> to vector<16xi32>
        %and3A_1658 = vector.broadcast %scan3A_13 : i32 to vector<16xi32>
        %and3A_1659 = arith.andi %bitcast3A_1657, %and3A_1658 : vector<16xi32>
        %shift_right_logical3A_1660 = arith.constant 16 : i32
        %shift_right_logical3A_1661 = vector.broadcast %shift_right_logical3A_1660 : i32 to vector<16xi32>
        %shift_right_logical3A_1662 = arith.shrui %bitcast3A_1657, %shift_right_logical3A_1661 : vector<16xi32>
        %shift_left3A_1663 = arith.constant 8 : i32
        %shift_left3A_1664 = vector.broadcast %shift_left3A_1663 : i32 to vector<16xi32>
        %shift_left3A_1665 = arith.shli %and3A_1659, %shift_left3A_1664 : vector<16xi32>
        %add3A_1666 = arith.constant 0 : i32
        %add3A_1667 = vector.broadcast %add3A_1666 : i32 to vector<16xi32>
        %add3A_1668 = arith.addi %mul3A_5, %add3A_1667 : vector<16xi32>
        %or3A_1669 = arith.ori %shift_left3A_1665, %add3A_1668 : vector<16xi32>
        %shift_left3A_1670 = arith.constant 8 : i32
        %shift_left3A_1671 = vector.broadcast %shift_left3A_1670 : i32 to vector<16xi32>
        %shift_left3A_1672 = arith.shli %shift_right_logical3A_1662, %shift_left3A_1671 : vector<16xi32>
        %add3A_1673 = arith.constant 0 : i32
        %add3A_1674 = vector.broadcast %add3A_1673 : i32 to vector<16xi32>
        %add3A_1675 = arith.addi %mul3A_5, %add3A_1674 : vector<16xi32>
        %add3A_1676 = arith.constant 1 : i32
        %add3A_1677 = vector.broadcast %add3A_1676 : i32 to vector<16xi32>
        %add3A_1678 = arith.addi %add3A_1675, %add3A_1677 : vector<16xi32>
        %or3A_1679 = arith.ori %shift_left3A_1672, %add3A_1678 : vector<16xi32>
        %bitcast3A_1680 = vector.bitcast %min3A_1422 : vector<32xi16> to vector<16xi32>
        %and3A_1681 = vector.broadcast %scan3A_13 : i32 to vector<16xi32>
        %and3A_1682 = arith.andi %bitcast3A_1680, %and3A_1681 : vector<16xi32>
        %shift_right_logical3A_1683 = arith.constant 16 : i32
        %shift_right_logical3A_1684 = vector.broadcast %shift_right_logical3A_1683 : i32 to vector<16xi32>
        %shift_right_logical3A_1685 = arith.shrui %bitcast3A_1680, %shift_right_logical3A_1684 : vector<16xi32>
        %shift_left3A_1686 = arith.constant 8 : i32
        %shift_left3A_1687 = vector.broadcast %shift_left3A_1686 : i32 to vector<16xi32>
        %shift_left3A_1688 = arith.shli %and3A_1682, %shift_left3A_1687 : vector<16xi32>
        %add3A_1689 = arith.constant 32 : i32
        %add3A_1690 = vector.broadcast %add3A_1689 : i32 to vector<16xi32>
        %add3A_1691 = arith.addi %mul3A_5, %add3A_1690 : vector<16xi32>
        %or3A_1692 = arith.ori %shift_left3A_1688, %add3A_1691 : vector<16xi32>
        %shift_left3A_1693 = arith.constant 8 : i32
        %shift_left3A_1694 = vector.broadcast %shift_left3A_1693 : i32 to vector<16xi32>
        %shift_left3A_1695 = arith.shli %shift_right_logical3A_1685, %shift_left3A_1694 : vector<16xi32>
        %add3A_1696 = arith.constant 32 : i32
        %add3A_1697 = vector.broadcast %add3A_1696 : i32 to vector<16xi32>
        %add3A_1698 = arith.addi %mul3A_5, %add3A_1697 : vector<16xi32>
        %add3A_1699 = arith.constant 1 : i32
        %add3A_1700 = vector.broadcast %add3A_1699 : i32 to vector<16xi32>
        %add3A_1701 = arith.addi %add3A_1698, %add3A_1700 : vector<16xi32>
        %or3A_1702 = arith.ori %shift_left3A_1695, %add3A_1701 : vector<16xi32>
        %bitcast3A_1703 = vector.bitcast %min3A_1461 : vector<32xi16> to vector<16xi32>
        %and3A_1704 = vector.broadcast %scan3A_13 : i32 to vector<16xi32>
        %and3A_1705 = arith.andi %bitcast3A_1703, %and3A_1704 : vector<16xi32>
        %shift_right_logical3A_1706 = arith.constant 16 : i32
        %shift_right_logical3A_1707 = vector.broadcast %shift_right_logical3A_1706 : i32 to vector<16xi32>
        %shift_right_logical3A_1708 = arith.shrui %bitcast3A_1703, %shift_right_logical3A_1707 : vector<16xi32>
        %shift_left3A_1709 = arith.constant 8 : i32
        %shift_left3A_1710 = vector.broadcast %shift_left3A_1709 : i32 to vector<16xi32>
        %shift_left3A_1711 = arith.shli %and3A_1705, %shift_left3A_1710 : vector<16xi32>
        %add3A_1712 = arith.constant 64 : i32
        %add3A_1713 = vector.broadcast %add3A_1712 : i32 to vector<16xi32>
        %add3A_1714 = arith.addi %mul3A_5, %add3A_1713 : vector<16xi32>
        %or3A_1715 = arith.ori %shift_left3A_1711, %add3A_1714 : vector<16xi32>
        %shift_left3A_1716 = arith.constant 8 : i32
        %shift_left3A_1717 = vector.broadcast %shift_left3A_1716 : i32 to vector<16xi32>
        %shift_left3A_1718 = arith.shli %shift_right_logical3A_1708, %shift_left3A_1717 : vector<16xi32>
        %add3A_1719 = arith.constant 64 : i32
        %add3A_1720 = vector.broadcast %add3A_1719 : i32 to vector<16xi32>
        %add3A_1721 = arith.addi %mul3A_5, %add3A_1720 : vector<16xi32>
        %add3A_1722 = arith.constant 1 : i32
        %add3A_1723 = vector.broadcast %add3A_1722 : i32 to vector<16xi32>
        %add3A_1724 = arith.addi %add3A_1721, %add3A_1723 : vector<16xi32>
        %or3A_1725 = arith.ori %shift_left3A_1718, %add3A_1724 : vector<16xi32>
        %bitcast3A_1726 = vector.bitcast %min3A_1500 : vector<32xi16> to vector<16xi32>
        %and3A_1727 = vector.broadcast %scan3A_13 : i32 to vector<16xi32>
        %and3A_1728 = arith.andi %bitcast3A_1726, %and3A_1727 : vector<16xi32>
        %shift_right_logical3A_1729 = arith.constant 16 : i32
        %shift_right_logical3A_1730 = vector.broadcast %shift_right_logical3A_1729 : i32 to vector<16xi32>
        %shift_right_logical3A_1731 = arith.shrui %bitcast3A_1726, %shift_right_logical3A_1730 : vector<16xi32>
        %shift_left3A_1732 = arith.constant 8 : i32
        %shift_left3A_1733 = vector.broadcast %shift_left3A_1732 : i32 to vector<16xi32>
        %shift_left3A_1734 = arith.shli %and3A_1728, %shift_left3A_1733 : vector<16xi32>
        %add3A_1735 = arith.constant 96 : i32
        %add3A_1736 = vector.broadcast %add3A_1735 : i32 to vector<16xi32>
        %add3A_1737 = arith.addi %mul3A_5, %add3A_1736 : vector<16xi32>
        %or3A_1738 = arith.ori %shift_left3A_1734, %add3A_1737 : vector<16xi32>
        %shift_left3A_1739 = arith.constant 8 : i32
        %shift_left3A_1740 = vector.broadcast %shift_left3A_1739 : i32 to vector<16xi32>
        %shift_left3A_1741 = arith.shli %shift_right_logical3A_1731, %shift_left3A_1740 : vector<16xi32>
        %add3A_1742 = arith.constant 96 : i32
        %add3A_1743 = vector.broadcast %add3A_1742 : i32 to vector<16xi32>
        %add3A_1744 = arith.addi %mul3A_5, %add3A_1743 : vector<16xi32>
        %add3A_1745 = arith.constant 1 : i32
        %add3A_1746 = vector.broadcast %add3A_1745 : i32 to vector<16xi32>
        %add3A_1747 = arith.addi %add3A_1744, %add3A_1746 : vector<16xi32>
        %or3A_1748 = arith.ori %shift_left3A_1741, %add3A_1747 : vector<16xi32>
        %bitcast3A_1749 = vector.bitcast %min3A_1539 : vector<32xi16> to vector<16xi32>
        %and3A_1750 = vector.broadcast %scan3A_13 : i32 to vector<16xi32>
        %and3A_1751 = arith.andi %bitcast3A_1749, %and3A_1750 : vector<16xi32>
        %shift_right_logical3A_1752 = arith.constant 16 : i32
        %shift_right_logical3A_1753 = vector.broadcast %shift_right_logical3A_1752 : i32 to vector<16xi32>
        %shift_right_logical3A_1754 = arith.shrui %bitcast3A_1749, %shift_right_logical3A_1753 : vector<16xi32>
        %shift_left3A_1755 = arith.constant 8 : i32
        %shift_left3A_1756 = vector.broadcast %shift_left3A_1755 : i32 to vector<16xi32>
        %shift_left3A_1757 = arith.shli %and3A_1751, %shift_left3A_1756 : vector<16xi32>
        %add3A_1758 = arith.constant 128 : i32
        %add3A_1759 = vector.broadcast %add3A_1758 : i32 to vector<16xi32>
        %add3A_1760 = arith.addi %mul3A_5, %add3A_1759 : vector<16xi32>
        %or3A_1761 = arith.ori %shift_left3A_1757, %add3A_1760 : vector<16xi32>
        %shift_left3A_1762 = arith.constant 8 : i32
        %shift_left3A_1763 = vector.broadcast %shift_left3A_1762 : i32 to vector<16xi32>
        %shift_left3A_1764 = arith.shli %shift_right_logical3A_1754, %shift_left3A_1763 : vector<16xi32>
        %add3A_1765 = arith.constant 128 : i32
        %add3A_1766 = vector.broadcast %add3A_1765 : i32 to vector<16xi32>
        %add3A_1767 = arith.addi %mul3A_5, %add3A_1766 : vector<16xi32>
        %add3A_1768 = arith.constant 1 : i32
        %add3A_1769 = vector.broadcast %add3A_1768 : i32 to vector<16xi32>
        %add3A_1770 = arith.addi %add3A_1767, %add3A_1769 : vector<16xi32>
        %or3A_1771 = arith.ori %shift_left3A_1764, %add3A_1770 : vector<16xi32>
        %bitcast3A_1772 = vector.bitcast %min3A_1578 : vector<32xi16> to vector<16xi32>
        %and3A_1773 = vector.broadcast %scan3A_13 : i32 to vector<16xi32>
        %and3A_1774 = arith.andi %bitcast3A_1772, %and3A_1773 : vector<16xi32>
        %shift_right_logical3A_1775 = arith.constant 16 : i32
        %shift_right_logical3A_1776 = vector.broadcast %shift_right_logical3A_1775 : i32 to vector<16xi32>
        %shift_right_logical3A_1777 = arith.shrui %bitcast3A_1772, %shift_right_logical3A_1776 : vector<16xi32>
        %shift_left3A_1778 = arith.constant 8 : i32
        %shift_left3A_1779 = vector.broadcast %shift_left3A_1778 : i32 to vector<16xi32>
        %shift_left3A_1780 = arith.shli %and3A_1774, %shift_left3A_1779 : vector<16xi32>
        %add3A_1781 = arith.constant 160 : i32
        %add3A_1782 = vector.broadcast %add3A_1781 : i32 to vector<16xi32>
        %add3A_1783 = arith.addi %mul3A_5, %add3A_1782 : vector<16xi32>
        %or3A_1784 = arith.ori %shift_left3A_1780, %add3A_1783 : vector<16xi32>
        %shift_left3A_1785 = arith.constant 8 : i32
        %shift_left3A_1786 = vector.broadcast %shift_left3A_1785 : i32 to vector<16xi32>
        %shift_left3A_1787 = arith.shli %shift_right_logical3A_1777, %shift_left3A_1786 : vector<16xi32>
        %add3A_1788 = arith.constant 160 : i32
        %add3A_1789 = vector.broadcast %add3A_1788 : i32 to vector<16xi32>
        %add3A_1790 = arith.addi %mul3A_5, %add3A_1789 : vector<16xi32>
        %add3A_1791 = arith.constant 1 : i32
        %add3A_1792 = vector.broadcast %add3A_1791 : i32 to vector<16xi32>
        %add3A_1793 = arith.addi %add3A_1790, %add3A_1792 : vector<16xi32>
        %or3A_1794 = arith.ori %shift_left3A_1787, %add3A_1793 : vector<16xi32>
        %bitcast3A_1795 = vector.bitcast %min3A_1617 : vector<32xi16> to vector<16xi32>
        %and3A_1796 = vector.broadcast %scan3A_13 : i32 to vector<16xi32>
        %and3A_1797 = arith.andi %bitcast3A_1795, %and3A_1796 : vector<16xi32>
        %shift_right_logical3A_1798 = arith.constant 16 : i32
        %shift_right_logical3A_1799 = vector.broadcast %shift_right_logical3A_1798 : i32 to vector<16xi32>
        %shift_right_logical3A_1800 = arith.shrui %bitcast3A_1795, %shift_right_logical3A_1799 : vector<16xi32>
        %shift_left3A_1801 = arith.constant 8 : i32
        %shift_left3A_1802 = vector.broadcast %shift_left3A_1801 : i32 to vector<16xi32>
        %shift_left3A_1803 = arith.shli %and3A_1797, %shift_left3A_1802 : vector<16xi32>
        %add3A_1804 = arith.constant 192 : i32
        %add3A_1805 = vector.broadcast %add3A_1804 : i32 to vector<16xi32>
        %add3A_1806 = arith.addi %mul3A_5, %add3A_1805 : vector<16xi32>
        %or3A_1807 = arith.ori %shift_left3A_1803, %add3A_1806 : vector<16xi32>
        %shift_left3A_1808 = arith.constant 8 : i32
        %shift_left3A_1809 = vector.broadcast %shift_left3A_1808 : i32 to vector<16xi32>
        %shift_left3A_1810 = arith.shli %shift_right_logical3A_1800, %shift_left3A_1809 : vector<16xi32>
        %add3A_1811 = arith.constant 192 : i32
        %add3A_1812 = vector.broadcast %add3A_1811 : i32 to vector<16xi32>
        %add3A_1813 = arith.addi %mul3A_5, %add3A_1812 : vector<16xi32>
        %add3A_1814 = arith.constant 1 : i32
        %add3A_1815 = vector.broadcast %add3A_1814 : i32 to vector<16xi32>
        %add3A_1816 = arith.addi %add3A_1813, %add3A_1815 : vector<16xi32>
        %or3A_1817 = arith.ori %shift_left3A_1810, %add3A_1816 : vector<16xi32>
        %bitcast3A_1818 = vector.bitcast %min3A_1656 : vector<32xi16> to vector<16xi32>
        %and3A_1819 = vector.broadcast %scan3A_13 : i32 to vector<16xi32>
        %and3A_1820 = arith.andi %bitcast3A_1818, %and3A_1819 : vector<16xi32>
        %shift_right_logical3A_1821 = arith.constant 16 : i32
        %shift_right_logical3A_1822 = vector.broadcast %shift_right_logical3A_1821 : i32 to vector<16xi32>
        %shift_right_logical3A_1823 = arith.shrui %bitcast3A_1818, %shift_right_logical3A_1822 : vector<16xi32>
        %shift_left3A_1824 = arith.constant 8 : i32
        %shift_left3A_1825 = vector.broadcast %shift_left3A_1824 : i32 to vector<16xi32>
        %shift_left3A_1826 = arith.shli %and3A_1820, %shift_left3A_1825 : vector<16xi32>
        %add3A_1827 = arith.constant 224 : i32
        %add3A_1828 = vector.broadcast %add3A_1827 : i32 to vector<16xi32>
        %add3A_1829 = arith.addi %mul3A_5, %add3A_1828 : vector<16xi32>
        %or3A_1830 = arith.ori %shift_left3A_1826, %add3A_1829 : vector<16xi32>
        %shift_left3A_1831 = arith.constant 8 : i32
        %shift_left3A_1832 = vector.broadcast %shift_left3A_1831 : i32 to vector<16xi32>
        %shift_left3A_1833 = arith.shli %shift_right_logical3A_1823, %shift_left3A_1832 : vector<16xi32>
        %add3A_1834 = arith.constant 224 : i32
        %add3A_1835 = vector.broadcast %add3A_1834 : i32 to vector<16xi32>
        %add3A_1836 = arith.addi %mul3A_5, %add3A_1835 : vector<16xi32>
        %add3A_1837 = arith.constant 1 : i32
        %add3A_1838 = vector.broadcast %add3A_1837 : i32 to vector<16xi32>
        %add3A_1839 = arith.addi %add3A_1836, %add3A_1838 : vector<16xi32>
        %or3A_1840 = arith.ori %shift_left3A_1833, %add3A_1839 : vector<16xi32>
        %sort3A_1841 = arith.constant dense<true> : vector<16xi1>
        %sort3A_1842, %sort3A_1843, %sort3A_1844 = tpu.sort %or3A_1669, %or3A_1669 masked %sort3A_1841 : (vector<16xi32>, vector<16xi32>, vector<16xi1>) -> (vector<16xi1>, vector<16xi32>, vector<16xi32>)
        %sort3A_1845 = arith.constant dense<true> : vector<16xi1>
        %sort3A_1846, %sort3A_1847, %sort3A_1848 = tpu.sort %or3A_1679, %or3A_1679 masked %sort3A_1845 : (vector<16xi32>, vector<16xi32>, vector<16xi1>) -> (vector<16xi1>, vector<16xi32>, vector<16xi32>)
        %sort3A_1849 = arith.constant dense<true> : vector<16xi1>
        %sort3A_1850, %sort3A_1851, %sort3A_1852 = tpu.sort %or3A_1692, %or3A_1692 masked %sort3A_1849 : (vector<16xi32>, vector<16xi32>, vector<16xi1>) -> (vector<16xi1>, vector<16xi32>, vector<16xi32>)
        %sort3A_1853 = arith.constant dense<true> : vector<16xi1>
        %sort3A_1854, %sort3A_1855, %sort3A_1856 = tpu.sort %or3A_1702, %or3A_1702 masked %sort3A_1853 : (vector<16xi32>, vector<16xi32>, vector<16xi1>) -> (vector<16xi1>, vector<16xi32>, vector<16xi32>)
        %sort3A_1857 = arith.constant dense<true> : vector<16xi1>
        %sort3A_1858, %sort3A_1859, %sort3A_1860 = tpu.sort %or3A_1715, %or3A_1715 masked %sort3A_1857 : (vector<16xi32>, vector<16xi32>, vector<16xi1>) -> (vector<16xi1>, vector<16xi32>, vector<16xi32>)
        %sort3A_1861 = arith.constant dense<true> : vector<16xi1>
        %sort3A_1862, %sort3A_1863, %sort3A_1864 = tpu.sort %or3A_1725, %or3A_1725 masked %sort3A_1861 : (vector<16xi32>, vector<16xi32>, vector<16xi1>) -> (vector<16xi1>, vector<16xi32>, vector<16xi32>)
        %sort3A_1865 = arith.constant dense<true> : vector<16xi1>
        %sort3A_1866, %sort3A_1867, %sort3A_1868 = tpu.sort %or3A_1738, %or3A_1738 masked %sort3A_1865 : (vector<16xi32>, vector<16xi32>, vector<16xi1>) -> (vector<16xi1>, vector<16xi32>, vector<16xi32>)
        %sort3A_1869 = arith.constant dense<true> : vector<16xi1>
        %sort3A_1870, %sort3A_1871, %sort3A_1872 = tpu.sort %or3A_1748, %or3A_1748 masked %sort3A_1869 : (vector<16xi32>, vector<16xi32>, vector<16xi1>) -> (vector<16xi1>, vector<16xi32>, vector<16xi32>)
        %sort3A_1873 = arith.constant dense<true> : vector<16xi1>
        %sort3A_1874, %sort3A_1875, %sort3A_1876 = tpu.sort %or3A_1761, %or3A_1761 masked %sort3A_1873 : (vector<16xi32>, vector<16xi32>, vector<16xi1>) -> (vector<16xi1>, vector<16xi32>, vector<16xi32>)
        %sort3A_1877 = arith.constant dense<true> : vector<16xi1>
        %sort3A_1878, %sort3A_1879, %sort3A_1880 = tpu.sort %or3A_1771, %or3A_1771 masked %sort3A_1877 : (vector<16xi32>, vector<16xi32>, vector<16xi1>) -> (vector<16xi1>, vector<16xi32>, vector<16xi32>)
        %sort3A_1881 = arith.constant dense<true> : vector<16xi1>
        %sort3A_1882, %sort3A_1883, %sort3A_1884 = tpu.sort %or3A_1784, %or3A_1784 masked %sort3A_1881 : (vector<16xi32>, vector<16xi32>, vector<16xi1>) -> (vector<16xi1>, vector<16xi32>, vector<16xi32>)
        %sort3A_1885 = arith.constant dense<true> : vector<16xi1>
        %sort3A_1886, %sort3A_1887, %sort3A_1888 = tpu.sort %or3A_1794, %or3A_1794 masked %sort3A_1885 : (vector<16xi32>, vector<16xi32>, vector<16xi1>) -> (vector<16xi1>, vector<16xi32>, vector<16xi32>)
        %sort3A_1889 = arith.constant dense<true> : vector<16xi1>
        %sort3A_1890, %sort3A_1891, %sort3A_1892 = tpu.sort %or3A_1807, %or3A_1807 masked %sort3A_1889 : (vector<16xi32>, vector<16xi32>, vector<16xi1>) -> (vector<16xi1>, vector<16xi32>, vector<16xi32>)
        %sort3A_1893 = arith.constant dense<true> : vector<16xi1>
        %sort3A_1894, %sort3A_1895, %sort3A_1896 = tpu.sort %or3A_1817, %or3A_1817 masked %sort3A_1893 : (vector<16xi32>, vector<16xi32>, vector<16xi1>) -> (vector<16xi1>, vector<16xi32>, vector<16xi32>)
        %sort3A_1897 = arith.constant dense<true> : vector<16xi1>
        %sort3A_1898, %sort3A_1899, %sort3A_1900 = tpu.sort %or3A_1830, %or3A_1830 masked %sort3A_1897 : (vector<16xi32>, vector<16xi32>, vector<16xi1>) -> (vector<16xi1>, vector<16xi32>, vector<16xi32>)
        %sort3A_1901 = arith.constant dense<true> : vector<16xi1>
        %sort3A_1902, %sort3A_1903, %sort3A_1904 = tpu.sort %or3A_1840, %or3A_1840 masked %sort3A_1901 : (vector<16xi32>, vector<16xi32>, vector<16xi1>) -> (vector<16xi1>, vector<16xi32>, vector<16xi32>)
        %rev3A_1905 = arith.constant 15 : i32
        %rev3A_1906 = vector.broadcast %rev3A_1905 : i32 to vector<16xi32>
        %rev3A_1907 = tpu.iota {dimensions = array<i32: 0>} : vector<16xi32>
        %rev3A_1908 = arith.subi %rev3A_1906, %rev3A_1907 : vector<16xi32>
        %rev3A_1909 = tpu.dynamic_gather %sort3A_1847[%rev3A_1908] in [0] : vector<16xi32>, vector<16xi32> -> vector<16xi32>
        %min3A_1910 = arith.minsi %sort3A_1843, %rev3A_1909 : vector<16xi32>
        %max3A_1911 = arith.maxsi %sort3A_1843, %rev3A_1909 : vector<16xi32>
        %sort3A_1912 = arith.constant dense<true> : vector<16xi1>
        %sort3A_1913, %sort3A_1914, %sort3A_1915 = tpu.sort %min3A_1910, %min3A_1910 masked %sort3A_1912 : (vector<16xi32>, vector<16xi32>, vector<16xi1>) -> (vector<16xi1>, vector<16xi32>, vector<16xi32>)
        %min3A_1916 = arith.constant 2147483647 : i32
        %min3A_1917 = arith.constant 2147483647 : i32
        %min3A_1918 = arith.minsi %min3A_1916, %min3A_1917 : i32
        %reduce_min3A_1919 = arith.constant true
        %reduce_min3A_1920 = vector.broadcast %reduce_min3A_1919 : i1 to vector<16xi1>
        %reduce_min3A_1921 = arith.constant -2147483648 : i32
        %reduce_min3A_1922 = vector.broadcast %reduce_min3A_1921 : i32 to vector<16xi32>
        %reduce_min3A_1923 = arith.xori %max3A_1911, %reduce_min3A_1922 : vector<16xi32>
        %reduce_min3A_1924 = tpu.scan <min>, %reduce_min3A_1923 masked %reduce_min3A_1920 : vector<16xi32>, vector<16xi1> -> vector<16xi32>
        %reduce_min3A_1925 = arith.xori %reduce_min3A_1924, %reduce_min3A_1922 : vector<16xi32>
        %reduce_min3A_1926 = vector.extract %reduce_min3A_1925[15] : i32 from vector<16xi32>
        %min3A_1927 = arith.minsi %min3A_1918, %reduce_min3A_1926 : i32
        %rev3A_1928 = arith.constant 15 : i32
        %rev3A_1929 = vector.broadcast %rev3A_1928 : i32 to vector<16xi32>
        %rev3A_1930 = tpu.iota {dimensions = array<i32: 0>} : vector<16xi32>
        %rev3A_1931 = arith.subi %rev3A_1929, %rev3A_1930 : vector<16xi32>
        %rev3A_1932 = tpu.dynamic_gather %sort3A_1855[%rev3A_1931] in [0] : vector<16xi32>, vector<16xi32> -> vector<16xi32>
        %min3A_1933 = arith.minsi %sort3A_1851, %rev3A_1932 : vector<16xi32>
        %max3A_1934 = arith.maxsi %sort3A_1851, %rev3A_1932 : vector<16xi32>
        %sort3A_1935 = arith.constant dense<true> : vector<16xi1>
        %sort3A_1936, %sort3A_1937, %sort3A_1938 = tpu.sort %min3A_1933, %min3A_1933 masked %sort3A_1935 : (vector<16xi32>, vector<16xi32>, vector<16xi1>) -> (vector<16xi1>, vector<16xi32>, vector<16xi32>)
        %min3A_1939 = arith.constant 2147483647 : i32
        %min3A_1940 = arith.constant 2147483647 : i32
        %min3A_1941 = arith.minsi %min3A_1939, %min3A_1940 : i32
        %reduce_min3A_1942 = arith.constant true
        %reduce_min3A_1943 = vector.broadcast %reduce_min3A_1942 : i1 to vector<16xi1>
        %reduce_min3A_1944 = arith.constant -2147483648 : i32
        %reduce_min3A_1945 = vector.broadcast %reduce_min3A_1944 : i32 to vector<16xi32>
        %reduce_min3A_1946 = arith.xori %max3A_1934, %reduce_min3A_1945 : vector<16xi32>
        %reduce_min3A_1947 = tpu.scan <min>, %reduce_min3A_1946 masked %reduce_min3A_1943 : vector<16xi32>, vector<16xi1> -> vector<16xi32>
        %reduce_min3A_1948 = arith.xori %reduce_min3A_1947, %reduce_min3A_1945 : vector<16xi32>
        %reduce_min3A_1949 = vector.extract %reduce_min3A_1948[15] : i32 from vector<16xi32>
        %min3A_1950 = arith.minsi %min3A_1941, %reduce_min3A_1949 : i32
        %rev3A_1951 = arith.constant 15 : i32
        %rev3A_1952 = vector.broadcast %rev3A_1951 : i32 to vector<16xi32>
        %rev3A_1953 = tpu.iota {dimensions = array<i32: 0>} : vector<16xi32>
        %rev3A_1954 = arith.subi %rev3A_1952, %rev3A_1953 : vector<16xi32>
        %rev3A_1955 = tpu.dynamic_gather %sort3A_1863[%rev3A_1954] in [0] : vector<16xi32>, vector<16xi32> -> vector<16xi32>
        %min3A_1956 = arith.minsi %sort3A_1859, %rev3A_1955 : vector<16xi32>
        %max3A_1957 = arith.maxsi %sort3A_1859, %rev3A_1955 : vector<16xi32>
        %sort3A_1958 = arith.constant dense<true> : vector<16xi1>
        %sort3A_1959, %sort3A_1960, %sort3A_1961 = tpu.sort %min3A_1956, %min3A_1956 masked %sort3A_1958 : (vector<16xi32>, vector<16xi32>, vector<16xi1>) -> (vector<16xi1>, vector<16xi32>, vector<16xi32>)
        %min3A_1962 = arith.constant 2147483647 : i32
        %min3A_1963 = arith.constant 2147483647 : i32
        %min3A_1964 = arith.minsi %min3A_1962, %min3A_1963 : i32
        %reduce_min3A_1965 = arith.constant true
        %reduce_min3A_1966 = vector.broadcast %reduce_min3A_1965 : i1 to vector<16xi1>
        %reduce_min3A_1967 = arith.constant -2147483648 : i32
        %reduce_min3A_1968 = vector.broadcast %reduce_min3A_1967 : i32 to vector<16xi32>
        %reduce_min3A_1969 = arith.xori %max3A_1957, %reduce_min3A_1968 : vector<16xi32>
        %reduce_min3A_1970 = tpu.scan <min>, %reduce_min3A_1969 masked %reduce_min3A_1966 : vector<16xi32>, vector<16xi1> -> vector<16xi32>
        %reduce_min3A_1971 = arith.xori %reduce_min3A_1970, %reduce_min3A_1968 : vector<16xi32>
        %reduce_min3A_1972 = vector.extract %reduce_min3A_1971[15] : i32 from vector<16xi32>
        %min3A_1973 = arith.minsi %min3A_1964, %reduce_min3A_1972 : i32
        %rev3A_1974 = arith.constant 15 : i32
        %rev3A_1975 = vector.broadcast %rev3A_1974 : i32 to vector<16xi32>
        %rev3A_1976 = tpu.iota {dimensions = array<i32: 0>} : vector<16xi32>
        %rev3A_1977 = arith.subi %rev3A_1975, %rev3A_1976 : vector<16xi32>
        %rev3A_1978 = tpu.dynamic_gather %sort3A_1871[%rev3A_1977] in [0] : vector<16xi32>, vector<16xi32> -> vector<16xi32>
        %min3A_1979 = arith.minsi %sort3A_1867, %rev3A_1978 : vector<16xi32>
        %max3A_1980 = arith.maxsi %sort3A_1867, %rev3A_1978 : vector<16xi32>
        %sort3A_1981 = arith.constant dense<true> : vector<16xi1>
        %sort3A_1982, %sort3A_1983, %sort3A_1984 = tpu.sort %min3A_1979, %min3A_1979 masked %sort3A_1981 : (vector<16xi32>, vector<16xi32>, vector<16xi1>) -> (vector<16xi1>, vector<16xi32>, vector<16xi32>)
        %min3A_1985 = arith.constant 2147483647 : i32
        %min3A_1986 = arith.constant 2147483647 : i32
        %min3A_1987 = arith.minsi %min3A_1985, %min3A_1986 : i32
        %reduce_min3A_1988 = arith.constant true
        %reduce_min3A_1989 = vector.broadcast %reduce_min3A_1988 : i1 to vector<16xi1>
        %reduce_min3A_1990 = arith.constant -2147483648 : i32
        %reduce_min3A_1991 = vector.broadcast %reduce_min3A_1990 : i32 to vector<16xi32>
        %reduce_min3A_1992 = arith.xori %max3A_1980, %reduce_min3A_1991 : vector<16xi32>
        %reduce_min3A_1993 = tpu.scan <min>, %reduce_min3A_1992 masked %reduce_min3A_1989 : vector<16xi32>, vector<16xi1> -> vector<16xi32>
        %reduce_min3A_1994 = arith.xori %reduce_min3A_1993, %reduce_min3A_1991 : vector<16xi32>
        %reduce_min3A_1995 = vector.extract %reduce_min3A_1994[15] : i32 from vector<16xi32>
        %min3A_1996 = arith.minsi %min3A_1987, %reduce_min3A_1995 : i32
        %rev3A_1997 = arith.constant 15 : i32
        %rev3A_1998 = vector.broadcast %rev3A_1997 : i32 to vector<16xi32>
        %rev3A_1999 = tpu.iota {dimensions = array<i32: 0>} : vector<16xi32>
        %rev3A_2000 = arith.subi %rev3A_1998, %rev3A_1999 : vector<16xi32>
        %rev3A_2001 = tpu.dynamic_gather %sort3A_1879[%rev3A_2000] in [0] : vector<16xi32>, vector<16xi32> -> vector<16xi32>
        %min3A_2002 = arith.minsi %sort3A_1875, %rev3A_2001 : vector<16xi32>
        %max3A_2003 = arith.maxsi %sort3A_1875, %rev3A_2001 : vector<16xi32>
        %sort3A_2004 = arith.constant dense<true> : vector<16xi1>
        %sort3A_2005, %sort3A_2006, %sort3A_2007 = tpu.sort %min3A_2002, %min3A_2002 masked %sort3A_2004 : (vector<16xi32>, vector<16xi32>, vector<16xi1>) -> (vector<16xi1>, vector<16xi32>, vector<16xi32>)
        %min3A_2008 = arith.constant 2147483647 : i32
        %min3A_2009 = arith.constant 2147483647 : i32
        %min3A_2010 = arith.minsi %min3A_2008, %min3A_2009 : i32
        %reduce_min3A_2011 = arith.constant true
        %reduce_min3A_2012 = vector.broadcast %reduce_min3A_2011 : i1 to vector<16xi1>
        %reduce_min3A_2013 = arith.constant -2147483648 : i32
        %reduce_min3A_2014 = vector.broadcast %reduce_min3A_2013 : i32 to vector<16xi32>
        %reduce_min3A_2015 = arith.xori %max3A_2003, %reduce_min3A_2014 : vector<16xi32>
        %reduce_min3A_2016 = tpu.scan <min>, %reduce_min3A_2015 masked %reduce_min3A_2012 : vector<16xi32>, vector<16xi1> -> vector<16xi32>
        %reduce_min3A_2017 = arith.xori %reduce_min3A_2016, %reduce_min3A_2014 : vector<16xi32>
        %reduce_min3A_2018 = vector.extract %reduce_min3A_2017[15] : i32 from vector<16xi32>
        %min3A_2019 = arith.minsi %min3A_2010, %reduce_min3A_2018 : i32
        %rev3A_2020 = arith.constant 15 : i32
        %rev3A_2021 = vector.broadcast %rev3A_2020 : i32 to vector<16xi32>
        %rev3A_2022 = tpu.iota {dimensions = array<i32: 0>} : vector<16xi32>
        %rev3A_2023 = arith.subi %rev3A_2021, %rev3A_2022 : vector<16xi32>
        %rev3A_2024 = tpu.dynamic_gather %sort3A_1887[%rev3A_2023] in [0] : vector<16xi32>, vector<16xi32> -> vector<16xi32>
        %min3A_2025 = arith.minsi %sort3A_1883, %rev3A_2024 : vector<16xi32>
        %max3A_2026 = arith.maxsi %sort3A_1883, %rev3A_2024 : vector<16xi32>
        %sort3A_2027 = arith.constant dense<true> : vector<16xi1>
        %sort3A_2028, %sort3A_2029, %sort3A_2030 = tpu.sort %min3A_2025, %min3A_2025 masked %sort3A_2027 : (vector<16xi32>, vector<16xi32>, vector<16xi1>) -> (vector<16xi1>, vector<16xi32>, vector<16xi32>)
        %min3A_2031 = arith.constant 2147483647 : i32
        %min3A_2032 = arith.constant 2147483647 : i32
        %min3A_2033 = arith.minsi %min3A_2031, %min3A_2032 : i32
        %reduce_min3A_2034 = arith.constant true
        %reduce_min3A_2035 = vector.broadcast %reduce_min3A_2034 : i1 to vector<16xi1>
        %reduce_min3A_2036 = arith.constant -2147483648 : i32
        %reduce_min3A_2037 = vector.broadcast %reduce_min3A_2036 : i32 to vector<16xi32>
        %reduce_min3A_2038 = arith.xori %max3A_2026, %reduce_min3A_2037 : vector<16xi32>
        %reduce_min3A_2039 = tpu.scan <min>, %reduce_min3A_2038 masked %reduce_min3A_2035 : vector<16xi32>, vector<16xi1> -> vector<16xi32>
        %reduce_min3A_2040 = arith.xori %reduce_min3A_2039, %reduce_min3A_2037 : vector<16xi32>
        %reduce_min3A_2041 = vector.extract %reduce_min3A_2040[15] : i32 from vector<16xi32>
        %min3A_2042 = arith.minsi %min3A_2033, %reduce_min3A_2041 : i32
        %rev3A_2043 = arith.constant 15 : i32
        %rev3A_2044 = vector.broadcast %rev3A_2043 : i32 to vector<16xi32>
        %rev3A_2045 = tpu.iota {dimensions = array<i32: 0>} : vector<16xi32>
        %rev3A_2046 = arith.subi %rev3A_2044, %rev3A_2045 : vector<16xi32>
        %rev3A_2047 = tpu.dynamic_gather %sort3A_1895[%rev3A_2046] in [0] : vector<16xi32>, vector<16xi32> -> vector<16xi32>
        %min3A_2048 = arith.minsi %sort3A_1891, %rev3A_2047 : vector<16xi32>
        %max3A_2049 = arith.maxsi %sort3A_1891, %rev3A_2047 : vector<16xi32>
        %sort3A_2050 = arith.constant dense<true> : vector<16xi1>
        %sort3A_2051, %sort3A_2052, %sort3A_2053 = tpu.sort %min3A_2048, %min3A_2048 masked %sort3A_2050 : (vector<16xi32>, vector<16xi32>, vector<16xi1>) -> (vector<16xi1>, vector<16xi32>, vector<16xi32>)
        %min3A_2054 = arith.constant 2147483647 : i32
        %min3A_2055 = arith.constant 2147483647 : i32
        %min3A_2056 = arith.minsi %min3A_2054, %min3A_2055 : i32
        %reduce_min3A_2057 = arith.constant true
        %reduce_min3A_2058 = vector.broadcast %reduce_min3A_2057 : i1 to vector<16xi1>
        %reduce_min3A_2059 = arith.constant -2147483648 : i32
        %reduce_min3A_2060 = vector.broadcast %reduce_min3A_2059 : i32 to vector<16xi32>
        %reduce_min3A_2061 = arith.xori %max3A_2049, %reduce_min3A_2060 : vector<16xi32>
        %reduce_min3A_2062 = tpu.scan <min>, %reduce_min3A_2061 masked %reduce_min3A_2058 : vector<16xi32>, vector<16xi1> -> vector<16xi32>
        %reduce_min3A_2063 = arith.xori %reduce_min3A_2062, %reduce_min3A_2060 : vector<16xi32>
        %reduce_min3A_2064 = vector.extract %reduce_min3A_2063[15] : i32 from vector<16xi32>
        %min3A_2065 = arith.minsi %min3A_2056, %reduce_min3A_2064 : i32
        %rev3A_2066 = arith.constant 15 : i32
        %rev3A_2067 = vector.broadcast %rev3A_2066 : i32 to vector<16xi32>
        %rev3A_2068 = tpu.iota {dimensions = array<i32: 0>} : vector<16xi32>
        %rev3A_2069 = arith.subi %rev3A_2067, %rev3A_2068 : vector<16xi32>
        %rev3A_2070 = tpu.dynamic_gather %sort3A_1903[%rev3A_2069] in [0] : vector<16xi32>, vector<16xi32> -> vector<16xi32>
        %min3A_2071 = arith.minsi %sort3A_1899, %rev3A_2070 : vector<16xi32>
        %max3A_2072 = arith.maxsi %sort3A_1899, %rev3A_2070 : vector<16xi32>
        %sort3A_2073 = arith.constant dense<true> : vector<16xi1>
        %sort3A_2074, %sort3A_2075, %sort3A_2076 = tpu.sort %min3A_2071, %min3A_2071 masked %sort3A_2073 : (vector<16xi32>, vector<16xi32>, vector<16xi1>) -> (vector<16xi1>, vector<16xi32>, vector<16xi32>)
        %min3A_2077 = arith.constant 2147483647 : i32
        %min3A_2078 = arith.constant 2147483647 : i32
        %min3A_2079 = arith.minsi %min3A_2077, %min3A_2078 : i32
        %reduce_min3A_2080 = arith.constant true
        %reduce_min3A_2081 = vector.broadcast %reduce_min3A_2080 : i1 to vector<16xi1>
        %reduce_min3A_2082 = arith.constant -2147483648 : i32
        %reduce_min3A_2083 = vector.broadcast %reduce_min3A_2082 : i32 to vector<16xi32>
        %reduce_min3A_2084 = arith.xori %max3A_2072, %reduce_min3A_2083 : vector<16xi32>
        %reduce_min3A_2085 = tpu.scan <min>, %reduce_min3A_2084 masked %reduce_min3A_2081 : vector<16xi32>, vector<16xi1> -> vector<16xi32>
        %reduce_min3A_2086 = arith.xori %reduce_min3A_2085, %reduce_min3A_2083 : vector<16xi32>
        %reduce_min3A_2087 = vector.extract %reduce_min3A_2086[15] : i32 from vector<16xi32>
        %min3A_2088 = arith.minsi %min3A_2079, %reduce_min3A_2087 : i32
        %rev3A_2089 = arith.constant 15 : i32
        %rev3A_2090 = vector.broadcast %rev3A_2089 : i32 to vector<16xi32>
        %rev3A_2091 = tpu.iota {dimensions = array<i32: 0>} : vector<16xi32>
        %rev3A_2092 = arith.subi %rev3A_2090, %rev3A_2091 : vector<16xi32>
        %rev3A_2093 = tpu.dynamic_gather %sort3A_1937[%rev3A_2092] in [0] : vector<16xi32>, vector<16xi32> -> vector<16xi32>
        %min3A_2094 = arith.minsi %sort3A_1914, %rev3A_2093 : vector<16xi32>
        %max3A_2095 = arith.maxsi %sort3A_1914, %rev3A_2093 : vector<16xi32>
        %sort3A_2096 = arith.constant dense<true> : vector<16xi1>
        %sort3A_2097, %sort3A_2098, %sort3A_2099 = tpu.sort %min3A_2094, %min3A_2094 masked %sort3A_2096 : (vector<16xi32>, vector<16xi32>, vector<16xi1>) -> (vector<16xi1>, vector<16xi32>, vector<16xi32>)
        %min3A_2100 = arith.minsi %min3A_1927, %min3A_1950 : i32
        %reduce_min3A_2101 = arith.constant true
        %reduce_min3A_2102 = vector.broadcast %reduce_min3A_2101 : i1 to vector<16xi1>
        %reduce_min3A_2103 = arith.constant -2147483648 : i32
        %reduce_min3A_2104 = vector.broadcast %reduce_min3A_2103 : i32 to vector<16xi32>
        %reduce_min3A_2105 = arith.xori %max3A_2095, %reduce_min3A_2104 : vector<16xi32>
        %reduce_min3A_2106 = tpu.scan <min>, %reduce_min3A_2105 masked %reduce_min3A_2102 : vector<16xi32>, vector<16xi1> -> vector<16xi32>
        %reduce_min3A_2107 = arith.xori %reduce_min3A_2106, %reduce_min3A_2104 : vector<16xi32>
        %reduce_min3A_2108 = vector.extract %reduce_min3A_2107[15] : i32 from vector<16xi32>
        %min3A_2109 = arith.minsi %min3A_2100, %reduce_min3A_2108 : i32
        %rev3A_2110 = arith.constant 15 : i32
        %rev3A_2111 = vector.broadcast %rev3A_2110 : i32 to vector<16xi32>
        %rev3A_2112 = tpu.iota {dimensions = array<i32: 0>} : vector<16xi32>
        %rev3A_2113 = arith.subi %rev3A_2111, %rev3A_2112 : vector<16xi32>
        %rev3A_2114 = tpu.dynamic_gather %sort3A_1983[%rev3A_2113] in [0] : vector<16xi32>, vector<16xi32> -> vector<16xi32>
        %min3A_2115 = arith.minsi %sort3A_1960, %rev3A_2114 : vector<16xi32>
        %max3A_2116 = arith.maxsi %sort3A_1960, %rev3A_2114 : vector<16xi32>
        %sort3A_2117 = arith.constant dense<true> : vector<16xi1>
        %sort3A_2118, %sort3A_2119, %sort3A_2120 = tpu.sort %min3A_2115, %min3A_2115 masked %sort3A_2117 : (vector<16xi32>, vector<16xi32>, vector<16xi1>) -> (vector<16xi1>, vector<16xi32>, vector<16xi32>)
        %min3A_2121 = arith.minsi %min3A_1973, %min3A_1996 : i32
        %reduce_min3A_2122 = arith.constant true
        %reduce_min3A_2123 = vector.broadcast %reduce_min3A_2122 : i1 to vector<16xi1>
        %reduce_min3A_2124 = arith.constant -2147483648 : i32
        %reduce_min3A_2125 = vector.broadcast %reduce_min3A_2124 : i32 to vector<16xi32>
        %reduce_min3A_2126 = arith.xori %max3A_2116, %reduce_min3A_2125 : vector<16xi32>
        %reduce_min3A_2127 = tpu.scan <min>, %reduce_min3A_2126 masked %reduce_min3A_2123 : vector<16xi32>, vector<16xi1> -> vector<16xi32>
        %reduce_min3A_2128 = arith.xori %reduce_min3A_2127, %reduce_min3A_2125 : vector<16xi32>
        %reduce_min3A_2129 = vector.extract %reduce_min3A_2128[15] : i32 from vector<16xi32>
        %min3A_2130 = arith.minsi %min3A_2121, %reduce_min3A_2129 : i32
        %rev3A_2131 = arith.constant 15 : i32
        %rev3A_2132 = vector.broadcast %rev3A_2131 : i32 to vector<16xi32>
        %rev3A_2133 = tpu.iota {dimensions = array<i32: 0>} : vector<16xi32>
        %rev3A_2134 = arith.subi %rev3A_2132, %rev3A_2133 : vector<16xi32>
        %rev3A_2135 = tpu.dynamic_gather %sort3A_2029[%rev3A_2134] in [0] : vector<16xi32>, vector<16xi32> -> vector<16xi32>
        %min3A_2136 = arith.minsi %sort3A_2006, %rev3A_2135 : vector<16xi32>
        %max3A_2137 = arith.maxsi %sort3A_2006, %rev3A_2135 : vector<16xi32>
        %sort3A_2138 = arith.constant dense<true> : vector<16xi1>
        %sort3A_2139, %sort3A_2140, %sort3A_2141 = tpu.sort %min3A_2136, %min3A_2136 masked %sort3A_2138 : (vector<16xi32>, vector<16xi32>, vector<16xi1>) -> (vector<16xi1>, vector<16xi32>, vector<16xi32>)
        %min3A_2142 = arith.minsi %min3A_2019, %min3A_2042 : i32
        %reduce_min3A_2143 = arith.constant true
        %reduce_min3A_2144 = vector.broadcast %reduce_min3A_2143 : i1 to vector<16xi1>
        %reduce_min3A_2145 = arith.constant -2147483648 : i32
        %reduce_min3A_2146 = vector.broadcast %reduce_min3A_2145 : i32 to vector<16xi32>
        %reduce_min3A_2147 = arith.xori %max3A_2137, %reduce_min3A_2146 : vector<16xi32>
        %reduce_min3A_2148 = tpu.scan <min>, %reduce_min3A_2147 masked %reduce_min3A_2144 : vector<16xi32>, vector<16xi1> -> vector<16xi32>
        %reduce_min3A_2149 = arith.xori %reduce_min3A_2148, %reduce_min3A_2146 : vector<16xi32>
        %reduce_min3A_2150 = vector.extract %reduce_min3A_2149[15] : i32 from vector<16xi32>
        %min3A_2151 = arith.minsi %min3A_2142, %reduce_min3A_2150 : i32
        %rev3A_2152 = arith.constant 15 : i32
        %rev3A_2153 = vector.broadcast %rev3A_2152 : i32 to vector<16xi32>
        %rev3A_2154 = tpu.iota {dimensions = array<i32: 0>} : vector<16xi32>
        %rev3A_2155 = arith.subi %rev3A_2153, %rev3A_2154 : vector<16xi32>
        %rev3A_2156 = tpu.dynamic_gather %sort3A_2075[%rev3A_2155] in [0] : vector<16xi32>, vector<16xi32> -> vector<16xi32>
        %min3A_2157 = arith.minsi %sort3A_2052, %rev3A_2156 : vector<16xi32>
        %max3A_2158 = arith.maxsi %sort3A_2052, %rev3A_2156 : vector<16xi32>
        %sort3A_2159 = arith.constant dense<true> : vector<16xi1>
        %sort3A_2160, %sort3A_2161, %sort3A_2162 = tpu.sort %min3A_2157, %min3A_2157 masked %sort3A_2159 : (vector<16xi32>, vector<16xi32>, vector<16xi1>) -> (vector<16xi1>, vector<16xi32>, vector<16xi32>)
        %min3A_2163 = arith.minsi %min3A_2065, %min3A_2088 : i32
        %reduce_min3A_2164 = arith.constant true
        %reduce_min3A_2165 = vector.broadcast %reduce_min3A_2164 : i1 to vector<16xi1>
        %reduce_min3A_2166 = arith.constant -2147483648 : i32
        %reduce_min3A_2167 = vector.broadcast %reduce_min3A_2166 : i32 to vector<16xi32>
        %reduce_min3A_2168 = arith.xori %max3A_2158, %reduce_min3A_2167 : vector<16xi32>
        %reduce_min3A_2169 = tpu.scan <min>, %reduce_min3A_2168 masked %reduce_min3A_2165 : vector<16xi32>, vector<16xi1> -> vector<16xi32>
        %reduce_min3A_2170 = arith.xori %reduce_min3A_2169, %reduce_min3A_2167 : vector<16xi32>
        %reduce_min3A_2171 = vector.extract %reduce_min3A_2170[15] : i32 from vector<16xi32>
        %min3A_2172 = arith.minsi %min3A_2163, %reduce_min3A_2171 : i32
        %rev3A_2173 = arith.constant 15 : i32
        %rev3A_2174 = vector.broadcast %rev3A_2173 : i32 to vector<16xi32>
        %rev3A_2175 = tpu.iota {dimensions = array<i32: 0>} : vector<16xi32>
        %rev3A_2176 = arith.subi %rev3A_2174, %rev3A_2175 : vector<16xi32>
        %rev3A_2177 = tpu.dynamic_gather %sort3A_2119[%rev3A_2176] in [0] : vector<16xi32>, vector<16xi32> -> vector<16xi32>
        %min3A_2178 = arith.minsi %sort3A_2098, %rev3A_2177 : vector<16xi32>
        %max3A_2179 = arith.maxsi %sort3A_2098, %rev3A_2177 : vector<16xi32>
        %sort3A_2180 = arith.constant dense<true> : vector<16xi1>
        %sort3A_2181, %sort3A_2182, %sort3A_2183 = tpu.sort %min3A_2178, %min3A_2178 masked %sort3A_2180 : (vector<16xi32>, vector<16xi32>, vector<16xi1>) -> (vector<16xi1>, vector<16xi32>, vector<16xi32>)
        %min3A_2184 = arith.minsi %min3A_2109, %min3A_2130 : i32
        %reduce_min3A_2185 = arith.constant true
        %reduce_min3A_2186 = vector.broadcast %reduce_min3A_2185 : i1 to vector<16xi1>
        %reduce_min3A_2187 = arith.constant -2147483648 : i32
        %reduce_min3A_2188 = vector.broadcast %reduce_min3A_2187 : i32 to vector<16xi32>
        %reduce_min3A_2189 = arith.xori %max3A_2179, %reduce_min3A_2188 : vector<16xi32>
        %reduce_min3A_2190 = tpu.scan <min>, %reduce_min3A_2189 masked %reduce_min3A_2186 : vector<16xi32>, vector<16xi1> -> vector<16xi32>
        %reduce_min3A_2191 = arith.xori %reduce_min3A_2190, %reduce_min3A_2188 : vector<16xi32>
        %reduce_min3A_2192 = vector.extract %reduce_min3A_2191[15] : i32 from vector<16xi32>
        %min3A_2193 = arith.minsi %min3A_2184, %reduce_min3A_2192 : i32
        %rev3A_2194 = arith.constant 15 : i32
        %rev3A_2195 = vector.broadcast %rev3A_2194 : i32 to vector<16xi32>
        %rev3A_2196 = tpu.iota {dimensions = array<i32: 0>} : vector<16xi32>
        %rev3A_2197 = arith.subi %rev3A_2195, %rev3A_2196 : vector<16xi32>
        %rev3A_2198 = tpu.dynamic_gather %sort3A_2161[%rev3A_2197] in [0] : vector<16xi32>, vector<16xi32> -> vector<16xi32>
        %min3A_2199 = arith.minsi %sort3A_2140, %rev3A_2198 : vector<16xi32>
        %max3A_2200 = arith.maxsi %sort3A_2140, %rev3A_2198 : vector<16xi32>
        %sort3A_2201 = arith.constant dense<true> : vector<16xi1>
        %sort3A_2202, %sort3A_2203, %sort3A_2204 = tpu.sort %min3A_2199, %min3A_2199 masked %sort3A_2201 : (vector<16xi32>, vector<16xi32>, vector<16xi1>) -> (vector<16xi1>, vector<16xi32>, vector<16xi32>)
        %min3A_2205 = arith.minsi %min3A_2151, %min3A_2172 : i32
        %reduce_min3A_2206 = arith.constant true
        %reduce_min3A_2207 = vector.broadcast %reduce_min3A_2206 : i1 to vector<16xi1>
        %reduce_min3A_2208 = arith.constant -2147483648 : i32
        %reduce_min3A_2209 = vector.broadcast %reduce_min3A_2208 : i32 to vector<16xi32>
        %reduce_min3A_2210 = arith.xori %max3A_2200, %reduce_min3A_2209 : vector<16xi32>
        %reduce_min3A_2211 = tpu.scan <min>, %reduce_min3A_2210 masked %reduce_min3A_2207 : vector<16xi32>, vector<16xi1> -> vector<16xi32>
        %reduce_min3A_2212 = arith.xori %reduce_min3A_2211, %reduce_min3A_2209 : vector<16xi32>
        %reduce_min3A_2213 = vector.extract %reduce_min3A_2212[15] : i32 from vector<16xi32>
        %min3A_2214 = arith.minsi %min3A_2205, %reduce_min3A_2213 : i32
        %rev3A_2215 = arith.constant 15 : i32
        %rev3A_2216 = vector.broadcast %rev3A_2215 : i32 to vector<16xi32>
        %rev3A_2217 = tpu.iota {dimensions = array<i32: 0>} : vector<16xi32>
        %rev3A_2218 = arith.subi %rev3A_2216, %rev3A_2217 : vector<16xi32>
        %rev3A_2219 = tpu.dynamic_gather %sort3A_2203[%rev3A_2218] in [0] : vector<16xi32>, vector<16xi32> -> vector<16xi32>
        %min3A_2220 = arith.minsi %sort3A_2182, %rev3A_2219 : vector<16xi32>
        %max3A_2221 = arith.maxsi %sort3A_2182, %rev3A_2219 : vector<16xi32>
        %sort3A_2222 = arith.constant dense<true> : vector<16xi1>
        %sort3A_2223, %sort3A_2224, %sort3A_2225 = tpu.sort %min3A_2220, %min3A_2220 masked %sort3A_2222 : (vector<16xi32>, vector<16xi32>, vector<16xi1>) -> (vector<16xi1>, vector<16xi32>, vector<16xi32>)
        %min3A_2226 = arith.minsi %min3A_2193, %min3A_2214 : i32
        %reduce_min3A_2227 = arith.constant true
        %reduce_min3A_2228 = vector.broadcast %reduce_min3A_2227 : i1 to vector<16xi1>
        %reduce_min3A_2229 = arith.constant -2147483648 : i32
        %reduce_min3A_2230 = vector.broadcast %reduce_min3A_2229 : i32 to vector<16xi32>
        %reduce_min3A_2231 = arith.xori %max3A_2221, %reduce_min3A_2230 : vector<16xi32>
        %reduce_min3A_2232 = tpu.scan <min>, %reduce_min3A_2231 masked %reduce_min3A_2228 : vector<16xi32>, vector<16xi1> -> vector<16xi32>
        %reduce_min3A_2233 = arith.xori %reduce_min3A_2232, %reduce_min3A_2230 : vector<16xi32>
        %reduce_min3A_2234 = vector.extract %reduce_min3A_2233[15] : i32 from vector<16xi32>
        %min3A_2235 = arith.minsi %min3A_2226, %reduce_min3A_2234 : i32
        %broadcast_in_dim3A_2236 = vector.broadcast %add3A_1335 : i32 to vector<16xi32>
        %and3A_2237 = arith.constant 255 : i32
        %and3A_2238 = vector.broadcast %and3A_2237 : i32 to vector<16xi32>
        %and3A_2239 = arith.andi %sort3A_2224, %and3A_2238 : vector<16xi32>
        %shift_right_logical3A_2240 = arith.constant 5 : i32
        %shift_right_logical3A_2241 = vector.broadcast %shift_right_logical3A_2240 : i32 to vector<16xi32>
        %shift_right_logical3A_2242 = arith.shrui %and3A_2239, %shift_right_logical3A_2241 : vector<16xi32>
        %mul3A_2243 = arith.constant 128 : i32
        %mul3A_2244 = vector.broadcast %mul3A_2243 : i32 to vector<16xi32>
        %mul3A_2245 = arith.muli %shift_right_logical3A_2242, %mul3A_2244 : vector<16xi32>
        %and3A_2246 = arith.constant 31 : i32
        %and3A_2247 = vector.broadcast %and3A_2246 : i32 to vector<16xi32>
        %and3A_2248 = arith.andi %and3A_2239, %and3A_2247 : vector<16xi32>
        %shift_right_logical3A_2249 = arith.constant 1 : i32
        %shift_right_logical3A_2250 = vector.broadcast %shift_right_logical3A_2249 : i32 to vector<16xi32>
        %shift_right_logical3A_2251 = arith.shrui %and3A_2248, %shift_right_logical3A_2250 : vector<16xi32>
        %add3A_2252 = arith.addi %mul3A_2245, %shift_right_logical3A_2251 : vector<16xi32>
        %and3A_2253 = arith.constant 1 : i32
        %and3A_2254 = vector.broadcast %and3A_2253 : i32 to vector<16xi32>
        %and3A_2255 = arith.andi %and3A_2239, %and3A_2254 : vector<16xi32>
        %add3A_2256 = arith.constant 0 : i32
        %add3A_2257 = vector.broadcast %add3A_2256 : i32 to vector<16xi32>
        %add3A_2258 = arith.addi %add3A_2252, %add3A_2257 : vector<16xi32>
        %gather3A_2259 = tpu.vector_load_idx %arg5[%broadcast_in_dim3A_2236, %add3A_2258] : memref<8x1024xi32, #tpu.memory_space<vmem>>[vector<16xi32>, vector<16xi32>], vector<16xi32>,
        %eq3A_2260 = arith.constant 1 : i32
        %eq3A_2261 = vector.broadcast %eq3A_2260 : i32 to vector<16xi32>
        %eq3A_2262 = arith.cmpi eq, %and3A_2255, %eq3A_2261 : vector<16xi32>
        %shift_right_logical3A_2263 = arith.constant 16 : i32
        %shift_right_logical3A_2264 = vector.broadcast %shift_right_logical3A_2263 : i32 to vector<16xi32>
        %shift_right_logical3A_2265 = arith.shrui %gather3A_2259, %shift_right_logical3A_2264 : vector<16xi32>
        %and3A_2266 = vector.broadcast %scan3A_13 : i32 to vector<16xi32>
        %and3A_2267 = arith.andi %gather3A_2259, %and3A_2266 : vector<16xi32>
        %select_n3A_2268 = arith.select %eq3A_2262, %shift_right_logical3A_2265, %and3A_2267 : vector<16xi1>, vector<16xi32>
        %add3A_2269 = arith.constant 16 : i32
        %add3A_2270 = vector.broadcast %add3A_2269 : i32 to vector<16xi32>
        %add3A_2271 = arith.addi %add3A_2252, %add3A_2270 : vector<16xi32>
        %gather3A_2272 = tpu.vector_load_idx %arg5[%broadcast_in_dim3A_2236, %add3A_2271] : memref<8x1024xi32, #tpu.memory_space<vmem>>[vector<16xi32>, vector<16xi32>], vector<16xi32>,
        %eq3A_2273 = arith.constant 1 : i32
        %eq3A_2274 = vector.broadcast %eq3A_2273 : i32 to vector<16xi32>
        %eq3A_2275 = arith.cmpi eq, %and3A_2255, %eq3A_2274 : vector<16xi32>
        %shift_right_logical3A_2276 = arith.constant 16 : i32
        %shift_right_logical3A_2277 = vector.broadcast %shift_right_logical3A_2276 : i32 to vector<16xi32>
        %shift_right_logical3A_2278 = arith.shrui %gather3A_2272, %shift_right_logical3A_2277 : vector<16xi32>
        %and3A_2279 = vector.broadcast %scan3A_13 : i32 to vector<16xi32>
        %and3A_2280 = arith.andi %gather3A_2272, %and3A_2279 : vector<16xi32>
        %select_n3A_2281 = arith.select %eq3A_2275, %shift_right_logical3A_2278, %and3A_2280 : vector<16xi1>, vector<16xi32>
        %add3A_2282 = arith.constant 32 : i32
        %add3A_2283 = vector.broadcast %add3A_2282 : i32 to vector<16xi32>
        %add3A_2284 = arith.addi %add3A_2252, %add3A_2283 : vector<16xi32>
        %gather3A_2285 = tpu.vector_load_idx %arg5[%broadcast_in_dim3A_2236, %add3A_2284] : memref<8x1024xi32, #tpu.memory_space<vmem>>[vector<16xi32>, vector<16xi32>], vector<16xi32>,
        %eq3A_2286 = arith.constant 1 : i32
        %eq3A_2287 = vector.broadcast %eq3A_2286 : i32 to vector<16xi32>
        %eq3A_2288 = arith.cmpi eq, %and3A_2255, %eq3A_2287 : vector<16xi32>
        %shift_right_logical3A_2289 = arith.constant 16 : i32
        %shift_right_logical3A_2290 = vector.broadcast %shift_right_logical3A_2289 : i32 to vector<16xi32>
        %shift_right_logical3A_2291 = arith.shrui %gather3A_2285, %shift_right_logical3A_2290 : vector<16xi32>
        %and3A_2292 = vector.broadcast %scan3A_13 : i32 to vector<16xi32>
        %and3A_2293 = arith.andi %gather3A_2285, %and3A_2292 : vector<16xi32>
        %select_n3A_2294 = arith.select %eq3A_2288, %shift_right_logical3A_2291, %and3A_2293 : vector<16xi1>, vector<16xi32>
        %add3A_2295 = arith.constant 48 : i32
        %add3A_2296 = vector.broadcast %add3A_2295 : i32 to vector<16xi32>
        %add3A_2297 = arith.addi %add3A_2252, %add3A_2296 : vector<16xi32>
        %gather3A_2298 = tpu.vector_load_idx %arg5[%broadcast_in_dim3A_2236, %add3A_2297] : memref<8x1024xi32, #tpu.memory_space<vmem>>[vector<16xi32>, vector<16xi32>], vector<16xi32>,
        %eq3A_2299 = arith.constant 1 : i32
        %eq3A_2300 = vector.broadcast %eq3A_2299 : i32 to vector<16xi32>
        %eq3A_2301 = arith.cmpi eq, %and3A_2255, %eq3A_2300 : vector<16xi32>
        %shift_right_logical3A_2302 = arith.constant 16 : i32
        %shift_right_logical3A_2303 = vector.broadcast %shift_right_logical3A_2302 : i32 to vector<16xi32>
        %shift_right_logical3A_2304 = arith.shrui %gather3A_2298, %shift_right_logical3A_2303 : vector<16xi32>
        %and3A_2305 = vector.broadcast %scan3A_13 : i32 to vector<16xi32>
        %and3A_2306 = arith.andi %gather3A_2298, %and3A_2305 : vector<16xi32>
        %select_n3A_2307 = arith.select %eq3A_2301, %shift_right_logical3A_2304, %and3A_2306 : vector<16xi1>, vector<16xi32>
        %add3A_2308 = arith.constant 64 : i32
        %add3A_2309 = vector.broadcast %add3A_2308 : i32 to vector<16xi32>
        %add3A_2310 = arith.addi %add3A_2252, %add3A_2309 : vector<16xi32>
        %gather3A_2311 = tpu.vector_load_idx %arg5[%broadcast_in_dim3A_2236, %add3A_2310] : memref<8x1024xi32, #tpu.memory_space<vmem>>[vector<16xi32>, vector<16xi32>], vector<16xi32>,
        %eq3A_2312 = arith.constant 1 : i32
        %eq3A_2313 = vector.broadcast %eq3A_2312 : i32 to vector<16xi32>
        %eq3A_2314 = arith.cmpi eq, %and3A_2255, %eq3A_2313 : vector<16xi32>
        %shift_right_logical3A_2315 = arith.constant 16 : i32
        %shift_right_logical3A_2316 = vector.broadcast %shift_right_logical3A_2315 : i32 to vector<16xi32>
        %shift_right_logical3A_2317 = arith.shrui %gather3A_2311, %shift_right_logical3A_2316 : vector<16xi32>
        %and3A_2318 = vector.broadcast %scan3A_13 : i32 to vector<16xi32>
        %and3A_2319 = arith.andi %gather3A_2311, %and3A_2318 : vector<16xi32>
        %select_n3A_2320 = arith.select %eq3A_2314, %shift_right_logical3A_2317, %and3A_2319 : vector<16xi1>, vector<16xi32>
        %add3A_2321 = arith.constant 80 : i32
        %add3A_2322 = vector.broadcast %add3A_2321 : i32 to vector<16xi32>
        %add3A_2323 = arith.addi %add3A_2252, %add3A_2322 : vector<16xi32>
        %gather3A_2324 = tpu.vector_load_idx %arg5[%broadcast_in_dim3A_2236, %add3A_2323] : memref<8x1024xi32, #tpu.memory_space<vmem>>[vector<16xi32>, vector<16xi32>], vector<16xi32>,
        %eq3A_2325 = arith.constant 1 : i32
        %eq3A_2326 = vector.broadcast %eq3A_2325 : i32 to vector<16xi32>
        %eq3A_2327 = arith.cmpi eq, %and3A_2255, %eq3A_2326 : vector<16xi32>
        %shift_right_logical3A_2328 = arith.constant 16 : i32
        %shift_right_logical3A_2329 = vector.broadcast %shift_right_logical3A_2328 : i32 to vector<16xi32>
        %shift_right_logical3A_2330 = arith.shrui %gather3A_2324, %shift_right_logical3A_2329 : vector<16xi32>
        %and3A_2331 = vector.broadcast %scan3A_13 : i32 to vector<16xi32>
        %and3A_2332 = arith.andi %gather3A_2324, %and3A_2331 : vector<16xi32>
        %select_n3A_2333 = arith.select %eq3A_2327, %shift_right_logical3A_2330, %and3A_2332 : vector<16xi1>, vector<16xi32>
        %add3A_2334 = arith.constant 96 : i32
        %add3A_2335 = vector.broadcast %add3A_2334 : i32 to vector<16xi32>
        %add3A_2336 = arith.addi %add3A_2252, %add3A_2335 : vector<16xi32>
        %gather3A_2337 = tpu.vector_load_idx %arg5[%broadcast_in_dim3A_2236, %add3A_2336] : memref<8x1024xi32, #tpu.memory_space<vmem>>[vector<16xi32>, vector<16xi32>], vector<16xi32>,
        %eq3A_2338 = arith.constant 1 : i32
        %eq3A_2339 = vector.broadcast %eq3A_2338 : i32 to vector<16xi32>
        %eq3A_2340 = arith.cmpi eq, %and3A_2255, %eq3A_2339 : vector<16xi32>
        %shift_right_logical3A_2341 = arith.constant 16 : i32
        %shift_right_logical3A_2342 = vector.broadcast %shift_right_logical3A_2341 : i32 to vector<16xi32>
        %shift_right_logical3A_2343 = arith.shrui %gather3A_2337, %shift_right_logical3A_2342 : vector<16xi32>
        %and3A_2344 = vector.broadcast %scan3A_13 : i32 to vector<16xi32>
        %and3A_2345 = arith.andi %gather3A_2337, %and3A_2344 : vector<16xi32>
        %select_n3A_2346 = arith.select %eq3A_2340, %shift_right_logical3A_2343, %and3A_2345 : vector<16xi1>, vector<16xi32>
        %add3A_2347 = arith.constant 112 : i32
        %add3A_2348 = vector.broadcast %add3A_2347 : i32 to vector<16xi32>
        %add3A_2349 = arith.addi %add3A_2252, %add3A_2348 : vector<16xi32>
        %gather3A_2350 = tpu.vector_load_idx %arg5[%broadcast_in_dim3A_2236, %add3A_2349] : memref<8x1024xi32, #tpu.memory_space<vmem>>[vector<16xi32>, vector<16xi32>], vector<16xi32>,
        %eq3A_2351 = arith.constant 1 : i32
        %eq3A_2352 = vector.broadcast %eq3A_2351 : i32 to vector<16xi32>
        %eq3A_2353 = arith.cmpi eq, %and3A_2255, %eq3A_2352 : vector<16xi32>
        %shift_right_logical3A_2354 = arith.constant 16 : i32
        %shift_right_logical3A_2355 = vector.broadcast %shift_right_logical3A_2354 : i32 to vector<16xi32>
        %shift_right_logical3A_2356 = arith.shrui %gather3A_2350, %shift_right_logical3A_2355 : vector<16xi32>
        %and3A_2357 = vector.broadcast %scan3A_13 : i32 to vector<16xi32>
        %and3A_2358 = arith.andi %gather3A_2350, %and3A_2357 : vector<16xi32>
        %select_n3A_2359 = arith.select %eq3A_2353, %shift_right_logical3A_2356, %and3A_2358 : vector<16xi1>, vector<16xi32>
        %and3A_2360 = arith.constant 255 : i32
        %and3A_2361 = arith.andi %min3A_2235, %and3A_2360 : i32
        %shift_right_logical3A_2362 = arith.constant 5 : i32
        %shift_right_logical3A_2363 = arith.shrui %and3A_2361, %shift_right_logical3A_2362 : i32
        %mul3A_2364 = arith.constant 128 : i32
        %mul3A_2365 = arith.muli %shift_right_logical3A_2363, %mul3A_2364 : i32
        %and3A_2366 = arith.constant 31 : i32
        %and3A_2367 = arith.andi %and3A_2361, %and3A_2366 : i32
        %shift_right_logical3A_2368 = arith.constant 1 : i32
        %shift_right_logical3A_2369 = arith.shrui %and3A_2367, %shift_right_logical3A_2368 : i32
        %add3A_2370 = arith.addi %mul3A_2365, %shift_right_logical3A_2369 : i32
        %and3A_2371 = arith.constant 1 : i32
        %and3A_2372 = arith.andi %and3A_2361, %and3A_2371 : i32
        %mul3A_2373 = arith.constant 16 : i32
        %mul3A_2374 = arith.muli %and3A_2372, %mul3A_2373 : i32
        %mul3A_2375 = arith.constant 16 : i32
        %mul3A_2376 = vector.broadcast %mul3A_2375 : i32 to vector<16xi32>
        %mul3A_2377 = arith.muli %mul3A_2376, %and3A_7 : vector<16xi32>
        %add3A_2378 = vector.broadcast %add3A_2370 : i32 to vector<16xi32>
        %add3A_2379 = arith.addi %add3A_2378, %mul3A_2377 : vector<16xi32>
        %gather3A_2380 = tpu.vector_load_idx %arg5[%broadcast_in_dim3A_2236, %add3A_2379] : memref<8x1024xi32, #tpu.memory_space<vmem>>[vector<16xi32>, vector<16xi32>], vector<16xi32>,
        %shift_right_logical3A_2381 = vector.broadcast %mul3A_2374 : i32 to vector<16xi32>
        %shift_right_logical3A_2382 = arith.shrui %gather3A_2380, %shift_right_logical3A_2381 : vector<16xi32>
        %and3A_2383 = vector.broadcast %scan3A_13 : i32 to vector<16xi32>
        %and3A_2384 = arith.andi %shift_right_logical3A_2382, %and3A_2383 : vector<16xi32>
        %jit3A_2385 = arith.constant 2147483647 : i32
        %broadcast_in_dim3A_2386 = vector.broadcast %jit3A_2385 : i32 to vector<16xi32>
        %select_n3A_2387 = arith.select %lt3A_9, %and3A_2384, %broadcast_in_dim3A_2386 : vector<16xi1>, vector<16xi32>
        %sort3A_2388 = arith.constant dense<true> : vector<16xi1>
        %sort3A_2389, %sort3A_2390, %sort3A_2391 = tpu.sort %select_n3A_2268, %select_n3A_2268 masked %sort3A_2388 : (vector<16xi32>, vector<16xi32>, vector<16xi1>) -> (vector<16xi1>, vector<16xi32>, vector<16xi32>)
        %sort3A_2392 = arith.constant dense<true> : vector<16xi1>
        %sort3A_2393, %sort3A_2394, %sort3A_2395 = tpu.sort %select_n3A_2281, %select_n3A_2281 masked %sort3A_2392 : (vector<16xi32>, vector<16xi32>, vector<16xi1>) -> (vector<16xi1>, vector<16xi32>, vector<16xi32>)
        %sort3A_2396 = arith.constant dense<true> : vector<16xi1>
        %sort3A_2397, %sort3A_2398, %sort3A_2399 = tpu.sort %select_n3A_2294, %select_n3A_2294 masked %sort3A_2396 : (vector<16xi32>, vector<16xi32>, vector<16xi1>) -> (vector<16xi1>, vector<16xi32>, vector<16xi32>)
        %sort3A_2400 = arith.constant dense<true> : vector<16xi1>
        %sort3A_2401, %sort3A_2402, %sort3A_2403 = tpu.sort %select_n3A_2307, %select_n3A_2307 masked %sort3A_2400 : (vector<16xi32>, vector<16xi32>, vector<16xi1>) -> (vector<16xi1>, vector<16xi32>, vector<16xi32>)
        %sort3A_2404 = arith.constant dense<true> : vector<16xi1>
        %sort3A_2405, %sort3A_2406, %sort3A_2407 = tpu.sort %select_n3A_2320, %select_n3A_2320 masked %sort3A_2404 : (vector<16xi32>, vector<16xi32>, vector<16xi1>) -> (vector<16xi1>, vector<16xi32>, vector<16xi32>)
        %sort3A_2408 = arith.constant dense<true> : vector<16xi1>
        %sort3A_2409, %sort3A_2410, %sort3A_2411 = tpu.sort %select_n3A_2333, %select_n3A_2333 masked %sort3A_2408 : (vector<16xi32>, vector<16xi32>, vector<16xi1>) -> (vector<16xi1>, vector<16xi32>, vector<16xi32>)
        %sort3A_2412 = arith.constant dense<true> : vector<16xi1>
        %sort3A_2413, %sort3A_2414, %sort3A_2415 = tpu.sort %select_n3A_2346, %select_n3A_2346 masked %sort3A_2412 : (vector<16xi32>, vector<16xi32>, vector<16xi1>) -> (vector<16xi1>, vector<16xi32>, vector<16xi32>)
        %sort3A_2416 = arith.constant dense<true> : vector<16xi1>
        %sort3A_2417, %sort3A_2418, %sort3A_2419 = tpu.sort %select_n3A_2359, %select_n3A_2359 masked %sort3A_2416 : (vector<16xi32>, vector<16xi32>, vector<16xi1>) -> (vector<16xi1>, vector<16xi32>, vector<16xi32>)
        %sort3A_2420 = arith.constant dense<true> : vector<16xi1>
        %sort3A_2421, %sort3A_2422, %sort3A_2423 = tpu.sort %select_n3A_2387, %select_n3A_2387 masked %sort3A_2420 : (vector<16xi32>, vector<16xi32>, vector<16xi1>) -> (vector<16xi1>, vector<16xi32>, vector<16xi32>)
        %rev3A_2424 = arith.constant 15 : i32
        %rev3A_2425 = vector.broadcast %rev3A_2424 : i32 to vector<16xi32>
        %rev3A_2426 = tpu.iota {dimensions = array<i32: 0>} : vector<16xi32>
        %rev3A_2427 = arith.subi %rev3A_2425, %rev3A_2426 : vector<16xi32>
        %rev3A_2428 = tpu.dynamic_gather %sort3A_2394[%rev3A_2427] in [0] : vector<16xi32>, vector<16xi32> -> vector<16xi32>
        %min3A_2429 = arith.minsi %sort3A_2390, %rev3A_2428 : vector<16xi32>
        %max3A_2430 = arith.maxsi %sort3A_2390, %rev3A_2428 : vector<16xi32>
        %sort3A_2431 = arith.constant dense<true> : vector<16xi1>
        %sort3A_2432, %sort3A_2433, %sort3A_2434 = tpu.sort %min3A_2429, %min3A_2429 masked %sort3A_2431 : (vector<16xi32>, vector<16xi32>, vector<16xi1>) -> (vector<16xi1>, vector<16xi32>, vector<16xi32>)
        %min3A_2435 = arith.constant 2147483647 : i32
        %min3A_2436 = arith.constant 2147483647 : i32
        %min3A_2437 = arith.minsi %min3A_2435, %min3A_2436 : i32
        %reduce_min3A_2438 = arith.constant true
        %reduce_min3A_2439 = vector.broadcast %reduce_min3A_2438 : i1 to vector<16xi1>
        %reduce_min3A_2440 = arith.constant -2147483648 : i32
        %reduce_min3A_2441 = vector.broadcast %reduce_min3A_2440 : i32 to vector<16xi32>
        %reduce_min3A_2442 = arith.xori %max3A_2430, %reduce_min3A_2441 : vector<16xi32>
        %reduce_min3A_2443 = tpu.scan <min>, %reduce_min3A_2442 masked %reduce_min3A_2439 : vector<16xi32>, vector<16xi1> -> vector<16xi32>
        %reduce_min3A_2444 = arith.xori %reduce_min3A_2443, %reduce_min3A_2441 : vector<16xi32>
        %reduce_min3A_2445 = vector.extract %reduce_min3A_2444[15] : i32 from vector<16xi32>
        %min3A_2446 = arith.minsi %min3A_2437, %reduce_min3A_2445 : i32
        %rev3A_2447 = arith.constant 15 : i32
        %rev3A_2448 = vector.broadcast %rev3A_2447 : i32 to vector<16xi32>
        %rev3A_2449 = tpu.iota {dimensions = array<i32: 0>} : vector<16xi32>
        %rev3A_2450 = arith.subi %rev3A_2448, %rev3A_2449 : vector<16xi32>
        %rev3A_2451 = tpu.dynamic_gather %sort3A_2402[%rev3A_2450] in [0] : vector<16xi32>, vector<16xi32> -> vector<16xi32>
        %min3A_2452 = arith.minsi %sort3A_2398, %rev3A_2451 : vector<16xi32>
        %max3A_2453 = arith.maxsi %sort3A_2398, %rev3A_2451 : vector<16xi32>
        %sort3A_2454 = arith.constant dense<true> : vector<16xi1>
        %sort3A_2455, %sort3A_2456, %sort3A_2457 = tpu.sort %min3A_2452, %min3A_2452 masked %sort3A_2454 : (vector<16xi32>, vector<16xi32>, vector<16xi1>) -> (vector<16xi1>, vector<16xi32>, vector<16xi32>)
        %min3A_2458 = arith.constant 2147483647 : i32
        %min3A_2459 = arith.constant 2147483647 : i32
        %min3A_2460 = arith.minsi %min3A_2458, %min3A_2459 : i32
        %reduce_min3A_2461 = arith.constant true
        %reduce_min3A_2462 = vector.broadcast %reduce_min3A_2461 : i1 to vector<16xi1>
        %reduce_min3A_2463 = arith.constant -2147483648 : i32
        %reduce_min3A_2464 = vector.broadcast %reduce_min3A_2463 : i32 to vector<16xi32>
        %reduce_min3A_2465 = arith.xori %max3A_2453, %reduce_min3A_2464 : vector<16xi32>
        %reduce_min3A_2466 = tpu.scan <min>, %reduce_min3A_2465 masked %reduce_min3A_2462 : vector<16xi32>, vector<16xi1> -> vector<16xi32>
        %reduce_min3A_2467 = arith.xori %reduce_min3A_2466, %reduce_min3A_2464 : vector<16xi32>
        %reduce_min3A_2468 = vector.extract %reduce_min3A_2467[15] : i32 from vector<16xi32>
        %min3A_2469 = arith.minsi %min3A_2460, %reduce_min3A_2468 : i32
        %rev3A_2470 = arith.constant 15 : i32
        %rev3A_2471 = vector.broadcast %rev3A_2470 : i32 to vector<16xi32>
        %rev3A_2472 = tpu.iota {dimensions = array<i32: 0>} : vector<16xi32>
        %rev3A_2473 = arith.subi %rev3A_2471, %rev3A_2472 : vector<16xi32>
        %rev3A_2474 = tpu.dynamic_gather %sort3A_2410[%rev3A_2473] in [0] : vector<16xi32>, vector<16xi32> -> vector<16xi32>
        %min3A_2475 = arith.minsi %sort3A_2406, %rev3A_2474 : vector<16xi32>
        %max3A_2476 = arith.maxsi %sort3A_2406, %rev3A_2474 : vector<16xi32>
        %sort3A_2477 = arith.constant dense<true> : vector<16xi1>
        %sort3A_2478, %sort3A_2479, %sort3A_2480 = tpu.sort %min3A_2475, %min3A_2475 masked %sort3A_2477 : (vector<16xi32>, vector<16xi32>, vector<16xi1>) -> (vector<16xi1>, vector<16xi32>, vector<16xi32>)
        %min3A_2481 = arith.constant 2147483647 : i32
        %min3A_2482 = arith.constant 2147483647 : i32
        %min3A_2483 = arith.minsi %min3A_2481, %min3A_2482 : i32
        %reduce_min3A_2484 = arith.constant true
        %reduce_min3A_2485 = vector.broadcast %reduce_min3A_2484 : i1 to vector<16xi1>
        %reduce_min3A_2486 = arith.constant -2147483648 : i32
        %reduce_min3A_2487 = vector.broadcast %reduce_min3A_2486 : i32 to vector<16xi32>
        %reduce_min3A_2488 = arith.xori %max3A_2476, %reduce_min3A_2487 : vector<16xi32>
        %reduce_min3A_2489 = tpu.scan <min>, %reduce_min3A_2488 masked %reduce_min3A_2485 : vector<16xi32>, vector<16xi1> -> vector<16xi32>
        %reduce_min3A_2490 = arith.xori %reduce_min3A_2489, %reduce_min3A_2487 : vector<16xi32>
        %reduce_min3A_2491 = vector.extract %reduce_min3A_2490[15] : i32 from vector<16xi32>
        %min3A_2492 = arith.minsi %min3A_2483, %reduce_min3A_2491 : i32
        %rev3A_2493 = arith.constant 15 : i32
        %rev3A_2494 = vector.broadcast %rev3A_2493 : i32 to vector<16xi32>
        %rev3A_2495 = tpu.iota {dimensions = array<i32: 0>} : vector<16xi32>
        %rev3A_2496 = arith.subi %rev3A_2494, %rev3A_2495 : vector<16xi32>
        %rev3A_2497 = tpu.dynamic_gather %sort3A_2418[%rev3A_2496] in [0] : vector<16xi32>, vector<16xi32> -> vector<16xi32>
        %min3A_2498 = arith.minsi %sort3A_2414, %rev3A_2497 : vector<16xi32>
        %max3A_2499 = arith.maxsi %sort3A_2414, %rev3A_2497 : vector<16xi32>
        %sort3A_2500 = arith.constant dense<true> : vector<16xi1>
        %sort3A_2501, %sort3A_2502, %sort3A_2503 = tpu.sort %min3A_2498, %min3A_2498 masked %sort3A_2500 : (vector<16xi32>, vector<16xi32>, vector<16xi1>) -> (vector<16xi1>, vector<16xi32>, vector<16xi32>)
        %min3A_2504 = arith.constant 2147483647 : i32
        %min3A_2505 = arith.constant 2147483647 : i32
        %min3A_2506 = arith.minsi %min3A_2504, %min3A_2505 : i32
        %reduce_min3A_2507 = arith.constant true
        %reduce_min3A_2508 = vector.broadcast %reduce_min3A_2507 : i1 to vector<16xi1>
        %reduce_min3A_2509 = arith.constant -2147483648 : i32
        %reduce_min3A_2510 = vector.broadcast %reduce_min3A_2509 : i32 to vector<16xi32>
        %reduce_min3A_2511 = arith.xori %max3A_2499, %reduce_min3A_2510 : vector<16xi32>
        %reduce_min3A_2512 = tpu.scan <min>, %reduce_min3A_2511 masked %reduce_min3A_2508 : vector<16xi32>, vector<16xi1> -> vector<16xi32>
        %reduce_min3A_2513 = arith.xori %reduce_min3A_2512, %reduce_min3A_2510 : vector<16xi32>
        %reduce_min3A_2514 = vector.extract %reduce_min3A_2513[15] : i32 from vector<16xi32>
        %min3A_2515 = arith.minsi %min3A_2506, %reduce_min3A_2514 : i32
        %rev3A_2516 = arith.constant 15 : i32
        %rev3A_2517 = vector.broadcast %rev3A_2516 : i32 to vector<16xi32>
        %rev3A_2518 = tpu.iota {dimensions = array<i32: 0>} : vector<16xi32>
        %rev3A_2519 = arith.subi %rev3A_2517, %rev3A_2518 : vector<16xi32>
        %rev3A_2520 = tpu.dynamic_gather %sort3A_2456[%rev3A_2519] in [0] : vector<16xi32>, vector<16xi32> -> vector<16xi32>
        %min3A_2521 = arith.minsi %sort3A_2433, %rev3A_2520 : vector<16xi32>
        %max3A_2522 = arith.maxsi %sort3A_2433, %rev3A_2520 : vector<16xi32>
        %sort3A_2523 = arith.constant dense<true> : vector<16xi1>
        %sort3A_2524, %sort3A_2525, %sort3A_2526 = tpu.sort %min3A_2521, %min3A_2521 masked %sort3A_2523 : (vector<16xi32>, vector<16xi32>, vector<16xi1>) -> (vector<16xi1>, vector<16xi32>, vector<16xi32>)
        %min3A_2527 = arith.minsi %min3A_2446, %min3A_2469 : i32
        %reduce_min3A_2528 = arith.constant true
        %reduce_min3A_2529 = vector.broadcast %reduce_min3A_2528 : i1 to vector<16xi1>
        %reduce_min3A_2530 = arith.constant -2147483648 : i32
        %reduce_min3A_2531 = vector.broadcast %reduce_min3A_2530 : i32 to vector<16xi32>
        %reduce_min3A_2532 = arith.xori %max3A_2522, %reduce_min3A_2531 : vector<16xi32>
        %reduce_min3A_2533 = tpu.scan <min>, %reduce_min3A_2532 masked %reduce_min3A_2529 : vector<16xi32>, vector<16xi1> -> vector<16xi32>
        %reduce_min3A_2534 = arith.xori %reduce_min3A_2533, %reduce_min3A_2531 : vector<16xi32>
        %reduce_min3A_2535 = vector.extract %reduce_min3A_2534[15] : i32 from vector<16xi32>
        %min3A_2536 = arith.minsi %min3A_2527, %reduce_min3A_2535 : i32
        %rev3A_2537 = arith.constant 15 : i32
        %rev3A_2538 = vector.broadcast %rev3A_2537 : i32 to vector<16xi32>
        %rev3A_2539 = tpu.iota {dimensions = array<i32: 0>} : vector<16xi32>
        %rev3A_2540 = arith.subi %rev3A_2538, %rev3A_2539 : vector<16xi32>
        %rev3A_2541 = tpu.dynamic_gather %sort3A_2502[%rev3A_2540] in [0] : vector<16xi32>, vector<16xi32> -> vector<16xi32>
        %min3A_2542 = arith.minsi %sort3A_2479, %rev3A_2541 : vector<16xi32>
        %max3A_2543 = arith.maxsi %sort3A_2479, %rev3A_2541 : vector<16xi32>
        %sort3A_2544 = arith.constant dense<true> : vector<16xi1>
        %sort3A_2545, %sort3A_2546, %sort3A_2547 = tpu.sort %min3A_2542, %min3A_2542 masked %sort3A_2544 : (vector<16xi32>, vector<16xi32>, vector<16xi1>) -> (vector<16xi1>, vector<16xi32>, vector<16xi32>)
        %min3A_2548 = arith.minsi %min3A_2492, %min3A_2515 : i32
        %reduce_min3A_2549 = arith.constant true
        %reduce_min3A_2550 = vector.broadcast %reduce_min3A_2549 : i1 to vector<16xi1>
        %reduce_min3A_2551 = arith.constant -2147483648 : i32
        %reduce_min3A_2552 = vector.broadcast %reduce_min3A_2551 : i32 to vector<16xi32>
        %reduce_min3A_2553 = arith.xori %max3A_2543, %reduce_min3A_2552 : vector<16xi32>
        %reduce_min3A_2554 = tpu.scan <min>, %reduce_min3A_2553 masked %reduce_min3A_2550 : vector<16xi32>, vector<16xi1> -> vector<16xi32>
        %reduce_min3A_2555 = arith.xori %reduce_min3A_2554, %reduce_min3A_2552 : vector<16xi32>
        %reduce_min3A_2556 = vector.extract %reduce_min3A_2555[15] : i32 from vector<16xi32>
        %min3A_2557 = arith.minsi %min3A_2548, %reduce_min3A_2556 : i32
        %rev3A_2558 = arith.constant 15 : i32
        %rev3A_2559 = vector.broadcast %rev3A_2558 : i32 to vector<16xi32>
        %rev3A_2560 = tpu.iota {dimensions = array<i32: 0>} : vector<16xi32>
        %rev3A_2561 = arith.subi %rev3A_2559, %rev3A_2560 : vector<16xi32>
        %rev3A_2562 = tpu.dynamic_gather %sort3A_2546[%rev3A_2561] in [0] : vector<16xi32>, vector<16xi32> -> vector<16xi32>
        %min3A_2563 = arith.minsi %sort3A_2525, %rev3A_2562 : vector<16xi32>
        %max3A_2564 = arith.maxsi %sort3A_2525, %rev3A_2562 : vector<16xi32>
        %sort3A_2565 = arith.constant dense<true> : vector<16xi1>
        %sort3A_2566, %sort3A_2567, %sort3A_2568 = tpu.sort %min3A_2563, %min3A_2563 masked %sort3A_2565 : (vector<16xi32>, vector<16xi32>, vector<16xi1>) -> (vector<16xi1>, vector<16xi32>, vector<16xi32>)
        %min3A_2569 = arith.minsi %min3A_2536, %min3A_2557 : i32
        %reduce_min3A_2570 = arith.constant true
        %reduce_min3A_2571 = vector.broadcast %reduce_min3A_2570 : i1 to vector<16xi1>
        %reduce_min3A_2572 = arith.constant -2147483648 : i32
        %reduce_min3A_2573 = vector.broadcast %reduce_min3A_2572 : i32 to vector<16xi32>
        %reduce_min3A_2574 = arith.xori %max3A_2564, %reduce_min3A_2573 : vector<16xi32>
        %reduce_min3A_2575 = tpu.scan <min>, %reduce_min3A_2574 masked %reduce_min3A_2571 : vector<16xi32>, vector<16xi1> -> vector<16xi32>
        %reduce_min3A_2576 = arith.xori %reduce_min3A_2575, %reduce_min3A_2573 : vector<16xi32>
        %reduce_min3A_2577 = vector.extract %reduce_min3A_2576[15] : i32 from vector<16xi32>
        %min3A_2578 = arith.minsi %min3A_2569, %reduce_min3A_2577 : i32
        %rev3A_2579 = arith.constant 15 : i32
        %rev3A_2580 = vector.broadcast %rev3A_2579 : i32 to vector<16xi32>
        %rev3A_2581 = tpu.iota {dimensions = array<i32: 0>} : vector<16xi32>
        %rev3A_2582 = arith.subi %rev3A_2580, %rev3A_2581 : vector<16xi32>
        %rev3A_2583 = tpu.dynamic_gather %sort3A_2422[%rev3A_2582] in [0] : vector<16xi32>, vector<16xi32> -> vector<16xi32>
        %min3A_2584 = arith.minsi %sort3A_2567, %rev3A_2583 : vector<16xi32>
        %max3A_2585 = arith.maxsi %sort3A_2567, %rev3A_2583 : vector<16xi32>
        %sort3A_2586 = arith.constant dense<true> : vector<16xi1>
        %sort3A_2587, %sort3A_2588, %sort3A_2589 = tpu.sort %min3A_2584, %min3A_2584 masked %sort3A_2586 : (vector<16xi32>, vector<16xi32>, vector<16xi1>) -> (vector<16xi1>, vector<16xi32>, vector<16xi32>)
        %min3A_2590 = arith.constant 2147483647 : i32
        %min3A_2591 = arith.minsi %min3A_2578, %min3A_2590 : i32
        %reduce_min3A_2592 = arith.constant true
        %reduce_min3A_2593 = vector.broadcast %reduce_min3A_2592 : i1 to vector<16xi1>
        %reduce_min3A_2594 = arith.constant -2147483648 : i32
        %reduce_min3A_2595 = vector.broadcast %reduce_min3A_2594 : i32 to vector<16xi32>
        %reduce_min3A_2596 = arith.xori %max3A_2585, %reduce_min3A_2595 : vector<16xi32>
        %reduce_min3A_2597 = tpu.scan <min>, %reduce_min3A_2596 masked %reduce_min3A_2593 : vector<16xi32>, vector<16xi1> -> vector<16xi32>
        %reduce_min3A_2598 = arith.xori %reduce_min3A_2597, %reduce_min3A_2595 : vector<16xi32>
        %reduce_min3A_2599 = vector.extract %reduce_min3A_2598[15] : i32 from vector<16xi32>
        %min3A_2600 = arith.minsi %min3A_2591, %reduce_min3A_2599 : i32
        %shift_left3A_2601 = arith.constant 16 : i32
        %shift_left3A_2602 = arith.shli %min3A_2600, %shift_left3A_2601 : i32
        %broadcast_in_dim3A_2603 = vector.broadcast %shift_left3A_2602 : i32 to vector<16xi32>
        %bitcast3A_2604 = vector.bitcast %broadcast_in_dim3A_2603 : vector<16xi32> to vector<16xf32>
        %swap3A_2605 = arith.index_cast %add3A_1344 : i32 to index
        %swap3A_2606 = arith.constant 1 : index
        %swap3A_2607 = tpu.vector_load %arg6[%swap3A_2605, %swap3A_2606] {strides = array<i32>} : memref<64x17xf32, #tpu.memory_space<vmem>>, vector<16xf32>,
        tpu.vector_store %arg6[%swap3A_2605, %swap3A_2606], %bitcast3A_2604 {strides = array<i32>} : memref<64x17xf32, #tpu.memory_space<vmem>>, vector<16xf32>,
        %shift_left3A_2608 = arith.constant 16 : i32
        %shift_left3A_2609 = vector.broadcast %shift_left3A_2608 : i32 to vector<16xi32>
        %shift_left3A_2610 = arith.shli %sort3A_2588, %shift_left3A_2609 : vector<16xi32>
        %bitcast3A_2611 = vector.bitcast %shift_left3A_2610 : vector<16xi32> to vector<16xf32>
        %swap3A_2612 = arith.index_cast %add3A_1344 : i32 to index
        %swap3A_2613 = arith.constant 0 : index
        %swap3A_2614 = tpu.vector_load %arg6[%swap3A_2612, %swap3A_2613] {strides = array<i32>} : memref<64x17xf32, #tpu.memory_space<vmem>>, vector<16xf32>,
        tpu.vector_store %arg6[%swap3A_2612, %swap3A_2613], %bitcast3A_2611 {strides = array<i32>} : memref<64x17xf32, #tpu.memory_space<vmem>>, vector<16xf32>,
      }
      %scan3A_62 = arith.constant 4 : i32
    }
    %scan3A_18 = arith.constant 4 : i32
    %dma_wait3A = arith.constant 0 : i32
    %dma_wait3A_19 = arith.constant 0 : i32
    %dma_wait3A_20 = tpu.memref_slice %arg2[%dma_wait3A, %dma_wait3A_19] : memref<2048x1024xi32, #tpu.memory_space<hbm>> -> memref<8x1024xi32, #tpu.memory_space<hbm>>
    %dma_wait3A_21 = arith.constant 0 : i32
    %dma_wait3A_22 = arith.constant 0 : i32
    %dma_wait3A_23 = tpu.memref_slice %arg2[%dma_wait3A_21, %dma_wait3A_22] : memref<2048x1024xi32, #tpu.memory_space<hbm>> -> memref<8x1024xi32, #tpu.memory_space<hbm>>
    tpu.wait_dma2 semaphore(%arg7 : memref<!tpu.dma_semaphore, #tpu.memory_space<semaphore_mem>>) src(%dma_wait3A_23 : memref<8x1024xi32, #tpu.memory_space<hbm>>) dst(%arg4 : memref<8x1024xi32, #tpu.memory_space<vmem>>)
    "tpu.region"() ({
      %run_scoped3A = tpu.sem_alloc : memref<!tpu.dma_semaphore, #tpu.memory_space<semaphore_mem>>
      %dma_start3A_24 = arith.constant 0 : i32
      %dma_start3A_25 = tpu.memref_slice %arg3[%mul3A_2, %dma_start3A_24] : memref<2048x17xf32, #tpu.memory_space<hbm>> -> memref<64x17xf32, #tpu.memory_space<hbm>>
      %dma_start3A_26 = arith.constant 0 : i32
      %dma_start3A_27 = tpu.memref_slice %arg3[%mul3A_2, %dma_start3A_26] : memref<2048x17xf32, #tpu.memory_space<hbm>> -> memref<64x17xf32, #tpu.memory_space<hbm>>
      tpu.enqueue_dma source(%arg6 : memref<64x17xf32, #tpu.memory_space<vmem>>) target(%dma_start3A_27 : memref<64x17xf32, #tpu.memory_space<hbm>>) target_semaphore(%run_scoped3A : memref<!tpu.dma_semaphore, #tpu.memory_space<semaphore_mem>>)
      %dma_wait3A_28 = arith.constant 0 : i32
      %dma_wait3A_29 = tpu.memref_slice %arg3[%mul3A_2, %dma_wait3A_28] : memref<2048x17xf32, #tpu.memory_space<hbm>> -> memref<64x17xf32, #tpu.memory_space<hbm>>
      %dma_wait3A_30 = arith.constant 0 : i32
      %dma_wait3A_31 = tpu.memref_slice %arg3[%mul3A_2, %dma_wait3A_30] : memref<2048x17xf32, #tpu.memory_space<hbm>> -> memref<64x17xf32, #tpu.memory_space<hbm>>
      tpu.wait_dma2 semaphore(%run_scoped3A : memref<!tpu.dma_semaphore, #tpu.memory_space<semaphore_mem>>) src(%arg6 : memref<64x17xf32, #tpu.memory_space<vmem>>) dst(%dma_wait3A_31 : memref<64x17xf32, #tpu.memory_space<hbm>>)
      tpu.yield
    }) : () -> ()
    return
  }
}

module attributes {stable_mosaic.version = 14 : i64} {
  func.func @_tc_pack_body(%arg0: i32, %arg1: memref<2048x64xf32, #tpu.memory_space<any>>, %arg2: memref<1024x1024xi32, #tpu.memory_space<vmem>>, %arg3: memref<2048x64xf32, #tpu.memory_space<vmem>>, %arg4: memref<!tpu.dma_semaphore, #tpu.memory_space<semaphore_mem>>) attributes {dimension_semantics = [#tpu.dimension_semantics<arbitrary>], iteration_bounds = array<i64: 2>, scalar_prefetch = 0 : i64, scratch_operands = 2 : i64, tpu.core_type = #tpu.core_type<tc>, window_params = [{}, {transform_indices = @transform_1, window_bounds = array<i64: 1024, 1024>}]} {
    %eq3A = arith.constant 0 : i32
    %eq3A_0 = arith.cmpi eq, %arg0, %eq3A : i32
    %convert_element_type3A = arith.extui %eq3A_0 : i1 to i32
    %cond3A = arith.constant 0 : i32
    %cond3A_1 = arith.cmpi ne, %convert_element_type3A, %cond3A : i32
    scf.if %cond3A_1 {
      tpu.enqueue_dma source(%arg1 : memref<2048x64xf32, #tpu.memory_space<any>>) target(%arg3 : memref<2048x64xf32, #tpu.memory_space<vmem>>) target_semaphore(%arg4 : memref<!tpu.dma_semaphore, #tpu.memory_space<semaphore_mem>>)
      tpu.wait_dma2 semaphore(%arg4 : memref<!tpu.dma_semaphore, #tpu.memory_space<semaphore_mem>>) src(%arg1 : memref<2048x64xf32, #tpu.memory_space<any>>) dst(%arg3 : memref<2048x64xf32, #tpu.memory_space<vmem>>)
    } else {
    }
    %get3A = arith.constant 0 : index
    %get3A_2 = arith.constant 0 : index
    %get3A_3 = vector.load %arg3[%get3A, %get3A_2] : memref<2048x64xf32, #tpu.memory_space<vmem>>, vector<2048x64xf32>
    %mul3A = arith.constant 1024 : i32
    %mul3A_4 = arith.muli %arg0, %mul3A : i32
    %add3A = arith.constant 0 : i32
    %add3A_5 = arith.addi %add3A, %mul3A_4 : i32
    %get3A_6 = arith.index_cast %add3A_5 : i32 to index
    %get3A_7 = arith.constant 0 : index
    %get3A_8 = vector.load %arg3[%get3A_6, %get3A_7] : memref<2048x64xf32, #tpu.memory_space<vmem>>, vector<1024x64xf32>
    %dot_general3A = arith.constant dense<0.000000e+00> : vector<1024x2048xf32>
    %dot_general3A_9 = tpu.matmul %get3A_8, %get3A_3, %dot_general3A {dimension_numbers = #tpu.dot_dimension_numbers<[1], [1], [0], [0], [0, 0, 1, 0], [], []>, transpose_lhs_hint = false} : vector<1024x64xf32>, vector<2048x64xf32>, vector<1024x2048xf32> -> vector<1024x2048xf32>
    %mul3A_10 = arith.mulf %get3A_8, %get3A_8 : vector<1024x64xf32>
    %reduce_sum3A = arith.constant dense<0.000000e+00> : vector<1024xf32>
    %reduce_sum3A_11 = vector.multi_reduction <add>, %mul3A_10, %reduce_sum3A [1] : vector<1024x64xf32> to vector<1024xf32>
    %broadcast_in_dim3A = vector.shape_cast %reduce_sum3A_11 : vector<1024xf32> to vector<1024x1xf32>
    %mul3A_12 = arith.mulf %get3A_3, %get3A_3 : vector<2048x64xf32>
    %reduce_sum3A_13 = arith.constant dense<0.000000e+00> : vector<2048xf32>
    %reduce_sum3A_14 = vector.multi_reduction <add>, %mul3A_12, %reduce_sum3A_13 [1] : vector<2048x64xf32> to vector<2048xf32>
    %broadcast_in_dim3A_15 = vector.shape_cast %reduce_sum3A_14 : vector<2048xf32> to vector<1x2048xf32>
    %add3A_16 = vector.broadcast %broadcast_in_dim3A : vector<1024x1xf32> to vector<1024x2048xf32>
    %add3A_17 = vector.broadcast %broadcast_in_dim3A_15 : vector<1x2048xf32> to vector<1024x2048xf32>
    %add3A_18 = arith.addf %add3A_16, %add3A_17 : vector<1024x2048xf32>
    %mul3A_19 = arith.constant 2.000000e+00 : f32
    %mul3A_20 = vector.broadcast %mul3A_19 : f32 to vector<1024x2048xf32>
    %mul3A_21 = arith.mulf %mul3A_20, %dot_general3A_9 : vector<1024x2048xf32>
    %sub3A = arith.subf %add3A_18, %mul3A_21 : vector<1024x2048xf32>
    %max3A = arith.constant 0.000000e+00 : f32
    %max3A_22 = vector.broadcast %max3A : f32 to vector<1024x2048xf32>
    %max3A_23 = arith.maximumf %sub3A, %max3A_22 : vector<1024x2048xf32>
    %iota3A = tpu.iota {dimensions = array<i32: 1>} : vector<1024x2048xi32>
    %iota3A_24 = tpu.iota {dimensions = array<i32: 0>} : vector<1024x2048xi32>
    %add3A_25 = arith.constant 0 : i32
    %add3A_26 = vector.broadcast %add3A_25 : i32 to vector<1024x2048xi32>
    %add3A_27 = arith.addi %iota3A_24, %add3A_26 : vector<1024x2048xi32>
    %mul3A_28 = arith.constant 1024 : i32
    %mul3A_29 = arith.muli %arg0, %mul3A_28 : i32
    %add3A_30 = vector.broadcast %mul3A_29 : i32 to vector<1024x2048xi32>
    %add3A_31 = arith.addi %add3A_27, %add3A_30 : vector<1024x2048xi32>
    %eq3A_32 = arith.cmpi eq, %iota3A, %add3A_31 : vector<1024x2048xi32>
    %jit3A = arith.constant 0.000000e+00 : f32
    %broadcast_in_dim3A_33 = vector.broadcast %jit3A : f32 to vector<1024x2048xf32>
    %select_n3A = arith.select %eq3A_32, %broadcast_in_dim3A_33, %max3A_23 : vector<1024x2048xi1>, vector<1024x2048xf32>
    %add3A_34 = arith.constant 1.000000e-30 : f32
    %add3A_35 = vector.broadcast %add3A_34 : f32 to vector<1024x2048xf32>
    %add3A_36 = arith.addf %select_n3A, %add3A_35 : vector<1024x2048xf32>
    %rsqrt3A = math.rsqrt %add3A_36 : vector<1024x2048xf32>
    %mul3A_37 = arith.mulf %select_n3A, %rsqrt3A : vector<1024x2048xf32>
    %bitcast_convert_type3A = tpu.bitcast %mul3A_37 : vector<1024x2048xf32> -> vector<1024x2048xi32>
    %shift_right_logical3A = arith.constant 16 : i32
    %shift_right_logical3A_38 = vector.broadcast %shift_right_logical3A : i32 to vector<1024x2048xi32>
    %shift_right_logical3A_39 = arith.shrui %bitcast_convert_type3A, %shift_right_logical3A_38 : vector<1024x2048xi32>
    %slice3A = vector.extract_strided_slice %shift_right_logical3A_39 {offsets = [0, 0], sizes = [1024, 1024], strides = [1, 1]} : vector<1024x2048xi32> to vector<1024x1024xi32>
    %slice3A_40 = vector.extract_strided_slice %shift_right_logical3A_39 {offsets = [0, 1024], sizes = [1024, 1024], strides = [1, 1]} : vector<1024x2048xi32> to vector<1024x1024xi32>
    %shift_left3A = arith.constant 16 : i32
    %shift_left3A_41 = vector.broadcast %shift_left3A : i32 to vector<1024x1024xi32>
    %shift_left3A_42 = arith.shli %slice3A_40, %shift_left3A_41 : vector<1024x1024xi32>
    %or3A = arith.ori %slice3A, %shift_left3A_42 : vector<1024x1024xi32>
    %swap3A = arith.constant 0 : index
    %swap3A_43 = arith.constant 0 : index
    %swap3A_44 = vector.load %arg2[%swap3A, %swap3A_43] : memref<1024x1024xi32, #tpu.memory_space<vmem>>, vector<1024x1024xi32>
    tpu.vector_store %arg2[%swap3A, %swap3A_43], %or3A {strides = array<i32>} : memref<1024x1024xi32, #tpu.memory_space<vmem>>, vector<1024x1024xi32>,
    return
  }
  func.func @transform_1(%arg0: i32) -> (i32, i32) {
    %c0_i32 = arith.constant 0 : i32
    %c0_i32_0 = arith.constant 0 : i32
    return %arg0, %c0_i32 : i32, i32
  }
}

</mosaic_0001>

<sc_bundles>
// kernel: kernel.4.cloned.1.call-start
scs
__scs_entry_jumppad:
0x0: {  	(pc) =	sbr.rel $0x88, $3  }
0x1: {  	(tag) =	ssettag $0x0;
	lr =	simm.s32 $0x1  }
0x2: {  	[smem:$0x3FA0] =	sst lr;
	_ =	strace $0xD0000000  }
0x3: {  	_ = 	snop  }
0x4: {  	_ = 	snop  }
0x5: {  	_ = 	snop  }
0x6: {  	_ = 	snop  }
0x7: {  	_ = 	snop  }
__scs_overlays_trampoline_lowered:
0x8: {  	[smem:$0x3FAF] =	sst s0  }
0x9: {  	[smem:$0x3FB0] =	sst s1  }
0xa: {  	[smem:$0x3FB1] =	sst s2  }
0xb: {  	[smem:$0x3FB2] =	sst s3  }
0xc: {  	[smem:$0x3FB3] =	sst s4  }
0xd: {  	[smem:$0x3FB4] =	sst s5  }
0xe: {  	[smem:$0x3FB5] =	sst s6  }
0xf: {  	[smem:$0x3FB6] =	sst s7  }
0x10: {  	[smem:$0x3FB7] =	sst s8  }
0x11: {  	[smem:$0x3FB8] =	sst s9;
	s0 =	simm.s32 @!p0 $0x0  }
0x12: {  	s1 =	sld [smem:$0x3F9E];
	s0 =	simm.s32 @p0 $0x1  }
0x13: {  	[smem:$0x3FB9] =	sst s0;
	s0 =	simm.s32 @!p1 $0x0  }
0x14: {  	s2 =	sld [smem:$0x3F9D];
	s0 =	simm.s32 @p1 $0x1  }
0x15: {  	[smem:$0x3FBA] =	sst s0;
	s0 =	simm.s32 @!p2 $0x0  }
0x16: {  	s3 =	sld [smem:$0x3FDB];
	s0 =	simm.s32 @p2 $0x1  }
0x17: {  	s4 =	simm.s32 $0x1BF5;
	[smem:$0x3FBC] =	sst s0  }
0x18: {  	s0 =	sld [smem:$0x3F9F];
	_ =	swait.ge [sflag:s4], $0x0  }
0x19: {  	s7 =	sld [smem:$0x3FA0]  }
0x1a: {  	s8 =	sadd.s32 $0xFFFFE003, lr  }
0x1b: {  	s9 =	sadd.s32 $0xFFFFFEF7, lr;
	s5 =	simm.s32 $0xFFFFFFFF;
	p2 =	slt.u32 s8, $0xFFFFF086  }
0x1c: {  	p1 =	slt.u32 s9, $0xF7A;
	s5 =	simm.s32 @!p2 $0x0  }
0x1d: {  	s5 =	simm.s32 @p1 $0x1;
	p0 =	seq.s32 s7, s2  }
0x1e: {  	s7 =	smul.u32 @!p0 $0xF7A, s2;
	p2 =	seq.s32 @!p0 s5, $0x0  }
0x1f: {  	s9 =	smul.u32 $0xF7A, s1;
	s8 =	simm.s32 @!p0 $0x1BF5;
	p2 =	por !p2, p0  }
0x20: {  	[sflag:s8] =	ssyncset.s32 @!p0 $0xFFFFF086;
	s6 =	sadd.s32 @!p0 s3, s7;
	s7 =	simm.s32 @!p0 $0x108  }
0x21: {  	s3 =	sadd.s32 s3, s9;
	s6 =	sadd.s32 @!p0 $0x88, s6;
	s7 =	simm.s32 @p2 $0x1082  }
0x22: {  	[simem:s7], [sflag:s8] =	dma.local @!p0 [hbm:s6], $0xF7A  }
0x23: {  	s9 =	sor.u32 $0xD0000000, s2;
	s6 =	simm.s32 $0x108;
	_ =	swait.ge @!p0 [sflag:s8], $0x0  }
0x24: {  	s3 =	sadd.s32 $0x88, s3;
	s6 =	simm.s32 @!p1 $0x1082;
	[sflag:s4] =	ssyncset.s32 $0xFFFFF086  }
0x25: {  	[simem:s6], [sflag:s4] =	dma.local [hbm:s3], $0xF7A  }
0x26: {  	[smem:$0x3FA0] =	sst s1;
	(tag) =	ssettag s2;
	_ =	strace s9  }
0x27: {  	s1 =	sld [smem:$0x3FB0]  }
0x28: {  	s2 =	sld [smem:$0x3FB1]  }
0x29: {  	s4 =	sld [smem:$0x3FB3]  }
0x2a: {  	p0 =	seq.s32 s5, $0x0;
	s5 =	sld [smem:$0x3FB4]  }
0x2b: {  	s6 =	sld [smem:$0x3FB5]  }
0x2c: {  	s7 =	sld [smem:$0x3FB6]  }
0x2d: {  	s3 =	simm.s32 $0x108;
	s8 =	sld [smem:$0x3FB7]  }
0x2e: {  	s3 =	simm.s32 @!p0 $0x1082;
	s9 =	sld [smem:$0x3FB8]  }
0x2f: {  	lr =	sadd.s32 s0, s3;
	s0 =	sld [smem:$0x3FAF]  }
0x30: {  	s3 =	sld [smem:$0x3FB2]  }
0x31: {  	[smem:$0x3FBB] =	sst s10  }
0x32: {  	s10 =	sld [smem:$0x3FB9];
	_ =	sdelay $0x3  }
0x33: {  	p0 =	seq.s32 s10, $0x1;
	s10 =	sld [smem:$0x3FBB];
	_ =	sdelay $0x3  }
0x34: {  	[smem:$0x3FBB] =	sst s10  }
0x35: {  	s10 =	sld [smem:$0x3FBA];
	_ =	sdelay $0x3  }
0x36: {  	p1 =	seq.s32 s10, $0x1;
	s10 =	sld [smem:$0x3FBB];
	_ =	sdelay $0x3  }
0x37: {  	[smem:$0x3FBB] =	sst s10  }
0x38: {  	s10 =	sld [smem:$0x3FBC]  }
0x39: {  	_ = 	snop;
	(pc) =	sbr.ind lr, $3  }
0x3a: {  	_ = 	snop  }
0x3b: {  	_ = 	snop  }
0x3c: {  	p2 =	seq.s32 s10, $0x1;
	s10 =	sld [smem:$0x3FBB]  }
0x3d: {  	_ =	shalt  }
0x3e: {  	_ =	shalt  }
0x3f: {  	_ =	shalt  }
0x40: {  	_ =	shalt  }
0x41: {  	_ =	shalt  }
0x42: {  	_ =	shalt  }
0x43: {  	_ =	shalt  }
0x44: {  	_ =	shalt  }
0x45: {  	_ =	shalt  }
0x46: {  	_ =	shalt  }
0x47: {  	_ =	shalt  }
0x48: {  	_ =	shalt  }
0x49: {  	_ =	shalt  }
0x4a: {  	_ =	shalt  }
0x4b: {  	_ =	shalt  }
0x4c: {  	_ =	shalt  }
0x4d: {  	_ =	shalt  }
0x4e: {  	_ =	shalt  }
0x4f: {  	_ =	shalt  }
0x50: {  	_ =	shalt  }
0x51: {  	_ =	shalt  }
0x52: {  	_ =	shalt  }
0x53: {  	_ =	shalt  }
0x54: {  	_ =	shalt  }
0x55: {  	_ =	shalt  }
0x56: {  	_ =	shalt  }
0x57: {  	_ =	shalt  }
0x58: {  	_ =	shalt  }
0x59: {  	_ =	shalt  }
0x5a: {  	_ =	shalt  }
0x5b: {  	_ =	shalt  }
0x5c: {  	_ =	shalt  }
0x5d: {  	_ =	shalt  }
0x5e: {  	_ =	shalt  }
0x5f: {  	_ =	shalt  }
0x60: {  	_ =	shalt  }
0x61: {  	_ =	shalt  }
0x62: {  	_ =	shalt  }
0x63: {  	_ =	shalt  }
0x64: {  	_ =	shalt  }
0x65: {  	_ =	shalt  }
0x66: {  	_ =	shalt  }
0x67: {  	_ =	shalt  }
0x68: {  	_ =	shalt  }
0x69: {  	_ =	shalt  }
0x6a: {  	_ =	shalt  }
0x6b: {  	_ =	shalt  }
0x6c: {  	_ =	shalt  }
0x6d: {  	_ =	shalt  }
0x6e: {  	_ =	shalt  }
0x6f: {  	_ =	shalt  }
0x70: {  	_ =	shalt  }
0x71: {  	_ =	shalt  }
0x72: {  	_ =	shalt  }
0x73: {  	_ =	shalt  }
0x74: {  	_ =	shalt  }
0x75: {  	_ =	shalt  }
0x76: {  	_ =	shalt  }
0x77: {  	_ =	shalt  }
0x78: {  	_ =	shalt  }
0x79: {  	_ =	shalt  }
0x7a: {  	_ =	shalt  }
0x7b: {  	_ =	shalt  }
0x7c: {  	_ =	shalt  }
0x7d: {  	_ =	shalt  }
0x7e: {  	_ =	shalt  }
0x7f: {  	_ =	shalt  }
0x80: {  	_ =	shalt  }
0x81: {  	_ =	shalt  }
0x82: {  	_ =	shalt  }
0x83: {  	_ =	shalt  }
0x84: {  	_ =	shalt  }
0x85: {  	_ =	shalt  }
0x86: {  	_ =	shalt  }
0x87: {  	_ =	shalt  }
.Lfunc_end0:
.L_simem_size_0:
called_computation_lowered:
.L_overlay_start_0:
0x88: {  	s2 =	sld [smem:$0x3FD9]  }
0x89: {  	s3 =	sld [smem:$0x3FFE];
	_ =	sdelay $0x1  }
0x8a: {  	s1 =	srdreg.scid  }
0x8b: {  	s0 =	sand.u32 $0x1, s1  }
0x8c: {  	s16 =	sshll.u32 s0, $0xA;
	s2 =	sadd.s32 s3, s2  }
0x8d: {  	s2 =	sadd.s32 s2, s16  }
0x8e: {  	[smem:$0x3FC7] =	sst s2  }
0x8f: {  	_ = 	snop  }
0x90: {  	(tm) =	ssettm $0x1  }
0x91: {  	s17 =	sld [smem:$0x3FFB];
	_ =	sdelay $0x3  }
0x92: {  	_ =	strace s17  }
0x93: {  	s2 =	sld [smem:$0x3FFC];
	_ =	sdelay $0x3  }
0x94: {  	_ =	strace s2  }
0x95: {  	s2 =	sld [smem:$0x3FFD];
	_ =	sdelay $0x3  }
0x96: {  	_ =	strace s2  }
0x97: {  	_ =	strace $0x8FFFFFFF  }
0x98: {  	s18 =	sld [smem:$0x3FDB];
	_ =	sdelay $0x1  }
0x99: {  	s19 =	simm.s32 $_scs_section_size  }
0x9a: {  	s4 =	simm.s32 $_size__tile_overlayer_lowered;
	s5 =	simm.s32 $_tile_overlayer_lowered  }
0x9b: {  	s22 =	simm.s32 $0x1BFF;
	s21 =	sshll.u32 s5, $0x1;
	s2 =	sadd.s32 s19, s18  }
0x9c: {  	s6 =	simm.s32 $0x0;
	s20 =	sshll.u32 s4, $0x1;
	s4 =	sadd.s32 s21, s2  }
0x9d: {  	[timem:s6], [sflag:s22] =	dma.local [hbm:s4], s20  }
0x9e: {  	_ =	swait.ge [sflag:s22], s20  }
0x9f: {  	s3 =	ssub.s32 $0x0, s20;
	[sflag:s22] =	ssyncset.done $0x0  }
0xa0: {  	[sflag:s22] =	ssyncadd.s32 s3;
	_ =	sdelay $0x1  }
0xa1: {  	s23 =	simm.s32 $0x1B8B  }
0xa2: {  	_ =	swait.ge [sflag:s23], $0x1  }
0xa3: {  	[sflag:s23] =	ssyncset.done $0x0  }
0xa4: {  	s25 =	simm.s32 $0x1B8E;
	s24 =	sld [smem:$0x3FFE];
	[sflag:s23] =	ssyncadd.s32 $0xFFFFFFFF  }
0xa5: {  	s26 =	simm.s32 $execute0_lowered;
	[smem:$0x3FD2] =	sst s25  }
0xa6: {  	s4 =	sshll.u32 s26, $0x1;
	_ =	strace $0x80000046;
	[dreg:$0x1] =	wrdreg $0xFFFFFFFF  }
0xa7: {  	s28 =	simm.s32 $_size_execute0_lowered;
	s2 =	sadd.s32 s2, s4;
	[dreg:$0x0] =	wrdreg $0x0  }
0xa8: {  	s4 =	sshll.u32 s28, $0x1;
	[dreg:$0x2] =	wrdreg s2  }
0xa9: {  	[dreg:$0x3] =	wrdreg s4  }
0xaa: {  	[dreg:$0x4] =	wrdreg $0xC0  }
0xab: {  	_ =	task [dreg:s6], $0x5FFFF  }
0xac: {  	[dreg:$0x1] =	wrdreg $0xFFFFFFFF  }
0xad: {  	[dreg:$0x0] =	wrdreg $0x60  }
0xae: {  	[dreg:$0x2] =	wrdreg s24  }
0xaf: {  	[dreg:$0x3] =	wrdreg $0x9  }
0xb0: {  	_ =	task.clear_ibuf [dreg:s6], $0x4FFFF;
	_ =	strace $0x90000046  }
0xb1: {  	s29 =	simm.s32 $0x9;
	_ =	strace $0x80000048  }
0xb2: {  	_ =	swait.ge [sflag:s29], $0x1  }
0xb3: {  	[sflag:s29] =	ssyncadd.s32 $0xFFFFFFFF  }
0xb4: {  	_ =	strace $0x90000048  }
0xb5: {  	_ =	sfence  }
0xb6: {  	s30 =	sld [smem:$0x0];
	_ =	sdelay $0x2  }
0xb7: {  	s31 =	sshll.u32 s1, $0xD;
	s1 =	sshrl.u32 s1, $0x2  }
0xb8: {  	s3 =	sand.u32 $0x4000, s31;
	s1 =	sadd.s32 s1, s30  }
0xb9: {  	s0 =	sor.u32 s3, s0;
	s1 =	sshll.u32 s1, $0x11  }
0xba: {  	s0 =	sor.u32 s1, s0  }
0xbb: {  	s0 =	sadd.s32 $0x8F2B, s0  }
0xbc: {  	[sflag:s0] =	ssyncadd.remote.s32 $0x1  }
0xbd: {  	_ =	sfence.sel $0xFFFF  }
0xbe: {  	[dreg:$0x0] =	wrdreg $0xFFFFFFFF;
	(pc) =	sbr.abs _section_cstart, $3  }
0xbf: {  	[dreg:$0x1] =	wrdreg $0xFFFFFFFF  }
0xc0: {  	_ =	task.clear_ibuf [dreg:s6], $0x2FFFF;
	_ =	strace $0x9FFFFFFF  }
0xc1: {  	(tm) =	ssettm $0x7FFFFFFF  }
tec
execute0_lowered:
.L_overlay_start_1:
0x0: {  	(tag) =	ssettag $0x1  }
0x1: {  	s6 =	rddreg [dreg:$0x0]  }
0x2: {  	s0 =	rddreg [dreg:$0x1]  }
0x3: {  	s3 =	srdreg.scid;
	v16 =	vlaneseq.u32;
	s2 =	simm.s32 $0x0;
	s1 =	stileid.u32  }
0x4: {  	s9 =	simm.s32 $0x1;
	s10 =	simm.s32 $0x2000;
	s11 =	simm.s32 $0x2;
	v0 =	vmul.u32 $0x2, v16  }
0x5: {  	vm0 =	vmmov $0xff;
	s12 =	simm.s32 $0x4000;
	s13 =	simm.s32 $0x3;
	s4 =	sand.u32 $0x1, s3;
	v17 =	vmul.u32 $0xFFFFFFFF, v16  }
0x6: {  	s14 =	simm.s32 $0x0;
	s31 =	sshll.u32 s1, $0x7;
	v18 =	vand.u32 $0x7, v16;
	s5 =	sshll.u32 s4, $0x6;
	v1 =	vor.u32 $0x1, v0;
	v2 =	vor.u32 $0x20, v0  }
0x7: {  	[smem:$0x7FF] =	sst s2;
	s4 =	ssub.s32 $0x2, s4;
	s3 =	sor.u32 s5, s31;
	v3 =	vor.u32 $0x21, v0;
	v4 =	vor.u32 $0x40, v0;
	v5 =	vor.u32 $0x41, v0  }
0x8: {  	_ =	strace $0x80000047;
	s8 =	sshrl.u32 s4, $0x1;
	v6 =	vor.u32 $0x60, v0;
	v7 =	vor.u32 $0x61, v0;
	v8 =	vor.u32 $0x80, v0;
	s5 =	sshll.u32 s3, $0x7  }
0x9: {  	v9 =	vor.u32 $0x81, v0;
	v10 =	vor.u32 $0xA0, v0;
	v11 =	vor.u32 $0xA1, v0;
	s7 =	sshll.u32 s3, $0x4;
	s8 =	ssub.s32 s4, s8;
	s5 =	sadd.s32 s5, s6  }
0xa: {  	v12 =	vor.u32 $0xC0, v0;
	v13 =	vor.u32 $0xC1, v0;
	v14 =	vor.u32 $0xE0, v0;
	s7 =	sadd.s32 s7, s6;
	s8 =	smax.u32 s8, $0x1;
	s4 =	sadd.s32 $0x600, s5  }
0xb: {  	v15 =	vor.u32 $0xE1, v0;
	v16 =	vadd.s32 $0xF, v17;
	v17 =	vmul.u32 $0x10, v18;
	s5 =	sadd.s32 $0xA00, s6;
	s6 =	sadd.s32 $0xE00, s6;
	s7 =	sadd.s32 $0x40600, s7  }
.LBB2_1:
0xc: {  	[tilespmem:s2], [sflag:$0x1] =	stream.linear.gather [hbm4b:s4+s2], $0x2000, $0x38;
	[tilespmem:$0x6000] =	vst v63  }
0xd: {  	s15 =	simm.s32 $0x4081;
	s16 =	simm.s32 $0x4481;
	s17 =	simm.s32 $0x0  }
.LBB2_2:
0xe: {  	s18 =	sshll.u32 s17, $0x4  }
0xf: {  	_ =	swait.ge [sflag:s9], $0x2000;
	s18 =	sor.u32 s3, s18  }
0x10: {  	[sflag:s9] =	ssyncset.done $0x0;
	s19 =	sshll.u32 s18, $0x7  }
0x11: {  	[sflag:s9] =	ssyncadd.s32 $0xFFFFE000;
	s20 =	sadd.s32 s19, s5;
	s19 =	simm.s32 $0x0  }
0x12: {  	[tilespmem:s10], [sflag:$0x2] =	stream.linear.gather [hbm4b:s20+s19], $0x2000, $0x38;
	[tilespmem:$0x6000] =	vst v63  }
0x13: {  	s21 =	smov.u32 s15;
	s20 =	simm.s32 $0x1000  }
.LBB2_3:
0x14: {  	v18 =	vld [tilespmem:s20+$0xFFFFF000]  }
0x15: {  	v19 =	vld [tilespmem:s20+$0xFFFFF010]  }
0x16: {  	v20 =	vld [tilespmem:s20+$0xFFFFF020]  }
0x17: {  	v21 =	vld [tilespmem:s20+$0xFFFFF030]  }
0x18: {  	v22 =	vld [tilespmem:s20+$0xFFFFF040]  }
0x19: {  	v23 =	vld [tilespmem:s20+$0xFFFFF050]  }
0x1a: {  	v24 =	vld [tilespmem:s20+$0xFFFFF060]  }
0x1b: {  	v25 =	vld [tilespmem:s20+$0xFFFFF070]  }
0x1c: {  	v26 =	vld [tilespmem:s20+$0xFFFFF400]  }
0x1d: {  	v27 =	vld [tilespmem:s20+$0xFFFFF410]  }
0x1e: {  	v28 =	vld [tilespmem:s20+$0xFFFFF420]  }
0x1f: {  	v29 =	vld [tilespmem:s20+$0xFFFFF430]  }
0x20: {  	v30 =	vld [tilespmem:s20+$0xFFFFF440]  }
0x21: {  	v31 =	vld [tilespmem:s20+$0xFFFFF450]  }
0x22: {  	v32 =	vld [tilespmem:s20+$0xFFFFF460]  }
0x23: {  	v33 =	vld [tilespmem:s20+$0xFFFFF470]  }
0x24: {  	v34 =	vld [tilespmem:s20+$0xFFFFF800]  }
0x25: {  	v35 =	vld [tilespmem:s20+$0xFFFFF810]  }
0x26: {  	v36 =	vld [tilespmem:s20+$0xFFFFF820]  }
0x27: {  	v37 =	vld [tilespmem:s20+$0xFFFFF830]  }
0x28: {  	v38 =	vld [tilespmem:s20+$0xFFFFF840]  }
0x29: {  	v39 =	vld [tilespmem:s20+$0xFFFFF850]  }
0x2a: {  	v40 =	vld [tilespmem:s20+$0xFFFFF860]  }
0x2b: {  	v41 =	vld [tilespmem:s20+$0xFFFFF870]  }
0x2c: {  	v42 =	vld [tilespmem:s20+$0xFFFFFC00]  }
0x2d: {  	v43 =	vld [tilespmem:s20+$0xFFFFFC10]  }
0x2e: {  	v44 =	vld [tilespmem:s20+$0xFFFFFC20]  }
0x2f: {  	v46 =	vld [tilespmem:s20+$0xFFFFFC40]  }
0x30: {  	v47 =	vld [tilespmem:s20+$0xFFFFFC50]  }
0x31: {  	v48 =	vld [tilespmem:s20+$0xFFFFFC60]  }
0x32: {  	v49 =	vld [tilespmem:s20+$0xFFFFFC70]  }
0x33: {  	v45 =	vld [tilespmem:s20+$0xFFFFFC30]  }
0x34: {  	v50 =	vld [tilespmem:s20+$0x0]  }
0x35: {  	v51 =	vld [tilespmem:s20+$0x10]  }
0x36: {  	v52 =	vld [tilespmem:s20+$0x20];
	vm1 =	vlt.s16 v18, v19;
	vm2 =	vlt.s16 v22, v23;
	vm3 =	vlt.s16 v30, v31  }
0x37: {  	v53 =	vld [tilespmem:s20+$0x30];
	vm4 =	vlt.s16 v32, v33;
	vm9 =	vlt.s16 v46, v47;
	vm5 =	vlt.s16 v48, v49  }
0x38: {  	v55 =	vld [tilespmem:s20+$0x460];
	v18 =	vsel vm1, v18, v19;
	vm1 =	vlt.s16 v20, v21;
	v56 =	vsel vm2, v22, v23  }
0x39: {  	v19 =	vld [tilespmem:s20+$0x40];
	vm2 =	vlt.s16 v26, v27;
	v60 =	vsel vm3, v30, v31;
	v61 =	vsel vm4, v32, v33  }
0x3a: {  	v22 =	vld [tilespmem:s20+$0x50];
	v20 =	vsel vm1, v20, v21;
	vm1 =	vlt.s16 v24, v25;
	v58 =	vsel vm2, v26, v27  }
0x3b: {  	v30 =	vld [tilespmem:s20+$0x410];
	vm2 =	vlt.s16 v28, v29;
	v57 =	vsel vm1, v24, v25;
	vm1 =	vlt.s16 v18, v20  }
0x3c: {  	v23 =	vld [tilespmem:s20+$0x420];
	v59 =	vsel vm2, v28, v29;
	vm2 =	vlt.s16 v60, v61;
	v18 =	vsel vm1, v18, v20  }
0x3d: {  	v31 =	vld [tilespmem:s20+$0x450];
	vm1 =	vlt.s16 v56, v57;
	v27 =	vsel vm2, v60, v61;
	vm2 =	vlt.s16 v34, v35  }
0x3e: {  	v26 =	vld [tilespmem:s20+$0x400];
	v60 =	vsel vm9, v46, v47;
	v61 =	vsel vm5, v48, v49;
	v21 =	vsel vm1, v56, v57  }
0x3f: {  	v24 =	vld [tilespmem:s20+$0x60];
	vm1 =	vlt.s16 v58, v59;
	v62 =	vsel vm2, v34, v35;
	vm2 =	vlt.s16 v36, v37  }
0x40: {  	v25 =	vld [tilespmem:s20+$0x70];
	vm3 =	vlt.s16 v18, v21;
	v20 =	vsel vm1, v58, v59;
	v63 =	vsel vm2, v36, v37  }
0x41: {  	v28 =	vld [tilespmem:s20+$0x430];
	vm2 =	vlt.s16 v40, v41;
	vm11 =	vlt.s16 v19, v22;
	v18 =	vsel vm3, v18, v21  }
0x42: {  	v57 =	vld [tilespmem:s20+$0x470];
	vm1 =	vlt.s16 v20, v27;
	vm3 =	vlt.s16 v38, v39;
	v56 =	vsel vm2, v40, v41  }
0x43: {  	v49 =	vld [tilespmem:s20+$0x870];
	vm2 =	vlt.s16 v62, v63;
	v19 =	vsel vm11, v19, v22;
	vm12 =	vlt.s16 v26, v30  }
0x44: {  	v35 =	vld [tilespmem:s20+$0x830];
	v54 =	vsel vm3, v38, v39;
	vm3 =	vlt.s16 v42, v43;
	v29 =	vsel vm2, v62, v63  }
0x45: {  	v37 =	vld [tilespmem:s20+$0x800];
	v20 =	vsel vm1, v20, v27;
	v58 =	vsel vm3, v42, v43;
	vm3 =	vlt.s16 v44, v45  }
0x46: {  	v21 =	vld [tilespmem:s20+$0x440];
	v26 =	vsel vm12, v26, v30;
	vm2 =	vlt.s16 v54, v56;
	v59 =	vsel vm3, v44, v45  }
0x47: {  	v40 =	vld [tilespmem:s20+$0x840];
	v33 =	vsel vm2, v54, v56;
	vm3 =	vlt.s16 v60, v61;
	vm13 =	vlt.s16 v55, v57  }
0x48: {  	v38 =	vld [tilespmem:s20+$0x810];
	vm2 =	vlt.s16 v58, v59;
	vm10 =	vlt.s16 v29, v33;
	v62 =	vsel vm3, v60, v61  }
0x49: {  	v42 =	vld [tilespmem:s20+$0x820];
	vm3 =	vlt.s16 v52, v53;
	v54 =	vsel vm13, v55, v57;
	v32 =	vsel vm2, v58, v59  }
0x4a: {  	v56 =	vld [tilespmem:s20+$0xC40];
	v27 =	vsel vm10, v29, v33;
	vm2 =	vlt.s16 v50, v51;
	v48 =	vsel vm3, v52, v53  }
0x4b: {  	v57 =	vld [tilespmem:s20+$0xC50];
	vm1 =	vlt.s16 v32, v62;
	v63 =	vsel vm2, v50, v51;
	vm2 =	vlt.s16 v24, v25  }
0x4c: {  	v60 =	vld [tilespmem:s20+$0xC70];
	v34 =	vshll.u32 v27, $0x8;
	v36 =	vshrl.u32 v27, $0x8;
	vm3 =	vlt.s16 v63, v48  }
0x4d: {  	v59 =	vld [tilespmem:s20+$0xC60];
	v24 =	vsel vm2, v24, v25;
	vm2 =	vlt.s16 v23, v28;
	v58 =	vsel vm1, v32, v62  }
0x4e: {  	v55 =	vld [tilespmem:s20+$0xC30];
	v32 =	vshll.u32 v20, $0x8;
	v20 =	vshrl.u32 v20, $0x8;
	v51 =	vsel vm3, v63, v48  }
0x4f: {  	v29 =	vld [tilespmem:s20+$0x850];
	vm3 =	vlt.s16 v21, v31;
	v23 =	vsel vm2, v23, v28;
	vm2 =	vlt.s16 v19, v24  }
0x50: {  	v33 =	vld [tilespmem:s20+$0x860];
	v20 =	vand.u32 $0xFFFF00, v20;
	v21 =	vsel vm3, v21, v31;
	vm3 =	vlt.s16 v26, v23  }
0x51: {  	v52 =	vld [tilespmem:s20+$0xC10];
	v19 =	vsel vm2, v19, v24;
	vm4 =	vlt.s16 v21, v54;
	v23 =	vsel vm3, v26, v23  }
0x52: {  	v50 =	vld [tilespmem:s20+$0xC00];
	vm1 =	vlt.s16 v51, v19;
	vm3 =	vlt.s16 v56, v57;
	vm14 =	vlt.s16 v59, v60  }
0x53: {  	v53 =	vld [tilespmem:s20+$0xC20];
	v21 =	vsel vm4, v21, v54;
	v19 =	vsel vm1, v51, v19;
	vm1 =	vlt.s16 v37, v38  }
0x54: {  	v24 =	vsel vm3, v56, v57;
	vm2 =	vlt.s16 v23, v21;
	v61 =	vsel vm1, v37, v38  }
0x55: {  	vm1 =	vlt.s16 v42, v35;
	v37 =	vand.u32 $0xFFFF00, v36;
	v21 =	vsel vm2, v23, v21  }
0x56: {  	vm2 =	vlt.s16 v40, v29;
	v62 =	vsel vm1, v42, v35;
	vm1 =	vlt.s16 v33, v49  }
0x57: {  	v29 =	vsel vm2, v40, v29;
	v22 =	vsel vm1, v33, v49;
	vm2 =	vlt.s16 v50, v52  }
0x58: {  	vm1 =	vlt.s16 v61, v62;
	v30 =	vsel vm2, v50, v52;
	vm2 =	vlt.s16 v53, v55  }
0x59: {  	v25 =	vsel vm1, v61, v62;
	vm1 =	vlt.s16 v29, v22;
	v31 =	vsel vm2, v53, v55  }
0x5a: {  	v23 =	vsel vm14, v59, v60;
	v22 =	vsel vm1, v29, v22;
	vm1 =	vlt.s16 v30, v31  }
0x5b: {  	vm2 =	vlt.s16 v24, v23;
	v63 =	vsel vm1, v30, v31;
	v31 =	vshll.u32 v18, $0x8  }
0x5c: {  	v23 =	vsel vm2, v24, v23;
	v18 =	vshrl.u32 v18, $0x8;
	v24 =	vand.u32 $0xFFFF00, v31  }
0x5d: {  	vm3 =	vlt.s16 v25, v22;
	v18 =	vand.u32 $0xFFFF00, v18;
	v24 =	vor.u32 v0, v24  }
0x5e: {  	v22 =	vsel vm3, v25, v22;
	v25 =	vand.u32 $0xFFFF00, v32;
	v18 =	vor.u32 v1, v18;
	(xrf1) =	vsort.ascd.msk.u32 $0xffff, v24, v24  }
0x5f: {  	v38 =	vshll.u32 v58, $0x8;
	v43 =	vshll.u32 v19, $0x8;
	v33 =	vor.u32 v2, v25;
	(xrf1) =	vsort.ascd.msk.u32 $0xffff, v18, v18  }
0x60: {  	v19 =	vshrl.u32 v19, $0x8;
	v35 =	vand.u32 $0xFFFF00, v34;
	v18 =	vor.u32 v3, v20;
	(xrf1) =	vsort.ascd.msk.u32 $0xffff, v33, v33  }
0x61: {  	v39 =	vand.u32 $0xFFFF00, v38;
	v44 =	vand.u32 $0xFFFF00, v43;
	v20 =	vor.u32 v4, v35;
	(xrf1) =	vsort.ascd.msk.u32 $0xffff, v18, v18  }
0x62: {  	v19 =	vand.u32 $0xFFFF00, v19;
	v40 =	vshrl.u32 v58, $0x8;
	v18 =	vor.u32 v5, v37;
	(xrf1) =	vsort.ascd.msk.u32 $0xffff, v20, v20  }
0x63: {  	v41 =	vor.u32 v6, v39;
	v45 =	vor.u32 v8, v44;
	v42 =	vand.u32 $0xFFFF00, v40;
	(xrf1) =	vsort.ascd.msk.u32 $0xffff, v18, v18  }
0x64: {  	v46 =	vshll.u32 v21, $0x8;
	v21 =	vshrl.u32 v21, $0x8;
	v18 =	vor.u32 v7, v42;
	(xrf1) =	vsort.ascd.msk.u32 $0xffff, v41, v41  }
0x65: {  	v47 =	vand.u32 $0xFFFF00, v21;
	vm1 =	vlt.s16 v63, v23;
	v48 =	vshll.u32 v22, $0x8;
	(xrf1) =	vsort.ascd.msk.u32 $0xffff, v18, v18  }
0x66: {  	v50 =	vshrl.u32 v22, $0x8;
	v18 =	vor.u32 v9, v19;
	v19 =	vand.u32 $0xFFFF00, v46;
	(xrf1) =	vsort.ascd.msk.u32 $0xffff, v45, v45  }
0x67: {  	v23 =	vsel vm1, v63, v23;
	v49 =	vand.u32 $0xFFFF00, v48;
	v19 =	vor.u32 v10, v19;
	(xrf1) =	vsort.ascd.msk.u32 $0xffff, v18, v18  }
0x68: {  	v51 =	vand.u32 $0xFFFF00, v50;
	v52 =	vshll.u32 v23, $0x8;
	v18 =	vor.u32 v11, v47;
	(xrf1) =	vsort.ascd.msk.u32 $0xffff, v19, v19  }
0x69: {  	v54 =	vshrl.u32 v23, $0x8;
	v53 =	vand.u32 $0xFFFF00, v52;
	v19 =	vor.u32 v12, v49;
	(xrf1) =	vsort.ascd.msk.u32 $0xffff, v18, v18  }
0x6a: {  	v55 =	vand.u32 $0xFFFF00, v54;
	v18 =	vor.u32 v13, v51;
	(xrf1) =	vsort.ascd.msk.u32 $0xffff, v19, v19;
	v19 =	vor.u32 v14, v53  }
0x6b: {  	(xrf1) =	vsort.ascd.msk.u32 $0xffff, v18, v18;
	v18 =	vor.u32 v15, v55  }
0x6c: {  	v20, _, _ =	vpop (xrf1);
	(xrf1) =	vsort.ascd.msk.u32 $0xffff, v19, v19  }
0x6d: {  	v19, _, _ =	vpop (xrf1);
	(xrf1) =	vsort.ascd.msk.u32 $0xffff, v18, v18  }
0x6e: {  	v18, _, _ =	vpop (xrf1)  }
0x6f: {  	v56, _, _ =	vpop (xrf1)  }
0x70: {  	v22, _, _ =	vpop (xrf1)  }
0x71: {  	v57, _, _ =	vpop (xrf1)  }
0x72: {  	v24, _, _ =	vpop (xrf1)  }
0x73: {  	v19 =	vperm.xlane v19, v16;
	v58, _, _ =	vpop (xrf1)  }
0x74: {  	v21 =	vperm.xlane v56, v16;
	v26, _, _ =	vpop (xrf1)  }
0x75: {  	vm2 =	vlt.s32 v20, v19;
	v59, _, _ =	vpop (xrf1)  }
0x76: {  	vm1 =	vlt.s32 v18, v21;
	v23 =	vperm.xlane v57, v16;
	v25 =	vperm.xlane v58, v16;
	v28, _, _ =	vpop (xrf1)  }
0x77: {  	v60 =	vsel vm2, v20, v19;
	v62 =	vsel vm1, v18, v21;
	v61, _, _ =	vpop (xrf1)  }
0x78: {  	vm3 =	vlt.s32 v22, v23;
	vm4 =	vlt.s32 v24, v25;
	v27 =	vperm.xlane v59, v16;
	v63, _, _ =	vpop (xrf1)  }
0x79: {  	v40 =	vsel vm3, v22, v23;
	(xrf1) =	vsort.ascd.msk.u32 $0xffff, v60, v60;
	v41 =	vsel vm4, v24, v25;
	v39, _, _ =	vpop (xrf1)  }
0x7a: {  	(xrf1) =	vsort.ascd.msk.u32 $0xffff, v62, v62;
	v30 =	vperm.xlane v61, v16;
	vm11 =	vlt.s32 v26, v27;
	v33, _, _ =	vpop (xrf1)  }
0x7b: {  	(xrf1) =	vsort.ascd.msk.u32 $0xffff, v40, v40;
	v43 =	vsel vm11, v26, v27;
	v29 =	vperm.xlane v39, v16;
	v42, _, _ =	vpop (xrf1)  }
0x7c: {  	(xrf1) =	vsort.ascd.msk.u32 $0xffff, v41, v41;
	vm12 =	vlt.s32 v28, v30;
	v34 =	vperm.xlane v42, v16  }
0x7d: {  	(xrf1) =	vsort.ascd.msk.u32 $0xffff, v43, v43;
	v44 =	vsel vm12, v28, v30;
	vm8 =	vlt.s32 v63, v29  }
0x7e: {  	(xrf1) =	vsort.ascd.msk.u32 $0xffff, v44, v44;
	v45 =	vsel vm8, v63, v29;
	vm9 =	vlt.s32 v33, v34  }
0x7f: {  	(xrf1) =	vsort.ascd.msk.u32 $0xffff, v45, v45;
	v46 =	vsel vm9, v33, v34  }
0x80: {  	(xrf1) =	vsort.ascd.msk.u32 $0xffff, v46, v46;
	_ =	sdelay $0x6  }
0x81: {  	v32, _, _ =	vpop (xrf1)  }
0x82: {  	v47, _, _ =	vpop (xrf1)  }
0x83: {  	v36, _, _ =	vpop (xrf1)  }
0x84: {  	v48, _, _ =	vpop (xrf1)  }
0x85: {  	v49, _, _ =	vpop (xrf1)  }
0x86: {  	v35 =	vperm.xlane v47, v16;
	v50, _, _ =	vpop (xrf1)  }
0x87: {  	v37 =	vperm.xlane v48, v16;
	v51, _, _ =	vpop (xrf1)  }
0x88: {  	vm14 =	vlt.s32 v32, v35;
	v39 =	vperm.xlane v50, v16;
	v52, _, _ =	vpop (xrf1)  }
0x89: {  	v53 =	vsel vm14, v32, v35;
	vm13 =	vlt.s32 v36, v37;
	v41 =	vperm.xlane v52, v16  }
0x8a: {  	(xrf1) =	vsort.ascd.msk.u32 $0xffff, v53, v53;
	v54 =	vsel vm13, v36, v37;
	vm10 =	vlt.s32 v49, v39  }
0x8b: {  	(xrf1) =	vsort.ascd.msk.u32 $0xffff, v54, v54;
	v55 =	vsel vm10, v49, v39;
	vm7 =	vlt.s32 v51, v41  }
0x8c: {  	(xrf1) =	vsort.ascd.msk.u32 $0xffff, v55, v55;
	v56 =	vsel vm7, v51, v41  }
0x8d: {  	(xrf1) =	vsort.ascd.msk.u32 $0xffff, v56, v56;
	_ =	sdelay $0xa  }
0x8e: {  	v57, _, _ =	vpop (xrf1)  }
0x8f: {  	v58, _, _ =	vpop (xrf1)  }
0x90: {  	v59, _, _ =	vpop (xrf1)  }
0x91: {  	v19 =	vsel vm2, v19, v20;
	v43 =	vperm.xlane v58, v16;
	v60, _, _ =	vpop (xrf1)  }
0x92: {  	v19 =	vxor.u32 $0x80000000, v19;
	v18 =	vsel vm1, v21, v18;
	v45 =	vperm.xlane v60, v16  }
0x93: {  	(xrf0) =	vmin.scan.msk.u32 $0xffff, v19;
	v18 =	vxor.u32 $0x80000000, v18;
	vm6 =	vlt.s32 v57, v43  }
0x94: {  	(xrf0) =	vmin.scan.msk.u32 $0xffff, v18;
	v61 =	vsel vm6, v57, v43;
	vm15 =	vlt.s32 v59, v45  }
0x95: {  	v19 =	vsel vm3, v23, v22;
	(xrf1) =	vsort.ascd.msk.u32 $0xffff, v61, v61;
	v62 =	vsel vm15, v59, v45  }
0x96: {  	v18 =	vxor.u32 $0x80000000, v19;
	v19 =	vsel vm4, v25, v24;
	(xrf1) =	vsort.ascd.msk.u32 $0xffff, v62, v62  }
0x97: {  	(xrf0) =	vmin.scan.msk.u32 $0xffff, v18;
	v18 =	vxor.u32 $0x80000000, v19;
	v19 =	vsel vm11, v27, v26  }
0x98: {  	(xrf0) =	vmin.scan.msk.u32 $0xffff, v18;
	v18 =	vxor.u32 $0x80000000, v19;
	v19 =	vsel vm12, v30, v28  }
0x99: {  	(xrf0) =	vmin.scan.msk.u32 $0xffff, v18;
	v18 =	vxor.u32 $0x80000000, v19;
	_ =	sdelay $0x2  }
0x9a: {  	(xrf0) =	vmin.scan.msk.u32 $0xffff, v18;
	v19 =	vsel vm8, v29, v63;
	v18, _, _ =	vpop (xrf0)  }
0x9b: {  	v19 =	vxor.u32 $0x80000000, v19;
	v24 =	vsel vm9, v34, v33;
	v63, _, _ =	vpop (xrf0)  }
0x9c: {  	(v2sf) =	vpush v18, $0xF;
	v18, _, _ =	vpop (xrf0);
	(xrf0) =	vmin.scan.msk.u32 $0xffff, v19;
	v19 =	vxor.u32 $0x80000000, v24;
	v25 =	vsel vm14, v35, v32  }
0x9d: {  	(v2sf) =	vpush v63, $0xF;
	v26, _, _ =	vpop (xrf0);
	(xrf0) =	vmin.scan.msk.u32 $0xffff, v19;
	v19 =	vxor.u32 $0x80000000, v25  }
0x9e: {  	(v2sf) =	vpush v18, $0xF  }
0x9f: {  	v18, _, _ =	vpop (xrf0);
	(v2sf) =	vpush v26, $0xF;
	v27 =	vsel vm13, v37, v36  }
0xa0: {  	(v2sf) =	vpush v18, $0xF;
	(xrf0) =	vmin.scan.msk.u32 $0xffff, v19;
	v18 =	vxor.u32 $0x80000000, v27;
	v19, _, _ =	vpop (xrf0)  }
0xa1: {  	(xrf0) =	vmin.scan.msk.u32 $0xffff, v18;
	v18 =	vsel vm10, v39, v49;
	v28, _, _ =	vpop (xrf1)  }
0xa2: {  	(v2sf) =	vpush v19, $0xF;
	v18 =	vxor.u32 $0x80000000, v18;
	v30 =	vsel vm7, v41, v51;
	v19, _, _ =	vpop (xrf1)  }
0xa3: {  	(xrf0) =	vmin.scan.msk.u32 $0xffff, v18;
	v18 =	vxor.u32 $0x80000000, v30;
	v19 =	vperm.xlane v19, v16  }
0xa4: {  	v29, _, _ =	vpop (xrf0);
	(xrf0) =	vmin.scan.msk.u32 $0xffff, v18;
	v18 =	vsel vm6, v43, v57  }
0xa5: {  	(v2sf) =	vpush v29, $0xF;
	v31, _, _ =	vpop (xrf0);
	v18 =	vxor.u32 $0x80000000, v18;
	vm1 =	vlt.s32 v28, v19  }
0xa6: {  	(v2sf) =	vpush v31, $0xF;
	v32, _, _ =	vpop (xrf0);
	(xrf0) =	vmin.scan.msk.u32 $0xffff, v18;
	v34 =	vsel vm15, v45, v59;
	v33 =	vsel vm1, v28, v19  }
0xa7: {  	(v2sf) =	vpush v32, $0xF;
	v18 =	vxor.u32 $0x80000000, v34;
	(xrf1) =	vsort.ascd.msk.u32 $0xffff, v33, v33;
	_ =	sdelay $0x1  }
0xa8: {  	v35, _, _ =	vpop (xrf0)  }
0xa9: {  	(v2sf) =	vpush v35, $0xF;
	(xrf0) =	vmin.scan.msk.u32 $0xffff, v18;
	v18, _, _ =	vpop (xrf0)  }
0xaa: {  	(v2sf) =	vpush v18, $0xF;
	v18, _, _ =	vpop (xrf0);
	v19 =	vsel vm1, v19, v28  }
0xab: {  	(v2sf) =	vpush v18, $0xF;
	v18 =	vxor.u32 $0x80000000, v19  }
0xac: {  	(xrf0) =	vmin.scan.msk.u32 $0xffff, v18  }
0xad: {  	s22 =	spop (v2sf)  }
0xae: {  	s23 =	spop (v2sf);
	v18, _, _ =	vpop (xrf0)  }
0xaf: {  	s24 =	spop (v2sf);
	(v2sf) =	vpush v18, $0xF;
	v18, _, _ =	vpop (xrf0)  }
0xb0: {  	s25 =	spop (v2sf);
	(v2sf) =	vpush v18, $0xF  }
0xb1: {  	s26 =	spop (v2sf);
	v19 =	vmov s19  }
0xb2: {  	s28 =	spop (v2sf);
	v18, _, _ =	vpop (xrf0)  }
0xb3: {  	s22 =	sxor.u32 $0x80000000, s22;
	s23 =	sxor.u32 $0x80000000, s23;
	s29 =	spop (v2sf);
	(v2sf) =	vpush v18, $0xF;
	v18 =	vshll.u32 v19, $0x7  }
0xb4: {  	s24 =	sxor.u32 $0x80000000, s24;
	p0 =	slt.s32 s22, s23;
	s30 =	spop (v2sf);
	v18 =	vand.u32 $0x300, v18;
	v19, _, _ =	vpop (xrf1)  }
0xb5: {  	s25 =	sxor.u32 $0x80000000, s25;
	s23 =	smov.u32 @p0 s22;
	s31 =	spop (v2sf);
	v18 =	vbroadcast v18, $0x0;
	v36 =	vshll.u32 v19, $0x5;
	v37 =	vshrl.u32 v19, $0x1  }
0xb6: {  	s26 =	sxor.u32 $0x80000000, s26;
	s28 =	sxor.u32 $0x80000000, s28;
	s22 =	sxor.u32 $0x80000000, s31;
	v20 =	vand.u32 $0x1C00, v36;
	v21 =	vand.u32 $0xF, v37  }
0xb7: {  	s29 =	sxor.u32 $0x80000000, s29;
	s30 =	sxor.u32 $0x80000000, s30;
	p0 =	slt.s32 s23, s22;
	v38 =	vor.u32 v18, v20;
	v39 =	vor.u32 v18, v21  }
0xb8: {  	s31 =	spop (v2sf);
	s22 =	smov.u32 @p0 s23;
	p0 =	slt.s32 s24, s25;
	v21 =	vor.u32 v21, v38;
	v20 =	vor.u32 v20, v39  }
0xb9: {  	s23 =	sxor.u32 $0x80000000, s31;
	s25 =	smov.u32 @p0 s24;
	p0 =	slt.s32 s26, s28;
	v40 =	vor.u32 $0x10, v20  }
0xba: {  	p1 =	slt.s32 s25, s23;
	s28 =	smov.u32 @p0 s26;
	s26 =	spop (v2sf);
	v23 =	vor.u32 $0x20, v20  }
0xbb: {  	p0 =	slt.s32 s29, s30;
	s24 =	sxor.u32 $0x80000000, s26;
	s31 =	spop (v2sf);
	v41 =	vor.u32 $0x30, v20  }
0xbc: {  	s30 =	smov.u32 @p0 s29;
	p0 =	slt.s32 s28, s24;
	s26 =	sxor.u32 $0x80000000, s31;
	v42 =	vor.u32 $0x40, v20  }
0xbd: {  	s23 =	smov.u32 @p1 s25;
	s24 =	smov.u32 @p0 s28;
	p0 =	slt.s32 s30, s26;
	v43 =	vor.u32 $0x50, v20;
	v21 =	vld.idx.msk [tilespmem:v21+s2+$0x0], $0xffff  }
0xbe: {  	s26 =	smov.u32 @p0 s30;
	p0 =	slt.s32 s22, s23;
	s31 =	spop (v2sf);
	v44 =	vor.u32 $0x60, v20;
	v22 =	vld.idx.msk [tilespmem:v40+s2+$0x0], $0xffff  }
0xbf: {  	s23 =	smov.u32 @p0 s22;
	p0 =	slt.s32 s24, s26;
	v20 =	vor.u32 $0x70, v20;
	s28 =	spop (v2sf);
	v23 =	vld.idx.msk [tilespmem:v23+s2+$0x0], $0xffff  }
0xc0: {  	s26 =	smov.u32 @p0 s24;
	s25 =	sxor.u32 $0x80000000, s31;
	s22 =	sxor.u32 $0x80000000, s28;
	v24 =	vld.idx.msk [tilespmem:v41+s2+$0x0], $0xffff  }
0xc1: {  	p0 =	slt.s32 s23, s25;
	p1 =	slt.s32 s26, s22;
	v25 =	vld.idx.msk [tilespmem:v42+s2+$0x0], $0xffff  }
0xc2: {  	v19 =	vand.u32 $0x1, v19;
	s25 =	smov.u32 @p0 s23;
	s22 =	smov.u32 @p1 s26;
	v26 =	vld.idx.msk [tilespmem:v43+s2+$0x0], $0xffff  }
0xc3: {  	vm1 =	veq.s32 v19, $0x0;
	s29 =	spop (v2sf);
	p0 =	slt.s32 s25, s22;
	v27 =	vld.idx.msk [tilespmem:v44+s2+$0x0], $0xffff;
	v19 =	vshrl.u32 v21, $0x10;
	v21 =	vand.u32 $0xFFFF, v21  }
0xc4: {  	s23 =	sxor.u32 $0x80000000, s29;
	v20 =	vld.idx.msk [tilespmem:v20+s2+$0x0], $0xffff;
	s22 =	smov.u32 @p0 s25;
	v19 =	vsel vm1, v21, v19;
	v45 =	vshrl.u32 v22, $0x10;
	v22 =	vand.u32 $0xFFFF, v22  }
0xc5: {  	p0 =	slt.s32 s22, s23;
	v46 =	vshrl.u32 v23, $0x10;
	v23 =	vand.u32 $0xFFFF, v23;
	v47 =	vshrl.u32 v24, $0x10  }
0xc6: {  	s23 =	smov.u32 @p0 s22;
	v24 =	vand.u32 $0xFFFF, v24;
	v48 =	vshrl.u32 v25, $0x10;
	v21 =	vsel vm1, v22, v45;
	(xrf1) =	vsort.ascd.msk.u32 $0xffff, v19, v19  }
0xc7: {  	s22 =	sshll.u32 s23, $0x2;
	s30 =	sshrl.u32 s23, $0x1;
	v49 =	vand.u32 $0xFFFF, v25;
	v51 =	vshrl.u32 v26, $0x10;
	v22 =	vsel vm1, v23, v46;
	(xrf1) =	vsort.ascd.msk.u32 $0xffff, v21, v21  }
0xc8: {  	v52 =	vand.u32 $0xFFFF, v26;
	s22 =	sand.u32 $0x380, s22;
	s24 =	sand.u32 $0xF, s30;
	v54 =	vshrl.u32 v27, $0x10;
	v19 =	vsel vm1, v24, v47;
	(xrf1) =	vsort.ascd.msk.u32 $0xffff, v22, v22  }
0xc9: {  	v55 =	vand.u32 $0xFFFF, v27;
	v56 =	vshrl.u32 v20, $0x10;
	v50 =	vsel vm1, v49, v48;
	s22 =	sor.u32 s24, s22;
	(xrf1) =	vsort.ascd.msk.u32 $0xffff, v19, v19  }
0xca: {  	v20 =	vand.u32 $0xFFFF, v20;
	v53 =	vsel vm1, v52, v51;
	v57 =	vmov s22;
	(xrf1) =	vsort.ascd.msk.u32 $0xffff, v50, v50  }
0xcb: {  	v58 =	vor.u32 s22, v17;
	v24 =	vshll.u32 v57, $0x3;
	v19 =	vsel vm1, v55, v54;
	(xrf1) =	vsort.ascd.msk.u32 $0xffff, v53, v53  }
0xcc: {  	v20 =	vsel vm1, v20, v56;
	v21 =	vand.u32 $0x7F, v58;
	v59 =	vand.u32 $0x1C00, v24;
	(xrf1) =	vsort.ascd.msk.u32 $0xffff, v19, v19  }
0xcd: {  	v19 =	vor.u32 v59, v21;
	(xrf1) =	vsort.ascd.msk.u32 $0xffff, v20, v20  }
0xce: {  	v18 =	vor.u32 v18, v19;
	_ =	sdelay $0x4  }
0xcf: {  	v18 =	vld.idx.msk [tilespmem:v18+s2+$0x0], $0xffff  }
0xd0: {  	v19, _, _ =	vpop (xrf1)  }
0xd1: {  	v60, _, _ =	vpop (xrf1)  }
0xd2: {  	s31 =	sshll.u32 s23, $0x4;
	v61, _, _ =	vpop (xrf1)  }
0xd3: {  	s22 =	sand.u32 $0x10, s31;
	v62, _, _ =	vpop (xrf1)  }
0xd4: {  	v18 =	vshrl.u32 v18, s22;
	v63, _, _ =	vpop (xrf1)  }
0xd5: {  	v20 =	vperm.xlane v60, v16;
	v18 =	vand.u32 $0xFFFF, v18;
	v36, _, _ =	vpop (xrf1)  }
0xd6: {  	v22 =	vperm.xlane v62, v16;
	v18 =	vnsel vm0, $0x7FFFFFFF, v18;
	v37, _, _ =	vpop (xrf1)  }
0xd7: {  	vm1 =	vlt.s32 v19, v20;
	(xrf1) =	vsort.ascd.msk.u32 $0xffff, v18, v18;
	v18 =	vperm.xlane v36, v16;
	v38, _, _ =	vpop (xrf1)  }
0xd8: {  	v39 =	vsel vm1, v19, v20;
	vm2 =	vlt.s32 v61, v22;
	v26 =	vperm.xlane v38, v16  }
0xd9: {  	(xrf1) =	vsort.ascd.msk.u32 $0xffff, v39, v39;
	v40 =	vsel vm2, v61, v22;
	vm3 =	vlt.s32 v63, v18  }
0xda: {  	(xrf1) =	vsort.ascd.msk.u32 $0xffff, v40, v40;
	v41 =	vsel vm3, v63, v18;
	vm13 =	vlt.s32 v37, v26  }
0xdb: {  	(xrf1) =	vsort.ascd.msk.u32 $0xffff, v41, v41;
	v42 =	vsel vm13, v37, v26  }
0xdc: {  	(xrf1) =	vsort.ascd.msk.u32 $0xffff, v42, v42;
	_ =	sdelay $0x9  }
0xdd: {  	v43, _, _ =	vpop (xrf1)  }
0xde: {  	v44, _, _ =	vpop (xrf1)  }
0xdf: {  	v45, _, _ =	vpop (xrf1)  }
0xe0: {  	v46, _, _ =	vpop (xrf1)  }
0xe1: {  	v28 =	vperm.xlane v45, v16;
	v47, _, _ =	vpop (xrf1)  }
0xe2: {  	v30 =	vperm.xlane v47, v16  }
0xe3: {  	vm14 =	vlt.s32 v44, v28  }
0xe4: {  	v48 =	vsel vm14, v44, v28;
	vm15 =	vlt.s32 v46, v30  }
0xe5: {  	(xrf1) =	vsort.ascd.msk.u32 $0xffff, v48, v48;
	v49 =	vsel vm15, v46, v30  }
0xe6: {  	(xrf1) =	vsort.ascd.msk.u32 $0xffff, v49, v49;
	_ =	sdelay $0xc  }
0xe7: {  	v50, _, _ =	vpop (xrf1)  }
0xe8: {  	v51, _, _ =	vpop (xrf1)  }
0xe9: {  	v32 =	vperm.xlane v51, v16;
	_ =	sdelay $0x1  }
0xea: {  	vm9 =	vlt.s32 v50, v32  }
0xeb: {  	v52 =	vsel vm9, v50, v32  }
0xec: {  	(xrf1) =	vsort.ascd.msk.u32 $0xffff, v52, v52;
	_ =	sdelay $0x3  }
0xed: {  	v19 =	vsel vm1, v20, v19  }
0xee: {  	v19 =	vxor.u32 $0x80000000, v19;
	v53 =	vsel vm2, v22, v61  }
0xef: {  	(xrf0) =	vmin.scan.msk.u32 $0xffff, v19;
	v19 =	vxor.u32 $0x80000000, v53;
	v18 =	vsel vm3, v18, v63  }
0xf0: {  	(xrf0) =	vmin.scan.msk.u32 $0xffff, v19;
	v18 =	vxor.u32 $0x80000000, v18;
	v19 =	vsel vm13, v26, v37  }
0xf1: {  	(xrf0) =	vmin.scan.msk.u32 $0xffff, v18;
	v18 =	vxor.u32 $0x80000000, v19;
	v19 =	vsel vm14, v28, v44  }
0xf2: {  	(xrf0) =	vmin.scan.msk.u32 $0xffff, v18;
	v18 =	vxor.u32 $0x80000000, v19;
	v19 =	vsel vm15, v30, v46  }
0xf3: {  	(xrf0) =	vmin.scan.msk.u32 $0xffff, v18;
	v18 =	vxor.u32 $0x80000000, v19;
	_ =	sdelay $0x1  }
0xf4: {  	v19, _, _ =	vpop (xrf0);
	(xrf0) =	vmin.scan.msk.u32 $0xffff, v18  }
0xf5: {  	v54 =	vperm.xlane v43, v16;
	v18, _, _ =	vpop (xrf0)  }
0xf6: {  	(v2sf) =	vpush v19, $0xF;
	v19 =	vsel vm9, v32, v50;
	v55, _, _ =	vpop (xrf1)  }
0xf7: {  	(v2sf) =	vpush v18, $0xF;
	v18, _, _ =	vpop (xrf0);
	v19 =	vxor.u32 $0x80000000, v19;
	vm1 =	vgt.s32 v55, v54  }
0xf8: {  	(v2sf) =	vpush v18, $0xF;
	v18, _, _ =	vpop (xrf0);
	(xrf0) =	vmin.scan.msk.u32 $0xffff, v19;
	v19 =	vsel vm1, v55, v54  }
0xf9: {  	(v2sf) =	vpush v18, $0xF;
	v18, _, _ =	vpop (xrf0);
	v19 =	vxor.u32 $0x80000000, v19  }
0xfa: {  	(v2sf) =	vpush v18, $0xF;
	v18, _, _ =	vpop (xrf0);
	(xrf0) =	vmin.scan.msk.u32 $0xffff, v19  }
0xfb: {  	(v2sf) =	vpush v18, $0xF;
	_ =	sdelay $0x2  }
0xfc: {  	v18, _, _ =	vpop (xrf0)  }
0xfd: {  	(v2sf) =	vpush v18, $0xF  }
0xfe: {  	v18, _, _ =	vpop (xrf0)  }
0xff: {  	(v2sf) =	vpush v18, $0xF;
	_ =	sdelay $0x3  }
0x100: {  	s23 =	spop (v2sf)  }
0x101: {  	s24 =	spop (v2sf)  }
0x102: {  	s22 =	sxor.u32 $0x80000000, s23;
	s25 =	spop (v2sf)  }
0x103: {  	s23 =	sxor.u32 $0x80000000, s24;
	s24 =	sxor.u32 $0x80000000, s25;
	s26 =	spop (v2sf);
	v18 =	vsel vm1, v54, v55  }
0x104: {  	p0 =	slt.s32 s22, s23;
	s25 =	sxor.u32 $0x80000000, s26;
	s28 =	spop (v2sf);
	(xrf1) =	vsort.ascd.msk.u32 $0xffff, v18, v18  }
0x105: {  	s23 =	smov.u32 @p0 s22;
	p0 =	slt.s32 s24, s25;
	s29 =	spop (v2sf)  }
0x106: {  	s26 =	sxor.u32 $0x80000000, s28;
	s25 =	smov.u32 @p0 s24;
	s22 =	sxor.u32 $0x80000000, s29  }
0x107: {  	p0 =	slt.s32 s23, s26;
	p1 =	slt.s32 s25, s22  }
0x108: {  	s26 =	smov.u32 @p0 s23;
	s22 =	smov.u32 @p1 s25  }
0x109: {  	p0 =	slt.s32 s26, s22;
	s30 =	spop (v2sf)  }
0x10a: {  	s22 =	smov.u32 @p0 s26;
	s23 =	sxor.u32 $0x80000000, s30  }
0x10b: {  	p0 =	slt.s32 s22, s23;
	s31 =	spop (v2sf)  }
0x10c: {  	s23 =	smov.u32 @p0 s22;
	s22 =	sxor.u32 $0x80000000, s31  }
0x10d: {  	p0 =	slt.s32 s23, s22  }
0x10e: {  	s22 =	smov.u32 @p0 s23  }
0x10f: {  	s22 =	sshll.u32 s22, $0x10  }
0x110: {  	v18 =	vmov s22  }
0x111: {  	v18 =	vbroadcast v18, $0x0  }
0x112: {  	v19, _, _ =	vpop (xrf1)  }
0x113: {  	[tilespmem:s21+$0xFFFFFF80] =	vst v18;
	v18 =	vshll.u32 v19, $0x10  }
0x114: {  	[tilespmem:s21+$0xFFFFFF7F] =	vst v18  }
0x115: {  	v18 =	vld [tilespmem:s20+$0xFFFFF080]  }
0x116: {  	v19 =	vld [tilespmem:s20+$0xFFFFF090]  }
0x117: {  	v20 =	vld [tilespmem:s20+$0xFFFFF0A0]  }
0x118: {  	v21 =	vld [tilespmem:s20+$0xFFFFF0B0]  }
0x119: {  	v22 =	vld [tilespmem:s20+$0xFFFFF0C0]  }
0x11a: {  	v56 =	vld [tilespmem:s20+$0xFFFFF0D0]  }
0x11b: {  	v57 =	vld [tilespmem:s20+$0xFFFFF0E0]  }
0x11c: {  	v58 =	vld [tilespmem:s20+$0xFFFFF0F0]  }
0x11d: {  	v26 =	vld [tilespmem:s20+$0xFFFFF480]  }
0x11e: {  	v59 =	vld [tilespmem:s20+$0xFFFFF490]  }
0x11f: {  	v28 =	vld [tilespmem:s20+$0xFFFFF4A0]  }
0x120: {  	v60 =	vld [tilespmem:s20+$0xFFFFF4B0]  }
0x121: {  	v30 =	vld [tilespmem:s20+$0xFFFFF4C0]  }
0x122: {  	v61 =	vld [tilespmem:s20+$0xFFFFF4D0]  }
0x123: {  	v32 =	vld [tilespmem:s20+$0xFFFFF4E0]  }
0x124: {  	v62 =	vld [tilespmem:s20+$0xFFFFF4F0]  }
0x125: {  	v34 =	vld [tilespmem:s20+$0xFFFFF880]  }
0x126: {  	v63 =	vld [tilespmem:s20+$0xFFFFF890]  }
0x127: {  	v36 =	vld [tilespmem:s20+$0xFFFFF8A0]  }
0x128: {  	v37 =	vld [tilespmem:s20+$0xFFFFF8B0]  }
0x129: {  	v38 =	vld [tilespmem:s20+$0xFFFFF8C0]  }
0x12a: {  	v39 =	vld [tilespmem:s20+$0xFFFFF8D0]  }
0x12b: {  	v40 =	vld [tilespmem:s20+$0xFFFFF8E0]  }
0x12c: {  	v41 =	vld [tilespmem:s20+$0xFFFFF8F0]  }
0x12d: {  	v42 =	vld [tilespmem:s20+$0xFFFFFC80]  }
0x12e: {  	v43 =	vld [tilespmem:s20+$0xFFFFFC90]  }
0x12f: {  	v44 =	vld [tilespmem:s20+$0xFFFFFCA0]  }
0x130: {  	v45 =	vld [tilespmem:s20+$0xFFFFFCB0]  }
0x131: {  	v53 =	vld [tilespmem:s20+$0xC0]  }
0x132: {  	v23 =	vld [tilespmem:s20+$0xD0]  }
0x133: {  	v46 =	vld [tilespmem:s20+$0xFFFFFCC0]  }
0x134: {  	v47 =	vld [tilespmem:s20+$0xFFFFFCD0]  }
0x135: {  	v48 =	vld [tilespmem:s20+$0xFFFFFCE0]  }
0x136: {  	v49 =	vld [tilespmem:s20+$0xFFFFFCF0];
	vm1 =	vlt.s16 v18, v19;
	vm2 =	vlt.s16 v22, v56;
	vm3 =	vlt.s16 v57, v58  }
0x137: {  	v50 =	vld [tilespmem:s20+$0x80];
	vm11 =	vlt.s16 v53, v23;
	v18 =	vsel vm1, v18, v19;
	vm1 =	vlt.s16 v20, v21  }
0x138: {  	v51 =	vld [tilespmem:s20+$0x90];
	v56 =	vsel vm2, v22, v56;
	v57 =	vsel vm3, v57, v58;
	v20 =	vsel vm1, v20, v21  }
0x139: {  	v52 =	vld [tilespmem:s20+$0xA0];
	v23 =	vsel vm11, v53, v23;
	vm2 =	vlt.s16 v56, v57;
	vm1 =	vlt.s16 v18, v20  }
0x13a: {  	v55 =	vld [tilespmem:s20+$0x4E0];
	v58 =	vsel vm2, v56, v57;
	v18 =	vsel vm1, v18, v20;
	vm1 =	vlt.s16 v26, v59  }
0x13b: {  	vm2 =	vlt.s16 v30, v61;
	v57 =	vld [tilespmem:s20+$0x4F0];
	v59 =	vsel vm1, v26, v59;
	vm1 =	vlt.s16 v28, v60  }
0x13c: {  	v25 =	vld [tilespmem:s20+$0x480];
	v61 =	vsel vm2, v30, v61;
	v60 =	vsel vm1, v28, v60;
	vm1 =	vlt.s16 v32, v62  }
0x13d: {  	vm2 =	vlt.s16 v18, v58;
	v28 =	vld [tilespmem:s20+$0x490];
	v62 =	vsel vm1, v32, v62;
	vm1 =	vlt.s16 v59, v60  }
0x13e: {  	v24 =	vld [tilespmem:s20+$0xE0];
	v18 =	vsel vm2, v18, v58;
	v20 =	vsel vm1, v59, v60;
	vm1 =	vlt.s16 v61, v62  }
0x13f: {  	v27 =	vld [tilespmem:s20+$0x4C0];
	vm2 =	vlt.s16 v36, v37;
	v26 =	vsel vm1, v61, v62;
	vm1 =	vlt.s16 v34, v63  }
0x140: {  	v35 =	vld [tilespmem:s20+$0x8B0];
	vm13 =	vlt.s16 v55, v57;
	v63 =	vsel vm1, v34, v63;
	vm1 =	vlt.s16 v38, v39  }
0x141: {  	v19 =	vld [tilespmem:s20+$0xB0];
	v37 =	vsel vm2, v36, v37;
	v53 =	vsel vm13, v55, v57;
	v54 =	vsel vm1, v38, v39  }
0x142: {  	v22 =	vld [tilespmem:s20+$0x4B0];
	vm1 =	vlt.s16 v40, v41;
	vm2 =	vlt.s16 v63, v37;
	vm12 =	vlt.s16 v25, v28  }
0x143: {  	v21 =	vld [tilespmem:s20+$0xF0];
	v56 =	vsel vm1, v40, v41;
	v29 =	vsel vm2, v63, v37;
	vm1 =	vlt.s16 v42, v43  }
0x144: {  	v30 =	vld [tilespmem:s20+$0x4A0];
	vm2 =	vlt.s16 v46, v47;
	v58 =	vsel vm1, v42, v43;
	vm1 =	vlt.s16 v44, v45  }
0x145: {  	v32 =	vld [tilespmem:s20+$0x4D0];
	v60 =	vsel vm2, v46, v47;
	vm2 =	vlt.s16 v20, v26;
	vm3 =	vlt.s16 v54, v56  }
0x146: {  	v55 =	vld [tilespmem:s20+$0xCC0];
	v59 =	vsel vm1, v44, v45;
	vm1 =	vlt.s16 v48, v49;
	v33 =	vsel vm3, v54, v56  }
0x147: {  	v57 =	vld [tilespmem:s20+$0xCD0];
	v20 =	vsel vm2, v20, v26;
	vm2 =	vlt.s16 v50, v51;
	v61 =	vsel vm1, v48, v49  }
0x148: {  	v39 =	vld [tilespmem:s20+$0x8C0];
	vm1 =	vlt.s16 v58, v59;
	vm10 =	vlt.s16 v29, v33;
	v63 =	vsel vm2, v50, v51  }
0x149: {  	v37 =	vld [tilespmem:s20+$0x880];
	vm2 =	vlt.s16 v24, v21;
	v50 =	vsel vm12, v25, v28;
	vm3 =	vlt.s16 v60, v61  }
0x14a: {  	v40 =	vld [tilespmem:s20+$0x890];
	v36 =	vsel vm1, v58, v59;
	v26 =	vsel vm10, v29, v33;
	v21 =	vsel vm2, v24, v21  }
0x14b: {  	v42 =	vld [tilespmem:s20+$0x8A0];
	vm2 =	vlt.s16 v30, v22;
	v62 =	vsel vm3, v60, v61;
	vm3 =	vlt.s16 v52, v19  }
0x14c: {  	v54 =	vld [tilespmem:s20+$0xCB0];
	v22 =	vsel vm2, v30, v22;
	vm2 =	vlt.s16 v23, v21;
	v38 =	vshll.u32 v26, $0x8  }
0x14d: {  	v59 =	vld [tilespmem:s20+$0xCE0];
	vm1 =	vlt.s16 v36, v62;
	v19 =	vsel vm3, v52, v19;
	v21 =	vsel vm2, v23, v21  }
0x14e: {  	v61 =	vld [tilespmem:s20+$0xCF0];
	vm3 =	vlt.s16 v63, v19;
	v58 =	vsel vm1, v36, v62;
	v36 =	vshll.u32 v20, $0x8  }
0x14f: {  	v48 =	vld [tilespmem:s20+$0x8F0];
	v20 =	vshrl.u32 v20, $0x8;
	v19 =	vsel vm3, v63, v19;
	vm3 =	vlt.s16 v27, v32  }
0x150: {  	v49 =	vld [tilespmem:s20+$0xC80];
	v20 =	vand.u32 $0xFFFF00, v20;
	v44 =	vshrl.u32 v58, $0x8;
	v27 =	vsel vm3, v27, v32  }
0x151: {  	v33 =	vld [tilespmem:s20+$0x8E0];
	vm3 =	vlt.s16 v50, v22;
	vm1 =	vlt.s16 v19, v21;
	v46 =	vand.u32 $0xFFFF00, v44  }
0x152: {  	v29 =	vld [tilespmem:s20+$0x8D0];
	vm4 =	vlt.s16 v27, v53;
	v22 =	vsel vm3, v50, v22;
	v19 =	vsel vm1, v19, v21  }
0x153: {  	v51 =	vld [tilespmem:s20+$0xC90];
	vm1 =	vlt.s16 v37, v40;
	vm3 =	vlt.s16 v55, v57;
	vm14 =	vlt.s16 v59, v61  }
0x154: {  	v52 =	vld [tilespmem:s20+$0xCA0];
	v56 =	vsel vm4, v27, v53;
	v62 =	vsel vm1, v37, v40;
	vm1 =	vlt.s16 v42, v35  }
0x155: {  	v24 =	vsel vm3, v55, v57;
	vm2 =	vlt.s16 v22, v56;
	v63 =	vsel vm1, v42, v35  }
0x156: {  	vm1 =	vlt.s16 v33, v48;
	v35 =	vshll.u32 v18, $0x8;
	v18 =	vshrl.u32 v18, $0x8  }
0x157: {  	v60 =	vsel vm2, v22, v56;
	vm2 =	vlt.s16 v39, v29;
	v33 =	vsel vm1, v33, v48  }
0x158: {  	vm1 =	vlt.s16 v62, v63;
	v29 =	vsel vm2, v39, v29;
	vm2 =	vlt.s16 v49, v51  }
0x159: {  	v22 =	vsel vm14, v59, v61;
	v25 =	vsel vm2, v49, v51;
	vm2 =	vlt.s16 v52, v54  }
0x15a: {  	v23 =	vsel vm1, v62, v63;
	vm1 =	vlt.s16 v29, v33;
	v28 =	vsel vm2, v52, v54  }
0x15b: {  	v29 =	vsel vm1, v29, v33;
	vm2 =	vlt.s16 v24, v22;
	vm1 =	vlt.s16 v25, v28  }
0x15c: {  	v22 =	vsel vm2, v24, v22;
	v24 =	vand.u32 $0xFFFF00, v35;
	v25 =	vsel vm1, v25, v28  }
0x15d: {  	v18 =	vand.u32 $0xFFFF00, v18;
	v24 =	vor.u32 v0, v24;
	vm1 =	vlt.s16 v25, v22  }
0x15e: {  	v18 =	vor.u32 v1, v18;
	(xrf1) =	vsort.ascd.msk.u32 $0xffff, v24, v24;
	v22 =	vsel vm1, v25, v22;
	v25 =	vand.u32 $0xFFFF00, v36  }
0x15f: {  	v40 =	vshrl.u32 v26, $0x8;
	v47 =	vshll.u32 v19, $0x8;
	(xrf1) =	vsort.ascd.msk.u32 $0xffff, v18, v18;
	v37 =	vor.u32 v2, v25  }
0x160: {  	v19 =	vshrl.u32 v19, $0x8;
	v39 =	vand.u32 $0xFFFF00, v38;
	v18 =	vor.u32 v3, v20;
	(xrf1) =	vsort.ascd.msk.u32 $0xffff, v37, v37  }
0x161: {  	v41 =	vand.u32 $0xFFFF00, v40;
	v42 =	vshll.u32 v58, $0x8;
	v20 =	vor.u32 v4, v39;
	(xrf1) =	vsort.ascd.msk.u32 $0xffff, v18, v18  }
0x162: {  	v19 =	vand.u32 $0xFFFF00, v19;
	v43 =	vand.u32 $0xFFFF00, v42;
	v18 =	vor.u32 v5, v41;
	(xrf1) =	vsort.ascd.msk.u32 $0xffff, v20, v20  }
0x163: {  	v48 =	vand.u32 $0xFFFF00, v47;
	v45 =	vor.u32 v6, v43;
	v50 =	vshll.u32 v60, $0x8;
	(xrf1) =	vsort.ascd.msk.u32 $0xffff, v18, v18  }
0x164: {  	v21 =	vshrl.u32 v60, $0x8;
	vm3 =	vlt.s16 v23, v29;
	v18 =	vor.u32 v7, v46;
	(xrf1) =	vsort.ascd.msk.u32 $0xffff, v45, v45  }
0x165: {  	v49 =	vor.u32 v8, v48;
	v51 =	vand.u32 $0xFFFF00, v21;
	v23 =	vsel vm3, v23, v29;
	(xrf1) =	vsort.ascd.msk.u32 $0xffff, v18, v18  }
0x166: {  	v52 =	vshll.u32 v23, $0x8;
	v18 =	vor.u32 v9, v19;
	v19 =	vand.u32 $0xFFFF00, v50;
	(xrf1) =	vsort.ascd.msk.u32 $0xffff, v49, v49  }
0x167: {  	v54 =	vshrl.u32 v23, $0x8;
	v53 =	vand.u32 $0xFFFF00, v52;
	v19 =	vor.u32 v10, v19;
	(xrf1) =	vsort.ascd.msk.u32 $0xffff, v18, v18  }
0x168: {  	v55 =	vand.u32 $0xFFFF00, v54;
	v56 =	vshll.u32 v22, $0x8;
	v18 =	vor.u32 v11, v51;
	(xrf1) =	vsort.ascd.msk.u32 $0xffff, v19, v19  }
0x169: {  	v58 =	vshrl.u32 v22, $0x8;
	v57 =	vand.u32 $0xFFFF00, v56;
	v19 =	vor.u32 v12, v53;
	(xrf1) =	vsort.ascd.msk.u32 $0xffff, v18, v18  }
0x16a: {  	v59 =	vand.u32 $0xFFFF00, v58;
	v18 =	vor.u32 v13, v55;
	(xrf1) =	vsort.ascd.msk.u32 $0xffff, v19, v19;
	v19 =	vor.u32 v14, v57  }
0x16b: {  	(xrf1) =	vsort.ascd.msk.u32 $0xffff, v18, v18;
	v18 =	vor.u32 v15, v59  }
0x16c: {  	v20, _, _ =	vpop (xrf1);
	(xrf1) =	vsort.ascd.msk.u32 $0xffff, v19, v19  }
0x16d: {  	v19, _, _ =	vpop (xrf1);
	(xrf1) =	vsort.ascd.msk.u32 $0xffff, v18, v18  }
0x16e: {  	v18, _, _ =	vpop (xrf1)  }
0x16f: {  	v60, _, _ =	vpop (xrf1)  }
0x170: {  	v22, _, _ =	vpop (xrf1)  }
0x171: {  	v61, _, _ =	vpop (xrf1)  }
0x172: {  	v24, _, _ =	vpop (xrf1)  }
0x173: {  	v19 =	vperm.xlane v19, v16;
	v62, _, _ =	vpop (xrf1)  }
0x174: {  	v26, _, _ =	vpop (xrf1)  }
0x175: {  	v21 =	vperm.xlane v60, v16;
	vm1 =	vlt.s32 v20, v19;
	v63, _, _ =	vpop (xrf1)  }
0x176: {  	v36 =	vsel vm1, v20, v19;
	v23 =	vperm.xlane v61, v16;
	v28, _, _ =	vpop (xrf1)  }
0x177: {  	vm2 =	vlt.s32 v18, v21;
	(xrf1) =	vsort.ascd.msk.u32 $0xffff, v36, v36;
	v25 =	vperm.xlane v62, v16;
	v37, _, _ =	vpop (xrf1)  }
0x178: {  	v38 =	vsel vm2, v18, v21;
	vm4 =	vlt.s32 v22, v23;
	v27 =	vperm.xlane v63, v16;
	v31, _, _ =	vpop (xrf1)  }
0x179: {  	(xrf1) =	vsort.ascd.msk.u32 $0xffff, v38, v38;
	v40 =	vsel vm4, v22, v23;
	vm5 =	vlt.s32 v24, v25;
	v39, _, _ =	vpop (xrf1)  }
0x17a: {  	v41 =	vsel vm5, v24, v25;
	v30 =	vperm.xlane v37, v16;
	vm12 =	vlt.s32 v26, v27;
	v33, _, _ =	vpop (xrf1)  }
0x17b: {  	v43 =	vsel vm12, v26, v27;
	(xrf1) =	vsort.ascd.msk.u32 $0xffff, v40, v40;
	v29 =	vperm.xlane v39, v16;
	v42, _, _ =	vpop (xrf1)  }
0x17c: {  	vm13 =	vlt.s32 v28, v30;
	(xrf1) =	vsort.ascd.msk.u32 $0xffff, v41, v41;
	v34 =	vperm.xlane v42, v16  }
0x17d: {  	v44 =	vsel vm13, v28, v30;
	(xrf1) =	vsort.ascd.msk.u32 $0xffff, v43, v43;
	vm8 =	vlt.s32 v31, v29  }
0x17e: {  	(xrf1) =	vsort.ascd.msk.u32 $0xffff, v44, v44;
	v45 =	vsel vm8, v31, v29;
	vm10 =	vlt.s32 v33, v34  }
0x17f: {  	(xrf1) =	vsort.ascd.msk.u32 $0xffff, v45, v45;
	v46 =	vsel vm10, v33, v34  }
0x180: {  	(xrf1) =	vsort.ascd.msk.u32 $0xffff, v46, v46;
	_ =	sdelay $0x6  }
0x181: {  	v32, _, _ =	vpop (xrf1)  }
0x182: {  	v47, _, _ =	vpop (xrf1)  }
0x183: {  	v36, _, _ =	vpop (xrf1)  }
0x184: {  	v48, _, _ =	vpop (xrf1)  }
0x185: {  	v49, _, _ =	vpop (xrf1)  }
0x186: {  	v35 =	vperm.xlane v47, v16;
	v50, _, _ =	vpop (xrf1)  }
0x187: {  	v37 =	vperm.xlane v48, v16;
	v51, _, _ =	vpop (xrf1)  }
0x188: {  	vm14 =	vlt.s32 v32, v35;
	v39 =	vperm.xlane v50, v16;
	v52, _, _ =	vpop (xrf1)  }
0x189: {  	v53 =	vsel vm14, v32, v35;
	vm11 =	vlt.s32 v36, v37;
	v41 =	vperm.xlane v52, v16  }
0x18a: {  	(xrf1) =	vsort.ascd.msk.u32 $0xffff, v53, v53;
	v54 =	vsel vm11, v36, v37;
	vm9 =	vlt.s32 v49, v39  }
0x18b: {  	(xrf1) =	vsort.ascd.msk.u32 $0xffff, v54, v54;
	v55 =	vsel vm9, v49, v39;
	vm7 =	vlt.s32 v51, v41  }
0x18c: {  	(xrf1) =	vsort.ascd.msk.u32 $0xffff, v55, v55;
	v56 =	vsel vm7, v51, v41  }
0x18d: {  	(xrf1) =	vsort.ascd.msk.u32 $0xffff, v56, v56;
	_ =	sdelay $0xa  }
0x18e: {  	v57, _, _ =	vpop (xrf1)  }
0x18f: {  	v58, _, _ =	vpop (xrf1)  }
0x190: {  	v19 =	vsel vm1, v19, v20;
	v59, _, _ =	vpop (xrf1)  }
0x191: {  	v19 =	vxor.u32 $0x80000000, v19;
	v18 =	vsel vm2, v21, v18;
	v43 =	vperm.xlane v58, v16;
	v60, _, _ =	vpop (xrf1)  }
0x192: {  	(xrf0) =	vmin.scan.msk.u32 $0xffff, v19;
	v18 =	vxor.u32 $0x80000000, v18;
	v63 =	vsel vm4, v23, v22;
	v45 =	vperm.xlane v60, v16  }
0x193: {  	(xrf0) =	vmin.scan.msk.u32 $0xffff, v18;
	v18 =	vxor.u32 $0x80000000, v63;
	vm15 =	vlt.s32 v57, v43  }
0x194: {  	(xrf0) =	vmin.scan.msk.u32 $0xffff, v18;
	v61 =	vsel vm15, v57, v43;
	vm3 =	vlt.s32 v59, v45  }
0x195: {  	v19 =	vsel vm5, v25, v24;
	(xrf1) =	vsort.ascd.msk.u32 $0xffff, v61, v61;
	v62 =	vsel vm3, v59, v45  }
0x196: {  	v18 =	vxor.u32 $0x80000000, v19;
	v27 =	vsel vm12, v27, v26;
	(xrf1) =	vsort.ascd.msk.u32 $0xffff, v62, v62  }
0x197: {  	(xrf0) =	vmin.scan.msk.u32 $0xffff, v18;
	v18 =	vxor.u32 $0x80000000, v27;
	v19 =	vsel vm13, v30, v28  }
0x198: {  	(xrf0) =	vmin.scan.msk.u32 $0xffff, v18;
	v18 =	vxor.u32 $0x80000000, v19;
	_ =	sdelay $0x1  }
0x199: {  	v19 =	vsel vm8, v29, v31  }
0x19a: {  	(xrf0) =	vmin.scan.msk.u32 $0xffff, v18;
	v19 =	vxor.u32 $0x80000000, v19;
	v18, _, _ =	vpop (xrf0)  }
0x19b: {  	v31 =	vsel vm10, v34, v33;
	v33, _, _ =	vpop (xrf0);
	(xrf0) =	vmin.scan.msk.u32 $0xffff, v19  }
0x19c: {  	v19 =	vxor.u32 $0x80000000, v31;
	v34 =	vsel vm14, v35, v32  }
0x19d: {  	(v2sf) =	vpush v18, $0xF;
	v18, _, _ =	vpop (xrf0);
	(xrf0) =	vmin.scan.msk.u32 $0xffff, v19;
	v19 =	vxor.u32 $0x80000000, v34  }
0x19e: {  	(v2sf) =	vpush v33, $0xF;
	v35, _, _ =	vpop (xrf0)  }
0x19f: {  	(v2sf) =	vpush v18, $0xF;
	v18, _, _ =	vpop (xrf0);
	(xrf0) =	vmin.scan.msk.u32 $0xffff, v19  }
0x1a0: {  	(v2sf) =	vpush v35, $0xF;
	v19, _, _ =	vpop (xrf0);
	v36 =	vsel vm11, v37, v36  }
0x1a1: {  	(v2sf) =	vpush v18, $0xF;
	v38, _, _ =	vpop (xrf0);
	v18 =	vxor.u32 $0x80000000, v36  }
0x1a2: {  	(xrf0) =	vmin.scan.msk.u32 $0xffff, v18;
	v18 =	vsel vm9, v39, v49;
	v37, _, _ =	vpop (xrf1)  }
0x1a3: {  	(v2sf) =	vpush v19, $0xF;
	v18 =	vxor.u32 $0x80000000, v18;
	v39 =	vsel vm7, v41, v51;
	v19, _, _ =	vpop (xrf1)  }
0x1a4: {  	v40, _, _ =	vpop (xrf0);
	(xrf0) =	vmin.scan.msk.u32 $0xffff, v18;
	v18 =	vxor.u32 $0x80000000, v39;
	v19 =	vperm.xlane v19, v16  }
0x1a5: {  	(v2sf) =	vpush v38, $0xF;
	v41, _, _ =	vpop (xrf0);
	(xrf0) =	vmin.scan.msk.u32 $0xffff, v18;
	v18 =	vsel vm15, v43, v57  }
0x1a6: {  	(v2sf) =	vpush v40, $0xF;
	v18 =	vxor.u32 $0x80000000, v18;
	vm1 =	vlt.s32 v37, v19  }
0x1a7: {  	(xrf0) =	vmin.scan.msk.u32 $0xffff, v18;
	v46 =	vsel vm3, v45, v59;
	v43 =	vsel vm1, v37, v19  }
0x1a8: {  	(v2sf) =	vpush v41, $0xF;
	v18 =	vxor.u32 $0x80000000, v46;
	(xrf1) =	vsort.ascd.msk.u32 $0xffff, v43, v43;
	_ =	sdelay $0x1  }
0x1a9: {  	v47, _, _ =	vpop (xrf0)  }
0x1aa: {  	(v2sf) =	vpush v47, $0xF;
	(xrf0) =	vmin.scan.msk.u32 $0xffff, v18;
	v18, _, _ =	vpop (xrf0)  }
0x1ab: {  	(v2sf) =	vpush v18, $0xF;
	v18, _, _ =	vpop (xrf0);
	v19 =	vsel vm1, v19, v37  }
0x1ac: {  	(v2sf) =	vpush v18, $0xF;
	v18 =	vxor.u32 $0x80000000, v19  }
0x1ad: {  	s23 =	spop (v2sf);
	(xrf0) =	vmin.scan.msk.u32 $0xffff, v18  }
0x1ae: {  	s30 =	spop (v2sf)  }
0x1af: {  	s24 =	spop (v2sf);
	v18, _, _ =	vpop (xrf0)  }
0x1b0: {  	s25 =	spop (v2sf);
	(v2sf) =	vpush v18, $0xF;
	v18, _, _ =	vpop (xrf0)  }
0x1b1: {  	s31 =	sadd.s32 $0x1, s19;
	s26 =	spop (v2sf);
	(v2sf) =	vpush v18, $0xF  }
0x1b2: {  	s28 =	spop (v2sf);
	v19 =	vmov s31  }
0x1b3: {  	s22 =	sxor.u32 $0x80000000, s23;
	s23 =	sxor.u32 $0x80000000, s30;
	s30 =	spop (v2sf);
	v18, _, _ =	vpop (xrf0)  }
0x1b4: {  	s29 =	spop (v2sf);
	(v2sf) =	vpush v18, $0xF;
	v18 =	vshll.u32 v19, $0x7  }
0x1b5: {  	s24 =	sxor.u32 $0x80000000, s24;
	p0 =	slt.s32 s22, s23;
	v18 =	vand.u32 $0x380, v18;
	v19, _, _ =	vpop (xrf1)  }
0x1b6: {  	s23 =	smov.u32 @p0 s22;
	s25 =	sxor.u32 $0x80000000, s25;
	s31 =	spop (v2sf);
	v18 =	vbroadcast v18, $0x0;
	v48 =	vshll.u32 v19, $0x5;
	v49 =	vshrl.u32 v19, $0x1  }
0x1b7: {  	s26 =	sxor.u32 $0x80000000, s26;
	s28 =	sxor.u32 $0x80000000, s28;
	s22 =	sxor.u32 $0x80000000, s31;
	v20 =	vand.u32 $0x1C00, v48;
	v21 =	vand.u32 $0xF, v49  }
0x1b8: {  	s30 =	sxor.u32 $0x80000000, s30;
	s29 =	sxor.u32 $0x80000000, s29;
	p0 =	slt.s32 s23, s22;
	v50 =	vor.u32 v18, v20;
	v51 =	vor.u32 v18, v21  }
0x1b9: {  	s31 =	spop (v2sf);
	s22 =	smov.u32 @p0 s23;
	p0 =	slt.s32 s24, s25;
	v21 =	vor.u32 v21, v50;
	v20 =	vor.u32 v20, v51  }
0x1ba: {  	s23 =	sxor.u32 $0x80000000, s31;
	s25 =	smov.u32 @p0 s24;
	p0 =	slt.s32 s26, s28;
	v52 =	vor.u32 $0x10, v20  }
0x1bb: {  	p1 =	slt.s32 s25, s23;
	s28 =	smov.u32 @p0 s26;
	s26 =	spop (v2sf);
	v23 =	vor.u32 $0x20, v20  }
0x1bc: {  	p0 =	slt.s32 s30, s29;
	s24 =	sxor.u32 $0x80000000, s26;
	s31 =	spop (v2sf);
	v53 =	vor.u32 $0x30, v20  }
0x1bd: {  	s29 =	smov.u32 @p0 s30;
	p0 =	slt.s32 s28, s24;
	s26 =	sxor.u32 $0x80000000, s31;
	v54 =	vor.u32 $0x40, v20  }
0x1be: {  	s23 =	smov.u32 @p1 s25;
	s24 =	smov.u32 @p0 s28;
	p0 =	slt.s32 s29, s26;
	v55 =	vor.u32 $0x50, v20;
	v21 =	vld.idx.msk [tilespmem:v21+s2+$0x0], $0xffff  }
0x1bf: {  	s26 =	smov.u32 @p0 s29;
	p0 =	slt.s32 s22, s23;
	s28 =	spop (v2sf);
	v56 =	vor.u32 $0x60, v20;
	v22 =	vld.idx.msk [tilespmem:v52+s2+$0x0], $0xffff  }
0x1c0: {  	s23 =	smov.u32 @p0 s22;
	p0 =	slt.s32 s24, s26;
	v20 =	vor.u32 $0x70, v20;
	s29 =	spop (v2sf);
	v23 =	vld.idx.msk [tilespmem:v23+s2+$0x0], $0xffff  }
0x1c1: {  	s26 =	smov.u32 @p0 s24;
	s25 =	sxor.u32 $0x80000000, s28;
	s22 =	sxor.u32 $0x80000000, s29;
	v24 =	vld.idx.msk [tilespmem:v53+s2+$0x0], $0xffff  }
0x1c2: {  	p0 =	slt.s32 s23, s25;
	p1 =	slt.s32 s26, s22;
	v25 =	vld.idx.msk [tilespmem:v54+s2+$0x0], $0xffff  }
0x1c3: {  	v19 =	vand.u32 $0x1, v19;
	s25 =	smov.u32 @p0 s23;
	s22 =	smov.u32 @p1 s26;
	v26 =	vld.idx.msk [tilespmem:v55+s2+$0x0], $0xffff  }
0x1c4: {  	vm1 =	veq.s32 v19, $0x0;
	s30 =	spop (v2sf);
	p0 =	slt.s32 s25, s22;
	v27 =	vld.idx.msk [tilespmem:v56+s2+$0x0], $0xffff;
	v19 =	vshrl.u32 v21, $0x10;
	v21 =	vand.u32 $0xFFFF, v21  }
0x1c5: {  	s23 =	sxor.u32 $0x80000000, s30;
	v20 =	vld.idx.msk [tilespmem:v20+s2+$0x0], $0xffff;
	s22 =	smov.u32 @p0 s25;
	v19 =	vsel vm1, v21, v19;
	v57 =	vshrl.u32 v22, $0x10;
	v22 =	vand.u32 $0xFFFF, v22  }
0x1c6: {  	p0 =	slt.s32 s22, s23;
	v58 =	vshrl.u32 v23, $0x10;
	v23 =	vand.u32 $0xFFFF, v23;
	v59 =	vshrl.u32 v24, $0x10  }
0x1c7: {  	s23 =	smov.u32 @p0 s22;
	v24 =	vand.u32 $0xFFFF, v24;
	v60 =	vshrl.u32 v25, $0x10;
	v21 =	vsel vm1, v22, v57;
	(xrf1) =	vsort.ascd.msk.u32 $0xffff, v19, v19  }
0x1c8: {  	s22 =	sshll.u32 s23, $0x2;
	s31 =	sshrl.u32 s23, $0x1;
	v61 =	vand.u32 $0xFFFF, v25;
	v63 =	vshrl.u32 v26, $0x10;
	v22 =	vsel vm1, v23, v58;
	(xrf1) =	vsort.ascd.msk.u32 $0xffff, v21, v21  }
0x1c9: {  	v28 =	vand.u32 $0xFFFF, v26;
	s22 =	sand.u32 $0x380, s22;
	s24 =	sand.u32 $0xF, s31;
	v30 =	vshrl.u32 v27, $0x10;
	v19 =	vsel vm1, v24, v59;
	(xrf1) =	vsort.ascd.msk.u32 $0xffff, v22, v22  }
0x1ca: {  	v31 =	vand.u32 $0xFFFF, v27;
	v32 =	vshrl.u32 v20, $0x10;
	v62 =	vsel vm1, v61, v60;
	s22 =	sor.u32 s24, s22;
	(xrf1) =	vsort.ascd.msk.u32 $0xffff, v19, v19  }
0x1cb: {  	v20 =	vand.u32 $0xFFFF, v20;
	v29 =	vsel vm1, v28, v63;
	v33 =	vmov s22;
	(xrf1) =	vsort.ascd.msk.u32 $0xffff, v62, v62  }
0x1cc: {  	v34 =	vor.u32 s22, v17;
	v24 =	vshll.u32 v33, $0x3;
	v19 =	vsel vm1, v31, v30;
	(xrf1) =	vsort.ascd.msk.u32 $0xffff, v29, v29  }
0x1cd: {  	v20 =	vsel vm1, v20, v32;
	v21 =	vand.u32 $0x7F, v34;
	v35 =	vand.u32 $0x1C00, v24;
	(xrf1) =	vsort.ascd.msk.u32 $0xffff, v19, v19  }
0x1ce: {  	v19 =	vor.u32 v35, v21;
	(xrf1) =	vsort.ascd.msk.u32 $0xffff, v20, v20  }
0x1cf: {  	v18 =	vor.u32 v18, v19;
	_ =	sdelay $0x4  }
0x1d0: {  	v18 =	vld.idx.msk [tilespmem:v18+s2+$0x0], $0xffff  }
0x1d1: {  	v19, _, _ =	vpop (xrf1)  }
0x1d2: {  	v36, _, _ =	vpop (xrf1)  }
0x1d3: {  	s25 =	sshll.u32 s23, $0x4;
	v37, _, _ =	vpop (xrf1)  }
0x1d4: {  	s22 =	sand.u32 $0x10, s25;
	v38, _, _ =	vpop (xrf1)  }
0x1d5: {  	v18 =	vshrl.u32 v18, s22;
	v39, _, _ =	vpop (xrf1)  }
0x1d6: {  	v20 =	vperm.xlane v36, v16;
	v18 =	vand.u32 $0xFFFF, v18;
	v40, _, _ =	vpop (xrf1)  }
0x1d7: {  	v22 =	vperm.xlane v38, v16;
	v18 =	vnsel vm0, $0x7FFFFFFF, v18;
	v41, _, _ =	vpop (xrf1)  }
0x1d8: {  	vm1 =	vlt.s32 v19, v20;
	(xrf1) =	vsort.ascd.msk.u32 $0xffff, v18, v18;
	v18 =	vperm.xlane v40, v16;
	v42, _, _ =	vpop (xrf1)  }
0x1d9: {  	v43 =	vsel vm1, v19, v20;
	vm2 =	vlt.s32 v37, v22;
	v26 =	vperm.xlane v42, v16  }
0x1da: {  	(xrf1) =	vsort.ascd.msk.u32 $0xffff, v43, v43;
	v44 =	vsel vm2, v37, v22;
	vm3 =	vlt.s32 v39, v18  }
0x1db: {  	(xrf1) =	vsort.ascd.msk.u32 $0xffff, v44, v44;
	v45 =	vsel vm3, v39, v18;
	vm12 =	vlt.s32 v41, v26  }
0x1dc: {  	(xrf1) =	vsort.ascd.msk.u32 $0xffff, v45, v45;
	v46 =	vsel vm12, v41, v26  }
0x1dd: {  	(xrf1) =	vsort.ascd.msk.u32 $0xffff, v46, v46;
	_ =	sdelay $0x9  }
0x1de: {  	v47, _, _ =	vpop (xrf1)  }
0x1df: {  	v48, _, _ =	vpop (xrf1)  }
0x1e0: {  	v49, _, _ =	vpop (xrf1)  }
0x1e1: {  	v50, _, _ =	vpop (xrf1)  }
0x1e2: {  	v28 =	vperm.xlane v49, v16;
	v51, _, _ =	vpop (xrf1)  }
0x1e3: {  	v30 =	vperm.xlane v51, v16  }
0x1e4: {  	vm13 =	vlt.s32 v48, v28  }
0x1e5: {  	v52 =	vsel vm13, v48, v28;
	vm14 =	vlt.s32 v50, v30  }
0x1e6: {  	(xrf1) =	vsort.ascd.msk.u32 $0xffff, v52, v52;
	v53 =	vsel vm14, v50, v30  }
0x1e7: {  	(xrf1) =	vsort.ascd.msk.u32 $0xffff, v53, v53;
	_ =	sdelay $0xc  }
0x1e8: {  	v54, _, _ =	vpop (xrf1)  }
0x1e9: {  	v55, _, _ =	vpop (xrf1)  }
0x1ea: {  	v32 =	vperm.xlane v55, v16;
	_ =	sdelay $0x1  }
0x1eb: {  	vm15 =	vlt.s32 v54, v32  }
0x1ec: {  	v56 =	vsel vm15, v54, v32  }
0x1ed: {  	(xrf1) =	vsort.ascd.msk.u32 $0xffff, v56, v56;
	_ =	sdelay $0x2  }
0x1ee: {  	v19 =	vsel vm1, v20, v19  }
0x1ef: {  	v19 =	vxor.u32 $0x80000000, v19;
	v57 =	vsel vm2, v22, v37  }
0x1f0: {  	(xrf0) =	vmin.scan.msk.u32 $0xffff, v19;
	v19 =	vxor.u32 $0x80000000, v57;
	v18 =	vsel vm3, v18, v39  }
0x1f1: {  	(xrf0) =	vmin.scan.msk.u32 $0xffff, v19;
	v18 =	vxor.u32 $0x80000000, v18  }
0x1f2: {  	v19 =	vsel vm12, v26, v41;
	(xrf0) =	vmin.scan.msk.u32 $0xffff, v18;
	v18 =	vsel vm13, v28, v48  }
0x1f3: {  	v19 =	vxor.u32 $0x80000000, v19;
	v18 =	vxor.u32 $0x80000000, v18  }
0x1f4: {  	(xrf0) =	vmin.scan.msk.u32 $0xffff, v19;
	v19 =	vsel vm14, v30, v50  }
0x1f5: {  	v19 =	vxor.u32 $0x80000000, v19  }
0x1f6: {  	(xrf0) =	vmin.scan.msk.u32 $0xffff, v18;
	v18, _, _ =	vpop (xrf0)  }
0x1f7: {  	v58, _, _ =	vpop (xrf0);
	(xrf0) =	vmin.scan.msk.u32 $0xffff, v19  }
0x1f8: {  	(v2sf) =	vpush v18, $0xF;
	v18 =	vperm.xlane v47, v16;
	v19, _, _ =	vpop (xrf0)  }
0x1f9: {  	(v2sf) =	vpush v58, $0xF;
	v59 =	vsel vm15, v32, v54;
	v60, _, _ =	vpop (xrf1)  }
0x1fa: {  	(v2sf) =	vpush v19, $0xF;
	v19 =	vxor.u32 $0x80000000, v59;
	vm1 =	vgt.s32 v60, v18  }
0x1fb: {  	v61, _, _ =	vpop (xrf0);
	(xrf0) =	vmin.scan.msk.u32 $0xffff, v19;
	v19 =	vsel vm1, v60, v18  }
0x1fc: {  	(v2sf) =	vpush v61, $0xF;
	v62, _, _ =	vpop (xrf0);
	v19 =	vxor.u32 $0x80000000, v19  }
0x1fd: {  	(v2sf) =	vpush v62, $0xF;
	v63, _, _ =	vpop (xrf0);
	(xrf0) =	vmin.scan.msk.u32 $0xffff, v19  }
0x1fe: {  	(v2sf) =	vpush v63, $0xF;
	_ =	sdelay $0x2  }
0x1ff: {  	v19, _, _ =	vpop (xrf0)  }
0x200: {  	(v2sf) =	vpush v19, $0xF  }
0x201: {  	v19, _, _ =	vpop (xrf0)  }
0x202: {  	(v2sf) =	vpush v19, $0xF;
	_ =	sdelay $0x3  }
0x203: {  	s26 =	spop (v2sf)  }
0x204: {  	s28 =	spop (v2sf)  }
0x205: {  	s22 =	sxor.u32 $0x80000000, s26;
	s23 =	sxor.u32 $0x80000000, s28;
	s29 =	spop (v2sf)  }
0x206: {  	p0 =	slt.s32 s22, s23;
	s30 =	spop (v2sf);
	v18 =	vsel vm1, v18, v60  }
0x207: {  	s24 =	sxor.u32 $0x80000000, s29;
	s31 =	spop (v2sf);
	s25 =	sxor.u32 $0x80000000, s30;
	(xrf1) =	vsort.ascd.msk.u32 $0xffff, v18, v18  }
0x208: {  	s23 =	smov.u32 @p0 s22;
	p0 =	slt.s32 s24, s25;
	s29 =	spop (v2sf)  }
0x209: {  	s22 =	sxor.u32 $0x80000000, s31;
	s25 =	smov.u32 @p0 s24;
	s24 =	sxor.u32 $0x80000000, s29  }
0x20a: {  	p0 =	slt.s32 s23, s22;
	p1 =	slt.s32 s25, s24  }
0x20b: {  	s22 =	smov.u32 @p0 s23;
	s24 =	smov.u32 @p1 s25  }
0x20c: {  	p0 =	slt.s32 s22, s24;
	s30 =	spop (v2sf)  }
0x20d: {  	s24 =	smov.u32 @p0 s22;
	s22 =	sxor.u32 $0x80000000, s30  }
0x20e: {  	p0 =	slt.s32 s24, s22;
	s31 =	spop (v2sf)  }
0x20f: {  	s22 =	smov.u32 @p0 s24;
	s23 =	sxor.u32 $0x80000000, s31  }
0x210: {  	p0 =	slt.s32 s22, s23  }
0x211: {  	s23 =	smov.u32 @p0 s22  }
0x212: {  	p0 =	sne.s32 s19, $0x6;
	s22 =	sshll.u32 s23, $0x10  }
.Ltmp0:
0x213: {  	v18 =	vmov s22;
	(pc) =	sbr.rel @p0 .LBB2_3-.Ltmp0, $4  }
0x214: {  	v18 =	vbroadcast v18, $0x0  }
0x215: {  	v19, _, _ =	vpop (xrf1)  }
0x216: {  	[tilespmem:s21+$0x0] =	vst v18;
	v18 =	vshll.u32 v19, $0x10  }
0x217: {  	s20 =	sadd.s32 $0x100, s20;
	s19 =	sadd.s32 $0x2, s19;
	[tilespmem:s21+$0xFFFFFFFF] =	vst v18;
	s21 =	sadd.s32 $0x100, s21  }
0x218: {  	_ =	swait.ge [sflag:s11], $0x2000;
	s18 =	smin.u32 s18, $0x7E8  }
0x219: {  	[sflag:s11] =	ssyncset.done $0x0;
	s18 =	sshll.u32 s18, $0x7  }
0x21a: {  	[sflag:s11] =	ssyncadd.s32 $0xFFFFE000;
	s19 =	sadd.s32 s18, s6;
	s18 =	simm.s32 $0x0  }
0x21b: {  	[tilespmem:s18], [sflag:$0x1] =	stream.linear.gather [hbm4b:s19+s18], $0x2000, $0x38;
	[tilespmem:$0x6000] =	vst v63  }
0x21c: {  	s20 =	smov.u32 s16;
	s19 =	simm.s32 $0x3000  }
.LBB2_5:
0x21d: {  	v18 =	vld [tilespmem:s19+$0xFFFFF000]  }
0x21e: {  	v19 =	vld [tilespmem:s19+$0xFFFFF010]  }
0x21f: {  	v20 =	vld [tilespmem:s19+$0xFFFFF020]  }
0x220: {  	v21 =	vld [tilespmem:s19+$0xFFFFF030]  }
0x221: {  	v22 =	vld [tilespmem:s19+$0xFFFFF040]  }
0x222: {  	v23 =	vld [tilespmem:s19+$0xFFFFF050]  }
0x223: {  	v24 =	vld [tilespmem:s19+$0xFFFFF060]  }
0x224: {  	v25 =	vld [tilespmem:s19+$0xFFFFF070]  }
0x225: {  	v26 =	vld [tilespmem:s19+$0xFFFFF400]  }
0x226: {  	v27 =	vld [tilespmem:s19+$0xFFFFF410]  }
0x227: {  	v28 =	vld [tilespmem:s19+$0xFFFFF420]  }
0x228: {  	v29 =	vld [tilespmem:s19+$0xFFFFF430]  }
0x229: {  	v30 =	vld [tilespmem:s19+$0xFFFFF440]  }
0x22a: {  	v31 =	vld [tilespmem:s19+$0xFFFFF450]  }
0x22b: {  	v32 =	vld [tilespmem:s19+$0xFFFFF460]  }
0x22c: {  	v33 =	vld [tilespmem:s19+$0xFFFFF470]  }
0x22d: {  	v34 =	vld [tilespmem:s19+$0xFFFFF800]  }
0x22e: {  	v35 =	vld [tilespmem:s19+$0xFFFFF810]  }
0x22f: {  	v36 =	vld [tilespmem:s19+$0xFFFFF820]  }
0x230: {  	v37 =	vld [tilespmem:s19+$0xFFFFF830]  }
0x231: {  	v38 =	vld [tilespmem:s19+$0xFFFFF840]  }
0x232: {  	v39 =	vld [tilespmem:s19+$0xFFFFF850]  }
0x233: {  	v40 =	vld [tilespmem:s19+$0xFFFFF860]  }
0x234: {  	v41 =	vld [tilespmem:s19+$0xFFFFF870]  }
0x235: {  	v42 =	vld [tilespmem:s19+$0xFFFFFC00]  }
0x236: {  	v43 =	vld [tilespmem:s19+$0xFFFFFC10]  }
0x237: {  	v44 =	vld [tilespmem:s19+$0xFFFFFC20]  }
0x238: {  	v46 =	vld [tilespmem:s19+$0xFFFFFC40]  }
0x239: {  	v47 =	vld [tilespmem:s19+$0xFFFFFC50]  }
0x23a: {  	v48 =	vld [tilespmem:s19+$0xFFFFFC60]  }
0x23b: {  	v49 =	vld [tilespmem:s19+$0xFFFFFC70]  }
0x23c: {  	v45 =	vld [tilespmem:s19+$0xFFFFFC30]  }
0x23d: {  	v50 =	vld [tilespmem:s19+$0x0]  }
0x23e: {  	v51 =	vld [tilespmem:s19+$0x10]  }
0x23f: {  	v52 =	vld [tilespmem:s19+$0x20];
	vm1 =	vlt.s16 v18, v19;
	vm2 =	vlt.s16 v22, v23;
	vm3 =	vlt.s16 v30, v31  }
0x240: {  	v53 =	vld [tilespmem:s19+$0x30];
	vm4 =	vlt.s16 v32, v33;
	vm9 =	vlt.s16 v46, v47;
	vm5 =	vlt.s16 v48, v49  }
0x241: {  	v55 =	vld [tilespmem:s19+$0x460];
	v18 =	vsel vm1, v18, v19;
	vm1 =	vlt.s16 v20, v21;
	v56 =	vsel vm2, v22, v23  }
0x242: {  	v19 =	vld [tilespmem:s19+$0x40];
	vm2 =	vlt.s16 v26, v27;
	v60 =	vsel vm3, v30, v31;
	v61 =	vsel vm4, v32, v33  }
0x243: {  	v22 =	vld [tilespmem:s19+$0x50];
	v20 =	vsel vm1, v20, v21;
	vm1 =	vlt.s16 v24, v25;
	v58 =	vsel vm2, v26, v27  }
0x244: {  	v30 =	vld [tilespmem:s19+$0x410];
	vm2 =	vlt.s16 v28, v29;
	v57 =	vsel vm1, v24, v25;
	vm1 =	vlt.s16 v18, v20  }
0x245: {  	v23 =	vld [tilespmem:s19+$0x420];
	v59 =	vsel vm2, v28, v29;
	vm2 =	vlt.s16 v60, v61;
	v18 =	vsel vm1, v18, v20  }
0x246: {  	v31 =	vld [tilespmem:s19+$0x450];
	vm1 =	vlt.s16 v56, v57;
	v27 =	vsel vm2, v60, v61;
	vm2 =	vlt.s16 v34, v35  }
0x247: {  	v26 =	vld [tilespmem:s19+$0x400];
	v60 =	vsel vm9, v46, v47;
	v61 =	vsel vm5, v48, v49;
	v21 =	vsel vm1, v56, v57  }
0x248: {  	v24 =	vld [tilespmem:s19+$0x60];
	vm1 =	vlt.s16 v58, v59;
	v62 =	vsel vm2, v34, v35;
	vm2 =	vlt.s16 v36, v37  }
0x249: {  	v25 =	vld [tilespmem:s19+$0x70];
	vm3 =	vlt.s16 v18, v21;
	v20 =	vsel vm1, v58, v59;
	v63 =	vsel vm2, v36, v37  }
0x24a: {  	v28 =	vld [tilespmem:s19+$0x430];
	vm2 =	vlt.s16 v40, v41;
	vm11 =	vlt.s16 v19, v22;
	v18 =	vsel vm3, v18, v21  }
0x24b: {  	v57 =	vld [tilespmem:s19+$0x470];
	vm1 =	vlt.s16 v20, v27;
	vm3 =	vlt.s16 v38, v39;
	v56 =	vsel vm2, v40, v41  }
0x24c: {  	v49 =	vld [tilespmem:s19+$0x870];
	vm2 =	vlt.s16 v62, v63;
	v19 =	vsel vm11, v19, v22;
	vm12 =	vlt.s16 v26, v30  }
0x24d: {  	v35 =	vld [tilespmem:s19+$0x830];
	v54 =	vsel vm3, v38, v39;
	vm3 =	vlt.s16 v42, v43;
	v29 =	vsel vm2, v62, v63  }
0x24e: {  	v37 =	vld [tilespmem:s19+$0x800];
	v20 =	vsel vm1, v20, v27;
	v58 =	vsel vm3, v42, v43;
	vm3 =	vlt.s16 v44, v45  }
0x24f: {  	v21 =	vld [tilespmem:s19+$0x440];
	v26 =	vsel vm12, v26, v30;
	vm2 =	vlt.s16 v54, v56;
	v59 =	vsel vm3, v44, v45  }
0x250: {  	v40 =	vld [tilespmem:s19+$0x840];
	v33 =	vsel vm2, v54, v56;
	vm3 =	vlt.s16 v60, v61;
	vm13 =	vlt.s16 v55, v57  }
0x251: {  	v38 =	vld [tilespmem:s19+$0x810];
	vm2 =	vlt.s16 v58, v59;
	vm10 =	vlt.s16 v29, v33;
	v62 =	vsel vm3, v60, v61  }
0x252: {  	v42 =	vld [tilespmem:s19+$0x820];
	vm3 =	vlt.s16 v52, v53;
	v54 =	vsel vm13, v55, v57;
	v32 =	vsel vm2, v58, v59  }
0x253: {  	v56 =	vld [tilespmem:s19+$0xC40];
	v27 =	vsel vm10, v29, v33;
	vm2 =	vlt.s16 v50, v51;
	v48 =	vsel vm3, v52, v53  }
0x254: {  	v57 =	vld [tilespmem:s19+$0xC50];
	vm1 =	vlt.s16 v32, v62;
	v63 =	vsel vm2, v50, v51;
	vm2 =	vlt.s16 v24, v25  }
0x255: {  	v60 =	vld [tilespmem:s19+$0xC70];
	v34 =	vshll.u32 v27, $0x8;
	v36 =	vshrl.u32 v27, $0x8;
	vm3 =	vlt.s16 v63, v48  }
0x256: {  	v59 =	vld [tilespmem:s19+$0xC60];
	v24 =	vsel vm2, v24, v25;
	vm2 =	vlt.s16 v23, v28;
	v58 =	vsel vm1, v32, v62  }
0x257: {  	v55 =	vld [tilespmem:s19+$0xC30];
	v32 =	vshll.u32 v20, $0x8;
	v20 =	vshrl.u32 v20, $0x8;
	v51 =	vsel vm3, v63, v48  }
0x258: {  	v29 =	vld [tilespmem:s19+$0x850];
	vm3 =	vlt.s16 v21, v31;
	v23 =	vsel vm2, v23, v28;
	vm2 =	vlt.s16 v19, v24  }
0x259: {  	v33 =	vld [tilespmem:s19+$0x860];
	v20 =	vand.u32 $0xFFFF00, v20;
	v21 =	vsel vm3, v21, v31;
	vm3 =	vlt.s16 v26, v23  }
0x25a: {  	v52 =	vld [tilespmem:s19+$0xC10];
	v19 =	vsel vm2, v19, v24;
	vm4 =	vlt.s16 v21, v54;
	v23 =	vsel vm3, v26, v23  }
0x25b: {  	v50 =	vld [tilespmem:s19+$0xC00];
	vm1 =	vlt.s16 v51, v19;
	vm3 =	vlt.s16 v56, v57;
	vm14 =	vlt.s16 v59, v60  }
0x25c: {  	v53 =	vld [tilespmem:s19+$0xC20];
	v21 =	vsel vm4, v21, v54;
	v19 =	vsel vm1, v51, v19;
	vm1 =	vlt.s16 v37, v38  }
0x25d: {  	v24 =	vsel vm3, v56, v57;
	vm2 =	vlt.s16 v23, v21;
	v61 =	vsel vm1, v37, v38  }
0x25e: {  	vm1 =	vlt.s16 v42, v35;
	v37 =	vand.u32 $0xFFFF00, v36;
	v21 =	vsel vm2, v23, v21  }
0x25f: {  	vm2 =	vlt.s16 v40, v29;
	v62 =	vsel vm1, v42, v35;
	vm1 =	vlt.s16 v33, v49  }
0x260: {  	v29 =	vsel vm2, v40, v29;
	v22 =	vsel vm1, v33, v49;
	vm2 =	vlt.s16 v50, v52  }
0x261: {  	vm1 =	vlt.s16 v61, v62;
	v30 =	vsel vm2, v50, v52;
	vm2 =	vlt.s16 v53, v55  }
0x262: {  	v25 =	vsel vm1, v61, v62;
	vm1 =	vlt.s16 v29, v22;
	v31 =	vsel vm2, v53, v55  }
0x263: {  	v23 =	vsel vm14, v59, v60;
	v22 =	vsel vm1, v29, v22;
	vm1 =	vlt.s16 v30, v31  }
0x264: {  	vm2 =	vlt.s16 v24, v23;
	v63 =	vsel vm1, v30, v31;
	v31 =	vshll.u32 v18, $0x8  }
0x265: {  	v23 =	vsel vm2, v24, v23;
	v18 =	vshrl.u32 v18, $0x8;
	v24 =	vand.u32 $0xFFFF00, v31  }
0x266: {  	vm3 =	vlt.s16 v25, v22;
	v18 =	vand.u32 $0xFFFF00, v18;
	v24 =	vor.u32 v0, v24  }
0x267: {  	v22 =	vsel vm3, v25, v22;
	v25 =	vand.u32 $0xFFFF00, v32;
	v18 =	vor.u32 v1, v18;
	(xrf1) =	vsort.ascd.msk.u32 $0xffff, v24, v24  }
0x268: {  	v38 =	vshll.u32 v58, $0x8;
	v43 =	vshll.u32 v19, $0x8;
	v33 =	vor.u32 v2, v25;
	(xrf1) =	vsort.ascd.msk.u32 $0xffff, v18, v18  }
0x269: {  	v19 =	vshrl.u32 v19, $0x8;
	v35 =	vand.u32 $0xFFFF00, v34;
	v18 =	vor.u32 v3, v20;
	(xrf1) =	vsort.ascd.msk.u32 $0xffff, v33, v33  }
0x26a: {  	v39 =	vand.u32 $0xFFFF00, v38;
	v44 =	vand.u32 $0xFFFF00, v43;
	v20 =	vor.u32 v4, v35;
	(xrf1) =	vsort.ascd.msk.u32 $0xffff, v18, v18  }
0x26b: {  	v19 =	vand.u32 $0xFFFF00, v19;
	v40 =	vshrl.u32 v58, $0x8;
	v18 =	vor.u32 v5, v37;
	(xrf1) =	vsort.ascd.msk.u32 $0xffff, v20, v20  }
0x26c: {  	v41 =	vor.u32 v6, v39;
	v45 =	vor.u32 v8, v44;
	v42 =	vand.u32 $0xFFFF00, v40;
	(xrf1) =	vsort.ascd.msk.u32 $0xffff, v18, v18  }
0x26d: {  	v46 =	vshll.u32 v21, $0x8;
	v21 =	vshrl.u32 v21, $0x8;
	v18 =	vor.u32 v7, v42;
	(xrf1) =	vsort.ascd.msk.u32 $0xffff, v41, v41  }
0x26e: {  	v47 =	vand.u32 $0xFFFF00, v21;
	vm1 =	vlt.s16 v63, v23;
	v48 =	vshll.u32 v22, $0x8;
	(xrf1) =	vsort.ascd.msk.u32 $0xffff, v18, v18  }
0x26f: {  	v50 =	vshrl.u32 v22, $0x8;
	v18 =	vor.u32 v9, v19;
	v19 =	vand.u32 $0xFFFF00, v46;
	(xrf1) =	vsort.ascd.msk.u32 $0xffff, v45, v45  }
0x270: {  	v23 =	vsel vm1, v63, v23;
	v49 =	vand.u32 $0xFFFF00, v48;
	v19 =	vor.u32 v10, v19;
	(xrf1) =	vsort.ascd.msk.u32 $0xffff, v18, v18  }
0x271: {  	v51 =	vand.u32 $0xFFFF00, v50;
	v52 =	vshll.u32 v23, $0x8;
	v18 =	vor.u32 v11, v47;
	(xrf1) =	vsort.ascd.msk.u32 $0xffff, v19, v19  }
0x272: {  	v54 =	vshrl.u32 v23, $0x8;
	v53 =	vand.u32 $0xFFFF00, v52;
	v19 =	vor.u32 v12, v49;
	(xrf1) =	vsort.ascd.msk.u32 $0xffff, v18, v18  }
0x273: {  	v55 =	vand.u32 $0xFFFF00, v54;
	v18 =	vor.u32 v13, v51;
	(xrf1) =	vsort.ascd.msk.u32 $0xffff, v19, v19;
	v19 =	vor.u32 v14, v53  }
0x274: {  	(xrf1) =	vsort.ascd.msk.u32 $0xffff, v18, v18;
	v18 =	vor.u32 v15, v55  }
0x275: {  	v20, _, _ =	vpop (xrf1);
	(xrf1) =	vsort.ascd.msk.u32 $0xffff, v19, v19  }
0x276: {  	v19, _, _ =	vpop (xrf1);
	(xrf1) =	vsort.ascd.msk.u32 $0xffff, v18, v18  }
0x277: {  	v18, _, _ =	vpop (xrf1)  }
0x278: {  	v56, _, _ =	vpop (xrf1)  }
0x279: {  	v22, _, _ =	vpop (xrf1)  }
0x27a: {  	v57, _, _ =	vpop (xrf1)  }
0x27b: {  	v24, _, _ =	vpop (xrf1)  }
0x27c: {  	v19 =	vperm.xlane v19, v16;
	v58, _, _ =	vpop (xrf1)  }
0x27d: {  	v21 =	vperm.xlane v56, v16;
	v26, _, _ =	vpop (xrf1)  }
0x27e: {  	vm2 =	vlt.s32 v20, v19;
	v59, _, _ =	vpop (xrf1)  }
0x27f: {  	vm1 =	vlt.s32 v18, v21;
	v23 =	vperm.xlane v57, v16;
	v25 =	vperm.xlane v58, v16;
	v28, _, _ =	vpop (xrf1)  }
0x280: {  	v60 =	vsel vm2, v20, v19;
	v62 =	vsel vm1, v18, v21;
	v61, _, _ =	vpop (xrf1)  }
0x281: {  	vm3 =	vlt.s32 v22, v23;
	vm4 =	vlt.s32 v24, v25;
	v27 =	vperm.xlane v59, v16;
	v63, _, _ =	vpop (xrf1)  }
0x282: {  	v40 =	vsel vm3, v22, v23;
	(xrf1) =	vsort.ascd.msk.u32 $0xffff, v60, v60;
	v41 =	vsel vm4, v24, v25;
	v39, _, _ =	vpop (xrf1)  }
0x283: {  	(xrf1) =	vsort.ascd.msk.u32 $0xffff, v62, v62;
	v30 =	vperm.xlane v61, v16;
	vm11 =	vlt.s32 v26, v27;
	v33, _, _ =	vpop (xrf1)  }
0x284: {  	(xrf1) =	vsort.ascd.msk.u32 $0xffff, v40, v40;
	v43 =	vsel vm11, v26, v27;
	v29 =	vperm.xlane v39, v16;
	v42, _, _ =	vpop (xrf1)  }
0x285: {  	(xrf1) =	vsort.ascd.msk.u32 $0xffff, v41, v41;
	vm12 =	vlt.s32 v28, v30;
	v34 =	vperm.xlane v42, v16  }
0x286: {  	(xrf1) =	vsort.ascd.msk.u32 $0xffff, v43, v43;
	v44 =	vsel vm12, v28, v30;
	vm8 =	vlt.s32 v63, v29  }
0x287: {  	(xrf1) =	vsort.ascd.msk.u32 $0xffff, v44, v44;
	v45 =	vsel vm8, v63, v29;
	vm9 =	vlt.s32 v33, v34  }
0x288: {  	(xrf1) =	vsort.ascd.msk.u32 $0xffff, v45, v45;
	v46 =	vsel vm9, v33, v34  }
0x289: {  	(xrf1) =	vsort.ascd.msk.u32 $0xffff, v46, v46;
	_ =	sdelay $0x6  }
0x28a: {  	v32, _, _ =	vpop (xrf1)  }
0x28b: {  	v47, _, _ =	vpop (xrf1)  }
0x28c: {  	v36, _, _ =	vpop (xrf1)  }
0x28d: {  	v48, _, _ =	vpop (xrf1)  }
0x28e: {  	v49, _, _ =	vpop (xrf1)  }
0x28f: {  	v35 =	vperm.xlane v47, v16;
	v50, _, _ =	vpop (xrf1)  }
0x290: {  	v37 =	vperm.xlane v48, v16;
	v51, _, _ =	vpop (xrf1)  }
0x291: {  	vm14 =	vlt.s32 v32, v35;
	v39 =	vperm.xlane v50, v16;
	v52, _, _ =	vpop (xrf1)  }
0x292: {  	v53 =	vsel vm14, v32, v35;
	vm13 =	vlt.s32 v36, v37;
	v41 =	vperm.xlane v52, v16  }
0x293: {  	(xrf1) =	vsort.ascd.msk.u32 $0xffff, v53, v53;
	v54 =	vsel vm13, v36, v37;
	vm10 =	vlt.s32 v49, v39  }
0x294: {  	(xrf1) =	vsort.ascd.msk.u32 $0xffff, v54, v54;
	v55 =	vsel vm10, v49, v39;
	vm7 =	vlt.s32 v51, v41  }
0x295: {  	(xrf1) =	vsort.ascd.msk.u32 $0xffff, v55, v55;
	v56 =	vsel vm7, v51, v41  }
0x296: {  	(xrf1) =	vsort.ascd.msk.u32 $0xffff, v56, v56;
	_ =	sdelay $0xa  }
0x297: {  	v57, _, _ =	vpop (xrf1)  }
0x298: {  	v58, _, _ =	vpop (xrf1)  }
0x299: {  	v59, _, _ =	vpop (xrf1)  }
0x29a: {  	v19 =	vsel vm2, v19, v20;
	v43 =	vperm.xlane v58, v16;
	v60, _, _ =	vpop (xrf1)  }
0x29b: {  	v19 =	vxor.u32 $0x80000000, v19;
	v18 =	vsel vm1, v21, v18;
	v45 =	vperm.xlane v60, v16  }
0x29c: {  	(xrf0) =	vmin.scan.msk.u32 $0xffff, v19;
	v18 =	vxor.u32 $0x80000000, v18;
	vm6 =	vlt.s32 v57, v43  }
0x29d: {  	(xrf0) =	vmin.scan.msk.u32 $0xffff, v18;
	v61 =	vsel vm6, v57, v43;
	vm15 =	vlt.s32 v59, v45  }
0x29e: {  	v19 =	vsel vm3, v23, v22;
	(xrf1) =	vsort.ascd.msk.u32 $0xffff, v61, v61;
	v62 =	vsel vm15, v59, v45  }
0x29f: {  	v18 =	vxor.u32 $0x80000000, v19;
	v19 =	vsel vm4, v25, v24;
	(xrf1) =	vsort.ascd.msk.u32 $0xffff, v62, v62  }
0x2a0: {  	(xrf0) =	vmin.scan.msk.u32 $0xffff, v18;
	v18 =	vxor.u32 $0x80000000, v19;
	v19 =	vsel vm11, v27, v26  }
0x2a1: {  	(xrf0) =	vmin.scan.msk.u32 $0xffff, v18;
	v18 =	vxor.u32 $0x80000000, v19;
	v19 =	vsel vm12, v30, v28  }
0x2a2: {  	(xrf0) =	vmin.scan.msk.u32 $0xffff, v18;
	v18 =	vxor.u32 $0x80000000, v19;
	_ =	sdelay $0x2  }
0x2a3: {  	(xrf0) =	vmin.scan.msk.u32 $0xffff, v18;
	v19 =	vsel vm8, v29, v63;
	v18, _, _ =	vpop (xrf0)  }
0x2a4: {  	v19 =	vxor.u32 $0x80000000, v19;
	v24 =	vsel vm9, v34, v33;
	v63, _, _ =	vpop (xrf0)  }
0x2a5: {  	(v2sf) =	vpush v18, $0xF;
	v18, _, _ =	vpop (xrf0);
	(xrf0) =	vmin.scan.msk.u32 $0xffff, v19;
	v19 =	vxor.u32 $0x80000000, v24;
	v25 =	vsel vm14, v35, v32  }
0x2a6: {  	(v2sf) =	vpush v63, $0xF;
	v26, _, _ =	vpop (xrf0);
	(xrf0) =	vmin.scan.msk.u32 $0xffff, v19;
	v19 =	vxor.u32 $0x80000000, v25  }
0x2a7: {  	(v2sf) =	vpush v18, $0xF  }
0x2a8: {  	v18, _, _ =	vpop (xrf0);
	(v2sf) =	vpush v26, $0xF;
	v27 =	vsel vm13, v37, v36  }
0x2a9: {  	(v2sf) =	vpush v18, $0xF;
	(xrf0) =	vmin.scan.msk.u32 $0xffff, v19;
	v18 =	vxor.u32 $0x80000000, v27;
	v19, _, _ =	vpop (xrf0)  }
0x2aa: {  	(xrf0) =	vmin.scan.msk.u32 $0xffff, v18;
	v18 =	vsel vm10, v39, v49;
	v28, _, _ =	vpop (xrf1)  }
0x2ab: {  	(v2sf) =	vpush v19, $0xF;
	v18 =	vxor.u32 $0x80000000, v18;
	v30 =	vsel vm7, v41, v51;
	v19, _, _ =	vpop (xrf1)  }
0x2ac: {  	(xrf0) =	vmin.scan.msk.u32 $0xffff, v18;
	v18 =	vxor.u32 $0x80000000, v30;
	v19 =	vperm.xlane v19, v16  }
0x2ad: {  	v29, _, _ =	vpop (xrf0);
	(xrf0) =	vmin.scan.msk.u32 $0xffff, v18;
	v18 =	vsel vm6, v43, v57  }
0x2ae: {  	(v2sf) =	vpush v29, $0xF;
	v31, _, _ =	vpop (xrf0);
	v18 =	vxor.u32 $0x80000000, v18;
	vm1 =	vlt.s32 v28, v19  }
0x2af: {  	(v2sf) =	vpush v31, $0xF;
	v32, _, _ =	vpop (xrf0);
	(xrf0) =	vmin.scan.msk.u32 $0xffff, v18;
	v34 =	vsel vm15, v45, v59;
	v33 =	vsel vm1, v28, v19  }
0x2b0: {  	(v2sf) =	vpush v32, $0xF;
	v18 =	vxor.u32 $0x80000000, v34;
	(xrf1) =	vsort.ascd.msk.u32 $0xffff, v33, v33;
	_ =	sdelay $0x1  }
0x2b1: {  	v35, _, _ =	vpop (xrf0)  }
0x2b2: {  	(v2sf) =	vpush v35, $0xF;
	(xrf0) =	vmin.scan.msk.u32 $0xffff, v18;
	v18, _, _ =	vpop (xrf0)  }
0x2b3: {  	(v2sf) =	vpush v18, $0xF;
	v18, _, _ =	vpop (xrf0);
	v19 =	vsel vm1, v19, v28  }
0x2b4: {  	(v2sf) =	vpush v18, $0xF;
	v18 =	vxor.u32 $0x80000000, v19  }
0x2b5: {  	(xrf0) =	vmin.scan.msk.u32 $0xffff, v18  }
0x2b6: {  	s21 =	spop (v2sf)  }
0x2b7: {  	s22 =	spop (v2sf);
	v18, _, _ =	vpop (xrf0)  }
0x2b8: {  	s23 =	spop (v2sf);
	(v2sf) =	vpush v18, $0xF;
	v18, _, _ =	vpop (xrf0)  }
0x2b9: {  	s24 =	spop (v2sf);
	(v2sf) =	vpush v18, $0xF  }
0x2ba: {  	s25 =	spop (v2sf);
	v19 =	vmov s18  }
0x2bb: {  	s26 =	spop (v2sf);
	v18, _, _ =	vpop (xrf0)  }
0x2bc: {  	s21 =	sxor.u32 $0x80000000, s21;
	s22 =	sxor.u32 $0x80000000, s22;
	s28 =	spop (v2sf);
	(v2sf) =	vpush v18, $0xF;
	v18 =	vshll.u32 v19, $0x7  }
0x2bd: {  	s23 =	sxor.u32 $0x80000000, s23;
	p0 =	slt.s32 s21, s22;
	s29 =	spop (v2sf);
	v18 =	vand.u32 $0x300, v18;
	v19, _, _ =	vpop (xrf1)  }
0x2be: {  	s24 =	sxor.u32 $0x80000000, s24;
	s22 =	smov.u32 @p0 s21;
	s30 =	spop (v2sf);
	v18 =	vbroadcast v18, $0x0;
	v36 =	vshll.u32 v19, $0x5;
	v37 =	vshrl.u32 v19, $0x1  }
0x2bf: {  	s25 =	sxor.u32 $0x80000000, s25;
	s26 =	sxor.u32 $0x80000000, s26;
	s21 =	sxor.u32 $0x80000000, s30;
	v20 =	vand.u32 $0x1C00, v36;
	v21 =	vand.u32 $0xF, v37  }
0x2c0: {  	s28 =	sxor.u32 $0x80000000, s28;
	s29 =	sxor.u32 $0x80000000, s29;
	p0 =	slt.s32 s22, s21;
	v38 =	vor.u32 v18, v20;
	v39 =	vor.u32 v18, v21  }
0x2c1: {  	s31 =	spop (v2sf);
	s21 =	smov.u32 @p0 s22;
	p0 =	slt.s32 s23, s24;
	v21 =	vor.u32 v21, v38;
	v20 =	vor.u32 v20, v39  }
0x2c2: {  	s22 =	sxor.u32 $0x80000000, s31;
	s24 =	smov.u32 @p0 s23;
	p0 =	slt.s32 s25, s26;
	v40 =	vor.u32 $0x10, v20  }
0x2c3: {  	p1 =	slt.s32 s24, s22;
	s26 =	smov.u32 @p0 s25;
	s30 =	spop (v2sf);
	v23 =	vor.u32 $0x20, v20  }
0x2c4: {  	p0 =	slt.s32 s28, s29;
	s23 =	sxor.u32 $0x80000000, s30;
	s31 =	spop (v2sf);
	v41 =	vor.u32 $0x30, v20  }
0x2c5: {  	s29 =	smov.u32 @p0 s28;
	p0 =	slt.s32 s26, s23;
	s25 =	sxor.u32 $0x80000000, s31;
	v42 =	vor.u32 $0x40, v20  }
0x2c6: {  	s22 =	smov.u32 @p1 s24;
	s23 =	smov.u32 @p0 s26;
	p0 =	slt.s32 s29, s25;
	v43 =	vor.u32 $0x50, v20;
	v21 =	vld.idx.msk [tilespmem:v21+s10+$0x0], $0xffff  }
0x2c7: {  	s25 =	smov.u32 @p0 s29;
	p0 =	slt.s32 s21, s22;
	s28 =	spop (v2sf);
	v44 =	vor.u32 $0x60, v20;
	v22 =	vld.idx.msk [tilespmem:v40+s10+$0x0], $0xffff  }
0x2c8: {  	s22 =	smov.u32 @p0 s21;
	p0 =	slt.s32 s23, s25;
	v20 =	vor.u32 $0x70, v20;
	s29 =	spop (v2sf);
	v23 =	vld.idx.msk [tilespmem:v23+s10+$0x0], $0xffff  }
0x2c9: {  	s25 =	smov.u32 @p0 s23;
	s24 =	sxor.u32 $0x80000000, s28;
	s21 =	sxor.u32 $0x80000000, s29;
	v24 =	vld.idx.msk [tilespmem:v41+s10+$0x0], $0xffff  }
0x2ca: {  	p0 =	slt.s32 s22, s24;
	p1 =	slt.s32 s25, s21;
	v25 =	vld.idx.msk [tilespmem:v42+s10+$0x0], $0xffff  }
0x2cb: {  	v19 =	vand.u32 $0x1, v19;
	s24 =	smov.u32 @p0 s22;
	s21 =	smov.u32 @p1 s25;
	v26 =	vld.idx.msk [tilespmem:v43+s10+$0x0], $0xffff  }
0x2cc: {  	vm1 =	veq.s32 v19, $0x0;
	s30 =	spop (v2sf);
	p0 =	slt.s32 s24, s21;
	v27 =	vld.idx.msk [tilespmem:v44+s10+$0x0], $0xffff;
	v19 =	vshrl.u32 v21, $0x10;
	v21 =	vand.u32 $0xFFFF, v21  }
0x2cd: {  	s22 =	sxor.u32 $0x80000000, s30;
	v20 =	vld.idx.msk [tilespmem:v20+s10+$0x0], $0xffff;
	s21 =	smov.u32 @p0 s24;
	v19 =	vsel vm1, v21, v19;
	v45 =	vshrl.u32 v22, $0x10;
	v22 =	vand.u32 $0xFFFF, v22  }
0x2ce: {  	p0 =	slt.s32 s21, s22;
	v46 =	vshrl.u32 v23, $0x10;
	v23 =	vand.u32 $0xFFFF, v23;
	v47 =	vshrl.u32 v24, $0x10  }
0x2cf: {  	s22 =	smov.u32 @p0 s21;
	v24 =	vand.u32 $0xFFFF, v24;
	v48 =	vshrl.u32 v25, $0x10;
	v21 =	vsel vm1, v22, v45;
	(xrf1) =	vsort.ascd.msk.u32 $0xffff, v19, v19  }
0x2d0: {  	s21 =	sshll.u32 s22, $0x2;
	s31 =	sshrl.u32 s22, $0x1;
	v49 =	vand.u32 $0xFFFF, v25;
	v51 =	vshrl.u32 v26, $0x10;
	v22 =	vsel vm1, v23, v46;
	(xrf1) =	vsort.ascd.msk.u32 $0xffff, v21, v21  }
0x2d1: {  	v52 =	vand.u32 $0xFFFF, v26;
	s21 =	sand.u32 $0x380, s21;
	s23 =	sand.u32 $0xF, s31;
	v54 =	vshrl.u32 v27, $0x10;
	v19 =	vsel vm1, v24, v47;
	(xrf1) =	vsort.ascd.msk.u32 $0xffff, v22, v22  }
0x2d2: {  	v55 =	vand.u32 $0xFFFF, v27;
	v56 =	vshrl.u32 v20, $0x10;
	v50 =	vsel vm1, v49, v48;
	s21 =	sor.u32 s23, s21;
	(xrf1) =	vsort.ascd.msk.u32 $0xffff, v19, v19  }
0x2d3: {  	v20 =	vand.u32 $0xFFFF, v20;
	v53 =	vsel vm1, v52, v51;
	v57 =	vmov s21;
	(xrf1) =	vsort.ascd.msk.u32 $0xffff, v50, v50  }
0x2d4: {  	v58 =	vor.u32 s21, v17;
	v24 =	vshll.u32 v57, $0x3;
	v19 =	vsel vm1, v55, v54;
	(xrf1) =	vsort.ascd.msk.u32 $0xffff, v53, v53  }
0x2d5: {  	v20 =	vsel vm1, v20, v56;
	v21 =	vand.u32 $0x7F, v58;
	v59 =	vand.u32 $0x1C00, v24;
	(xrf1) =	vsort.ascd.msk.u32 $0xffff, v19, v19  }
0x2d6: {  	v19 =	vor.u32 v59, v21;
	(xrf1) =	vsort.ascd.msk.u32 $0xffff, v20, v20  }
0x2d7: {  	v18 =	vor.u32 v18, v19;
	_ =	sdelay $0x4  }
0x2d8: {  	v18 =	vld.idx.msk [tilespmem:v18+s10+$0x0], $0xffff  }
0x2d9: {  	v19, _, _ =	vpop (xrf1)  }
0x2da: {  	v60, _, _ =	vpop (xrf1)  }
0x2db: {  	s22 =	sshll.u32 s22, $0x4;
	v61, _, _ =	vpop (xrf1)  }
0x2dc: {  	s21 =	sand.u32 $0x10, s22;
	v62, _, _ =	vpop (xrf1)  }
0x2dd: {  	v18 =	vshrl.u32 v18, s21;
	v63, _, _ =	vpop (xrf1)  }
0x2de: {  	v20 =	vperm.xlane v60, v16;
	v18 =	vand.u32 $0xFFFF, v18;
	v36, _, _ =	vpop (xrf1)  }
0x2df: {  	v22 =	vperm.xlane v62, v16;
	v18 =	vnsel vm0, $0x7FFFFFFF, v18;
	v37, _, _ =	vpop (xrf1)  }
0x2e0: {  	vm1 =	vlt.s32 v19, v20;
	(xrf1) =	vsort.ascd.msk.u32 $0xffff, v18, v18;
	v18 =	vperm.xlane v36, v16;
	v38, _, _ =	vpop (xrf1)  }
0x2e1: {  	v39 =	vsel vm1, v19, v20;
	vm2 =	vlt.s32 v61, v22;
	v26 =	vperm.xlane v38, v16  }
0x2e2: {  	(xrf1) =	vsort.ascd.msk.u32 $0xffff, v39, v39;
	v40 =	vsel vm2, v61, v22;
	vm3 =	vlt.s32 v63, v18  }
0x2e3: {  	(xrf1) =	vsort.ascd.msk.u32 $0xffff, v40, v40;
	v41 =	vsel vm3, v63, v18;
	vm13 =	vlt.s32 v37, v26  }
0x2e4: {  	(xrf1) =	vsort.ascd.msk.u32 $0xffff, v41, v41;
	v42 =	vsel vm13, v37, v26  }
0x2e5: {  	(xrf1) =	vsort.ascd.msk.u32 $0xffff, v42, v42;
	_ =	sdelay $0x9  }
0x2e6: {  	v43, _, _ =	vpop (xrf1)  }
0x2e7: {  	v44, _, _ =	vpop (xrf1)  }
0x2e8: {  	v45, _, _ =	vpop (xrf1)  }
0x2e9: {  	v46, _, _ =	vpop (xrf1)  }
0x2ea: {  	v28 =	vperm.xlane v45, v16;
	v47, _, _ =	vpop (xrf1)  }
0x2eb: {  	v30 =	vperm.xlane v47, v16  }
0x2ec: {  	vm14 =	vlt.s32 v44, v28  }
0x2ed: {  	v48 =	vsel vm14, v44, v28;
	vm15 =	vlt.s32 v46, v30  }
0x2ee: {  	(xrf1) =	vsort.ascd.msk.u32 $0xffff, v48, v48;
	v49 =	vsel vm15, v46, v30  }
0x2ef: {  	(xrf1) =	vsort.ascd.msk.u32 $0xffff, v49, v49;
	_ =	sdelay $0xc  }
0x2f0: {  	v50, _, _ =	vpop (xrf1)  }
0x2f1: {  	v51, _, _ =	vpop (xrf1)  }
0x2f2: {  	v32 =	vperm.xlane v51, v16;
	_ =	sdelay $0x1  }
0x2f3: {  	vm9 =	vlt.s32 v50, v32  }
0x2f4: {  	v52 =	vsel vm9, v50, v32  }
0x2f5: {  	(xrf1) =	vsort.ascd.msk.u32 $0xffff, v52, v52;
	_ =	sdelay $0x3  }
0x2f6: {  	v19 =	vsel vm1, v20, v19  }
0x2f7: {  	v19 =	vxor.u32 $0x80000000, v19;
	v53 =	vsel vm2, v22, v61  }
0x2f8: {  	(xrf0) =	vmin.scan.msk.u32 $0xffff, v19;
	v19 =	vxor.u32 $0x80000000, v53;
	v18 =	vsel vm3, v18, v63  }
0x2f9: {  	(xrf0) =	vmin.scan.msk.u32 $0xffff, v19;
	v18 =	vxor.u32 $0x80000000, v18;
	v19 =	vsel vm13, v26, v37  }
0x2fa: {  	(xrf0) =	vmin.scan.msk.u32 $0xffff, v18;
	v18 =	vxor.u32 $0x80000000, v19;
	v19 =	vsel vm14, v28, v44  }
0x2fb: {  	(xrf0) =	vmin.scan.msk.u32 $0xffff, v18;
	v18 =	vxor.u32 $0x80000000, v19;
	v19 =	vsel vm15, v30, v46  }
0x2fc: {  	(xrf0) =	vmin.scan.msk.u32 $0xffff, v18;
	v18 =	vxor.u32 $0x80000000, v19;
	_ =	sdelay $0x1  }
0x2fd: {  	v19, _, _ =	vpop (xrf0);
	(xrf0) =	vmin.scan.msk.u32 $0xffff, v18  }
0x2fe: {  	v54 =	vperm.xlane v43, v16;
	v18, _, _ =	vpop (xrf0)  }
0x2ff: {  	(v2sf) =	vpush v19, $0xF;
	v19 =	vsel vm9, v32, v50;
	v55, _, _ =	vpop (xrf1)  }
0x300: {  	(v2sf) =	vpush v18, $0xF;
	v18, _, _ =	vpop (xrf0);
	v19 =	vxor.u32 $0x80000000, v19;
	vm1 =	vgt.s32 v55, v54  }
0x301: {  	(v2sf) =	vpush v18, $0xF;
	v18, _, _ =	vpop (xrf0);
	(xrf0) =	vmin.scan.msk.u32 $0xffff, v19;
	v19 =	vsel vm1, v55, v54  }
0x302: {  	(v2sf) =	vpush v18, $0xF;
	v18, _, _ =	vpop (xrf0);
	v19 =	vxor.u32 $0x80000000, v19  }
0x303: {  	(v2sf) =	vpush v18, $0xF;
	v18, _, _ =	vpop (xrf0);
	(xrf0) =	vmin.scan.msk.u32 $0xffff, v19  }
0x304: {  	(v2sf) =	vpush v18, $0xF;
	_ =	sdelay $0x2  }
0x305: {  	v18, _, _ =	vpop (xrf0)  }
0x306: {  	(v2sf) =	vpush v18, $0xF  }
0x307: {  	v18, _, _ =	vpop (xrf0)  }
0x308: {  	(v2sf) =	vpush v18, $0xF;
	_ =	sdelay $0x3  }
0x309: {  	s23 =	spop (v2sf)  }
0x30a: {  	s24 =	spop (v2sf)  }
0x30b: {  	s21 =	sxor.u32 $0x80000000, s23;
	s25 =	spop (v2sf)  }
0x30c: {  	s22 =	sxor.u32 $0x80000000, s24;
	s23 =	sxor.u32 $0x80000000, s25;
	s26 =	spop (v2sf);
	v18 =	vsel vm1, v54, v55  }
0x30d: {  	p0 =	slt.s32 s21, s22;
	s24 =	sxor.u32 $0x80000000, s26;
	s28 =	spop (v2sf);
	(xrf1) =	vsort.ascd.msk.u32 $0xffff, v18, v18  }
0x30e: {  	s22 =	smov.u32 @p0 s21;
	p0 =	slt.s32 s23, s24;
	s29 =	spop (v2sf)  }
0x30f: {  	s25 =	sxor.u32 $0x80000000, s28;
	s24 =	smov.u32 @p0 s23;
	s21 =	sxor.u32 $0x80000000, s29  }
0x310: {  	p0 =	slt.s32 s22, s25;
	p1 =	slt.s32 s24, s21  }
0x311: {  	s25 =	smov.u32 @p0 s22;
	s21 =	smov.u32 @p1 s24  }
0x312: {  	p0 =	slt.s32 s25, s21;
	s30 =	spop (v2sf)  }
0x313: {  	s21 =	smov.u32 @p0 s25;
	s22 =	sxor.u32 $0x80000000, s30  }
0x314: {  	p0 =	slt.s32 s21, s22;
	s31 =	spop (v2sf)  }
0x315: {  	s22 =	smov.u32 @p0 s21;
	s21 =	sxor.u32 $0x80000000, s31  }
0x316: {  	p0 =	slt.s32 s22, s21  }
0x317: {  	s21 =	smov.u32 @p0 s22  }
0x318: {  	s21 =	sshll.u32 s21, $0x10  }
0x319: {  	v18 =	vmov s21  }
0x31a: {  	v18 =	vbroadcast v18, $0x0  }
0x31b: {  	v19, _, _ =	vpop (xrf1)  }
0x31c: {  	[tilespmem:s20+$0xFFFFFF80] =	vst v18;
	v18 =	vshll.u32 v19, $0x10  }
0x31d: {  	[tilespmem:s20+$0xFFFFFF7F] =	vst v18  }
0x31e: {  	v18 =	vld [tilespmem:s19+$0xFFFFF080]  }
0x31f: {  	v19 =	vld [tilespmem:s19+$0xFFFFF090]  }
0x320: {  	v20 =	vld [tilespmem:s19+$0xFFFFF0A0]  }
0x321: {  	v21 =	vld [tilespmem:s19+$0xFFFFF0B0]  }
0x322: {  	v22 =	vld [tilespmem:s19+$0xFFFFF0C0]  }
0x323: {  	v56 =	vld [tilespmem:s19+$0xFFFFF0D0]  }
0x324: {  	v57 =	vld [tilespmem:s19+$0xFFFFF0E0]  }
0x325: {  	v58 =	vld [tilespmem:s19+$0xFFFFF0F0]  }
0x326: {  	v26 =	vld [tilespmem:s19+$0xFFFFF480]  }
0x327: {  	v59 =	vld [tilespmem:s19+$0xFFFFF490]  }
0x328: {  	v28 =	vld [tilespmem:s19+$0xFFFFF4A0]  }
0x329: {  	v60 =	vld [tilespmem:s19+$0xFFFFF4B0]  }
0x32a: {  	v30 =	vld [tilespmem:s19+$0xFFFFF4C0]  }
0x32b: {  	v61 =	vld [tilespmem:s19+$0xFFFFF4D0]  }
0x32c: {  	v32 =	vld [tilespmem:s19+$0xFFFFF4E0]  }
0x32d: {  	v62 =	vld [tilespmem:s19+$0xFFFFF4F0]  }
0x32e: {  	v34 =	vld [tilespmem:s19+$0xFFFFF880]  }
0x32f: {  	v63 =	vld [tilespmem:s19+$0xFFFFF890]  }
0x330: {  	v36 =	vld [tilespmem:s19+$0xFFFFF8A0]  }
0x331: {  	v37 =	vld [tilespmem:s19+$0xFFFFF8B0]  }
0x332: {  	v38 =	vld [tilespmem:s19+$0xFFFFF8C0]  }
0x333: {  	v39 =	vld [tilespmem:s19+$0xFFFFF8D0]  }
0x334: {  	v40 =	vld [tilespmem:s19+$0xFFFFF8E0]  }
0x335: {  	v41 =	vld [tilespmem:s19+$0xFFFFF8F0]  }
0x336: {  	v42 =	vld [tilespmem:s19+$0xFFFFFC80]  }
0x337: {  	v43 =	vld [tilespmem:s19+$0xFFFFFC90]  }
0x338: {  	v44 =	vld [tilespmem:s19+$0xFFFFFCA0]  }
0x339: {  	v45 =	vld [tilespmem:s19+$0xFFFFFCB0]  }
0x33a: {  	v53 =	vld [tilespmem:s19+$0xC0]  }
0x33b: {  	v23 =	vld [tilespmem:s19+$0xD0]  }
0x33c: {  	v46 =	vld [tilespmem:s19+$0xFFFFFCC0]  }
0x33d: {  	v47 =	vld [tilespmem:s19+$0xFFFFFCD0]  }
0x33e: {  	v48 =	vld [tilespmem:s19+$0xFFFFFCE0]  }
0x33f: {  	v49 =	vld [tilespmem:s19+$0xFFFFFCF0];
	vm1 =	vlt.s16 v18, v19;
	vm2 =	vlt.s16 v22, v56;
	vm3 =	vlt.s16 v57, v58  }
0x340: {  	v50 =	vld [tilespmem:s19+$0x80];
	vm11 =	vlt.s16 v53, v23;
	v18 =	vsel vm1, v18, v19;
	vm1 =	vlt.s16 v20, v21  }
0x341: {  	v51 =	vld [tilespmem:s19+$0x90];
	v56 =	vsel vm2, v22, v56;
	v57 =	vsel vm3, v57, v58;
	v20 =	vsel vm1, v20, v21  }
0x342: {  	v52 =	vld [tilespmem:s19+$0xA0];
	v23 =	vsel vm11, v53, v23;
	vm2 =	vlt.s16 v56, v57;
	vm1 =	vlt.s16 v18, v20  }
0x343: {  	v55 =	vld [tilespmem:s19+$0x4E0];
	v58 =	vsel vm2, v56, v57;
	v18 =	vsel vm1, v18, v20;
	vm1 =	vlt.s16 v26, v59  }
0x344: {  	vm2 =	vlt.s16 v30, v61;
	v57 =	vld [tilespmem:s19+$0x4F0];
	v59 =	vsel vm1, v26, v59;
	vm1 =	vlt.s16 v28, v60  }
0x345: {  	v25 =	vld [tilespmem:s19+$0x480];
	v61 =	vsel vm2, v30, v61;
	v60 =	vsel vm1, v28, v60;
	vm1 =	vlt.s16 v32, v62  }
0x346: {  	vm2 =	vlt.s16 v18, v58;
	v28 =	vld [tilespmem:s19+$0x490];
	v62 =	vsel vm1, v32, v62;
	vm1 =	vlt.s16 v59, v60  }
0x347: {  	v24 =	vld [tilespmem:s19+$0xE0];
	v18 =	vsel vm2, v18, v58;
	v20 =	vsel vm1, v59, v60;
	vm1 =	vlt.s16 v61, v62  }
0x348: {  	v27 =	vld [tilespmem:s19+$0x4C0];
	vm2 =	vlt.s16 v36, v37;
	v26 =	vsel vm1, v61, v62;
	vm1 =	vlt.s16 v34, v63  }
0x349: {  	v35 =	vld [tilespmem:s19+$0x8B0];
	vm13 =	vlt.s16 v55, v57;
	v63 =	vsel vm1, v34, v63;
	vm1 =	vlt.s16 v38, v39  }
0x34a: {  	v19 =	vld [tilespmem:s19+$0xB0];
	v37 =	vsel vm2, v36, v37;
	v53 =	vsel vm13, v55, v57;
	v54 =	vsel vm1, v38, v39  }
0x34b: {  	v22 =	vld [tilespmem:s19+$0x4B0];
	vm1 =	vlt.s16 v40, v41;
	vm2 =	vlt.s16 v63, v37;
	vm12 =	vlt.s16 v25, v28  }
0x34c: {  	v21 =	vld [tilespmem:s19+$0xF0];
	v56 =	vsel vm1, v40, v41;
	v29 =	vsel vm2, v63, v37;
	vm1 =	vlt.s16 v42, v43  }
0x34d: {  	v30 =	vld [tilespmem:s19+$0x4A0];
	vm2 =	vlt.s16 v46, v47;
	v58 =	vsel vm1, v42, v43;
	vm1 =	vlt.s16 v44, v45  }
0x34e: {  	v32 =	vld [tilespmem:s19+$0x4D0];
	v60 =	vsel vm2, v46, v47;
	vm2 =	vlt.s16 v20, v26;
	vm3 =	vlt.s16 v54, v56  }
0x34f: {  	v55 =	vld [tilespmem:s19+$0xCC0];
	v59 =	vsel vm1, v44, v45;
	vm1 =	vlt.s16 v48, v49;
	v33 =	vsel vm3, v54, v56  }
0x350: {  	v57 =	vld [tilespmem:s19+$0xCD0];
	v20 =	vsel vm2, v20, v26;
	vm2 =	vlt.s16 v50, v51;
	v61 =	vsel vm1, v48, v49  }
0x351: {  	v39 =	vld [tilespmem:s19+$0x8C0];
	vm1 =	vlt.s16 v58, v59;
	vm10 =	vlt.s16 v29, v33;
	v63 =	vsel vm2, v50, v51  }
0x352: {  	v37 =	vld [tilespmem:s19+$0x880];
	vm2 =	vlt.s16 v24, v21;
	v50 =	vsel vm12, v25, v28;
	vm3 =	vlt.s16 v60, v61  }
0x353: {  	v40 =	vld [tilespmem:s19+$0x890];
	v36 =	vsel vm1, v58, v59;
	v26 =	vsel vm10, v29, v33;
	v21 =	vsel vm2, v24, v21  }
0x354: {  	v42 =	vld [tilespmem:s19+$0x8A0];
	vm2 =	vlt.s16 v30, v22;
	v62 =	vsel vm3, v60, v61;
	vm3 =	vlt.s16 v52, v19  }
0x355: {  	v54 =	vld [tilespmem:s19+$0xCB0];
	v22 =	vsel vm2, v30, v22;
	vm2 =	vlt.s16 v23, v21;
	v38 =	vshll.u32 v26, $0x8  }
0x356: {  	v59 =	vld [tilespmem:s19+$0xCE0];
	vm1 =	vlt.s16 v36, v62;
	v19 =	vsel vm3, v52, v19;
	v21 =	vsel vm2, v23, v21  }
0x357: {  	v61 =	vld [tilespmem:s19+$0xCF0];
	vm3 =	vlt.s16 v63, v19;
	v58 =	vsel vm1, v36, v62;
	v36 =	vshll.u32 v20, $0x8  }
0x358: {  	v48 =	vld [tilespmem:s19+$0x8F0];
	v20 =	vshrl.u32 v20, $0x8;
	v19 =	vsel vm3, v63, v19;
	vm3 =	vlt.s16 v27, v32  }
0x359: {  	v49 =	vld [tilespmem:s19+$0xC80];
	v20 =	vand.u32 $0xFFFF00, v20;
	v44 =	vshrl.u32 v58, $0x8;
	v27 =	vsel vm3, v27, v32  }
0x35a: {  	v33 =	vld [tilespmem:s19+$0x8E0];
	vm3 =	vlt.s16 v50, v22;
	vm1 =	vlt.s16 v19, v21;
	v46 =	vand.u32 $0xFFFF00, v44  }
0x35b: {  	v29 =	vld [tilespmem:s19+$0x8D0];
	vm4 =	vlt.s16 v27, v53;
	v22 =	vsel vm3, v50, v22;
	v19 =	vsel vm1, v19, v21  }
0x35c: {  	v51 =	vld [tilespmem:s19+$0xC90];
	vm1 =	vlt.s16 v37, v40;
	vm3 =	vlt.s16 v55, v57;
	vm14 =	vlt.s16 v59, v61  }
0x35d: {  	v52 =	vld [tilespmem:s19+$0xCA0];
	v56 =	vsel vm4, v27, v53;
	v62 =	vsel vm1, v37, v40;
	vm1 =	vlt.s16 v42, v35  }
0x35e: {  	v24 =	vsel vm3, v55, v57;
	vm2 =	vlt.s16 v22, v56;
	v63 =	vsel vm1, v42, v35  }
0x35f: {  	vm1 =	vlt.s16 v33, v48;
	v35 =	vshll.u32 v18, $0x8;
	v18 =	vshrl.u32 v18, $0x8  }
0x360: {  	v60 =	vsel vm2, v22, v56;
	vm2 =	vlt.s16 v39, v29;
	v33 =	vsel vm1, v33, v48  }
0x361: {  	vm1 =	vlt.s16 v62, v63;
	v29 =	vsel vm2, v39, v29;
	vm2 =	vlt.s16 v49, v51  }
0x362: {  	v22 =	vsel vm14, v59, v61;
	v25 =	vsel vm2, v49, v51;
	vm2 =	vlt.s16 v52, v54  }
0x363: {  	v23 =	vsel vm1, v62, v63;
	vm1 =	vlt.s16 v29, v33;
	v28 =	vsel vm2, v52, v54  }
0x364: {  	v29 =	vsel vm1, v29, v33;
	vm2 =	vlt.s16 v24, v22;
	vm1 =	vlt.s16 v25, v28  }
0x365: {  	v22 =	vsel vm2, v24, v22;
	v24 =	vand.u32 $0xFFFF00, v35;
	v25 =	vsel vm1, v25, v28  }
0x366: {  	v18 =	vand.u32 $0xFFFF00, v18;
	v24 =	vor.u32 v0, v24;
	vm1 =	vlt.s16 v25, v22  }
0x367: {  	v18 =	vor.u32 v1, v18;
	(xrf1) =	vsort.ascd.msk.u32 $0xffff, v24, v24;
	v22 =	vsel vm1, v25, v22;
	v25 =	vand.u32 $0xFFFF00, v36  }
0x368: {  	v40 =	vshrl.u32 v26, $0x8;
	v47 =	vshll.u32 v19, $0x8;
	(xrf1) =	vsort.ascd.msk.u32 $0xffff, v18, v18;
	v37 =	vor.u32 v2, v25  }
0x369: {  	v19 =	vshrl.u32 v19, $0x8;
	v39 =	vand.u32 $0xFFFF00, v38;
	v18 =	vor.u32 v3, v20;
	(xrf1) =	vsort.ascd.msk.u32 $0xffff, v37, v37  }
0x36a: {  	v41 =	vand.u32 $0xFFFF00, v40;
	v42 =	vshll.u32 v58, $0x8;
	v20 =	vor.u32 v4, v39;
	(xrf1) =	vsort.ascd.msk.u32 $0xffff, v18, v18  }
0x36b: {  	v19 =	vand.u32 $0xFFFF00, v19;
	v43 =	vand.u32 $0xFFFF00, v42;
	v18 =	vor.u32 v5, v41;
	(xrf1) =	vsort.ascd.msk.u32 $0xffff, v20, v20  }
0x36c: {  	v48 =	vand.u32 $0xFFFF00, v47;
	v45 =	vor.u32 v6, v43;
	v50 =	vshll.u32 v60, $0x8;
	(xrf1) =	vsort.ascd.msk.u32 $0xffff, v18, v18  }
0x36d: {  	v21 =	vshrl.u32 v60, $0x8;
	vm3 =	vlt.s16 v23, v29;
	v18 =	vor.u32 v7, v46;
	(xrf1) =	vsort.ascd.msk.u32 $0xffff, v45, v45  }
0x36e: {  	v49 =	vor.u32 v8, v48;
	v51 =	vand.u32 $0xFFFF00, v21;
	v23 =	vsel vm3, v23, v29;
	(xrf1) =	vsort.ascd.msk.u32 $0xffff, v18, v18  }
0x36f: {  	v52 =	vshll.u32 v23, $0x8;
	v18 =	vor.u32 v9, v19;
	v19 =	vand.u32 $0xFFFF00, v50;
	(xrf1) =	vsort.ascd.msk.u32 $0xffff, v49, v49  }
0x370: {  	v54 =	vshrl.u32 v23, $0x8;
	v53 =	vand.u32 $0xFFFF00, v52;
	v19 =	vor.u32 v10, v19;
	(xrf1) =	vsort.ascd.msk.u32 $0xffff, v18, v18  }
0x371: {  	v55 =	vand.u32 $0xFFFF00, v54;
	v56 =	vshll.u32 v22, $0x8;
	v18 =	vor.u32 v11, v51;
	(xrf1) =	vsort.ascd.msk.u32 $0xffff, v19, v19  }
0x372: {  	v58 =	vshrl.u32 v22, $0x8;
	v57 =	vand.u32 $0xFFFF00, v56;
	v19 =	vor.u32 v12, v53;
	(xrf1) =	vsort.ascd.msk.u32 $0xffff, v18, v18  }
0x373: {  	v59 =	vand.u32 $0xFFFF00, v58;
	v18 =	vor.u32 v13, v55;
	(xrf1) =	vsort.ascd.msk.u32 $0xffff, v19, v19;
	v19 =	vor.u32 v14, v57  }
0x374: {  	(xrf1) =	vsort.ascd.msk.u32 $0xffff, v18, v18;
	v18 =	vor.u32 v15, v59  }
0x375: {  	v20, _, _ =	vpop (xrf1);
	(xrf1) =	vsort.ascd.msk.u32 $0xffff, v19, v19  }
0x376: {  	v19, _, _ =	vpop (xrf1);
	(xrf1) =	vsort.ascd.msk.u32 $0xffff, v18, v18  }
0x377: {  	v18, _, _ =	vpop (xrf1)  }
0x378: {  	v60, _, _ =	vpop (xrf1)  }
0x379: {  	v22, _, _ =	vpop (xrf1)  }
0x37a: {  	v61, _, _ =	vpop (xrf1)  }
0x37b: {  	v24, _, _ =	vpop (xrf1)  }
0x37c: {  	v19 =	vperm.xlane v19, v16;
	v62, _, _ =	vpop (xrf1)  }
0x37d: {  	v26, _, _ =	vpop (xrf1)  }
0x37e: {  	v21 =	vperm.xlane v60, v16;
	vm1 =	vlt.s32 v20, v19;
	v63, _, _ =	vpop (xrf1)  }
0x37f: {  	v36 =	vsel vm1, v20, v19;
	v23 =	vperm.xlane v61, v16;
	v28, _, _ =	vpop (xrf1)  }
0x380: {  	vm2 =	vlt.s32 v18, v21;
	(xrf1) =	vsort.ascd.msk.u32 $0xffff, v36, v36;
	v25 =	vperm.xlane v62, v16;
	v37, _, _ =	vpop (xrf1)  }
0x381: {  	v38 =	vsel vm2, v18, v21;
	vm4 =	vlt.s32 v22, v23;
	v27 =	vperm.xlane v63, v16;
	v31, _, _ =	vpop (xrf1)  }
0x382: {  	(xrf1) =	vsort.ascd.msk.u32 $0xffff, v38, v38;
	v40 =	vsel vm4, v22, v23;
	vm5 =	vlt.s32 v24, v25;
	v39, _, _ =	vpop (xrf1)  }
0x383: {  	v41 =	vsel vm5, v24, v25;
	v30 =	vperm.xlane v37, v16;
	vm12 =	vlt.s32 v26, v27;
	v33, _, _ =	vpop (xrf1)  }
0x384: {  	v43 =	vsel vm12, v26, v27;
	(xrf1) =	vsort.ascd.msk.u32 $0xffff, v40, v40;
	v29 =	vperm.xlane v39, v16;
	v42, _, _ =	vpop (xrf1)  }
0x385: {  	vm13 =	vlt.s32 v28, v30;
	(xrf1) =	vsort.ascd.msk.u32 $0xffff, v41, v41;
	v34 =	vperm.xlane v42, v16  }
0x386: {  	v44 =	vsel vm13, v28, v30;
	(xrf1) =	vsort.ascd.msk.u32 $0xffff, v43, v43;
	vm8 =	vlt.s32 v31, v29  }
0x387: {  	(xrf1) =	vsort.ascd.msk.u32 $0xffff, v44, v44;
	v45 =	vsel vm8, v31, v29;
	vm10 =	vlt.s32 v33, v34  }
0x388: {  	(xrf1) =	vsort.ascd.msk.u32 $0xffff, v45, v45;
	v46 =	vsel vm10, v33, v34  }
0x389: {  	(xrf1) =	vsort.ascd.msk.u32 $0xffff, v46, v46;
	_ =	sdelay $0x6  }
0x38a: {  	v32, _, _ =	vpop (xrf1)  }
0x38b: {  	v47, _, _ =	vpop (xrf1)  }
0x38c: {  	v36, _, _ =	vpop (xrf1)  }
0x38d: {  	v48, _, _ =	vpop (xrf1)  }
0x38e: {  	v49, _, _ =	vpop (xrf1)  }
0x38f: {  	v35 =	vperm.xlane v47, v16;
	v50, _, _ =	vpop (xrf1)  }
0x390: {  	v37 =	vperm.xlane v48, v16;
	v51, _, _ =	vpop (xrf1)  }
0x391: {  	vm14 =	vlt.s32 v32, v35;
	v39 =	vperm.xlane v50, v16;
	v52, _, _ =	vpop (xrf1)  }
0x392: {  	v53 =	vsel vm14, v32, v35;
	vm11 =	vlt.s32 v36, v37;
	v41 =	vperm.xlane v52, v16  }
0x393: {  	(xrf1) =	vsort.ascd.msk.u32 $0xffff, v53, v53;
	v54 =	vsel vm11, v36, v37;
	vm9 =	vlt.s32 v49, v39  }
0x394: {  	(xrf1) =	vsort.ascd.msk.u32 $0xffff, v54, v54;
	v55 =	vsel vm9, v49, v39;
	vm7 =	vlt.s32 v51, v41  }
0x395: {  	(xrf1) =	vsort.ascd.msk.u32 $0xffff, v55, v55;
	v56 =	vsel vm7, v51, v41  }
0x396: {  	(xrf1) =	vsort.ascd.msk.u32 $0xffff, v56, v56;
	_ =	sdelay $0xa  }
0x397: {  	v57, _, _ =	vpop (xrf1)  }
0x398: {  	v58, _, _ =	vpop (xrf1)  }
0x399: {  	v19 =	vsel vm1, v19, v20;
	v59, _, _ =	vpop (xrf1)  }
0x39a: {  	v19 =	vxor.u32 $0x80000000, v19;
	v18 =	vsel vm2, v21, v18;
	v43 =	vperm.xlane v58, v16;
	v60, _, _ =	vpop (xrf1)  }
0x39b: {  	(xrf0) =	vmin.scan.msk.u32 $0xffff, v19;
	v18 =	vxor.u32 $0x80000000, v18;
	v63 =	vsel vm4, v23, v22;
	v45 =	vperm.xlane v60, v16  }
0x39c: {  	(xrf0) =	vmin.scan.msk.u32 $0xffff, v18;
	v18 =	vxor.u32 $0x80000000, v63;
	vm15 =	vlt.s32 v57, v43  }
0x39d: {  	(xrf0) =	vmin.scan.msk.u32 $0xffff, v18;
	v61 =	vsel vm15, v57, v43;
	vm3 =	vlt.s32 v59, v45  }
0x39e: {  	v19 =	vsel vm5, v25, v24;
	(xrf1) =	vsort.ascd.msk.u32 $0xffff, v61, v61;
	v62 =	vsel vm3, v59, v45  }
0x39f: {  	v18 =	vxor.u32 $0x80000000, v19;
	v27 =	vsel vm12, v27, v26;
	(xrf1) =	vsort.ascd.msk.u32 $0xffff, v62, v62  }
0x3a0: {  	(xrf0) =	vmin.scan.msk.u32 $0xffff, v18;
	v18 =	vxor.u32 $0x80000000, v27;
	v19 =	vsel vm13, v30, v28  }
0x3a1: {  	(xrf0) =	vmin.scan.msk.u32 $0xffff, v18;
	v18 =	vxor.u32 $0x80000000, v19;
	_ =	sdelay $0x1  }
0x3a2: {  	v19 =	vsel vm8, v29, v31  }
0x3a3: {  	(xrf0) =	vmin.scan.msk.u32 $0xffff, v18;
	v19 =	vxor.u32 $0x80000000, v19;
	v18, _, _ =	vpop (xrf0)  }
0x3a4: {  	v31 =	vsel vm10, v34, v33;
	v33, _, _ =	vpop (xrf0);
	(xrf0) =	vmin.scan.msk.u32 $0xffff, v19  }
0x3a5: {  	v19 =	vxor.u32 $0x80000000, v31;
	v34 =	vsel vm14, v35, v32  }
0x3a6: {  	(v2sf) =	vpush v18, $0xF;
	v18, _, _ =	vpop (xrf0);
	(xrf0) =	vmin.scan.msk.u32 $0xffff, v19;
	v19 =	vxor.u32 $0x80000000, v34  }
0x3a7: {  	(v2sf) =	vpush v33, $0xF;
	v35, _, _ =	vpop (xrf0)  }
0x3a8: {  	(v2sf) =	vpush v18, $0xF;
	v18, _, _ =	vpop (xrf0);
	(xrf0) =	vmin.scan.msk.u32 $0xffff, v19  }
0x3a9: {  	(v2sf) =	vpush v35, $0xF;
	v19, _, _ =	vpop (xrf0);
	v36 =	vsel vm11, v37, v36  }
0x3aa: {  	(v2sf) =	vpush v18, $0xF;
	v38, _, _ =	vpop (xrf0);
	v18 =	vxor.u32 $0x80000000, v36  }
0x3ab: {  	(xrf0) =	vmin.scan.msk.u32 $0xffff, v18;
	v18 =	vsel vm9, v39, v49;
	v37, _, _ =	vpop (xrf1)  }
0x3ac: {  	(v2sf) =	vpush v19, $0xF;
	v18 =	vxor.u32 $0x80000000, v18;
	v39 =	vsel vm7, v41, v51;
	v19, _, _ =	vpop (xrf1)  }
0x3ad: {  	v40, _, _ =	vpop (xrf0);
	(xrf0) =	vmin.scan.msk.u32 $0xffff, v18;
	v18 =	vxor.u32 $0x80000000, v39;
	v19 =	vperm.xlane v19, v16  }
0x3ae: {  	(v2sf) =	vpush v38, $0xF;
	v41, _, _ =	vpop (xrf0);
	(xrf0) =	vmin.scan.msk.u32 $0xffff, v18;
	v18 =	vsel vm15, v43, v57  }
0x3af: {  	(v2sf) =	vpush v40, $0xF;
	v18 =	vxor.u32 $0x80000000, v18;
	vm1 =	vlt.s32 v37, v19  }
0x3b0: {  	(xrf0) =	vmin.scan.msk.u32 $0xffff, v18;
	v46 =	vsel vm3, v45, v59;
	v43 =	vsel vm1, v37, v19  }
0x3b1: {  	(v2sf) =	vpush v41, $0xF;
	v18 =	vxor.u32 $0x80000000, v46;
	(xrf1) =	vsort.ascd.msk.u32 $0xffff, v43, v43;
	_ =	sdelay $0x1  }
0x3b2: {  	v47, _, _ =	vpop (xrf0)  }
0x3b3: {  	(v2sf) =	vpush v47, $0xF;
	(xrf0) =	vmin.scan.msk.u32 $0xffff, v18;
	v18, _, _ =	vpop (xrf0)  }
0x3b4: {  	(v2sf) =	vpush v18, $0xF;
	v18, _, _ =	vpop (xrf0);
	v19 =	vsel vm1, v19, v37  }
0x3b5: {  	(v2sf) =	vpush v18, $0xF;
	v18 =	vxor.u32 $0x80000000, v19  }
0x3b6: {  	s22 =	spop (v2sf);
	(xrf0) =	vmin.scan.msk.u32 $0xffff, v18  }
0x3b7: {  	s23 =	spop (v2sf)  }
0x3b8: {  	s24 =	spop (v2sf);
	v18, _, _ =	vpop (xrf0)  }
0x3b9: {  	s25 =	spop (v2sf);
	(v2sf) =	vpush v18, $0xF;
	v18, _, _ =	vpop (xrf0)  }
0x3ba: {  	s30 =	sadd.s32 $0x1, s18;
	s31 =	spop (v2sf);
	(v2sf) =	vpush v18, $0xF  }
0x3bb: {  	s26 =	spop (v2sf);
	v19 =	vmov s30  }
0x3bc: {  	s29 =	spop (v2sf);
	v18, _, _ =	vpop (xrf0)  }
0x3bd: {  	s21 =	sxor.u32 $0x80000000, s22;
	s22 =	sxor.u32 $0x80000000, s23;
	s28 =	spop (v2sf);
	(v2sf) =	vpush v18, $0xF;
	v18 =	vshll.u32 v19, $0x7  }
0x3be: {  	s23 =	sxor.u32 $0x80000000, s24;
	p0 =	slt.s32 s21, s22;
	v18 =	vand.u32 $0x380, v18;
	v19, _, _ =	vpop (xrf1)  }
0x3bf: {  	s24 =	sxor.u32 $0x80000000, s25;
	s25 =	sxor.u32 $0x80000000, s31;
	s31 =	spop (v2sf);
	v18 =	vbroadcast v18, $0x0;
	v48 =	vshll.u32 v19, $0x5;
	v49 =	vshrl.u32 v19, $0x1  }
0x3c0: {  	s22 =	smov.u32 @p0 s21;
	s26 =	sxor.u32 $0x80000000, s26;
	s21 =	sxor.u32 $0x80000000, s31;
	v20 =	vand.u32 $0x1C00, v48;
	v21 =	vand.u32 $0xF, v49  }
0x3c1: {  	s29 =	sxor.u32 $0x80000000, s29;
	s28 =	sxor.u32 $0x80000000, s28;
	p0 =	slt.s32 s22, s21;
	v50 =	vor.u32 v18, v20;
	v51 =	vor.u32 v18, v21  }
0x3c2: {  	s31 =	spop (v2sf);
	s21 =	smov.u32 @p0 s22;
	p0 =	slt.s32 s23, s24;
	v21 =	vor.u32 v21, v50;
	v20 =	vor.u32 v20, v51  }
0x3c3: {  	s22 =	sxor.u32 $0x80000000, s31;
	s24 =	smov.u32 @p0 s23;
	p0 =	slt.s32 s25, s26;
	v52 =	vor.u32 $0x10, v20  }
0x3c4: {  	p1 =	slt.s32 s24, s22;
	s26 =	smov.u32 @p0 s25;
	s30 =	spop (v2sf);
	v23 =	vor.u32 $0x20, v20  }
0x3c5: {  	p0 =	slt.s32 s29, s28;
	s23 =	sxor.u32 $0x80000000, s30;
	s31 =	spop (v2sf);
	v53 =	vor.u32 $0x30, v20  }
0x3c6: {  	s28 =	smov.u32 @p0 s29;
	p0 =	slt.s32 s26, s23;
	s25 =	sxor.u32 $0x80000000, s31;
	v54 =	vor.u32 $0x40, v20  }
0x3c7: {  	s22 =	smov.u32 @p1 s24;
	s23 =	smov.u32 @p0 s26;
	p0 =	slt.s32 s28, s25;
	v55 =	vor.u32 $0x50, v20;
	v21 =	vld.idx.msk [tilespmem:v21+s10+$0x0], $0xffff  }
0x3c8: {  	s25 =	smov.u32 @p0 s28;
	p0 =	slt.s32 s21, s22;
	s28 =	spop (v2sf);
	v56 =	vor.u32 $0x60, v20;
	v22 =	vld.idx.msk [tilespmem:v52+s10+$0x0], $0xffff  }
0x3c9: {  	s22 =	smov.u32 @p0 s21;
	p0 =	slt.s32 s23, s25;
	v20 =	vor.u32 $0x70, v20;
	s29 =	spop (v2sf);
	v23 =	vld.idx.msk [tilespmem:v23+s10+$0x0], $0xffff  }
0x3ca: {  	s25 =	smov.u32 @p0 s23;
	s24 =	sxor.u32 $0x80000000, s28;
	s21 =	sxor.u32 $0x80000000, s29;
	v24 =	vld.idx.msk [tilespmem:v53+s10+$0x0], $0xffff  }
0x3cb: {  	p0 =	slt.s32 s22, s24;
	p1 =	slt.s32 s25, s21;
	v25 =	vld.idx.msk [tilespmem:v54+s10+$0x0], $0xffff  }
0x3cc: {  	v19 =	vand.u32 $0x1, v19;
	s24 =	smov.u32 @p0 s22;
	s21 =	smov.u32 @p1 s25;
	v26 =	vld.idx.msk [tilespmem:v55+s10+$0x0], $0xffff  }
0x3cd: {  	vm1 =	veq.s32 v19, $0x0;
	s30 =	spop (v2sf);
	p0 =	slt.s32 s24, s21;
	v27 =	vld.idx.msk [tilespmem:v56+s10+$0x0], $0xffff;
	v19 =	vshrl.u32 v21, $0x10;
	v21 =	vand.u32 $0xFFFF, v21  }
0x3ce: {  	s22 =	sxor.u32 $0x80000000, s30;
	v20 =	vld.idx.msk [tilespmem:v20+s10+$0x0], $0xffff;
	s21 =	smov.u32 @p0 s24;
	v19 =	vsel vm1, v21, v19;
	v57 =	vshrl.u32 v22, $0x10;
	v22 =	vand.u32 $0xFFFF, v22  }
0x3cf: {  	p0 =	slt.s32 s21, s22;
	v58 =	vshrl.u32 v23, $0x10;
	v23 =	vand.u32 $0xFFFF, v23;
	v59 =	vshrl.u32 v24, $0x10  }
0x3d0: {  	s22 =	smov.u32 @p0 s21;
	v24 =	vand.u32 $0xFFFF, v24;
	v60 =	vshrl.u32 v25, $0x10;
	v21 =	vsel vm1, v22, v57;
	(xrf1) =	vsort.ascd.msk.u32 $0xffff, v19, v19  }
0x3d1: {  	s21 =	sshll.u32 s22, $0x2;
	s31 =	sshrl.u32 s22, $0x1;
	v61 =	vand.u32 $0xFFFF, v25;
	v63 =	vshrl.u32 v26, $0x10;
	v22 =	vsel vm1, v23, v58;
	(xrf1) =	vsort.ascd.msk.u32 $0xffff, v21, v21  }
0x3d2: {  	v28 =	vand.u32 $0xFFFF, v26;
	s21 =	sand.u32 $0x380, s21;
	s23 =	sand.u32 $0xF, s31;
	v30 =	vshrl.u32 v27, $0x10;
	v19 =	vsel vm1, v24, v59;
	(xrf1) =	vsort.ascd.msk.u32 $0xffff, v22, v22  }
0x3d3: {  	v31 =	vand.u32 $0xFFFF, v27;
	v32 =	vshrl.u32 v20, $0x10;
	v62 =	vsel vm1, v61, v60;
	s21 =	sor.u32 s23, s21;
	(xrf1) =	vsort.ascd.msk.u32 $0xffff, v19, v19  }
0x3d4: {  	v20 =	vand.u32 $0xFFFF, v20;
	v29 =	vsel vm1, v28, v63;
	v33 =	vmov s21;
	(xrf1) =	vsort.ascd.msk.u32 $0xffff, v62, v62  }
0x3d5: {  	v34 =	vor.u32 s21, v17;
	v24 =	vshll.u32 v33, $0x3;
	v19 =	vsel vm1, v31, v30;
	(xrf1) =	vsort.ascd.msk.u32 $0xffff, v29, v29  }
0x3d6: {  	v20 =	vsel vm1, v20, v32;
	v21 =	vand.u32 $0x7F, v34;
	v35 =	vand.u32 $0x1C00, v24;
	(xrf1) =	vsort.ascd.msk.u32 $0xffff, v19, v19  }
0x3d7: {  	v19 =	vor.u32 v35, v21;
	(xrf1) =	vsort.ascd.msk.u32 $0xffff, v20, v20  }
0x3d8: {  	v18 =	vor.u32 v18, v19;
	_ =	sdelay $0x4  }
0x3d9: {  	v18 =	vld.idx.msk [tilespmem:v18+s10+$0x0], $0xffff  }
0x3da: {  	v19, _, _ =	vpop (xrf1)  }
0x3db: {  	v36, _, _ =	vpop (xrf1)  }
0x3dc: {  	s22 =	sshll.u32 s22, $0x4;
	v37, _, _ =	vpop (xrf1)  }
0x3dd: {  	s21 =	sand.u32 $0x10, s22;
	v38, _, _ =	vpop (xrf1)  }
0x3de: {  	v18 =	vshrl.u32 v18, s21;
	v39, _, _ =	vpop (xrf1)  }
0x3df: {  	v20 =	vperm.xlane v36, v16;
	v18 =	vand.u32 $0xFFFF, v18;
	v40, _, _ =	vpop (xrf1)  }
0x3e0: {  	v22 =	vperm.xlane v38, v16;
	v18 =	vnsel vm0, $0x7FFFFFFF, v18;
	v41, _, _ =	vpop (xrf1)  }
0x3e1: {  	vm1 =	vlt.s32 v19, v20;
	(xrf1) =	vsort.ascd.msk.u32 $0xffff, v18, v18;
	v18 =	vperm.xlane v40, v16;
	v42, _, _ =	vpop (xrf1)  }
0x3e2: {  	v43 =	vsel vm1, v19, v20;
	vm2 =	vlt.s32 v37, v22;
	v26 =	vperm.xlane v42, v16  }
0x3e3: {  	(xrf1) =	vsort.ascd.msk.u32 $0xffff, v43, v43;
	v44 =	vsel vm2, v37, v22;
	vm3 =	vlt.s32 v39, v18  }
0x3e4: {  	(xrf1) =	vsort.ascd.msk.u32 $0xffff, v44, v44;
	v45 =	vsel vm3, v39, v18;
	vm12 =	vlt.s32 v41, v26  }
0x3e5: {  	(xrf1) =	vsort.ascd.msk.u32 $0xffff, v45, v45;
	v46 =	vsel vm12, v41, v26  }
0x3e6: {  	(xrf1) =	vsort.ascd.msk.u32 $0xffff, v46, v46;
	_ =	sdelay $0x9  }
0x3e7: {  	v47, _, _ =	vpop (xrf1)  }
0x3e8: {  	v48, _, _ =	vpop (xrf1)  }
0x3e9: {  	v49, _, _ =	vpop (xrf1)  }
0x3ea: {  	v50, _, _ =	vpop (xrf1)  }
0x3eb: {  	v28 =	vperm.xlane v49, v16;
	v51, _, _ =	vpop (xrf1)  }
0x3ec: {  	v30 =	vperm.xlane v51, v16  }
0x3ed: {  	vm13 =	vlt.s32 v48, v28  }
0x3ee: {  	v52 =	vsel vm13, v48, v28;
	vm14 =	vlt.s32 v50, v30  }
0x3ef: {  	(xrf1) =	vsort.ascd.msk.u32 $0xffff, v52, v52;
	v53 =	vsel vm14, v50, v30  }
0x3f0: {  	(xrf1) =	vsort.ascd.msk.u32 $0xffff, v53, v53;
	_ =	sdelay $0xc  }
0x3f1: {  	v54, _, _ =	vpop (xrf1)  }
0x3f2: {  	v55, _, _ =	vpop (xrf1)  }
0x3f3: {  	v32 =	vperm.xlane v55, v16;
	_ =	sdelay $0x1  }
0x3f4: {  	vm15 =	vlt.s32 v54, v32  }
0x3f5: {  	v56 =	vsel vm15, v54, v32  }
0x3f6: {  	(xrf1) =	vsort.ascd.msk.u32 $0xffff, v56, v56;
	_ =	sdelay $0x2  }
0x3f7: {  	v19 =	vsel vm1, v20, v19  }
0x3f8: {  	v19 =	vxor.u32 $0x80000000, v19;
	v57 =	vsel vm2, v22, v37  }
0x3f9: {  	(xrf0) =	vmin.scan.msk.u32 $0xffff, v19;
	v19 =	vxor.u32 $0x80000000, v57;
	v18 =	vsel vm3, v18, v39  }
0x3fa: {  	(xrf0) =	vmin.scan.msk.u32 $0xffff, v19;
	v18 =	vxor.u32 $0x80000000, v18  }
0x3fb: {  	v19 =	vsel vm12, v26, v41;
	(xrf0) =	vmin.scan.msk.u32 $0xffff, v18;
	v18 =	vsel vm13, v28, v48  }
0x3fc: {  	v19 =	vxor.u32 $0x80000000, v19;
	v18 =	vxor.u32 $0x80000000, v18  }
0x3fd: {  	(xrf0) =	vmin.scan.msk.u32 $0xffff, v19;
	v19 =	vsel vm14, v30, v50  }
0x3fe: {  	v19 =	vxor.u32 $0x80000000, v19  }
0x3ff: {  	(xrf0) =	vmin.scan.msk.u32 $0xffff, v18;
	v18, _, _ =	vpop (xrf0)  }
0x400: {  	v58, _, _ =	vpop (xrf0);
	(xrf0) =	vmin.scan.msk.u32 $0xffff, v19  }
0x401: {  	(v2sf) =	vpush v18, $0xF;
	v18 =	vperm.xlane v47, v16;
	v19, _, _ =	vpop (xrf0)  }
0x402: {  	(v2sf) =	vpush v58, $0xF;
	v59 =	vsel vm15, v32, v54;
	v60, _, _ =	vpop (xrf1)  }
0x403: {  	(v2sf) =	vpush v19, $0xF;
	v19 =	vxor.u32 $0x80000000, v59;
	vm1 =	vgt.s32 v60, v18  }
0x404: {  	v61, _, _ =	vpop (xrf0);
	(xrf0) =	vmin.scan.msk.u32 $0xffff, v19;
	v19 =	vsel vm1, v60, v18  }
0x405: {  	(v2sf) =	vpush v61, $0xF;
	v62, _, _ =	vpop (xrf0);
	v19 =	vxor.u32 $0x80000000, v19  }
0x406: {  	(v2sf) =	vpush v62, $0xF;
	v63, _, _ =	vpop (xrf0);
	(xrf0) =	vmin.scan.msk.u32 $0xffff, v19  }
0x407: {  	(v2sf) =	vpush v63, $0xF;
	_ =	sdelay $0x2  }
0x408: {  	v19, _, _ =	vpop (xrf0)  }
0x409: {  	(v2sf) =	vpush v19, $0xF  }
0x40a: {  	v19, _, _ =	vpop (xrf0)  }
0x40b: {  	(v2sf) =	vpush v19, $0xF;
	_ =	sdelay $0x3  }
0x40c: {  	s23 =	spop (v2sf)  }
0x40d: {  	s24 =	spop (v2sf)  }
0x40e: {  	s21 =	sxor.u32 $0x80000000, s23;
	s22 =	sxor.u32 $0x80000000, s24;
	s25 =	spop (v2sf)  }
0x40f: {  	p0 =	slt.s32 s21, s22;
	s26 =	spop (v2sf);
	v18 =	vsel vm1, v18, v60  }
0x410: {  	s23 =	sxor.u32 $0x80000000, s25;
	s28 =	spop (v2sf);
	s24 =	sxor.u32 $0x80000000, s26;
	(xrf1) =	vsort.ascd.msk.u32 $0xffff, v18, v18  }
0x411: {  	s22 =	smov.u32 @p0 s21;
	p0 =	slt.s32 s23, s24;
	s29 =	spop (v2sf)  }
0x412: {  	s21 =	sxor.u32 $0x80000000, s28;
	s24 =	smov.u32 @p0 s23;
	s23 =	sxor.u32 $0x80000000, s29  }
0x413: {  	p0 =	slt.s32 s22, s21;
	p1 =	slt.s32 s24, s23  }
0x414: {  	s21 =	smov.u32 @p0 s22;
	s23 =	smov.u32 @p1 s24  }
0x415: {  	p0 =	slt.s32 s21, s23;
	s30 =	spop (v2sf)  }
0x416: {  	s23 =	smov.u32 @p0 s21;
	s21 =	sxor.u32 $0x80000000, s30  }
0x417: {  	p0 =	slt.s32 s23, s21;
	s31 =	spop (v2sf)  }
0x418: {  	s21 =	smov.u32 @p0 s23;
	s22 =	sxor.u32 $0x80000000, s31  }
0x419: {  	p0 =	slt.s32 s21, s22  }
0x41a: {  	s22 =	smov.u32 @p0 s21  }
0x41b: {  	p0 =	sne.s32 s18, $0x6;
	s21 =	sshll.u32 s22, $0x10  }
.Ltmp1:
0x41c: {  	v18 =	vmov s21;
	(pc) =	sbr.rel @p0 .LBB2_5-.Ltmp1, $4  }
0x41d: {  	v18 =	vbroadcast v18, $0x0  }
0x41e: {  	v19, _, _ =	vpop (xrf1)  }
0x41f: {  	[tilespmem:s20+$0x0] =	vst v18;
	v18 =	vshll.u32 v19, $0x10  }
0x420: {  	s19 =	sadd.s32 $0x100, s19;
	s18 =	sadd.s32 $0x2, s18;
	[tilespmem:s20+$0xFFFFFFFF] =	vst v18;
	s20 =	sadd.s32 $0x100, s20  }
0x421: {  	s17 =	sadd.s32 $0x1, s17  }
0x422: {  	p0 =	sne.s32 s17, $0x4  }
.Ltmp2:
0x423: {  	_ = 	snop;
	(pc) =	sbr.rel @p0 .LBB2_2-.Ltmp2, $2  }
0x424: {  	_ =	sdelay $0x2  }
0x425: {  	s15 =	sadd.s32 $0x800, s15;
	s16 =	sadd.s32 $0x800, s16  }
0x426: {  	_ =	swait.ge [sflag:s9], $0x2000;
	s14 =	sadd.s32 $0x1, s14  }
0x427: {  	[sflag:s9] =	ssyncset.done $0x0;
	p0 =	sne.s32 s14, s8  }
.Ltmp3:
0x428: {  	[sflag:s9] =	ssyncadd.s32 $0xFFFFE000;
	(pc) =	sbr.rel @p0 .LBB2_1-.Ltmp3, $4  }
0x429: {  	[hbm4b:s7+s2] =	stream.linear.scatter [tilespmem:s12], [sflag:$0x3], $0x2000, $0x38;
	[tilespmem:$0x6000] =	vst v63  }
0x42a: {  	_ =	swait.ge [sflag:s13], $0x2000  }
0x42b: {  	[sflag:s13] =	ssyncset.done $0x0  }
0x42c: {  	[sflag:s13] =	ssyncadd.s32 $0xFFFFE000  }
0x42d: {  	_ =	sfence.sel $0x180000  }
0x42e: {  	[bflag:$0x0] =	sbarrier.arrive $0xFFFF  }
0x42f: {  	p0 =	sne.s32 s1, $0x0;
	_ =	strace $0x90000047  }
0x430: {  	s0 =	sadd.s32 @!p0 $0x100000, s0;
	[bflag:$0x2] =	sbarrier.arrive $0xFFFF  }
0x431: {  	[sflag:s0] =	ssyncadd.tile.s32 @!p0 $0x1;
	_ =	shalt  }
.Lfunc_end2:
_tile_overlayer_lowered:
.L_overlay_start_2:
0x432: {  	(tag) =	ssettag $0x2  }
0x433: {  	s0 =	rddreg [dreg:$0x0];
	s2 =	stileid.u32  }
0x434: {  	s1 =	rddreg [dreg:$0x1];
	p0 =	sne.s32 s2, $0x0  }
0x435: {  	s3 =	rddreg [dreg:$0x2];
	[bflag:$0x3] =	sbarrier.arrive $0xFFFF;
	s2 =	simm.s32 @!p0 $0x1C03  }
0x436: {  	[timem:s3], [sflag:s2] =	dma.local @!p0 [hbm:s0], s1  }
0x437: {  	s0 =	simm.s32 @!p0 $0x3  }
0x438: {  	_ =	swait.ge @!p0 [sflag:s0], s1  }
0x439: {  	s1 =	ssub.s32 @!p0 $0x0, s1;
	[sflag:s0] =	ssyncset.done @!p0 $0x0  }
0x43a: {  	[sflag:s0] =	ssyncadd.s32 @!p0 s1  }
0x43b: {  	[bflag:$0x3] =	sbarrier.arrive $0xFFFF  }
0x43c: {  	_ =	shalt  }

</sc_bundles>
